<compile_context>
chip_gen: v7x
topology: tpu7x:2x2x1
jax: 0.10.2.dev20260603
libtpu: 0.0.44.dev20260713+nightly
codegen_flags: <defaults>
</compile_context>

<pallas_src>
import functools
import math

import jax
import jax.numpy as jnp
from jax import lax
from jax.experimental import pallas as pl
from jax.experimental.pallas import tpu as pltpu
from jax.experimental.pallas import tpu_sc as plsc

N, E, D, H = 10000, 320000, 128, 128
B = 1024
BN_EPS = 1e-5
BN_S = 1.0 / math.sqrt(1.0 + BN_EPS)

NC = 2
NS = 16
NW = NC * NS
EP = E // NW
EPP = 10240
CHA = 128
CHC = 40
NPAD = 10240
RPT = NPAD // NS
DUMMY = NPAD - 8
U = 2
GG = 8

_FP = jnp.float32

_MESH = plsc.VectorSubcoreMesh(core_axis_name="c", subcore_axis_name="s",
                               num_cores=NC, num_subcores=NS)


def _agg_body(count_mode, *args):
    ch = CHC if count_mode else CHA
    ng = EPP // ch // GG
    if count_mode:
        dstg, out_hbm, dst_g, ones_r, acc, *sems = args
    else:
        h_hbm, srcg, dstg, out_hbm, src_g, dst_g, rows, acc, *sems = args
        ones_r = rows.at[0]

    cid = lax.axis_index("c")
    sid = lax.axis_index("s")
    wid = sid * NC + cid
    z16 = jnp.zeros((16,), _FP)

    def zb(i, carry):
        for j in range(H // 16):
            ones_r[i, pl.ds(j * 16, 16)] = z16
        return carry

    lax.fori_loop(0, ch, zb, 0)
    base = sid * RPT
    for j in range(RPT // ch):
        pltpu.sync_copy(ones_r, acc.at[pl.ds(base + j * ch, ch)])

    if count_mode:
        o16 = jnp.ones((16,), _FP)

        def ob(i, carry):
            for j in range(H // 16):
                ones_r[i, pl.ds(j * 16, 16)] = o16
            return carry

        lax.fori_loop(0, ch, ob, 0)

    plsc.subcore_barrier()

    def gb(g, carry):
        pltpu.sync_copy(dstg.at[wid, pl.ds(g * GG, GG)], dst_g)
        if count_mode:
            ds = [pltpu.async_copy(ones_r, acc.at[dst_g.at[k]],
                                   sems[k % U], add=True)
                  for k in range(GG)]
            for d in ds:
                d.wait()
            return carry

        pltpu.sync_copy(
            srcg.at[pl.ds(wid * EPP + g * (GG * ch), GG * ch)], src_g)

        def g_start(k):
            return pltpu.async_copy(
                h_hbm.at[src_g.at[pl.ds(k * ch, ch)]],
                rows.at[k % U], sems[k % U])

        gd = [None] * GG
        sd = [None] * GG
        for k in range(U):
            gd[k] = g_start(k)
        for k in range(GG):
            gd[k].wait()
            sd[k] = pltpu.async_copy(rows.at[k % U], acc.at[dst_g.at[k]],
                                     sems[U + k % U], add=True)
            if k + U < GG:
                sd[k].wait()
                gd[k + U] = g_start(k + U)
        for k in range(GG - U, GG):
            sd[k].wait()
        return carry

    lax.fori_loop(0, ng, gb, 0)

    plsc.subcore_barrier()
    pltpu.sync_copy(acc.at[pl.ds(base, RPT)],
                    out_hbm.at[cid, pl.ds(base, RPT)])


def _make_agg(count_mode):
    if count_mode:
        scratch = [
            pltpu.VMEM((GG, CHC), jnp.int32),
            pltpu.VMEM((CHC, H), _FP),
            pltpu.VMEM_SHARED((NPAD, H), _FP),
        ] + [pltpu.SemaphoreType.DMA] * U
    else:
        scratch = [
            pltpu.VMEM((GG * CHA,), jnp.int32),
            pltpu.VMEM((GG, CHA), jnp.int32),
            pltpu.VMEM((U, CHA, H), _FP),
            pltpu.VMEM_SHARED((NPAD, H), _FP),
        ] + [pltpu.SemaphoreType.DMA] * (2 * U)
    return pl.kernel(
        functools.partial(_agg_body, count_mode),
        out_type=[jax.ShapeDtypeStruct((NC, NPAD, H), _FP)],
        mesh=_MESH,
        scratch_types=scratch,
    )


_agg = _make_agg(False)
_count = _make_agg(True)


def _dot(a, b):
    return jnp.dot(a, b, preferred_element_type=_FP)


def _dense_body(parts, h, cntp, Wl, bl, Wr, g, be, out):
    cnt = cntp[0, :, 0:1] + cntp[1, :, 0:1]
    inv = 1.0 / jnp.maximum(cnt, 1.0)
    mean = (parts[0] + parts[1]) * inv
    z = _dot(mean, Wl[...]) + bl[...] + _dot(h[...], Wr[...])
    out[...] = jnp.maximum(z, 0.0) * (g[...] * BN_S) + be[...]


_DR = 2000


def _dense(parts, h, cntp, Wl, bl, Wr, g, be):
    return pl.pallas_call(
        _dense_body,
        grid=(N // _DR,),
        in_specs=[
            pl.BlockSpec((NC, _DR, H), lambda i: (0, i, 0)),
            pl.BlockSpec((_DR, H), lambda i: (i, 0)),
            pl.BlockSpec((NC, _DR, H), lambda i: (0, i, 0)),
            pl.BlockSpec((H, H), lambda i: (0, 0)),
            pl.BlockSpec((1, H), lambda i: (0, 0)),
            pl.BlockSpec((H, H), lambda i: (0, 0)),
            pl.BlockSpec((1, H), lambda i: (0, 0)),
            pl.BlockSpec((1, H), lambda i: (0, 0)),
        ],
        out_specs=pl.BlockSpec((_DR, H), lambda i: (i, 0)),
        out_shape=jax.ShapeDtypeStruct((N, H), _FP),
    )(parts, h, cntp, Wl, bl, Wr, g, be)


def _head_body(parts, h, cntp, Wl, bl, Wr, g, be,
               cW1, cb1, cg1, cbe1, cW2, cb2, cg2, cbe2, cW3, cb3, out):
    cnt = cntp[0, :, 0:1] + cntp[1, :, 0:1]
    inv = 1.0 / jnp.maximum(cnt, 1.0)
    mean = (parts[0] + parts[1]) * inv
    z = _dot(mean, Wl[...]) + bl[...] + _dot(h[...], Wr[...])
    t = jnp.maximum(z, 0.0) * (g[...] * BN_S) + be[...]
    c1 = (_dot(t, cW1[...]) + cb1[...]) * BN_S * cg1[...] + cbe1[...]
    c1 = jnp.maximum(c1, 0.0)
    c2 = (_dot(c1, cW2[...]) + cb2[...]) * BN_S * cg2[...] + cbe2[...]
    c2 = jnp.maximum(c2, 0.0)
    out[...] = _dot(c2, cW3[...]) + cb3[...]


def _head(parts, h, cntp, Wl, bl, Wr, g, be,
          cW1, cb1, cg1, cbe1, cW2, cb2, cg2, cbe2, cW3, cb3):
    H2 = H // 2
    full = lambda *s: pl.BlockSpec(s, lambda i: tuple(0 for _ in s))
    return pl.pallas_call(
        _head_body,
        grid=(1,),
        in_specs=[
            full(NC, B, H), full(B, H), full(NC, B, H),
            full(H, H), full(1, H), full(H, H), full(1, H), full(1, H),
            full(H, H), full(1, H), full(1, H), full(1, H),
            full(H, H2), full(1, H2), full(1, H2), full(1, H2),
            full(H2, 1), full(1, 1),
        ],
        out_specs=full(B, 1),
        out_shape=jax.ShapeDtypeStruct((B, 1), _FP),
    )(parts, h, cntp, Wl, bl, Wr, g, be,
      cW1, cb1, cg1, cbe1, cW2, cb2, cg2, cbe2, cW3, cb3)


def kernel(x, edge_index, batch_size,
           Wl0, bl0, Wr0, Wl1, bl1, Wr1, Wl2, bl2, Wr2,
           g0, be0, g1, be1, g2, be2,
           cW1, cb1, cg1, cbe1, cW2, cb2, cg2, cbe2, cW3, cb3):
    ei = edge_index.astype(jnp.int32)
    pad = ((0, 0), (0, EPP - EP))
    srcg = jnp.pad(ei[0].reshape(NW, EP), pad).reshape(NW * EPP)
    dstp = jnp.pad(ei[1].reshape(NW, EP), pad, constant_values=DUMMY)
    dstg_a = dstp.reshape(NW, EPP // CHA, CHA)
    dstg_c = dstp.reshape(NW, EPP // CHC, CHC)

    r2 = lambda v: v.reshape(1, -1)

    cntp = _count(dstg_c)[0]
    parts = _agg(x, srcg, dstg_a)[0]
    h1 = _dense(parts, x, cntp, Wl0, r2(bl0), Wr0, r2(g0), r2(be0))
    parts = _agg(h1, srcg, dstg_a)[0]
    h2 = _dense(parts, h1, cntp, Wl1, r2(bl1), Wr1, r2(g1), r2(be1))
    parts = _agg(h2, srcg, dstg_a)[0]
    out = _head(parts[:, :B], h2[:B], cntp[:, :B],
                Wl2, r2(bl2), Wr2, r2(g2), r2(be2),
                cW1, r2(cb1), cg1.reshape(1, H), r2(cbe1),
                cW2, r2(cb2), r2(cg2), r2(cbe2), cW3, cb3.reshape(1, 1))
    return out.reshape(B)

# --- scband reference (transcript-rebuilt; emitter-appended) ---
"""Pipeline reference for scband-graph-sagemodel-10479720202336 (READ-ONLY COPY).

The authoritative reference and input builder live on the scoring server;
editing this copy changes nothing except your own understanding.
"""

import jax, jax.numpy as jnp
import numpy as np

N, E, D, H = 10000, 320000, 128, 128
BN_EPS = 1e-5
BATCH_SIZE = 1024


def _w(k, shape):
    return jax.random.normal(k, shape, dtype=jnp.float32) * 0.05


def setup_inputs(seed: int = 0):
    key = jax.random.key(seed)
    ks = jax.random.split(key, 16)
    inp = {}
    inp["x"] = jax.random.normal(ks[0], (N, D), dtype=jnp.float32)
    inp["edge_index"] = jax.random.randint(ks[1], (2, E), 0, N)
    inp["batch_size"] = BATCH_SIZE
    # SAGEConv layers: lin_l (with bias) applied to mean-aggregated neighbors, lin_r (no bias) to root
    inp["Wl0"] = _w(ks[2], (D, H)); inp["bl0"] = jnp.zeros((H,), jnp.float32); inp["Wr0"] = _w(ks[3], (D, H))
    inp["Wl1"] = _w(ks[4], (H, H)); inp["bl1"] = jnp.zeros((H,), jnp.float32); inp["Wr1"] = _w(ks[5], (H, H))
    inp["Wl2"] = _w(ks[6], (H, H)); inp["bl2"] = jnp.zeros((H,), jnp.float32); inp["Wr2"] = _w(ks[7], (H, H))
    # BatchNorm affine params (eval mode: running_mean=0, running_var=1)
    inp["g0"] = jnp.ones((H,), jnp.float32); inp["be0"] = jnp.zeros((H,), jnp.float32)
    inp["g1"] = jnp.ones((H,), jnp.float32); inp["be1"] = jnp.zeros((H,), jnp.float32)
    inp["g2"] = jnp.ones((H,), jnp.float32); inp["be2"] = jnp.zeros((H,), jnp.float32)
    # Classifier head: Linear(H,H)->BN->ReLU->Linear(H,H//2)->BN->ReLU->Linear(H//2,1)
    inp["cW1"] = _w(ks[8], (H, H)); inp["cb1"] = jnp.zeros((H,), jnp.float32)
    inp["cg1"] = jnp.ones((H,), jnp.float32); inp["cbe1"] = jnp.zeros((H,), jnp.float32)
    inp["cW2"] = _w(ks[9], (H, H // 2)); inp["cb2"] = jnp.zeros((H // 2,), jnp.float32)
    inp["cg2"] = jnp.ones((H // 2,), jnp.float32); inp["cbe2"] = jnp.zeros((H // 2,), jnp.float32)
    inp["cW3"] = _w(ks[10], (H // 2, 1)); inp["cb3"] = jnp.zeros((1,), jnp.float32)
    return inp


def reference(x, edge_index, batch_size,
              Wl0, bl0, Wr0, Wl1, bl1, Wr1, Wl2, bl2, Wr2,
              g0, be0, g1, be1, g2, be2,
              cW1, cb1, cg1, cbe1, cW2, cb2, cg2, cbe2, cW3, cb3):
    src = edge_index[0]
    dst = edge_index[1]

    def sage(h, Wl, bl, Wr):
        msg = h[src]  # gather neighbor features
        agg = jax.ops.segment_sum(msg, dst, num_segments=N)
        cnt = jax.ops.segment_sum(jnp.ones((E,), h.dtype), dst, num_segments=N)
        mean = agg / jnp.clip(cnt, 1.0)[:, None]
        return mean @ Wl + bl + h @ Wr

    def bn(h, g, b):
        # eval-mode BatchNorm1d with running_mean=0, running_var=1
        return h / jnp.sqrt(1.0 + BN_EPS) * g + b

    h = x
    for (Wl, bl, Wr, g, b) in ((Wl0, bl0, Wr0, g0, be0),
                               (Wl1, bl1, Wr1, g1, be1),
                               (Wl2, bl2, Wr2, g2, be2)):
        h = bn(jax.nn.relu(sage(h, Wl, bl, Wr)), g, b)
        # dropout is identity in eval mode
    h = jax.lax.dynamic_slice_in_dim(h, 0 * batch_size, BATCH_SIZE, axis=0)
    h = jax.nn.relu(bn(h @ cW1 + cb1, cg1, cbe1))
    h = jax.nn.relu(bn(h @ cW2 + cb2, cg2, cbe2))
    out = (h @ cW3 + cb3).squeeze(-1)
    return out

if __name__ == "__main__":
    import jax
    _d = setup_inputs()
    print(jax.jit(kernel)(*tuple(_d.values())))

</pallas_src>

<mosaic_0001>
#map = affine_map<(d0, d1) -> (0, 0)>
#map1 = affine_map<(d0, d1) -> (0)>
#map2 = affine_map<(d0, d1) -> (0, 0, 0)>
module attributes {stable_mosaic.version = 14 : i64} {
  func.func @_agg_body(%arg0: i32, %arg1: i32, %arg2: memref<10000x128xf32, #tpu.memory_space<hbm>>, %arg3: memref<327680xi32, #tpu.memory_space<hbm>>, %arg4: memref<32x80x128xi32, #tpu.memory_space<hbm>>, %arg5: memref<2x10240x128xf32, #tpu.memory_space<hbm>>, %arg6: memref<1024xi32, #tpu.memory_space<vmem>>, %arg7: memref<8x128xi32, #tpu.memory_space<vmem>>, %arg8: memref<2x128x128xf32, #tpu.memory_space<vmem>>, %arg9: memref<10240x128xf32, #tpu.memory_space<vmem_shared>>, %arg10: memref<!tpu.dma_semaphore, #tpu.memory_space<semaphore_mem>>, %arg11: memref<!tpu.dma_semaphore, #tpu.memory_space<semaphore_mem>>, %arg12: memref<!tpu.dma_semaphore, #tpu.memory_space<semaphore_mem>>, %arg13: memref<!tpu.dma_semaphore, #tpu.memory_space<semaphore_mem>>) attributes {dimension_semantics = [#tpu.dimension_semantics<core_parallel>, #tpu.dimension_semantics<subcore_parallel>], iteration_bounds = array<i64: 2, 16>, scalar_prefetch = 0 : i64, scratch_operands = 8 : i64, tpu.core_type = #tpu.core_type<sc_vector_subcore>, window_params = [{transform_indices = #map}, {transform_indices = #map1}, {transform_indices = #map2}, {transform_indices = #map2}]} {
    %mul3A = arith.constant 2 : i32
    %mul3A_0 = arith.muli %arg1, %mul3A : i32
    %add3A = arith.addi %mul3A_0, %arg0 : i32
    %broadcast_in_dim3A = arith.constant 0.000000e+00 : f32
    %broadcast_in_dim3A_1 = vector.broadcast %broadcast_in_dim3A : f32 to vector<16xf32>
    %scan3A = arith.constant 0 : i32
    %scan3A_2 = arith.constant 0 : i32
    %scan3A_3 = arith.constant 0 : i32
    %scan3A_4 = arith.constant 128 : i32
    %scan3A_5 = arith.addi %scan3A_3, %scan3A_4 : i32
    %scan3A_6 = arith.constant 1 : i32
    scf.for %scan3A_31 = %scan3A_3 to %scan3A_5 step %scan3A_6  : i32 {
      %swap3A = arith.constant 0 : i32
      %swap3A_32 = arith.constant 0 : i32
      %swap3A_33 = tpu.memref_slice %arg8[%scan3A_2, %swap3A, %swap3A_32] : memref<2x128x128xf32, #tpu.memory_space<vmem>> -> memref<1x128x128xf32, #tpu.memory_space<vmem>>
      %swap3A_34 = tpu.memref_squeeze %swap3A_33 : memref<1x128x128xf32, #tpu.memory_space<vmem>> -> memref<128x128xf32, #tpu.memory_space<vmem>>
      %swap3A_35 = arith.index_cast %scan3A_31 : i32 to index
      %swap3A_36 = arith.constant 0 : index
      %swap3A_37 = tpu.vector_load %swap3A_34[%swap3A_35, %swap3A_36] {strides = array<i32>} : memref<128x128xf32, #tpu.memory_space<vmem>>, vector<1x16xf32>,
      %swap3A_38 = vector.shape_cast %swap3A_37 : vector<1x16xf32> to vector<16xf32>
      %swap3A_39 = vector.shape_cast %broadcast_in_dim3A_1 : vector<16xf32> to vector<1x16xf32>
      tpu.vector_store %swap3A_34[%swap3A_35, %swap3A_36], %swap3A_39 {strides = array<i32>} : memref<128x128xf32, #tpu.memory_space<vmem>>, vector<1x16xf32>,
      %swap3A_40 = arith.constant 0 : i32
      %swap3A_41 = arith.constant 0 : i32
      %swap3A_42 = tpu.memref_slice %arg8[%scan3A_2, %swap3A_40, %swap3A_41] : memref<2x128x128xf32, #tpu.memory_space<vmem>> -> memref<1x128x128xf32, #tpu.memory_space<vmem>>
      %swap3A_43 = tpu.memref_squeeze %swap3A_42 : memref<1x128x128xf32, #tpu.memory_space<vmem>> -> memref<128x128xf32, #tpu.memory_space<vmem>>
      %swap3A_44 = arith.index_cast %scan3A_31 : i32 to index
      %swap3A_45 = arith.constant 16 : index
      %swap3A_46 = tpu.vector_load %swap3A_43[%swap3A_44, %swap3A_45] {strides = array<i32>} : memref<128x128xf32, #tpu.memory_space<vmem>>, vector<1x16xf32>,
      %swap3A_47 = vector.shape_cast %swap3A_46 : vector<1x16xf32> to vector<16xf32>
      %swap3A_48 = vector.shape_cast %broadcast_in_dim3A_1 : vector<16xf32> to vector<1x16xf32>
      tpu.vector_store %swap3A_43[%swap3A_44, %swap3A_45], %swap3A_48 {strides = array<i32>} : memref<128x128xf32, #tpu.memory_space<vmem>>, vector<1x16xf32>,
      %swap3A_49 = arith.constant 0 : i32
      %swap3A_50 = arith.constant 0 : i32
      %swap3A_51 = tpu.memref_slice %arg8[%scan3A_2, %swap3A_49, %swap3A_50] : memref<2x128x128xf32, #tpu.memory_space<vmem>> -> memref<1x128x128xf32, #tpu.memory_space<vmem>>
      %swap3A_52 = tpu.memref_squeeze %swap3A_51 : memref<1x128x128xf32, #tpu.memory_space<vmem>> -> memref<128x128xf32, #tpu.memory_space<vmem>>
      %swap3A_53 = arith.index_cast %scan3A_31 : i32 to index
      %swap3A_54 = arith.constant 32 : index
      %swap3A_55 = tpu.vector_load %swap3A_52[%swap3A_53, %swap3A_54] {strides = array<i32>} : memref<128x128xf32, #tpu.memory_space<vmem>>, vector<1x16xf32>,
      %swap3A_56 = vector.shape_cast %swap3A_55 : vector<1x16xf32> to vector<16xf32>
      %swap3A_57 = vector.shape_cast %broadcast_in_dim3A_1 : vector<16xf32> to vector<1x16xf32>
      tpu.vector_store %swap3A_52[%swap3A_53, %swap3A_54], %swap3A_57 {strides = array<i32>} : memref<128x128xf32, #tpu.memory_space<vmem>>, vector<1x16xf32>,
      %swap3A_58 = arith.constant 0 : i32
      %swap3A_59 = arith.constant 0 : i32
      %swap3A_60 = tpu.memref_slice %arg8[%scan3A_2, %swap3A_58, %swap3A_59] : memref<2x128x128xf32, #tpu.memory_space<vmem>> -> memref<1x128x128xf32, #tpu.memory_space<vmem>>
      %swap3A_61 = tpu.memref_squeeze %swap3A_60 : memref<1x128x128xf32, #tpu.memory_space<vmem>> -> memref<128x128xf32, #tpu.memory_space<vmem>>
      %swap3A_62 = arith.index_cast %scan3A_31 : i32 to index
      %swap3A_63 = arith.constant 48 : index
      %swap3A_64 = tpu.vector_load %swap3A_61[%swap3A_62, %swap3A_63] {strides = array<i32>} : memref<128x128xf32, #tpu.memory_space<vmem>>, vector<1x16xf32>,
      %swap3A_65 = vector.shape_cast %swap3A_64 : vector<1x16xf32> to vector<16xf32>
      %swap3A_66 = vector.shape_cast %broadcast_in_dim3A_1 : vector<16xf32> to vector<1x16xf32>
      tpu.vector_store %swap3A_61[%swap3A_62, %swap3A_63], %swap3A_66 {strides = array<i32>} : memref<128x128xf32, #tpu.memory_space<vmem>>, vector<1x16xf32>,
      %swap3A_67 = arith.constant 0 : i32
      %swap3A_68 = arith.constant 0 : i32
      %swap3A_69 = tpu.memref_slice %arg8[%scan3A_2, %swap3A_67, %swap3A_68] : memref<2x128x128xf32, #tpu.memory_space<vmem>> -> memref<1x128x128xf32, #tpu.memory_space<vmem>>
      %swap3A_70 = tpu.memref_squeeze %swap3A_69 : memref<1x128x128xf32, #tpu.memory_space<vmem>> -> memref<128x128xf32, #tpu.memory_space<vmem>>
      %swap3A_71 = arith.index_cast %scan3A_31 : i32 to index
      %swap3A_72 = arith.constant 64 : index
      %swap3A_73 = tpu.vector_load %swap3A_70[%swap3A_71, %swap3A_72] {strides = array<i32>} : memref<128x128xf32, #tpu.memory_space<vmem>>, vector<1x16xf32>,
      %swap3A_74 = vector.shape_cast %swap3A_73 : vector<1x16xf32> to vector<16xf32>
      %swap3A_75 = vector.shape_cast %broadcast_in_dim3A_1 : vector<16xf32> to vector<1x16xf32>
      tpu.vector_store %swap3A_70[%swap3A_71, %swap3A_72], %swap3A_75 {strides = array<i32>} : memref<128x128xf32, #tpu.memory_space<vmem>>, vector<1x16xf32>,
      %swap3A_76 = arith.constant 0 : i32
      %swap3A_77 = arith.constant 0 : i32
      %swap3A_78 = tpu.memref_slice %arg8[%scan3A_2, %swap3A_76, %swap3A_77] : memref<2x128x128xf32, #tpu.memory_space<vmem>> -> memref<1x128x128xf32, #tpu.memory_space<vmem>>
      %swap3A_79 = tpu.memref_squeeze %swap3A_78 : memref<1x128x128xf32, #tpu.memory_space<vmem>> -> memref<128x128xf32, #tpu.memory_space<vmem>>
      %swap3A_80 = arith.index_cast %scan3A_31 : i32 to index
      %swap3A_81 = arith.constant 80 : index
      %swap3A_82 = tpu.vector_load %swap3A_79[%swap3A_80, %swap3A_81] {strides = array<i32>} : memref<128x128xf32, #tpu.memory_space<vmem>>, vector<1x16xf32>,
      %swap3A_83 = vector.shape_cast %swap3A_82 : vector<1x16xf32> to vector<16xf32>
      %swap3A_84 = vector.shape_cast %broadcast_in_dim3A_1 : vector<16xf32> to vector<1x16xf32>
      tpu.vector_store %swap3A_79[%swap3A_80, %swap3A_81], %swap3A_84 {strides = array<i32>} : memref<128x128xf32, #tpu.memory_space<vmem>>, vector<1x16xf32>,
      %swap3A_85 = arith.constant 0 : i32
      %swap3A_86 = arith.constant 0 : i32
      %swap3A_87 = tpu.memref_slice %arg8[%scan3A_2, %swap3A_85, %swap3A_86] : memref<2x128x128xf32, #tpu.memory_space<vmem>> -> memref<1x128x128xf32, #tpu.memory_space<vmem>>
      %swap3A_88 = tpu.memref_squeeze %swap3A_87 : memref<1x128x128xf32, #tpu.memory_space<vmem>> -> memref<128x128xf32, #tpu.memory_space<vmem>>
      %swap3A_89 = arith.index_cast %scan3A_31 : i32 to index
      %swap3A_90 = arith.constant 96 : index
      %swap3A_91 = tpu.vector_load %swap3A_88[%swap3A_89, %swap3A_90] {strides = array<i32>} : memref<128x128xf32, #tpu.memory_space<vmem>>, vector<1x16xf32>,
      %swap3A_92 = vector.shape_cast %swap3A_91 : vector<1x16xf32> to vector<16xf32>
      %swap3A_93 = vector.shape_cast %broadcast_in_dim3A_1 : vector<16xf32> to vector<1x16xf32>
      tpu.vector_store %swap3A_88[%swap3A_89, %swap3A_90], %swap3A_93 {strides = array<i32>} : memref<128x128xf32, #tpu.memory_space<vmem>>, vector<1x16xf32>,
      %swap3A_94 = arith.constant 0 : i32
      %swap3A_95 = arith.constant 0 : i32
      %swap3A_96 = tpu.memref_slice %arg8[%scan3A_2, %swap3A_94, %swap3A_95] : memref<2x128x128xf32, #tpu.memory_space<vmem>> -> memref<1x128x128xf32, #tpu.memory_space<vmem>>
      %swap3A_97 = tpu.memref_squeeze %swap3A_96 : memref<1x128x128xf32, #tpu.memory_space<vmem>> -> memref<128x128xf32, #tpu.memory_space<vmem>>
      %swap3A_98 = arith.index_cast %scan3A_31 : i32 to index
      %swap3A_99 = arith.constant 112 : index
      %swap3A_100 = tpu.vector_load %swap3A_97[%swap3A_98, %swap3A_99] {strides = array<i32>} : memref<128x128xf32, #tpu.memory_space<vmem>>, vector<1x16xf32>,
      %swap3A_101 = vector.shape_cast %swap3A_100 : vector<1x16xf32> to vector<16xf32>
      %swap3A_102 = vector.shape_cast %broadcast_in_dim3A_1 : vector<16xf32> to vector<1x16xf32>
      tpu.vector_store %swap3A_97[%swap3A_98, %swap3A_99], %swap3A_102 {strides = array<i32>} : memref<128x128xf32, #tpu.memory_space<vmem>>, vector<1x16xf32>,
    }
    %scan3A_7 = arith.constant 128 : i32
    %mul3A_8 = arith.constant 640 : i32
    %mul3A_9 = arith.muli %arg1, %mul3A_8 : i32
    %add3A_10 = arith.constant 0 : i32
    %add3A_11 = arith.addi %mul3A_9, %add3A_10 : i32
    %run_scoped3A = arith.constant 0 : i32
    "tpu.region"() ({
      %run_scoped3A_31 = tpu.sem_alloc : memref<!tpu.dma_semaphore, #tpu.memory_space<semaphore_mem>>
      %dma_start3A = arith.constant 0 : i32
      %dma_start3A_32 = arith.constant 0 : i32
      %dma_start3A_33 = tpu.memref_slice %arg8[%run_scoped3A, %dma_start3A, %dma_start3A_32] : memref<2x128x128xf32, #tpu.memory_space<vmem>> -> memref<1x128x128xf32, #tpu.memory_space<vmem>>
      %dma_start3A_34 = tpu.memref_squeeze %dma_start3A_33 : memref<1x128x128xf32, #tpu.memory_space<vmem>> -> memref<128x128xf32, #tpu.memory_space<vmem>>
      %dma_start3A_35 = arith.constant 0 : i32
      %dma_start3A_36 = tpu.memref_slice %arg9[%add3A_11, %dma_start3A_35] : memref<10240x128xf32, #tpu.memory_space<vmem_shared>> -> memref<128x128xf32, #tpu.memory_space<vmem_shared>>
      %dma_start3A_37 = arith.constant 0 : i32
      %dma_start3A_38 = tpu.memref_slice %arg9[%add3A_11, %dma_start3A_37] : memref<10240x128xf32, #tpu.memory_space<vmem_shared>> -> memref<128x128xf32, #tpu.memory_space<vmem_shared>>
      %dma_start3A_39 = arith.constant 0 : i32
      %dma_start3A_40 = arith.constant 0 : i32
      %dma_start3A_41 = tpu.memref_slice %arg8[%run_scoped3A, %dma_start3A_39, %dma_start3A_40] : memref<2x128x128xf32, #tpu.memory_space<vmem>> -> memref<1x128x128xf32, #tpu.memory_space<vmem>>
      %dma_start3A_42 = tpu.memref_squeeze %dma_start3A_41 : memref<1x128x128xf32, #tpu.memory_space<vmem>> -> memref<128x128xf32, #tpu.memory_space<vmem>>
      tpu.enqueue_dma source(%dma_start3A_42 : memref<128x128xf32, #tpu.memory_space<vmem>>) target(%dma_start3A_38 : memref<128x128xf32, #tpu.memory_space<vmem_shared>>) target_semaphore(%run_scoped3A_31 : memref<!tpu.dma_semaphore, #tpu.memory_space<semaphore_mem>>)
      %dma_wait3A = arith.constant 0 : i32
      %dma_wait3A_43 = arith.constant 0 : i32
      %dma_wait3A_44 = tpu.memref_slice %arg8[%run_scoped3A, %dma_wait3A, %dma_wait3A_43] : memref<2x128x128xf32, #tpu.memory_space<vmem>> -> memref<1x128x128xf32, #tpu.memory_space<vmem>>
      %dma_wait3A_45 = tpu.memref_squeeze %dma_wait3A_44 : memref<1x128x128xf32, #tpu.memory_space<vmem>> -> memref<128x128xf32, #tpu.memory_space<vmem>>
      %dma_wait3A_46 = arith.constant 0 : i32
      %dma_wait3A_47 = tpu.memref_slice %arg9[%add3A_11, %dma_wait3A_46] : memref<10240x128xf32, #tpu.memory_space<vmem_shared>> -> memref<128x128xf32, #tpu.memory_space<vmem_shared>>
      %dma_wait3A_48 = arith.constant 0 : i32
      %dma_wait3A_49 = tpu.memref_slice %arg9[%add3A_11, %dma_wait3A_48] : memref<10240x128xf32, #tpu.memory_space<vmem_shared>> -> memref<128x128xf32, #tpu.memory_space<vmem_shared>>
      %dma_wait3A_50 = arith.constant 0 : i32
      %dma_wait3A_51 = arith.constant 0 : i32
      %dma_wait3A_52 = tpu.memref_slice %arg8[%run_scoped3A, %dma_wait3A_50, %dma_wait3A_51] : memref<2x128x128xf32, #tpu.memory_space<vmem>> -> memref<1x128x128xf32, #tpu.memory_space<vmem>>
      %dma_wait3A_53 = tpu.memref_squeeze %dma_wait3A_52 : memref<1x128x128xf32, #tpu.memory_space<vmem>> -> memref<128x128xf32, #tpu.memory_space<vmem>>
      tpu.wait_dma2 semaphore(%run_scoped3A_31 : memref<!tpu.dma_semaphore, #tpu.memory_space<semaphore_mem>>) src(%dma_wait3A_53 : memref<128x128xf32, #tpu.memory_space<vmem>>) dst(%dma_wait3A_49 : memref<128x128xf32, #tpu.memory_space<vmem_shared>>)
      tpu.yield
    }) : () -> ()
    %add3A_12 = arith.constant 128 : i32
    %add3A_13 = arith.addi %mul3A_9, %add3A_12 : i32
    %run_scoped3A_14 = arith.constant 0 : i32
    "tpu.region"() ({
      %run_scoped3A_31 = tpu.sem_alloc : memref<!tpu.dma_semaphore, #tpu.memory_space<semaphore_mem>>
      %dma_start3A = arith.constant 0 : i32
      %dma_start3A_32 = arith.constant 0 : i32
      %dma_start3A_33 = tpu.memref_slice %arg8[%run_scoped3A_14, %dma_start3A, %dma_start3A_32] : memref<2x128x128xf32, #tpu.memory_space<vmem>> -> memref<1x128x128xf32, #tpu.memory_space<vmem>>
      %dma_start3A_34 = tpu.memref_squeeze %dma_start3A_33 : memref<1x128x128xf32, #tpu.memory_space<vmem>> -> memref<128x128xf32, #tpu.memory_space<vmem>>
      %dma_start3A_35 = arith.constant 0 : i32
      %dma_start3A_36 = tpu.memref_slice %arg9[%add3A_13, %dma_start3A_35] : memref<10240x128xf32, #tpu.memory_space<vmem_shared>> -> memref<128x128xf32, #tpu.memory_space<vmem_shared>>
      %dma_start3A_37 = arith.constant 0 : i32
      %dma_start3A_38 = tpu.memref_slice %arg9[%add3A_13, %dma_start3A_37] : memref<10240x128xf32, #tpu.memory_space<vmem_shared>> -> memref<128x128xf32, #tpu.memory_space<vmem_shared>>
      %dma_start3A_39 = arith.constant 0 : i32
      %dma_start3A_40 = arith.constant 0 : i32
      %dma_start3A_41 = tpu.memref_slice %arg8[%run_scoped3A_14, %dma_start3A_39, %dma_start3A_40] : memref<2x128x128xf32, #tpu.memory_space<vmem>> -> memref<1x128x128xf32, #tpu.memory_space<vmem>>
      %dma_start3A_42 = tpu.memref_squeeze %dma_start3A_41 : memref<1x128x128xf32, #tpu.memory_space<vmem>> -> memref<128x128xf32, #tpu.memory_space<vmem>>
      tpu.enqueue_dma source(%dma_start3A_42 : memref<128x128xf32, #tpu.memory_space<vmem>>) target(%dma_start3A_38 : memref<128x128xf32, #tpu.memory_space<vmem_shared>>) target_semaphore(%run_scoped3A_31 : memref<!tpu.dma_semaphore, #tpu.memory_space<semaphore_mem>>)
      %dma_wait3A = arith.constant 0 : i32
      %dma_wait3A_43 = arith.constant 0 : i32
      %dma_wait3A_44 = tpu.memref_slice %arg8[%run_scoped3A_14, %dma_wait3A, %dma_wait3A_43] : memref<2x128x128xf32, #tpu.memory_space<vmem>> -> memref<1x128x128xf32, #tpu.memory_space<vmem>>
      %dma_wait3A_45 = tpu.memref_squeeze %dma_wait3A_44 : memref<1x128x128xf32, #tpu.memory_space<vmem>> -> memref<128x128xf32, #tpu.memory_space<vmem>>
      %dma_wait3A_46 = arith.constant 0 : i32
      %dma_wait3A_47 = tpu.memref_slice %arg9[%add3A_13, %dma_wait3A_46] : memref<10240x128xf32, #tpu.memory_space<vmem_shared>> -> memref<128x128xf32, #tpu.memory_space<vmem_shared>>
      %dma_wait3A_48 = arith.constant 0 : i32
      %dma_wait3A_49 = tpu.memref_slice %arg9[%add3A_13, %dma_wait3A_48] : memref<10240x128xf32, #tpu.memory_space<vmem_shared>> -> memref<128x128xf32, #tpu.memory_space<vmem_shared>>
      %dma_wait3A_50 = arith.constant 0 : i32
      %dma_wait3A_51 = arith.constant 0 : i32
      %dma_wait3A_52 = tpu.memref_slice %arg8[%run_scoped3A_14, %dma_wait3A_50, %dma_wait3A_51] : memref<2x128x128xf32, #tpu.memory_space<vmem>> -> memref<1x128x128xf32, #tpu.memory_space<vmem>>
      %dma_wait3A_53 = tpu.memref_squeeze %dma_wait3A_52 : memref<1x128x128xf32, #tpu.memory_space<vmem>> -> memref<128x128xf32, #tpu.memory_space<vmem>>
      tpu.wait_dma2 semaphore(%run_scoped3A_31 : memref<!tpu.dma_semaphore, #tpu.memory_space<semaphore_mem>>) src(%dma_wait3A_53 : memref<128x128xf32, #tpu.memory_space<vmem>>) dst(%dma_wait3A_49 : memref<128x128xf32, #tpu.memory_space<vmem_shared>>)
      tpu.yield
    }) : () -> ()
    %add3A_15 = arith.constant 256 : i32
    %add3A_16 = arith.addi %mul3A_9, %add3A_15 : i32
    %run_scoped3A_17 = arith.constant 0 : i32
    "tpu.region"() ({
      %run_scoped3A_31 = tpu.sem_alloc : memref<!tpu.dma_semaphore, #tpu.memory_space<semaphore_mem>>
      %dma_start3A = arith.constant 0 : i32
      %dma_start3A_32 = arith.constant 0 : i32
      %dma_start3A_33 = tpu.memref_slice %arg8[%run_scoped3A_17, %dma_start3A, %dma_start3A_32] : memref<2x128x128xf32, #tpu.memory_space<vmem>> -> memref<1x128x128xf32, #tpu.memory_space<vmem>>
      %dma_start3A_34 = tpu.memref_squeeze %dma_start3A_33 : memref<1x128x128xf32, #tpu.memory_space<vmem>> -> memref<128x128xf32, #tpu.memory_space<vmem>>
      %dma_start3A_35 = arith.constant 0 : i32
      %dma_start3A_36 = tpu.memref_slice %arg9[%add3A_16, %dma_start3A_35] : memref<10240x128xf32, #tpu.memory_space<vmem_shared>> -> memref<128x128xf32, #tpu.memory_space<vmem_shared>>
      %dma_start3A_37 = arith.constant 0 : i32
      %dma_start3A_38 = tpu.memref_slice %arg9[%add3A_16, %dma_start3A_37] : memref<10240x128xf32, #tpu.memory_space<vmem_shared>> -> memref<128x128xf32, #tpu.memory_space<vmem_shared>>
      %dma_start3A_39 = arith.constant 0 : i32
      %dma_start3A_40 = arith.constant 0 : i32
      %dma_start3A_41 = tpu.memref_slice %arg8[%run_scoped3A_17, %dma_start3A_39, %dma_start3A_40] : memref<2x128x128xf32, #tpu.memory_space<vmem>> -> memref<1x128x128xf32, #tpu.memory_space<vmem>>
      %dma_start3A_42 = tpu.memref_squeeze %dma_start3A_41 : memref<1x128x128xf32, #tpu.memory_space<vmem>> -> memref<128x128xf32, #tpu.memory_space<vmem>>
      tpu.enqueue_dma source(%dma_start3A_42 : memref<128x128xf32, #tpu.memory_space<vmem>>) target(%dma_start3A_38 : memref<128x128xf32, #tpu.memory_space<vmem_shared>>) target_semaphore(%run_scoped3A_31 : memref<!tpu.dma_semaphore, #tpu.memory_space<semaphore_mem>>)
      %dma_wait3A = arith.constant 0 : i32
      %dma_wait3A_43 = arith.constant 0 : i32
      %dma_wait3A_44 = tpu.memref_slice %arg8[%run_scoped3A_17, %dma_wait3A, %dma_wait3A_43] : memref<2x128x128xf32, #tpu.memory_space<vmem>> -> memref<1x128x128xf32, #tpu.memory_space<vmem>>
      %dma_wait3A_45 = tpu.memref_squeeze %dma_wait3A_44 : memref<1x128x128xf32, #tpu.memory_space<vmem>> -> memref<128x128xf32, #tpu.memory_space<vmem>>
      %dma_wait3A_46 = arith.constant 0 : i32
      %dma_wait3A_47 = tpu.memref_slice %arg9[%add3A_16, %dma_wait3A_46] : memref<10240x128xf32, #tpu.memory_space<vmem_shared>> -> memref<128x128xf32, #tpu.memory_space<vmem_shared>>
      %dma_wait3A_48 = arith.constant 0 : i32
      %dma_wait3A_49 = tpu.memref_slice %arg9[%add3A_16, %dma_wait3A_48] : memref<10240x128xf32, #tpu.memory_space<vmem_shared>> -> memref<128x128xf32, #tpu.memory_space<vmem_shared>>
      %dma_wait3A_50 = arith.constant 0 : i32
      %dma_wait3A_51 = arith.constant 0 : i32
      %dma_wait3A_52 = tpu.memref_slice %arg8[%run_scoped3A_17, %dma_wait3A_50, %dma_wait3A_51] : memref<2x128x128xf32, #tpu.memory_space<vmem>> -> memref<1x128x128xf32, #tpu.memory_space<vmem>>
      %dma_wait3A_53 = tpu.memref_squeeze %dma_wait3A_52 : memref<1x128x128xf32, #tpu.memory_space<vmem>> -> memref<128x128xf32, #tpu.memory_space<vmem>>
      tpu.wait_dma2 semaphore(%run_scoped3A_31 : memref<!tpu.dma_semaphore, #tpu.memory_space<semaphore_mem>>) src(%dma_wait3A_53 : memref<128x128xf32, #tpu.memory_space<vmem>>) dst(%dma_wait3A_49 : memref<128x128xf32, #tpu.memory_space<vmem_shared>>)
      tpu.yield
    }) : () -> ()
    %add3A_18 = arith.constant 384 : i32
    %add3A_19 = arith.addi %mul3A_9, %add3A_18 : i32
    %run_scoped3A_20 = arith.constant 0 : i32
    "tpu.region"() ({
      %run_scoped3A_31 = tpu.sem_alloc : memref<!tpu.dma_semaphore, #tpu.memory_space<semaphore_mem>>
      %dma_start3A = arith.constant 0 : i32
      %dma_start3A_32 = arith.constant 0 : i32
      %dma_start3A_33 = tpu.memref_slice %arg8[%run_scoped3A_20, %dma_start3A, %dma_start3A_32] : memref<2x128x128xf32, #tpu.memory_space<vmem>> -> memref<1x128x128xf32, #tpu.memory_space<vmem>>
      %dma_start3A_34 = tpu.memref_squeeze %dma_start3A_33 : memref<1x128x128xf32, #tpu.memory_space<vmem>> -> memref<128x128xf32, #tpu.memory_space<vmem>>
      %dma_start3A_35 = arith.constant 0 : i32
      %dma_start3A_36 = tpu.memref_slice %arg9[%add3A_19, %dma_start3A_35] : memref<10240x128xf32, #tpu.memory_space<vmem_shared>> -> memref<128x128xf32, #tpu.memory_space<vmem_shared>>
      %dma_start3A_37 = arith.constant 0 : i32
      %dma_start3A_38 = tpu.memref_slice %arg9[%add3A_19, %dma_start3A_37] : memref<10240x128xf32, #tpu.memory_space<vmem_shared>> -> memref<128x128xf32, #tpu.memory_space<vmem_shared>>
      %dma_start3A_39 = arith.constant 0 : i32
      %dma_start3A_40 = arith.constant 0 : i32
      %dma_start3A_41 = tpu.memref_slice %arg8[%run_scoped3A_20, %dma_start3A_39, %dma_start3A_40] : memref<2x128x128xf32, #tpu.memory_space<vmem>> -> memref<1x128x128xf32, #tpu.memory_space<vmem>>
      %dma_start3A_42 = tpu.memref_squeeze %dma_start3A_41 : memref<1x128x128xf32, #tpu.memory_space<vmem>> -> memref<128x128xf32, #tpu.memory_space<vmem>>
      tpu.enqueue_dma source(%dma_start3A_42 : memref<128x128xf32, #tpu.memory_space<vmem>>) target(%dma_start3A_38 : memref<128x128xf32, #tpu.memory_space<vmem_shared>>) target_semaphore(%run_scoped3A_31 : memref<!tpu.dma_semaphore, #tpu.memory_space<semaphore_mem>>)
      %dma_wait3A = arith.constant 0 : i32
      %dma_wait3A_43 = arith.constant 0 : i32
      %dma_wait3A_44 = tpu.memref_slice %arg8[%run_scoped3A_20, %dma_wait3A, %dma_wait3A_43] : memref<2x128x128xf32, #tpu.memory_space<vmem>> -> memref<1x128x128xf32, #tpu.memory_space<vmem>>
      %dma_wait3A_45 = tpu.memref_squeeze %dma_wait3A_44 : memref<1x128x128xf32, #tpu.memory_space<vmem>> -> memref<128x128xf32, #tpu.memory_space<vmem>>
      %dma_wait3A_46 = arith.constant 0 : i32
      %dma_wait3A_47 = tpu.memref_slice %arg9[%add3A_19, %dma_wait3A_46] : memref<10240x128xf32, #tpu.memory_space<vmem_shared>> -> memref<128x128xf32, #tpu.memory_space<vmem_shared>>
      %dma_wait3A_48 = arith.constant 0 : i32
      %dma_wait3A_49 = tpu.memref_slice %arg9[%add3A_19, %dma_wait3A_48] : memref<10240x128xf32, #tpu.memory_space<vmem_shared>> -> memref<128x128xf32, #tpu.memory_space<vmem_shared>>
      %dma_wait3A_50 = arith.constant 0 : i32
      %dma_wait3A_51 = arith.constant 0 : i32
      %dma_wait3A_52 = tpu.memref_slice %arg8[%run_scoped3A_20, %dma_wait3A_50, %dma_wait3A_51] : memref<2x128x128xf32, #tpu.memory_space<vmem>> -> memref<1x128x128xf32, #tpu.memory_space<vmem>>
      %dma_wait3A_53 = tpu.memref_squeeze %dma_wait3A_52 : memref<1x128x128xf32, #tpu.memory_space<vmem>> -> memref<128x128xf32, #tpu.memory_space<vmem>>
      tpu.wait_dma2 semaphore(%run_scoped3A_31 : memref<!tpu.dma_semaphore, #tpu.memory_space<semaphore_mem>>) src(%dma_wait3A_53 : memref<128x128xf32, #tpu.memory_space<vmem>>) dst(%dma_wait3A_49 : memref<128x128xf32, #tpu.memory_space<vmem_shared>>)
      tpu.yield
    }) : () -> ()
    %add3A_21 = arith.constant 512 : i32
    %add3A_22 = arith.addi %mul3A_9, %add3A_21 : i32
    %run_scoped3A_23 = arith.constant 0 : i32
    "tpu.region"() ({
      %run_scoped3A_31 = tpu.sem_alloc : memref<!tpu.dma_semaphore, #tpu.memory_space<semaphore_mem>>
      %dma_start3A = arith.constant 0 : i32
      %dma_start3A_32 = arith.constant 0 : i32
      %dma_start3A_33 = tpu.memref_slice %arg8[%run_scoped3A_23, %dma_start3A, %dma_start3A_32] : memref<2x128x128xf32, #tpu.memory_space<vmem>> -> memref<1x128x128xf32, #tpu.memory_space<vmem>>
      %dma_start3A_34 = tpu.memref_squeeze %dma_start3A_33 : memref<1x128x128xf32, #tpu.memory_space<vmem>> -> memref<128x128xf32, #tpu.memory_space<vmem>>
      %dma_start3A_35 = arith.constant 0 : i32
      %dma_start3A_36 = tpu.memref_slice %arg9[%add3A_22, %dma_start3A_35] : memref<10240x128xf32, #tpu.memory_space<vmem_shared>> -> memref<128x128xf32, #tpu.memory_space<vmem_shared>>
      %dma_start3A_37 = arith.constant 0 : i32
      %dma_start3A_38 = tpu.memref_slice %arg9[%add3A_22, %dma_start3A_37] : memref<10240x128xf32, #tpu.memory_space<vmem_shared>> -> memref<128x128xf32, #tpu.memory_space<vmem_shared>>
      %dma_start3A_39 = arith.constant 0 : i32
      %dma_start3A_40 = arith.constant 0 : i32
      %dma_start3A_41 = tpu.memref_slice %arg8[%run_scoped3A_23, %dma_start3A_39, %dma_start3A_40] : memref<2x128x128xf32, #tpu.memory_space<vmem>> -> memref<1x128x128xf32, #tpu.memory_space<vmem>>
      %dma_start3A_42 = tpu.memref_squeeze %dma_start3A_41 : memref<1x128x128xf32, #tpu.memory_space<vmem>> -> memref<128x128xf32, #tpu.memory_space<vmem>>
      tpu.enqueue_dma source(%dma_start3A_42 : memref<128x128xf32, #tpu.memory_space<vmem>>) target(%dma_start3A_38 : memref<128x128xf32, #tpu.memory_space<vmem_shared>>) target_semaphore(%run_scoped3A_31 : memref<!tpu.dma_semaphore, #tpu.memory_space<semaphore_mem>>)
      %dma_wait3A = arith.constant 0 : i32
      %dma_wait3A_43 = arith.constant 0 : i32
      %dma_wait3A_44 = tpu.memref_slice %arg8[%run_scoped3A_23, %dma_wait3A, %dma_wait3A_43] : memref<2x128x128xf32, #tpu.memory_space<vmem>> -> memref<1x128x128xf32, #tpu.memory_space<vmem>>
      %dma_wait3A_45 = tpu.memref_squeeze %dma_wait3A_44 : memref<1x128x128xf32, #tpu.memory_space<vmem>> -> memref<128x128xf32, #tpu.memory_space<vmem>>
      %dma_wait3A_46 = arith.constant 0 : i32
      %dma_wait3A_47 = tpu.memref_slice %arg9[%add3A_22, %dma_wait3A_46] : memref<10240x128xf32, #tpu.memory_space<vmem_shared>> -> memref<128x128xf32, #tpu.memory_space<vmem_shared>>
      %dma_wait3A_48 = arith.constant 0 : i32
      %dma_wait3A_49 = tpu.memref_slice %arg9[%add3A_22, %dma_wait3A_48] : memref<10240x128xf32, #tpu.memory_space<vmem_shared>> -> memref<128x128xf32, #tpu.memory_space<vmem_shared>>
      %dma_wait3A_50 = arith.constant 0 : i32
      %dma_wait3A_51 = arith.constant 0 : i32
      %dma_wait3A_52 = tpu.memref_slice %arg8[%run_scoped3A_23, %dma_wait3A_50, %dma_wait3A_51] : memref<2x128x128xf32, #tpu.memory_space<vmem>> -> memref<1x128x128xf32, #tpu.memory_space<vmem>>
      %dma_wait3A_53 = tpu.memref_squeeze %dma_wait3A_52 : memref<1x128x128xf32, #tpu.memory_space<vmem>> -> memref<128x128xf32, #tpu.memory_space<vmem>>
      tpu.wait_dma2 semaphore(%run_scoped3A_31 : memref<!tpu.dma_semaphore, #tpu.memory_space<semaphore_mem>>) src(%dma_wait3A_53 : memref<128x128xf32, #tpu.memory_space<vmem>>) dst(%dma_wait3A_49 : memref<128x128xf32, #tpu.memory_space<vmem_shared>>)
      tpu.yield
    }) : () -> ()
    %barrier3A = arith.constant 0 : index
    tpu.barrier barrier_id(%barrier3A)
    %scan3A_24 = arith.constant 0 : i32
    %scan3A_25 = arith.constant 0 : i32
    %scan3A_26 = arith.constant 10 : i32
    %scan3A_27 = arith.addi %scan3A_25, %scan3A_26 : i32
    %scan3A_28 = arith.constant 1 : i32
    scf.for %scan3A_31 = %scan3A_25 to %scan3A_27 step %scan3A_28  : i32 {
      %mul3A_32 = arith.constant 8 : i32
      %mul3A_33 = arith.muli %scan3A_31, %mul3A_32 : i32
      "tpu.region"() ({
        %run_scoped3A_389 = tpu.sem_alloc : memref<!tpu.dma_semaphore, #tpu.memory_space<semaphore_mem>>
        %dma_start3A_390 = arith.constant 0 : i32
        %dma_start3A_391 = tpu.memref_slice %arg4[%add3A, %mul3A_33, %dma_start3A_390] : memref<32x80x128xi32, #tpu.memory_space<hbm>> -> memref<1x8x128xi32, #tpu.memory_space<hbm>>
        %dma_start3A_392 = tpu.memref_squeeze %dma_start3A_391 : memref<1x8x128xi32, #tpu.memory_space<hbm>> -> memref<8x128xi32, #tpu.memory_space<hbm>>
        %dma_start3A_393 = arith.constant 0 : i32
        %dma_start3A_394 = tpu.memref_slice %arg4[%add3A, %mul3A_33, %dma_start3A_393] : memref<32x80x128xi32, #tpu.memory_space<hbm>> -> memref<1x8x128xi32, #tpu.memory_space<hbm>>
        %dma_start3A_395 = tpu.memref_squeeze %dma_start3A_394 : memref<1x8x128xi32, #tpu.memory_space<hbm>> -> memref<8x128xi32, #tpu.memory_space<hbm>>
        tpu.enqueue_dma source(%dma_start3A_395 : memref<8x128xi32, #tpu.memory_space<hbm>>) target(%arg7 : memref<8x128xi32, #tpu.memory_space<vmem>>) target_semaphore(%run_scoped3A_389 : memref<!tpu.dma_semaphore, #tpu.memory_space<semaphore_mem>>)
        %dma_wait3A_396 = arith.constant 0 : i32
        %dma_wait3A_397 = tpu.memref_slice %arg4[%add3A, %mul3A_33, %dma_wait3A_396] : memref<32x80x128xi32, #tpu.memory_space<hbm>> -> memref<1x8x128xi32, #tpu.memory_space<hbm>>
        %dma_wait3A_398 = tpu.memref_squeeze %dma_wait3A_397 : memref<1x8x128xi32, #tpu.memory_space<hbm>> -> memref<8x128xi32, #tpu.memory_space<hbm>>
        %dma_wait3A_399 = arith.constant 0 : i32
        %dma_wait3A_400 = tpu.memref_slice %arg4[%add3A, %mul3A_33, %dma_wait3A_399] : memref<32x80x128xi32, #tpu.memory_space<hbm>> -> memref<1x8x128xi32, #tpu.memory_space<hbm>>
        %dma_wait3A_401 = tpu.memref_squeeze %dma_wait3A_400 : memref<1x8x128xi32, #tpu.memory_space<hbm>> -> memref<8x128xi32, #tpu.memory_space<hbm>>
        tpu.wait_dma2 semaphore(%run_scoped3A_389 : memref<!tpu.dma_semaphore, #tpu.memory_space<semaphore_mem>>) src(%dma_wait3A_401 : memref<8x128xi32, #tpu.memory_space<hbm>>) dst(%arg7 : memref<8x128xi32, #tpu.memory_space<vmem>>)
        tpu.yield
      }) : () -> ()
      %mul3A_34 = arith.constant 10240 : i32
      %mul3A_35 = arith.muli %add3A, %mul3A_34 : i32
      %mul3A_36 = arith.constant 1024 : i32
      %mul3A_37 = arith.muli %scan3A_31, %mul3A_36 : i32
      %add3A_38 = arith.addi %mul3A_35, %mul3A_37 : i32
      "tpu.region"() ({
        %run_scoped3A_389 = tpu.sem_alloc : memref<!tpu.dma_semaphore, #tpu.memory_space<semaphore_mem>>
        %dma_start3A_390 = tpu.memref_slice %arg3[%add3A_38] : memref<327680xi32, #tpu.memory_space<hbm>> -> memref<1024xi32, #tpu.memory_space<hbm>>
        %dma_start3A_391 = tpu.memref_slice %arg3[%add3A_38] : memref<327680xi32, #tpu.memory_space<hbm>> -> memref<1024xi32, #tpu.memory_space<hbm>>
        tpu.enqueue_dma source(%dma_start3A_391 : memref<1024xi32, #tpu.memory_space<hbm>>) target(%arg6 : memref<1024xi32, #tpu.memory_space<vmem>>) target_semaphore(%run_scoped3A_389 : memref<!tpu.dma_semaphore, #tpu.memory_space<semaphore_mem>>)
        %dma_wait3A_392 = tpu.memref_slice %arg3[%add3A_38] : memref<327680xi32, #tpu.memory_space<hbm>> -> memref<1024xi32, #tpu.memory_space<hbm>>
        %dma_wait3A_393 = tpu.memref_slice %arg3[%add3A_38] : memref<327680xi32, #tpu.memory_space<hbm>> -> memref<1024xi32, #tpu.memory_space<hbm>>
        tpu.wait_dma2 semaphore(%run_scoped3A_389 : memref<!tpu.dma_semaphore, #tpu.memory_space<semaphore_mem>>) src(%dma_wait3A_393 : memref<1024xi32, #tpu.memory_space<hbm>>) dst(%arg6 : memref<1024xi32, #tpu.memory_space<vmem>>)
        tpu.yield
      }) : () -> ()
      %dma_start3A = arith.constant 0 : i32
      %dma_start3A_39 = arith.constant 0 : i32
      %dma_start3A_40 = arith.constant 0 : i32
      %dma_start3A_41 = tpu.memref_slice %arg8[%dma_start3A, %dma_start3A_39, %dma_start3A_40] : memref<2x128x128xf32, #tpu.memory_space<vmem>> -> memref<1x128x128xf32, #tpu.memory_space<vmem>>
      %dma_start3A_42 = tpu.memref_squeeze %dma_start3A_41 : memref<1x128x128xf32, #tpu.memory_space<vmem>> -> memref<128x128xf32, #tpu.memory_space<vmem>>
      %dma_start3A_43 = arith.constant 0 : i32
      %dma_start3A_44 = tpu.memref_slice %arg6[%dma_start3A_43] : memref<1024xi32, #tpu.memory_space<vmem>> -> memref<128xi32, #tpu.memory_space<vmem>>
      %dma_start3A_45 = arith.constant 0 : i32
      %dma_start3A_46 = arith.constant 0 : i32
      %dma_start3A_47 = tpu.memref_slice %arg2[%dma_start3A_45, %dma_start3A_46] : memref<10000x128xf32, #tpu.memory_space<hbm>> -> memref<10000x128xf32, #tpu.memory_space<hbm>>
      tpu.enqueue_indirect_dma source(%dma_start3A_47 : memref<10000x128xf32, #tpu.memory_space<hbm>>) target(%dma_start3A_42 : memref<128x128xf32, #tpu.memory_space<vmem>>) offsets(%dma_start3A_44 : memref<128xi32, #tpu.memory_space<vmem>>) semaphore(%arg10 : memref<!tpu.dma_semaphore, #tpu.memory_space<semaphore_mem>>)
      %dma_start3A_48 = arith.constant 1 : i32
      %dma_start3A_49 = arith.constant 0 : i32
      %dma_start3A_50 = arith.constant 0 : i32
      %dma_start3A_51 = tpu.memref_slice %arg8[%dma_start3A_48, %dma_start3A_49, %dma_start3A_50] : memref<2x128x128xf32, #tpu.memory_space<vmem>> -> memref<1x128x128xf32, #tpu.memory_space<vmem>>
      %dma_start3A_52 = tpu.memref_squeeze %dma_start3A_51 : memref<1x128x128xf32, #tpu.memory_space<vmem>> -> memref<128x128xf32, #tpu.memory_space<vmem>>
      %dma_start3A_53 = arith.constant 128 : i32
      %dma_start3A_54 = tpu.memref_slice %arg6[%dma_start3A_53] : memref<1024xi32, #tpu.memory_space<vmem>> -> memref<128xi32, #tpu.memory_space<vmem>>
      %dma_start3A_55 = arith.constant 0 : i32
      %dma_start3A_56 = arith.constant 0 : i32
      %dma_start3A_57 = tpu.memref_slice %arg2[%dma_start3A_55, %dma_start3A_56] : memref<10000x128xf32, #tpu.memory_space<hbm>> -> memref<10000x128xf32, #tpu.memory_space<hbm>>
      tpu.enqueue_indirect_dma source(%dma_start3A_57 : memref<10000x128xf32, #tpu.memory_space<hbm>>) target(%dma_start3A_52 : memref<128x128xf32, #tpu.memory_space<vmem>>) offsets(%dma_start3A_54 : memref<128xi32, #tpu.memory_space<vmem>>) semaphore(%arg11 : memref<!tpu.dma_semaphore, #tpu.memory_space<semaphore_mem>>)
      %dma_wait3A = arith.constant 0 : i32
      %dma_wait3A_58 = arith.constant 0 : i32
      %dma_wait3A_59 = arith.constant 0 : i32
      %dma_wait3A_60 = tpu.memref_slice %arg8[%dma_wait3A, %dma_wait3A_58, %dma_wait3A_59] : memref<2x128x128xf32, #tpu.memory_space<vmem>> -> memref<1x128x128xf32, #tpu.memory_space<vmem>>
      %dma_wait3A_61 = tpu.memref_squeeze %dma_wait3A_60 : memref<1x128x128xf32, #tpu.memory_space<vmem>> -> memref<128x128xf32, #tpu.memory_space<vmem>>
      %dma_wait3A_62 = arith.constant 0 : i32
      %dma_wait3A_63 = tpu.memref_slice %arg6[%dma_wait3A_62] : memref<1024xi32, #tpu.memory_space<vmem>> -> memref<128xi32, #tpu.memory_space<vmem>>
      %dma_wait3A_64 = arith.constant 0 : i32
      %dma_wait3A_65 = arith.constant 0 : i32
      %dma_wait3A_66 = tpu.memref_slice %arg2[%dma_wait3A_64, %dma_wait3A_65] : memref<10000x128xf32, #tpu.memory_space<hbm>> -> memref<10000x128xf32, #tpu.memory_space<hbm>>
      tpu.wait_indirect_dma semaphore(%arg10 : memref<!tpu.dma_semaphore, #tpu.memory_space<semaphore_mem>>) src(%dma_wait3A_66 : memref<10000x128xf32, #tpu.memory_space<hbm>>) dst(%dma_wait3A_61 : memref<128x128xf32, #tpu.memory_space<vmem>>)
      %dma_start3A_67 = arith.constant 0 : i32
      %dma_start3A_68 = arith.constant 0 : i32
      %dma_start3A_69 = arith.constant 0 : i32
      %dma_start3A_70 = arith.constant 0 : i32
      %dma_start3A_71 = tpu.memref_slice %arg8[%dma_start3A_67, %dma_start3A_69, %dma_start3A_70] : memref<2x128x128xf32, #tpu.memory_space<vmem>> -> memref<1x128x128xf32, #tpu.memory_space<vmem>>
      %dma_start3A_72 = tpu.memref_squeeze %dma_start3A_71 : memref<1x128x128xf32, #tpu.memory_space<vmem>> -> memref<128x128xf32, #tpu.memory_space<vmem>>
      %dma_start3A_73 = arith.constant 0 : i32
      %dma_start3A_74 = tpu.memref_slice %arg7[%dma_start3A_68, %dma_start3A_73] : memref<8x128xi32, #tpu.memory_space<vmem>> -> memref<1x128xi32, #tpu.memory_space<vmem>>
      %dma_start3A_75 = tpu.memref_squeeze %dma_start3A_74 : memref<1x128xi32, #tpu.memory_space<vmem>> -> memref<128xi32, #tpu.memory_space<vmem>>
      %dma_start3A_76 = arith.constant 0 : i32
      %dma_start3A_77 = arith.constant 0 : i32
      %dma_start3A_78 = tpu.memref_slice %arg9[%dma_start3A_76, %dma_start3A_77] : memref<10240x128xf32, #tpu.memory_space<vmem_shared>> -> memref<10240x128xf32, #tpu.memory_space<vmem_shared>>
      tpu.enqueue_indirect_dma source(%dma_start3A_72 : memref<128x128xf32, #tpu.memory_space<vmem>>) target(%dma_start3A_78 : memref<10240x128xf32, #tpu.memory_space<vmem_shared>>) offsets(%dma_start3A_75 : memref<128xi32, #tpu.memory_space<vmem>>) semaphore(%arg12 : memref<!tpu.dma_semaphore, #tpu.memory_space<semaphore_mem>>) {add = true}
      %dma_wait3A_79 = arith.constant 0 : i32
      %dma_wait3A_80 = arith.constant 0 : i32
      %dma_wait3A_81 = arith.constant 0 : i32
      %dma_wait3A_82 = arith.constant 0 : i32
      %dma_wait3A_83 = tpu.memref_slice %arg8[%dma_wait3A_79, %dma_wait3A_81, %dma_wait3A_82] : memref<2x128x128xf32, #tpu.memory_space<vmem>> -> memref<1x128x128xf32, #tpu.memory_space<vmem>>
      %dma_wait3A_84 = tpu.memref_squeeze %dma_wait3A_83 : memref<1x128x128xf32, #tpu.memory_space<vmem>> -> memref<128x128xf32, #tpu.memory_space<vmem>>
      %dma_wait3A_85 = arith.constant 0 : i32
      %dma_wait3A_86 = tpu.memref_slice %arg7[%dma_wait3A_80, %dma_wait3A_85] : memref<8x128xi32, #tpu.memory_space<vmem>> -> memref<1x128xi32, #tpu.memory_space<vmem>>
      %dma_wait3A_87 = tpu.memref_squeeze %dma_wait3A_86 : memref<1x128xi32, #tpu.memory_space<vmem>> -> memref<128xi32, #tpu.memory_space<vmem>>
      %dma_wait3A_88 = arith.constant 0 : i32
      %dma_wait3A_89 = arith.constant 0 : i32
      %dma_wait3A_90 = tpu.memref_slice %arg9[%dma_wait3A_88, %dma_wait3A_89] : memref<10240x128xf32, #tpu.memory_space<vmem_shared>> -> memref<10240x128xf32, #tpu.memory_space<vmem_shared>>
      tpu.wait_indirect_dma semaphore(%arg12 : memref<!tpu.dma_semaphore, #tpu.memory_space<semaphore_mem>>) src(%dma_wait3A_84 : memref<128x128xf32, #tpu.memory_space<vmem>>) dst(%dma_wait3A_90 : memref<10240x128xf32, #tpu.memory_space<vmem_shared>>)
      %dma_start3A_91 = arith.constant 0 : i32
      %dma_start3A_92 = arith.constant 0 : i32
      %dma_start3A_93 = arith.constant 0 : i32
      %dma_start3A_94 = tpu.memref_slice %arg8[%dma_start3A_91, %dma_start3A_92, %dma_start3A_93] : memref<2x128x128xf32, #tpu.memory_space<vmem>> -> memref<1x128x128xf32, #tpu.memory_space<vmem>>
      %dma_start3A_95 = tpu.memref_squeeze %dma_start3A_94 : memref<1x128x128xf32, #tpu.memory_space<vmem>> -> memref<128x128xf32, #tpu.memory_space<vmem>>
      %dma_start3A_96 = arith.constant 256 : i32
      %dma_start3A_97 = tpu.memref_slice %arg6[%dma_start3A_96] : memref<1024xi32, #tpu.memory_space<vmem>> -> memref<128xi32, #tpu.memory_space<vmem>>
      %dma_start3A_98 = arith.constant 0 : i32
      %dma_start3A_99 = arith.constant 0 : i32
      %dma_start3A_100 = tpu.memref_slice %arg2[%dma_start3A_98, %dma_start3A_99] : memref<10000x128xf32, #tpu.memory_space<hbm>> -> memref<10000x128xf32, #tpu.memory_space<hbm>>
      tpu.enqueue_indirect_dma source(%dma_start3A_100 : memref<10000x128xf32, #tpu.memory_space<hbm>>) target(%dma_start3A_95 : memref<128x128xf32, #tpu.memory_space<vmem>>) offsets(%dma_start3A_97 : memref<128xi32, #tpu.memory_space<vmem>>) semaphore(%arg10 : memref<!tpu.dma_semaphore, #tpu.memory_space<semaphore_mem>>)
      %dma_wait3A_101 = arith.constant 1 : i32
      %dma_wait3A_102 = arith.constant 0 : i32
      %dma_wait3A_103 = arith.constant 0 : i32
      %dma_wait3A_104 = tpu.memref_slice %arg8[%dma_wait3A_101, %dma_wait3A_102, %dma_wait3A_103] : memref<2x128x128xf32, #tpu.memory_space<vmem>> -> memref<1x128x128xf32, #tpu.memory_space<vmem>>
      %dma_wait3A_105 = tpu.memref_squeeze %dma_wait3A_104 : memref<1x128x128xf32, #tpu.memory_space<vmem>> -> memref<128x128xf32, #tpu.memory_space<vmem>>
      %dma_wait3A_106 = arith.constant 128 : i32
      %dma_wait3A_107 = tpu.memref_slice %arg6[%dma_wait3A_106] : memref<1024xi32, #tpu.memory_space<vmem>> -> memref<128xi32, #tpu.memory_space<vmem>>
      %dma_wait3A_108 = arith.constant 0 : i32
      %dma_wait3A_109 = arith.constant 0 : i32
      %dma_wait3A_110 = tpu.memref_slice %arg2[%dma_wait3A_108, %dma_wait3A_109] : memref<10000x128xf32, #tpu.memory_space<hbm>> -> memref<10000x128xf32, #tpu.memory_space<hbm>>
      tpu.wait_indirect_dma semaphore(%arg11 : memref<!tpu.dma_semaphore, #tpu.memory_space<semaphore_mem>>) src(%dma_wait3A_110 : memref<10000x128xf32, #tpu.memory_space<hbm>>) dst(%dma_wait3A_105 : memref<128x128xf32, #tpu.memory_space<vmem>>)
      %dma_start3A_111 = arith.constant 1 : i32
      %dma_start3A_112 = arith.constant 1 : i32
      %dma_start3A_113 = arith.constant 0 : i32
      %dma_start3A_114 = arith.constant 0 : i32
      %dma_start3A_115 = tpu.memref_slice %arg8[%dma_start3A_111, %dma_start3A_113, %dma_start3A_114] : memref<2x128x128xf32, #tpu.memory_space<vmem>> -> memref<1x128x128xf32, #tpu.memory_space<vmem>>
      %dma_start3A_116 = tpu.memref_squeeze %dma_start3A_115 : memref<1x128x128xf32, #tpu.memory_space<vmem>> -> memref<128x128xf32, #tpu.memory_space<vmem>>
      %dma_start3A_117 = arith.constant 0 : i32
      %dma_start3A_118 = tpu.memref_slice %arg7[%dma_start3A_112, %dma_start3A_117] : memref<8x128xi32, #tpu.memory_space<vmem>> -> memref<1x128xi32, #tpu.memory_space<vmem>>
      %dma_start3A_119 = tpu.memref_squeeze %dma_start3A_118 : memref<1x128xi32, #tpu.memory_space<vmem>> -> memref<128xi32, #tpu.memory_space<vmem>>
      %dma_start3A_120 = arith.constant 0 : i32
      %dma_start3A_121 = arith.constant 0 : i32
      %dma_start3A_122 = tpu.memref_slice %arg9[%dma_start3A_120, %dma_start3A_121] : memref<10240x128xf32, #tpu.memory_space<vmem_shared>> -> memref<10240x128xf32, #tpu.memory_space<vmem_shared>>
      tpu.enqueue_indirect_dma source(%dma_start3A_116 : memref<128x128xf32, #tpu.memory_space<vmem>>) target(%dma_start3A_122 : memref<10240x128xf32, #tpu.memory_space<vmem_shared>>) offsets(%dma_start3A_119 : memref<128xi32, #tpu.memory_space<vmem>>) semaphore(%arg13 : memref<!tpu.dma_semaphore, #tpu.memory_space<semaphore_mem>>) {add = true}
      %dma_wait3A_123 = arith.constant 1 : i32
      %dma_wait3A_124 = arith.constant 1 : i32
      %dma_wait3A_125 = arith.constant 0 : i32
      %dma_wait3A_126 = arith.constant 0 : i32
      %dma_wait3A_127 = tpu.memref_slice %arg8[%dma_wait3A_123, %dma_wait3A_125, %dma_wait3A_126] : memref<2x128x128xf32, #tpu.memory_space<vmem>> -> memref<1x128x128xf32, #tpu.memory_space<vmem>>
      %dma_wait3A_128 = tpu.memref_squeeze %dma_wait3A_127 : memref<1x128x128xf32, #tpu.memory_space<vmem>> -> memref<128x128xf32, #tpu.memory_space<vmem>>
      %dma_wait3A_129 = arith.constant 0 : i32
      %dma_wait3A_130 = tpu.memref_slice %arg7[%dma_wait3A_124, %dma_wait3A_129] : memref<8x128xi32, #tpu.memory_space<vmem>> -> memref<1x128xi32, #tpu.memory_space<vmem>>
      %dma_wait3A_131 = tpu.memref_squeeze %dma_wait3A_130 : memref<1x128xi32, #tpu.memory_space<vmem>> -> memref<128xi32, #tpu.memory_space<vmem>>
      %dma_wait3A_132 = arith.constant 0 : i32
      %dma_wait3A_133 = arith.constant 0 : i32
      %dma_wait3A_134 = tpu.memref_slice %arg9[%dma_wait3A_132, %dma_wait3A_133] : memref<10240x128xf32, #tpu.memory_space<vmem_shared>> -> memref<10240x128xf32, #tpu.memory_space<vmem_shared>>
      tpu.wait_indirect_dma semaphore(%arg13 : memref<!tpu.dma_semaphore, #tpu.memory_space<semaphore_mem>>) src(%dma_wait3A_128 : memref<128x128xf32, #tpu.memory_space<vmem>>) dst(%dma_wait3A_134 : memref<10240x128xf32, #tpu.memory_space<vmem_shared>>)
      %dma_start3A_135 = arith.constant 1 : i32
      %dma_start3A_136 = arith.constant 0 : i32
      %dma_start3A_137 = arith.constant 0 : i32
      %dma_start3A_138 = tpu.memref_slice %arg8[%dma_start3A_135, %dma_start3A_136, %dma_start3A_137] : memref<2x128x128xf32, #tpu.memory_space<vmem>> -> memref<1x128x128xf32, #tpu.memory_space<vmem>>
      %dma_start3A_139 = tpu.memref_squeeze %dma_start3A_138 : memref<1x128x128xf32, #tpu.memory_space<vmem>> -> memref<128x128xf32, #tpu.memory_space<vmem>>
      %dma_start3A_140 = arith.constant 384 : i32
      %dma_start3A_141 = tpu.memref_slice %arg6[%dma_start3A_140] : memref<1024xi32, #tpu.memory_space<vmem>> -> memref<128xi32, #tpu.memory_space<vmem>>
      %dma_start3A_142 = arith.constant 0 : i32
      %dma_start3A_143 = arith.constant 0 : i32
      %dma_start3A_144 = tpu.memref_slice %arg2[%dma_start3A_142, %dma_start3A_143] : memref<10000x128xf32, #tpu.memory_space<hbm>> -> memref<10000x128xf32, #tpu.memory_space<hbm>>
      tpu.enqueue_indirect_dma source(%dma_start3A_144 : memref<10000x128xf32, #tpu.memory_space<hbm>>) target(%dma_start3A_139 : memref<128x128xf32, #tpu.memory_space<vmem>>) offsets(%dma_start3A_141 : memref<128xi32, #tpu.memory_space<vmem>>) semaphore(%arg11 : memref<!tpu.dma_semaphore, #tpu.memory_space<semaphore_mem>>)
      %dma_wait3A_145 = arith.constant 0 : i32
      %dma_wait3A_146 = arith.constant 0 : i32
      %dma_wait3A_147 = arith.constant 0 : i32
      %dma_wait3A_148 = tpu.memref_slice %arg8[%dma_wait3A_145, %dma_wait3A_146, %dma_wait3A_147] : memref<2x128x128xf32, #tpu.memory_space<vmem>> -> memref<1x128x128xf32, #tpu.memory_space<vmem>>
      %dma_wait3A_149 = tpu.memref_squeeze %dma_wait3A_148 : memref<1x128x128xf32, #tpu.memory_space<vmem>> -> memref<128x128xf32, #tpu.memory_space<vmem>>
      %dma_wait3A_150 = arith.constant 256 : i32
      %dma_wait3A_151 = tpu.memref_slice %arg6[%dma_wait3A_150] : memref<1024xi32, #tpu.memory_space<vmem>> -> memref<128xi32, #tpu.memory_space<vmem>>
      %dma_wait3A_152 = arith.constant 0 : i32
      %dma_wait3A_153 = arith.constant 0 : i32
      %dma_wait3A_154 = tpu.memref_slice %arg2[%dma_wait3A_152, %dma_wait3A_153] : memref<10000x128xf32, #tpu.memory_space<hbm>> -> memref<10000x128xf32, #tpu.memory_space<hbm>>
      tpu.wait_indirect_dma semaphore(%arg10 : memref<!tpu.dma_semaphore, #tpu.memory_space<semaphore_mem>>) src(%dma_wait3A_154 : memref<10000x128xf32, #tpu.memory_space<hbm>>) dst(%dma_wait3A_149 : memref<128x128xf32, #tpu.memory_space<vmem>>)
      %dma_start3A_155 = arith.constant 0 : i32
      %dma_start3A_156 = arith.constant 2 : i32
      %dma_start3A_157 = arith.constant 0 : i32
      %dma_start3A_158 = arith.constant 0 : i32
      %dma_start3A_159 = tpu.memref_slice %arg8[%dma_start3A_155, %dma_start3A_157, %dma_start3A_158] : memref<2x128x128xf32, #tpu.memory_space<vmem>> -> memref<1x128x128xf32, #tpu.memory_space<vmem>>
      %dma_start3A_160 = tpu.memref_squeeze %dma_start3A_159 : memref<1x128x128xf32, #tpu.memory_space<vmem>> -> memref<128x128xf32, #tpu.memory_space<vmem>>
      %dma_start3A_161 = arith.constant 0 : i32
      %dma_start3A_162 = tpu.memref_slice %arg7[%dma_start3A_156, %dma_start3A_161] : memref<8x128xi32, #tpu.memory_space<vmem>> -> memref<1x128xi32, #tpu.memory_space<vmem>>
      %dma_start3A_163 = tpu.memref_squeeze %dma_start3A_162 : memref<1x128xi32, #tpu.memory_space<vmem>> -> memref<128xi32, #tpu.memory_space<vmem>>
      %dma_start3A_164 = arith.constant 0 : i32
      %dma_start3A_165 = arith.constant 0 : i32
      %dma_start3A_166 = tpu.memref_slice %arg9[%dma_start3A_164, %dma_start3A_165] : memref<10240x128xf32, #tpu.memory_space<vmem_shared>> -> memref<10240x128xf32, #tpu.memory_space<vmem_shared>>
      tpu.enqueue_indirect_dma source(%dma_start3A_160 : memref<128x128xf32, #tpu.memory_space<vmem>>) target(%dma_start3A_166 : memref<10240x128xf32, #tpu.memory_space<vmem_shared>>) offsets(%dma_start3A_163 : memref<128xi32, #tpu.memory_space<vmem>>) semaphore(%arg12 : memref<!tpu.dma_semaphore, #tpu.memory_space<semaphore_mem>>) {add = true}
      %dma_wait3A_167 = arith.constant 0 : i32
      %dma_wait3A_168 = arith.constant 2 : i32
      %dma_wait3A_169 = arith.constant 0 : i32
      %dma_wait3A_170 = arith.constant 0 : i32
      %dma_wait3A_171 = tpu.memref_slice %arg8[%dma_wait3A_167, %dma_wait3A_169, %dma_wait3A_170] : memref<2x128x128xf32, #tpu.memory_space<vmem>> -> memref<1x128x128xf32, #tpu.memory_space<vmem>>
      %dma_wait3A_172 = tpu.memref_squeeze %dma_wait3A_171 : memref<1x128x128xf32, #tpu.memory_space<vmem>> -> memref<128x128xf32, #tpu.memory_space<vmem>>
      %dma_wait3A_173 = arith.constant 0 : i32
      %dma_wait3A_174 = tpu.memref_slice %arg7[%dma_wait3A_168, %dma_wait3A_173] : memref<8x128xi32, #tpu.memory_space<vmem>> -> memref<1x128xi32, #tpu.memory_space<vmem>>
      %dma_wait3A_175 = tpu.memref_squeeze %dma_wait3A_174 : memref<1x128xi32, #tpu.memory_space<vmem>> -> memref<128xi32, #tpu.memory_space<vmem>>
      %dma_wait3A_176 = arith.constant 0 : i32
      %dma_wait3A_177 = arith.constant 0 : i32
      %dma_wait3A_178 = tpu.memref_slice %arg9[%dma_wait3A_176, %dma_wait3A_177] : memref<10240x128xf32, #tpu.memory_space<vmem_shared>> -> memref<10240x128xf32, #tpu.memory_space<vmem_shared>>
      tpu.wait_indirect_dma semaphore(%arg12 : memref<!tpu.dma_semaphore, #tpu.memory_space<semaphore_mem>>) src(%dma_wait3A_172 : memref<128x128xf32, #tpu.memory_space<vmem>>) dst(%dma_wait3A_178 : memref<10240x128xf32, #tpu.memory_space<vmem_shared>>)
      %dma_start3A_179 = arith.constant 0 : i32
      %dma_start3A_180 = arith.constant 0 : i32
      %dma_start3A_181 = arith.constant 0 : i32
      %dma_start3A_182 = tpu.memref_slice %arg8[%dma_start3A_179, %dma_start3A_180, %dma_start3A_181] : memref<2x128x128xf32, #tpu.memory_space<vmem>> -> memref<1x128x128xf32, #tpu.memory_space<vmem>>
      %dma_start3A_183 = tpu.memref_squeeze %dma_start3A_182 : memref<1x128x128xf32, #tpu.memory_space<vmem>> -> memref<128x128xf32, #tpu.memory_space<vmem>>
      %dma_start3A_184 = arith.constant 512 : i32
      %dma_start3A_185 = tpu.memref_slice %arg6[%dma_start3A_184] : memref<1024xi32, #tpu.memory_space<vmem>> -> memref<128xi32, #tpu.memory_space<vmem>>
      %dma_start3A_186 = arith.constant 0 : i32
      %dma_start3A_187 = arith.constant 0 : i32
      %dma_start3A_188 = tpu.memref_slice %arg2[%dma_start3A_186, %dma_start3A_187] : memref<10000x128xf32, #tpu.memory_space<hbm>> -> memref<10000x128xf32, #tpu.memory_space<hbm>>
      tpu.enqueue_indirect_dma source(%dma_start3A_188 : memref<10000x128xf32, #tpu.memory_space<hbm>>) target(%dma_start3A_183 : memref<128x128xf32, #tpu.memory_space<vmem>>) offsets(%dma_start3A_185 : memref<128xi32, #tpu.memory_space<vmem>>) semaphore(%arg10 : memref<!tpu.dma_semaphore, #tpu.memory_space<semaphore_mem>>)
      %dma_wait3A_189 = arith.constant 1 : i32
      %dma_wait3A_190 = arith.constant 0 : i32
      %dma_wait3A_191 = arith.constant 0 : i32
      %dma_wait3A_192 = tpu.memref_slice %arg8[%dma_wait3A_189, %dma_wait3A_190, %dma_wait3A_191] : memref<2x128x128xf32, #tpu.memory_space<vmem>> -> memref<1x128x128xf32, #tpu.memory_space<vmem>>
      %dma_wait3A_193 = tpu.memref_squeeze %dma_wait3A_192 : memref<1x128x128xf32, #tpu.memory_space<vmem>> -> memref<128x128xf32, #tpu.memory_space<vmem>>
      %dma_wait3A_194 = arith.constant 384 : i32
      %dma_wait3A_195 = tpu.memref_slice %arg6[%dma_wait3A_194] : memref<1024xi32, #tpu.memory_space<vmem>> -> memref<128xi32, #tpu.memory_space<vmem>>
      %dma_wait3A_196 = arith.constant 0 : i32
      %dma_wait3A_197 = arith.constant 0 : i32
      %dma_wait3A_198 = tpu.memref_slice %arg2[%dma_wait3A_196, %dma_wait3A_197] : memref<10000x128xf32, #tpu.memory_space<hbm>> -> memref<10000x128xf32, #tpu.memory_space<hbm>>
      tpu.wait_indirect_dma semaphore(%arg11 : memref<!tpu.dma_semaphore, #tpu.memory_space<semaphore_mem>>) src(%dma_wait3A_198 : memref<10000x128xf32, #tpu.memory_space<hbm>>) dst(%dma_wait3A_193 : memref<128x128xf32, #tpu.memory_space<vmem>>)
      %dma_start3A_199 = arith.constant 1 : i32
      %dma_start3A_200 = arith.constant 3 : i32
      %dma_start3A_201 = arith.constant 0 : i32
      %dma_start3A_202 = arith.constant 0 : i32
      %dma_start3A_203 = tpu.memref_slice %arg8[%dma_start3A_199, %dma_start3A_201, %dma_start3A_202] : memref<2x128x128xf32, #tpu.memory_space<vmem>> -> memref<1x128x128xf32, #tpu.memory_space<vmem>>
      %dma_start3A_204 = tpu.memref_squeeze %dma_start3A_203 : memref<1x128x128xf32, #tpu.memory_space<vmem>> -> memref<128x128xf32, #tpu.memory_space<vmem>>
      %dma_start3A_205 = arith.constant 0 : i32
      %dma_start3A_206 = tpu.memref_slice %arg7[%dma_start3A_200, %dma_start3A_205] : memref<8x128xi32, #tpu.memory_space<vmem>> -> memref<1x128xi32, #tpu.memory_space<vmem>>
      %dma_start3A_207 = tpu.memref_squeeze %dma_start3A_206 : memref<1x128xi32, #tpu.memory_space<vmem>> -> memref<128xi32, #tpu.memory_space<vmem>>
      %dma_start3A_208 = arith.constant 0 : i32
      %dma_start3A_209 = arith.constant 0 : i32
      %dma_start3A_210 = tpu.memref_slice %arg9[%dma_start3A_208, %dma_start3A_209] : memref<10240x128xf32, #tpu.memory_space<vmem_shared>> -> memref<10240x128xf32, #tpu.memory_space<vmem_shared>>
      tpu.enqueue_indirect_dma source(%dma_start3A_204 : memref<128x128xf32, #tpu.memory_space<vmem>>) target(%dma_start3A_210 : memref<10240x128xf32, #tpu.memory_space<vmem_shared>>) offsets(%dma_start3A_207 : memref<128xi32, #tpu.memory_space<vmem>>) semaphore(%arg13 : memref<!tpu.dma_semaphore, #tpu.memory_space<semaphore_mem>>) {add = true}
      %dma_wait3A_211 = arith.constant 1 : i32
      %dma_wait3A_212 = arith.constant 3 : i32
      %dma_wait3A_213 = arith.constant 0 : i32
      %dma_wait3A_214 = arith.constant 0 : i32
      %dma_wait3A_215 = tpu.memref_slice %arg8[%dma_wait3A_211, %dma_wait3A_213, %dma_wait3A_214] : memref<2x128x128xf32, #tpu.memory_space<vmem>> -> memref<1x128x128xf32, #tpu.memory_space<vmem>>
      %dma_wait3A_216 = tpu.memref_squeeze %dma_wait3A_215 : memref<1x128x128xf32, #tpu.memory_space<vmem>> -> memref<128x128xf32, #tpu.memory_space<vmem>>
      %dma_wait3A_217 = arith.constant 0 : i32
      %dma_wait3A_218 = tpu.memref_slice %arg7[%dma_wait3A_212, %dma_wait3A_217] : memref<8x128xi32, #tpu.memory_space<vmem>> -> memref<1x128xi32, #tpu.memory_space<vmem>>
      %dma_wait3A_219 = tpu.memref_squeeze %dma_wait3A_218 : memref<1x128xi32, #tpu.memory_space<vmem>> -> memref<128xi32, #tpu.memory_space<vmem>>
      %dma_wait3A_220 = arith.constant 0 : i32
      %dma_wait3A_221 = arith.constant 0 : i32
      %dma_wait3A_222 = tpu.memref_slice %arg9[%dma_wait3A_220, %dma_wait3A_221] : memref<10240x128xf32, #tpu.memory_space<vmem_shared>> -> memref<10240x128xf32, #tpu.memory_space<vmem_shared>>
      tpu.wait_indirect_dma semaphore(%arg13 : memref<!tpu.dma_semaphore, #tpu.memory_space<semaphore_mem>>) src(%dma_wait3A_216 : memref<128x128xf32, #tpu.memory_space<vmem>>) dst(%dma_wait3A_222 : memref<10240x128xf32, #tpu.memory_space<vmem_shared>>)
      %dma_start3A_223 = arith.constant 1 : i32
      %dma_start3A_224 = arith.constant 0 : i32
      %dma_start3A_225 = arith.constant 0 : i32
      %dma_start3A_226 = tpu.memref_slice %arg8[%dma_start3A_223, %dma_start3A_224, %dma_start3A_225] : memref<2x128x128xf32, #tpu.memory_space<vmem>> -> memref<1x128x128xf32, #tpu.memory_space<vmem>>
      %dma_start3A_227 = tpu.memref_squeeze %dma_start3A_226 : memref<1x128x128xf32, #tpu.memory_space<vmem>> -> memref<128x128xf32, #tpu.memory_space<vmem>>
      %dma_start3A_228 = arith.constant 640 : i32
      %dma_start3A_229 = tpu.memref_slice %arg6[%dma_start3A_228] : memref<1024xi32, #tpu.memory_space<vmem>> -> memref<128xi32, #tpu.memory_space<vmem>>
      %dma_start3A_230 = arith.constant 0 : i32
      %dma_start3A_231 = arith.constant 0 : i32
      %dma_start3A_232 = tpu.memref_slice %arg2[%dma_start3A_230, %dma_start3A_231] : memref<10000x128xf32, #tpu.memory_space<hbm>> -> memref<10000x128xf32, #tpu.memory_space<hbm>>
      tpu.enqueue_indirect_dma source(%dma_start3A_232 : memref<10000x128xf32, #tpu.memory_space<hbm>>) target(%dma_start3A_227 : memref<128x128xf32, #tpu.memory_space<vmem>>) offsets(%dma_start3A_229 : memref<128xi32, #tpu.memory_space<vmem>>) semaphore(%arg11 : memref<!tpu.dma_semaphore, #tpu.memory_space<semaphore_mem>>)
      %dma_wait3A_233 = arith.constant 0 : i32
      %dma_wait3A_234 = arith.constant 0 : i32
      %dma_wait3A_235 = arith.constant 0 : i32
      %dma_wait3A_236 = tpu.memref_slice %arg8[%dma_wait3A_233, %dma_wait3A_234, %dma_wait3A_235] : memref<2x128x128xf32, #tpu.memory_space<vmem>> -> memref<1x128x128xf32, #tpu.memory_space<vmem>>
      %dma_wait3A_237 = tpu.memref_squeeze %dma_wait3A_236 : memref<1x128x128xf32, #tpu.memory_space<vmem>> -> memref<128x128xf32, #tpu.memory_space<vmem>>
      %dma_wait3A_238 = arith.constant 512 : i32
      %dma_wait3A_239 = tpu.memref_slice %arg6[%dma_wait3A_238] : memref<1024xi32, #tpu.memory_space<vmem>> -> memref<128xi32, #tpu.memory_space<vmem>>
      %dma_wait3A_240 = arith.constant 0 : i32
      %dma_wait3A_241 = arith.constant 0 : i32
      %dma_wait3A_242 = tpu.memref_slice %arg2[%dma_wait3A_240, %dma_wait3A_241] : memref<10000x128xf32, #tpu.memory_space<hbm>> -> memref<10000x128xf32, #tpu.memory_space<hbm>>
      tpu.wait_indirect_dma semaphore(%arg10 : memref<!tpu.dma_semaphore, #tpu.memory_space<semaphore_mem>>) src(%dma_wait3A_242 : memref<10000x128xf32, #tpu.memory_space<hbm>>) dst(%dma_wait3A_237 : memref<128x128xf32, #tpu.memory_space<vmem>>)
      %dma_start3A_243 = arith.constant 0 : i32
      %dma_start3A_244 = arith.constant 4 : i32
      %dma_start3A_245 = arith.constant 0 : i32
      %dma_start3A_246 = arith.constant 0 : i32
      %dma_start3A_247 = tpu.memref_slice %arg8[%dma_start3A_243, %dma_start3A_245, %dma_start3A_246] : memref<2x128x128xf32, #tpu.memory_space<vmem>> -> memref<1x128x128xf32, #tpu.memory_space<vmem>>
      %dma_start3A_248 = tpu.memref_squeeze %dma_start3A_247 : memref<1x128x128xf32, #tpu.memory_space<vmem>> -> memref<128x128xf32, #tpu.memory_space<vmem>>
      %dma_start3A_249 = arith.constant 0 : i32
      %dma_start3A_250 = tpu.memref_slice %arg7[%dma_start3A_244, %dma_start3A_249] : memref<8x128xi32, #tpu.memory_space<vmem>> -> memref<1x128xi32, #tpu.memory_space<vmem>>
      %dma_start3A_251 = tpu.memref_squeeze %dma_start3A_250 : memref<1x128xi32, #tpu.memory_space<vmem>> -> memref<128xi32, #tpu.memory_space<vmem>>
      %dma_start3A_252 = arith.constant 0 : i32
      %dma_start3A_253 = arith.constant 0 : i32
      %dma_start3A_254 = tpu.memref_slice %arg9[%dma_start3A_252, %dma_start3A_253] : memref<10240x128xf32, #tpu.memory_space<vmem_shared>> -> memref<10240x128xf32, #tpu.memory_space<vmem_shared>>
      tpu.enqueue_indirect_dma source(%dma_start3A_248 : memref<128x128xf32, #tpu.memory_space<vmem>>) target(%dma_start3A_254 : memref<10240x128xf32, #tpu.memory_space<vmem_shared>>) offsets(%dma_start3A_251 : memref<128xi32, #tpu.memory_space<vmem>>) semaphore(%arg12 : memref<!tpu.dma_semaphore, #tpu.memory_space<semaphore_mem>>) {add = true}
      %dma_wait3A_255 = arith.constant 0 : i32
      %dma_wait3A_256 = arith.constant 4 : i32
      %dma_wait3A_257 = arith.constant 0 : i32
      %dma_wait3A_258 = arith.constant 0 : i32
      %dma_wait3A_259 = tpu.memref_slice %arg8[%dma_wait3A_255, %dma_wait3A_257, %dma_wait3A_258] : memref<2x128x128xf32, #tpu.memory_space<vmem>> -> memref<1x128x128xf32, #tpu.memory_space<vmem>>
      %dma_wait3A_260 = tpu.memref_squeeze %dma_wait3A_259 : memref<1x128x128xf32, #tpu.memory_space<vmem>> -> memref<128x128xf32, #tpu.memory_space<vmem>>
      %dma_wait3A_261 = arith.constant 0 : i32
      %dma_wait3A_262 = tpu.memref_slice %arg7[%dma_wait3A_256, %dma_wait3A_261] : memref<8x128xi32, #tpu.memory_space<vmem>> -> memref<1x128xi32, #tpu.memory_space<vmem>>
      %dma_wait3A_263 = tpu.memref_squeeze %dma_wait3A_262 : memref<1x128xi32, #tpu.memory_space<vmem>> -> memref<128xi32, #tpu.memory_space<vmem>>
      %dma_wait3A_264 = arith.constant 0 : i32
      %dma_wait3A_265 = arith.constant 0 : i32
      %dma_wait3A_266 = tpu.memref_slice %arg9[%dma_wait3A_264, %dma_wait3A_265] : memref<10240x128xf32, #tpu.memory_space<vmem_shared>> -> memref<10240x128xf32, #tpu.memory_space<vmem_shared>>
      tpu.wait_indirect_dma semaphore(%arg12 : memref<!tpu.dma_semaphore, #tpu.memory_space<semaphore_mem>>) src(%dma_wait3A_260 : memref<128x128xf32, #tpu.memory_space<vmem>>) dst(%dma_wait3A_266 : memref<10240x128xf32, #tpu.memory_space<vmem_shared>>)
      %dma_start3A_267 = arith.constant 0 : i32
      %dma_start3A_268 = arith.constant 0 : i32
      %dma_start3A_269 = arith.constant 0 : i32
      %dma_start3A_270 = tpu.memref_slice %arg8[%dma_start3A_267, %dma_start3A_268, %dma_start3A_269] : memref<2x128x128xf32, #tpu.memory_space<vmem>> -> memref<1x128x128xf32, #tpu.memory_space<vmem>>
      %dma_start3A_271 = tpu.memref_squeeze %dma_start3A_270 : memref<1x128x128xf32, #tpu.memory_space<vmem>> -> memref<128x128xf32, #tpu.memory_space<vmem>>
      %dma_start3A_272 = arith.constant 768 : i32
      %dma_start3A_273 = tpu.memref_slice %arg6[%dma_start3A_272] : memref<1024xi32, #tpu.memory_space<vmem>> -> memref<128xi32, #tpu.memory_space<vmem>>
      %dma_start3A_274 = arith.constant 0 : i32
      %dma_start3A_275 = arith.constant 0 : i32
      %dma_start3A_276 = tpu.memref_slice %arg2[%dma_start3A_274, %dma_start3A_275] : memref<10000x128xf32, #tpu.memory_space<hbm>> -> memref<10000x128xf32, #tpu.memory_space<hbm>>
      tpu.enqueue_indirect_dma source(%dma_start3A_276 : memref<10000x128xf32, #tpu.memory_space<hbm>>) target(%dma_start3A_271 : memref<128x128xf32, #tpu.memory_space<vmem>>) offsets(%dma_start3A_273 : memref<128xi32, #tpu.memory_space<vmem>>) semaphore(%arg10 : memref<!tpu.dma_semaphore, #tpu.memory_space<semaphore_mem>>)
      %dma_wait3A_277 = arith.constant 1 : i32
      %dma_wait3A_278 = arith.constant 0 : i32
      %dma_wait3A_279 = arith.constant 0 : i32
      %dma_wait3A_280 = tpu.memref_slice %arg8[%dma_wait3A_277, %dma_wait3A_278, %dma_wait3A_279] : memref<2x128x128xf32, #tpu.memory_space<vmem>> -> memref<1x128x128xf32, #tpu.memory_space<vmem>>
      %dma_wait3A_281 = tpu.memref_squeeze %dma_wait3A_280 : memref<1x128x128xf32, #tpu.memory_space<vmem>> -> memref<128x128xf32, #tpu.memory_space<vmem>>
      %dma_wait3A_282 = arith.constant 640 : i32
      %dma_wait3A_283 = tpu.memref_slice %arg6[%dma_wait3A_282] : memref<1024xi32, #tpu.memory_space<vmem>> -> memref<128xi32, #tpu.memory_space<vmem>>
      %dma_wait3A_284 = arith.constant 0 : i32
      %dma_wait3A_285 = arith.constant 0 : i32
      %dma_wait3A_286 = tpu.memref_slice %arg2[%dma_wait3A_284, %dma_wait3A_285] : memref<10000x128xf32, #tpu.memory_space<hbm>> -> memref<10000x128xf32, #tpu.memory_space<hbm>>
      tpu.wait_indirect_dma semaphore(%arg11 : memref<!tpu.dma_semaphore, #tpu.memory_space<semaphore_mem>>) src(%dma_wait3A_286 : memref<10000x128xf32, #tpu.memory_space<hbm>>) dst(%dma_wait3A_281 : memref<128x128xf32, #tpu.memory_space<vmem>>)
      %dma_start3A_287 = arith.constant 1 : i32
      %dma_start3A_288 = arith.constant 5 : i32
      %dma_start3A_289 = arith.constant 0 : i32
      %dma_start3A_290 = arith.constant 0 : i32
      %dma_start3A_291 = tpu.memref_slice %arg8[%dma_start3A_287, %dma_start3A_289, %dma_start3A_290] : memref<2x128x128xf32, #tpu.memory_space<vmem>> -> memref<1x128x128xf32, #tpu.memory_space<vmem>>
      %dma_start3A_292 = tpu.memref_squeeze %dma_start3A_291 : memref<1x128x128xf32, #tpu.memory_space<vmem>> -> memref<128x128xf32, #tpu.memory_space<vmem>>
      %dma_start3A_293 = arith.constant 0 : i32
      %dma_start3A_294 = tpu.memref_slice %arg7[%dma_start3A_288, %dma_start3A_293] : memref<8x128xi32, #tpu.memory_space<vmem>> -> memref<1x128xi32, #tpu.memory_space<vmem>>
      %dma_start3A_295 = tpu.memref_squeeze %dma_start3A_294 : memref<1x128xi32, #tpu.memory_space<vmem>> -> memref<128xi32, #tpu.memory_space<vmem>>
      %dma_start3A_296 = arith.constant 0 : i32
      %dma_start3A_297 = arith.constant 0 : i32
      %dma_start3A_298 = tpu.memref_slice %arg9[%dma_start3A_296, %dma_start3A_297] : memref<10240x128xf32, #tpu.memory_space<vmem_shared>> -> memref<10240x128xf32, #tpu.memory_space<vmem_shared>>
      tpu.enqueue_indirect_dma source(%dma_start3A_292 : memref<128x128xf32, #tpu.memory_space<vmem>>) target(%dma_start3A_298 : memref<10240x128xf32, #tpu.memory_space<vmem_shared>>) offsets(%dma_start3A_295 : memref<128xi32, #tpu.memory_space<vmem>>) semaphore(%arg13 : memref<!tpu.dma_semaphore, #tpu.memory_space<semaphore_mem>>) {add = true}
      %dma_wait3A_299 = arith.constant 1 : i32
      %dma_wait3A_300 = arith.constant 5 : i32
      %dma_wait3A_301 = arith.constant 0 : i32
      %dma_wait3A_302 = arith.constant 0 : i32
      %dma_wait3A_303 = tpu.memref_slice %arg8[%dma_wait3A_299, %dma_wait3A_301, %dma_wait3A_302] : memref<2x128x128xf32, #tpu.memory_space<vmem>> -> memref<1x128x128xf32, #tpu.memory_space<vmem>>
      %dma_wait3A_304 = tpu.memref_squeeze %dma_wait3A_303 : memref<1x128x128xf32, #tpu.memory_space<vmem>> -> memref<128x128xf32, #tpu.memory_space<vmem>>
      %dma_wait3A_305 = arith.constant 0 : i32
      %dma_wait3A_306 = tpu.memref_slice %arg7[%dma_wait3A_300, %dma_wait3A_305] : memref<8x128xi32, #tpu.memory_space<vmem>> -> memref<1x128xi32, #tpu.memory_space<vmem>>
      %dma_wait3A_307 = tpu.memref_squeeze %dma_wait3A_306 : memref<1x128xi32, #tpu.memory_space<vmem>> -> memref<128xi32, #tpu.memory_space<vmem>>
      %dma_wait3A_308 = arith.constant 0 : i32
      %dma_wait3A_309 = arith.constant 0 : i32
      %dma_wait3A_310 = tpu.memref_slice %arg9[%dma_wait3A_308, %dma_wait3A_309] : memref<10240x128xf32, #tpu.memory_space<vmem_shared>> -> memref<10240x128xf32, #tpu.memory_space<vmem_shared>>
      tpu.wait_indirect_dma semaphore(%arg13 : memref<!tpu.dma_semaphore, #tpu.memory_space<semaphore_mem>>) src(%dma_wait3A_304 : memref<128x128xf32, #tpu.memory_space<vmem>>) dst(%dma_wait3A_310 : memref<10240x128xf32, #tpu.memory_space<vmem_shared>>)
      %dma_start3A_311 = arith.constant 1 : i32
      %dma_start3A_312 = arith.constant 0 : i32
      %dma_start3A_313 = arith.constant 0 : i32
      %dma_start3A_314 = tpu.memref_slice %arg8[%dma_start3A_311, %dma_start3A_312, %dma_start3A_313] : memref<2x128x128xf32, #tpu.memory_space<vmem>> -> memref<1x128x128xf32, #tpu.memory_space<vmem>>
      %dma_start3A_315 = tpu.memref_squeeze %dma_start3A_314 : memref<1x128x128xf32, #tpu.memory_space<vmem>> -> memref<128x128xf32, #tpu.memory_space<vmem>>
      %dma_start3A_316 = arith.constant 896 : i32
      %dma_start3A_317 = tpu.memref_slice %arg6[%dma_start3A_316] : memref<1024xi32, #tpu.memory_space<vmem>> -> memref<128xi32, #tpu.memory_space<vmem>>
      %dma_start3A_318 = arith.constant 0 : i32
      %dma_start3A_319 = arith.constant 0 : i32
      %dma_start3A_320 = tpu.memref_slice %arg2[%dma_start3A_318, %dma_start3A_319] : memref<10000x128xf32, #tpu.memory_space<hbm>> -> memref<10000x128xf32, #tpu.memory_space<hbm>>
      tpu.enqueue_indirect_dma source(%dma_start3A_320 : memref<10000x128xf32, #tpu.memory_space<hbm>>) target(%dma_start3A_315 : memref<128x128xf32, #tpu.memory_space<vmem>>) offsets(%dma_start3A_317 : memref<128xi32, #tpu.memory_space<vmem>>) semaphore(%arg11 : memref<!tpu.dma_semaphore, #tpu.memory_space<semaphore_mem>>)
      %dma_wait3A_321 = arith.constant 0 : i32
      %dma_wait3A_322 = arith.constant 0 : i32
      %dma_wait3A_323 = arith.constant 0 : i32
      %dma_wait3A_324 = tpu.memref_slice %arg8[%dma_wait3A_321, %dma_wait3A_322, %dma_wait3A_323] : memref<2x128x128xf32, #tpu.memory_space<vmem>> -> memref<1x128x128xf32, #tpu.memory_space<vmem>>
      %dma_wait3A_325 = tpu.memref_squeeze %dma_wait3A_324 : memref<1x128x128xf32, #tpu.memory_space<vmem>> -> memref<128x128xf32, #tpu.memory_space<vmem>>
      %dma_wait3A_326 = arith.constant 768 : i32
      %dma_wait3A_327 = tpu.memref_slice %arg6[%dma_wait3A_326] : memref<1024xi32, #tpu.memory_space<vmem>> -> memref<128xi32, #tpu.memory_space<vmem>>
      %dma_wait3A_328 = arith.constant 0 : i32
      %dma_wait3A_329 = arith.constant 0 : i32
      %dma_wait3A_330 = tpu.memref_slice %arg2[%dma_wait3A_328, %dma_wait3A_329] : memref<10000x128xf32, #tpu.memory_space<hbm>> -> memref<10000x128xf32, #tpu.memory_space<hbm>>
      tpu.wait_indirect_dma semaphore(%arg10 : memref<!tpu.dma_semaphore, #tpu.memory_space<semaphore_mem>>) src(%dma_wait3A_330 : memref<10000x128xf32, #tpu.memory_space<hbm>>) dst(%dma_wait3A_325 : memref<128x128xf32, #tpu.memory_space<vmem>>)
      %dma_start3A_331 = arith.constant 0 : i32
      %dma_start3A_332 = arith.constant 6 : i32
      %dma_start3A_333 = arith.constant 0 : i32
      %dma_start3A_334 = arith.constant 0 : i32
      %dma_start3A_335 = tpu.memref_slice %arg8[%dma_start3A_331, %dma_start3A_333, %dma_start3A_334] : memref<2x128x128xf32, #tpu.memory_space<vmem>> -> memref<1x128x128xf32, #tpu.memory_space<vmem>>
      %dma_start3A_336 = tpu.memref_squeeze %dma_start3A_335 : memref<1x128x128xf32, #tpu.memory_space<vmem>> -> memref<128x128xf32, #tpu.memory_space<vmem>>
      %dma_start3A_337 = arith.constant 0 : i32
      %dma_start3A_338 = tpu.memref_slice %arg7[%dma_start3A_332, %dma_start3A_337] : memref<8x128xi32, #tpu.memory_space<vmem>> -> memref<1x128xi32, #tpu.memory_space<vmem>>
      %dma_start3A_339 = tpu.memref_squeeze %dma_start3A_338 : memref<1x128xi32, #tpu.memory_space<vmem>> -> memref<128xi32, #tpu.memory_space<vmem>>
      %dma_start3A_340 = arith.constant 0 : i32
      %dma_start3A_341 = arith.constant 0 : i32
      %dma_start3A_342 = tpu.memref_slice %arg9[%dma_start3A_340, %dma_start3A_341] : memref<10240x128xf32, #tpu.memory_space<vmem_shared>> -> memref<10240x128xf32, #tpu.memory_space<vmem_shared>>
      tpu.enqueue_indirect_dma source(%dma_start3A_336 : memref<128x128xf32, #tpu.memory_space<vmem>>) target(%dma_start3A_342 : memref<10240x128xf32, #tpu.memory_space<vmem_shared>>) offsets(%dma_start3A_339 : memref<128xi32, #tpu.memory_space<vmem>>) semaphore(%arg12 : memref<!tpu.dma_semaphore, #tpu.memory_space<semaphore_mem>>) {add = true}
      %dma_wait3A_343 = arith.constant 1 : i32
      %dma_wait3A_344 = arith.constant 0 : i32
      %dma_wait3A_345 = arith.constant 0 : i32
      %dma_wait3A_346 = tpu.memref_slice %arg8[%dma_wait3A_343, %dma_wait3A_344, %dma_wait3A_345] : memref<2x128x128xf32, #tpu.memory_space<vmem>> -> memref<1x128x128xf32, #tpu.memory_space<vmem>>
      %dma_wait3A_347 = tpu.memref_squeeze %dma_wait3A_346 : memref<1x128x128xf32, #tpu.memory_space<vmem>> -> memref<128x128xf32, #tpu.memory_space<vmem>>
      %dma_wait3A_348 = arith.constant 896 : i32
      %dma_wait3A_349 = tpu.memref_slice %arg6[%dma_wait3A_348] : memref<1024xi32, #tpu.memory_space<vmem>> -> memref<128xi32, #tpu.memory_space<vmem>>
      %dma_wait3A_350 = arith.constant 0 : i32
      %dma_wait3A_351 = arith.constant 0 : i32
      %dma_wait3A_352 = tpu.memref_slice %arg2[%dma_wait3A_350, %dma_wait3A_351] : memref<10000x128xf32, #tpu.memory_space<hbm>> -> memref<10000x128xf32, #tpu.memory_space<hbm>>
      tpu.wait_indirect_dma semaphore(%arg11 : memref<!tpu.dma_semaphore, #tpu.memory_space<semaphore_mem>>) src(%dma_wait3A_352 : memref<10000x128xf32, #tpu.memory_space<hbm>>) dst(%dma_wait3A_347 : memref<128x128xf32, #tpu.memory_space<vmem>>)
      %dma_start3A_353 = arith.constant 1 : i32
      %dma_start3A_354 = arith.constant 7 : i32
      %dma_start3A_355 = arith.constant 0 : i32
      %dma_start3A_356 = arith.constant 0 : i32
      %dma_start3A_357 = tpu.memref_slice %arg8[%dma_start3A_353, %dma_start3A_355, %dma_start3A_356] : memref<2x128x128xf32, #tpu.memory_space<vmem>> -> memref<1x128x128xf32, #tpu.memory_space<vmem>>
      %dma_start3A_358 = tpu.memref_squeeze %dma_start3A_357 : memref<1x128x128xf32, #tpu.memory_space<vmem>> -> memref<128x128xf32, #tpu.memory_space<vmem>>
      %dma_start3A_359 = arith.constant 0 : i32
      %dma_start3A_360 = tpu.memref_slice %arg7[%dma_start3A_354, %dma_start3A_359] : memref<8x128xi32, #tpu.memory_space<vmem>> -> memref<1x128xi32, #tpu.memory_space<vmem>>
      %dma_start3A_361 = tpu.memref_squeeze %dma_start3A_360 : memref<1x128xi32, #tpu.memory_space<vmem>> -> memref<128xi32, #tpu.memory_space<vmem>>
      %dma_start3A_362 = arith.constant 0 : i32
      %dma_start3A_363 = arith.constant 0 : i32
      %dma_start3A_364 = tpu.memref_slice %arg9[%dma_start3A_362, %dma_start3A_363] : memref<10240x128xf32, #tpu.memory_space<vmem_shared>> -> memref<10240x128xf32, #tpu.memory_space<vmem_shared>>
      tpu.enqueue_indirect_dma source(%dma_start3A_358 : memref<128x128xf32, #tpu.memory_space<vmem>>) target(%dma_start3A_364 : memref<10240x128xf32, #tpu.memory_space<vmem_shared>>) offsets(%dma_start3A_361 : memref<128xi32, #tpu.memory_space<vmem>>) semaphore(%arg13 : memref<!tpu.dma_semaphore, #tpu.memory_space<semaphore_mem>>) {add = true}
      %dma_wait3A_365 = arith.constant 0 : i32
      %dma_wait3A_366 = arith.constant 6 : i32
      %dma_wait3A_367 = arith.constant 0 : i32
      %dma_wait3A_368 = arith.constant 0 : i32
      %dma_wait3A_369 = tpu.memref_slice %arg8[%dma_wait3A_365, %dma_wait3A_367, %dma_wait3A_368] : memref<2x128x128xf32, #tpu.memory_space<vmem>> -> memref<1x128x128xf32, #tpu.memory_space<vmem>>
      %dma_wait3A_370 = tpu.memref_squeeze %dma_wait3A_369 : memref<1x128x128xf32, #tpu.memory_space<vmem>> -> memref<128x128xf32, #tpu.memory_space<vmem>>
      %dma_wait3A_371 = arith.constant 0 : i32
      %dma_wait3A_372 = tpu.memref_slice %arg7[%dma_wait3A_366, %dma_wait3A_371] : memref<8x128xi32, #tpu.memory_space<vmem>> -> memref<1x128xi32, #tpu.memory_space<vmem>>
      %dma_wait3A_373 = tpu.memref_squeeze %dma_wait3A_372 : memref<1x128xi32, #tpu.memory_space<vmem>> -> memref<128xi32, #tpu.memory_space<vmem>>
      %dma_wait3A_374 = arith.constant 0 : i32
      %dma_wait3A_375 = arith.constant 0 : i32
      %dma_wait3A_376 = tpu.memref_slice %arg9[%dma_wait3A_374, %dma_wait3A_375] : memref<10240x128xf32, #tpu.memory_space<vmem_shared>> -> memref<10240x128xf32, #tpu.memory_space<vmem_shared>>
      tpu.wait_indirect_dma semaphore(%arg12 : memref<!tpu.dma_semaphore, #tpu.memory_space<semaphore_mem>>) src(%dma_wait3A_370 : memref<128x128xf32, #tpu.memory_space<vmem>>) dst(%dma_wait3A_376 : memref<10240x128xf32, #tpu.memory_space<vmem_shared>>)
      %dma_wait3A_377 = arith.constant 1 : i32
      %dma_wait3A_378 = arith.constant 7 : i32
      %dma_wait3A_379 = arith.constant 0 : i32
      %dma_wait3A_380 = arith.constant 0 : i32
      %dma_wait3A_381 = tpu.memref_slice %arg8[%dma_wait3A_377, %dma_wait3A_379, %dma_wait3A_380] : memref<2x128x128xf32, #tpu.memory_space<vmem>> -> memref<1x128x128xf32, #tpu.memory_space<vmem>>
      %dma_wait3A_382 = tpu.memref_squeeze %dma_wait3A_381 : memref<1x128x128xf32, #tpu.memory_space<vmem>> -> memref<128x128xf32, #tpu.memory_space<vmem>>
      %dma_wait3A_383 = arith.constant 0 : i32
      %dma_wait3A_384 = tpu.memref_slice %arg7[%dma_wait3A_378, %dma_wait3A_383] : memref<8x128xi32, #tpu.memory_space<vmem>> -> memref<1x128xi32, #tpu.memory_space<vmem>>
      %dma_wait3A_385 = tpu.memref_squeeze %dma_wait3A_384 : memref<1x128xi32, #tpu.memory_space<vmem>> -> memref<128xi32, #tpu.memory_space<vmem>>
      %dma_wait3A_386 = arith.constant 0 : i32
      %dma_wait3A_387 = arith.constant 0 : i32
      %dma_wait3A_388 = tpu.memref_slice %arg9[%dma_wait3A_386, %dma_wait3A_387] : memref<10240x128xf32, #tpu.memory_space<vmem_shared>> -> memref<10240x128xf32, #tpu.memory_space<vmem_shared>>
      tpu.wait_indirect_dma semaphore(%arg13 : memref<!tpu.dma_semaphore, #tpu.memory_space<semaphore_mem>>) src(%dma_wait3A_382 : memref<128x128xf32, #tpu.memory_space<vmem>>) dst(%dma_wait3A_388 : memref<10240x128xf32, #tpu.memory_space<vmem_shared>>)
    }
    %scan3A_29 = arith.constant 10 : i32
    %barrier3A_30 = arith.constant 0 : index
    tpu.barrier barrier_id(%barrier3A_30)
    "tpu.region"() ({
      %run_scoped3A_31 = tpu.sem_alloc : memref<!tpu.dma_semaphore, #tpu.memory_space<semaphore_mem>>
      %dma_start3A = arith.constant 0 : i32
      %dma_start3A_32 = tpu.memref_slice %arg5[%arg0, %mul3A_9, %dma_start3A] : memref<2x10240x128xf32, #tpu.memory_space<hbm>> -> memref<1x640x128xf32, #tpu.memory_space<hbm>>
      %dma_start3A_33 = tpu.memref_squeeze %dma_start3A_32 : memref<1x640x128xf32, #tpu.memory_space<hbm>> -> memref<640x128xf32, #tpu.memory_space<hbm>>
      %dma_start3A_34 = arith.constant 0 : i32
      %dma_start3A_35 = tpu.memref_slice %arg9[%mul3A_9, %dma_start3A_34] : memref<10240x128xf32, #tpu.memory_space<vmem_shared>> -> memref<640x128xf32, #tpu.memory_space<vmem_shared>>
      tpu.enqueue_dma source(%dma_start3A_35 : memref<640x128xf32, #tpu.memory_space<vmem_shared>>) target(%dma_start3A_33 : memref<640x128xf32, #tpu.memory_space<hbm>>) target_semaphore(%run_scoped3A_31 : memref<!tpu.dma_semaphore, #tpu.memory_space<semaphore_mem>>)
      %dma_wait3A = arith.constant 0 : i32
      %dma_wait3A_36 = tpu.memref_slice %arg5[%arg0, %mul3A_9, %dma_wait3A] : memref<2x10240x128xf32, #tpu.memory_space<hbm>> -> memref<1x640x128xf32, #tpu.memory_space<hbm>>
      %dma_wait3A_37 = tpu.memref_squeeze %dma_wait3A_36 : memref<1x640x128xf32, #tpu.memory_space<hbm>> -> memref<640x128xf32, #tpu.memory_space<hbm>>
      %dma_wait3A_38 = arith.constant 0 : i32
      %dma_wait3A_39 = tpu.memref_slice %arg9[%mul3A_9, %dma_wait3A_38] : memref<10240x128xf32, #tpu.memory_space<vmem_shared>> -> memref<640x128xf32, #tpu.memory_space<vmem_shared>>
      tpu.wait_dma2 semaphore(%run_scoped3A_31 : memref<!tpu.dma_semaphore, #tpu.memory_space<semaphore_mem>>) src(%dma_wait3A_39 : memref<640x128xf32, #tpu.memory_space<vmem_shared>>) dst(%dma_wait3A_37 : memref<640x128xf32, #tpu.memory_space<hbm>>)
      tpu.yield
    }) : () -> ()
    return
  }
}

#map = affine_map<(d0, d1) -> (0, 0, 0)>
module attributes {stable_mosaic.version = 14 : i64} {
  func.func @_agg_body(%arg0: i32, %arg1: i32, %arg2: memref<32x256x40xi32, #tpu.memory_space<hbm>>, %arg3: memref<2x10240x128xf32, #tpu.memory_space<hbm>>, %arg4: memref<8x40xi32, #tpu.memory_space<vmem>>, %arg5: memref<40x128xf32, #tpu.memory_space<vmem>>, %arg6: memref<10240x128xf32, #tpu.memory_space<vmem_shared>>, %arg7: memref<!tpu.dma_semaphore, #tpu.memory_space<semaphore_mem>>, %arg8: memref<!tpu.dma_semaphore, #tpu.memory_space<semaphore_mem>>) attributes {dimension_semantics = [#tpu.dimension_semantics<core_parallel>, #tpu.dimension_semantics<subcore_parallel>], iteration_bounds = array<i64: 2, 16>, scalar_prefetch = 0 : i64, scratch_operands = 5 : i64, tpu.core_type = #tpu.core_type<sc_vector_subcore>, window_params = [{transform_indices = #map}, {transform_indices = #map}]} {
    %mul3A = arith.constant 2 : i32
    %mul3A_0 = arith.muli %arg1, %mul3A : i32
    %add3A = arith.addi %mul3A_0, %arg0 : i32
    %broadcast_in_dim3A = arith.constant 0.000000e+00 : f32
    %broadcast_in_dim3A_1 = vector.broadcast %broadcast_in_dim3A : f32 to vector<16xf32>
    %scan3A = arith.constant 0 : i32
    %scan3A_2 = arith.constant 0 : i32
    %scan3A_3 = arith.constant 40 : i32
    %scan3A_4 = arith.addi %scan3A_2, %scan3A_3 : i32
    %scan3A_5 = arith.constant 1 : i32
    scf.for %scan3A_56 = %scan3A_2 to %scan3A_4 step %scan3A_5  : i32 {
      %swap3A = arith.index_cast %scan3A_56 : i32 to index
      %swap3A_57 = arith.constant 0 : index
      %swap3A_58 = tpu.vector_load %arg5[%swap3A, %swap3A_57] {strides = array<i32>} : memref<40x128xf32, #tpu.memory_space<vmem>>, vector<1x16xf32>,
      %swap3A_59 = vector.shape_cast %swap3A_58 : vector<1x16xf32> to vector<16xf32>
      %swap3A_60 = vector.shape_cast %broadcast_in_dim3A_1 : vector<16xf32> to vector<1x16xf32>
      tpu.vector_store %arg5[%swap3A, %swap3A_57], %swap3A_60 {strides = array<i32>} : memref<40x128xf32, #tpu.memory_space<vmem>>, vector<1x16xf32>,
      %swap3A_61 = arith.index_cast %scan3A_56 : i32 to index
      %swap3A_62 = arith.constant 16 : index
      %swap3A_63 = tpu.vector_load %arg5[%swap3A_61, %swap3A_62] {strides = array<i32>} : memref<40x128xf32, #tpu.memory_space<vmem>>, vector<1x16xf32>,
      %swap3A_64 = vector.shape_cast %swap3A_63 : vector<1x16xf32> to vector<16xf32>
      %swap3A_65 = vector.shape_cast %broadcast_in_dim3A_1 : vector<16xf32> to vector<1x16xf32>
      tpu.vector_store %arg5[%swap3A_61, %swap3A_62], %swap3A_65 {strides = array<i32>} : memref<40x128xf32, #tpu.memory_space<vmem>>, vector<1x16xf32>,
      %swap3A_66 = arith.index_cast %scan3A_56 : i32 to index
      %swap3A_67 = arith.constant 32 : index
      %swap3A_68 = tpu.vector_load %arg5[%swap3A_66, %swap3A_67] {strides = array<i32>} : memref<40x128xf32, #tpu.memory_space<vmem>>, vector<1x16xf32>,
      %swap3A_69 = vector.shape_cast %swap3A_68 : vector<1x16xf32> to vector<16xf32>
      %swap3A_70 = vector.shape_cast %broadcast_in_dim3A_1 : vector<16xf32> to vector<1x16xf32>
      tpu.vector_store %arg5[%swap3A_66, %swap3A_67], %swap3A_70 {strides = array<i32>} : memref<40x128xf32, #tpu.memory_space<vmem>>, vector<1x16xf32>,
      %swap3A_71 = arith.index_cast %scan3A_56 : i32 to index
      %swap3A_72 = arith.constant 48 : index
      %swap3A_73 = tpu.vector_load %arg5[%swap3A_71, %swap3A_72] {strides = array<i32>} : memref<40x128xf32, #tpu.memory_space<vmem>>, vector<1x16xf32>,
      %swap3A_74 = vector.shape_cast %swap3A_73 : vector<1x16xf32> to vector<16xf32>
      %swap3A_75 = vector.shape_cast %broadcast_in_dim3A_1 : vector<16xf32> to vector<1x16xf32>
      tpu.vector_store %arg5[%swap3A_71, %swap3A_72], %swap3A_75 {strides = array<i32>} : memref<40x128xf32, #tpu.memory_space<vmem>>, vector<1x16xf32>,
      %swap3A_76 = arith.index_cast %scan3A_56 : i32 to index
      %swap3A_77 = arith.constant 64 : index
      %swap3A_78 = tpu.vector_load %arg5[%swap3A_76, %swap3A_77] {strides = array<i32>} : memref<40x128xf32, #tpu.memory_space<vmem>>, vector<1x16xf32>,
      %swap3A_79 = vector.shape_cast %swap3A_78 : vector<1x16xf32> to vector<16xf32>
      %swap3A_80 = vector.shape_cast %broadcast_in_dim3A_1 : vector<16xf32> to vector<1x16xf32>
      tpu.vector_store %arg5[%swap3A_76, %swap3A_77], %swap3A_80 {strides = array<i32>} : memref<40x128xf32, #tpu.memory_space<vmem>>, vector<1x16xf32>,
      %swap3A_81 = arith.index_cast %scan3A_56 : i32 to index
      %swap3A_82 = arith.constant 80 : index
      %swap3A_83 = tpu.vector_load %arg5[%swap3A_81, %swap3A_82] {strides = array<i32>} : memref<40x128xf32, #tpu.memory_space<vmem>>, vector<1x16xf32>,
      %swap3A_84 = vector.shape_cast %swap3A_83 : vector<1x16xf32> to vector<16xf32>
      %swap3A_85 = vector.shape_cast %broadcast_in_dim3A_1 : vector<16xf32> to vector<1x16xf32>
      tpu.vector_store %arg5[%swap3A_81, %swap3A_82], %swap3A_85 {strides = array<i32>} : memref<40x128xf32, #tpu.memory_space<vmem>>, vector<1x16xf32>,
      %swap3A_86 = arith.index_cast %scan3A_56 : i32 to index
      %swap3A_87 = arith.constant 96 : index
      %swap3A_88 = tpu.vector_load %arg5[%swap3A_86, %swap3A_87] {strides = array<i32>} : memref<40x128xf32, #tpu.memory_space<vmem>>, vector<1x16xf32>,
      %swap3A_89 = vector.shape_cast %swap3A_88 : vector<1x16xf32> to vector<16xf32>
      %swap3A_90 = vector.shape_cast %broadcast_in_dim3A_1 : vector<16xf32> to vector<1x16xf32>
      tpu.vector_store %arg5[%swap3A_86, %swap3A_87], %swap3A_90 {strides = array<i32>} : memref<40x128xf32, #tpu.memory_space<vmem>>, vector<1x16xf32>,
      %swap3A_91 = arith.index_cast %scan3A_56 : i32 to index
      %swap3A_92 = arith.constant 112 : index
      %swap3A_93 = tpu.vector_load %arg5[%swap3A_91, %swap3A_92] {strides = array<i32>} : memref<40x128xf32, #tpu.memory_space<vmem>>, vector<1x16xf32>,
      %swap3A_94 = vector.shape_cast %swap3A_93 : vector<1x16xf32> to vector<16xf32>
      %swap3A_95 = vector.shape_cast %broadcast_in_dim3A_1 : vector<16xf32> to vector<1x16xf32>
      tpu.vector_store %arg5[%swap3A_91, %swap3A_92], %swap3A_95 {strides = array<i32>} : memref<40x128xf32, #tpu.memory_space<vmem>>, vector<1x16xf32>,
    }
    %scan3A_6 = arith.constant 40 : i32
    %mul3A_7 = arith.constant 640 : i32
    %mul3A_8 = arith.muli %arg1, %mul3A_7 : i32
    %add3A_9 = arith.constant 0 : i32
    %add3A_10 = arith.addi %mul3A_8, %add3A_9 : i32
    "tpu.region"() ({
      %run_scoped3A = tpu.sem_alloc : memref<!tpu.dma_semaphore, #tpu.memory_space<semaphore_mem>>
      %dma_start3A = arith.constant 0 : i32
      %dma_start3A_56 = tpu.memref_slice %arg6[%add3A_10, %dma_start3A] : memref<10240x128xf32, #tpu.memory_space<vmem_shared>> -> memref<40x128xf32, #tpu.memory_space<vmem_shared>>
      %dma_start3A_57 = arith.constant 0 : i32
      %dma_start3A_58 = tpu.memref_slice %arg6[%add3A_10, %dma_start3A_57] : memref<10240x128xf32, #tpu.memory_space<vmem_shared>> -> memref<40x128xf32, #tpu.memory_space<vmem_shared>>
      tpu.enqueue_dma source(%arg5 : memref<40x128xf32, #tpu.memory_space<vmem>>) target(%dma_start3A_58 : memref<40x128xf32, #tpu.memory_space<vmem_shared>>) target_semaphore(%run_scoped3A : memref<!tpu.dma_semaphore, #tpu.memory_space<semaphore_mem>>)
      %dma_wait3A = arith.constant 0 : i32
      %dma_wait3A_59 = tpu.memref_slice %arg6[%add3A_10, %dma_wait3A] : memref<10240x128xf32, #tpu.memory_space<vmem_shared>> -> memref<40x128xf32, #tpu.memory_space<vmem_shared>>
      %dma_wait3A_60 = arith.constant 0 : i32
      %dma_wait3A_61 = tpu.memref_slice %arg6[%add3A_10, %dma_wait3A_60] : memref<10240x128xf32, #tpu.memory_space<vmem_shared>> -> memref<40x128xf32, #tpu.memory_space<vmem_shared>>
      tpu.wait_dma2 semaphore(%run_scoped3A : memref<!tpu.dma_semaphore, #tpu.memory_space<semaphore_mem>>) src(%arg5 : memref<40x128xf32, #tpu.memory_space<vmem>>) dst(%dma_wait3A_61 : memref<40x128xf32, #tpu.memory_space<vmem_shared>>)
      tpu.yield
    }) : () -> ()
    %add3A_11 = arith.constant 40 : i32
    %add3A_12 = arith.addi %mul3A_8, %add3A_11 : i32
    "tpu.region"() ({
      %run_scoped3A = tpu.sem_alloc : memref<!tpu.dma_semaphore, #tpu.memory_space<semaphore_mem>>
      %dma_start3A = arith.constant 0 : i32
      %dma_start3A_56 = tpu.memref_slice %arg6[%add3A_12, %dma_start3A] : memref<10240x128xf32, #tpu.memory_space<vmem_shared>> -> memref<40x128xf32, #tpu.memory_space<vmem_shared>>
      %dma_start3A_57 = arith.constant 0 : i32
      %dma_start3A_58 = tpu.memref_slice %arg6[%add3A_12, %dma_start3A_57] : memref<10240x128xf32, #tpu.memory_space<vmem_shared>> -> memref<40x128xf32, #tpu.memory_space<vmem_shared>>
      tpu.enqueue_dma source(%arg5 : memref<40x128xf32, #tpu.memory_space<vmem>>) target(%dma_start3A_58 : memref<40x128xf32, #tpu.memory_space<vmem_shared>>) target_semaphore(%run_scoped3A : memref<!tpu.dma_semaphore, #tpu.memory_space<semaphore_mem>>)
      %dma_wait3A = arith.constant 0 : i32
      %dma_wait3A_59 = tpu.memref_slice %arg6[%add3A_12, %dma_wait3A] : memref<10240x128xf32, #tpu.memory_space<vmem_shared>> -> memref<40x128xf32, #tpu.memory_space<vmem_shared>>
      %dma_wait3A_60 = arith.constant 0 : i32
      %dma_wait3A_61 = tpu.memref_slice %arg6[%add3A_12, %dma_wait3A_60] : memref<10240x128xf32, #tpu.memory_space<vmem_shared>> -> memref<40x128xf32, #tpu.memory_space<vmem_shared>>
      tpu.wait_dma2 semaphore(%run_scoped3A : memref<!tpu.dma_semaphore, #tpu.memory_space<semaphore_mem>>) src(%arg5 : memref<40x128xf32, #tpu.memory_space<vmem>>) dst(%dma_wait3A_61 : memref<40x128xf32, #tpu.memory_space<vmem_shared>>)
      tpu.yield
    }) : () -> ()
    %add3A_13 = arith.constant 80 : i32
    %add3A_14 = arith.addi %mul3A_8, %add3A_13 : i32
    "tpu.region"() ({
      %run_scoped3A = tpu.sem_alloc : memref<!tpu.dma_semaphore, #tpu.memory_space<semaphore_mem>>
      %dma_start3A = arith.constant 0 : i32
      %dma_start3A_56 = tpu.memref_slice %arg6[%add3A_14, %dma_start3A] : memref<10240x128xf32, #tpu.memory_space<vmem_shared>> -> memref<40x128xf32, #tpu.memory_space<vmem_shared>>
      %dma_start3A_57 = arith.constant 0 : i32
      %dma_start3A_58 = tpu.memref_slice %arg6[%add3A_14, %dma_start3A_57] : memref<10240x128xf32, #tpu.memory_space<vmem_shared>> -> memref<40x128xf32, #tpu.memory_space<vmem_shared>>
      tpu.enqueue_dma source(%arg5 : memref<40x128xf32, #tpu.memory_space<vmem>>) target(%dma_start3A_58 : memref<40x128xf32, #tpu.memory_space<vmem_shared>>) target_semaphore(%run_scoped3A : memref<!tpu.dma_semaphore, #tpu.memory_space<semaphore_mem>>)
      %dma_wait3A = arith.constant 0 : i32
      %dma_wait3A_59 = tpu.memref_slice %arg6[%add3A_14, %dma_wait3A] : memref<10240x128xf32, #tpu.memory_space<vmem_shared>> -> memref<40x128xf32, #tpu.memory_space<vmem_shared>>
      %dma_wait3A_60 = arith.constant 0 : i32
      %dma_wait3A_61 = tpu.memref_slice %arg6[%add3A_14, %dma_wait3A_60] : memref<10240x128xf32, #tpu.memory_space<vmem_shared>> -> memref<40x128xf32, #tpu.memory_space<vmem_shared>>
      tpu.wait_dma2 semaphore(%run_scoped3A : memref<!tpu.dma_semaphore, #tpu.memory_space<semaphore_mem>>) src(%arg5 : memref<40x128xf32, #tpu.memory_space<vmem>>) dst(%dma_wait3A_61 : memref<40x128xf32, #tpu.memory_space<vmem_shared>>)
      tpu.yield
    }) : () -> ()
    %add3A_15 = arith.constant 120 : i32
    %add3A_16 = arith.addi %mul3A_8, %add3A_15 : i32
    "tpu.region"() ({
      %run_scoped3A = tpu.sem_alloc : memref<!tpu.dma_semaphore, #tpu.memory_space<semaphore_mem>>
      %dma_start3A = arith.constant 0 : i32
      %dma_start3A_56 = tpu.memref_slice %arg6[%add3A_16, %dma_start3A] : memref<10240x128xf32, #tpu.memory_space<vmem_shared>> -> memref<40x128xf32, #tpu.memory_space<vmem_shared>>
      %dma_start3A_57 = arith.constant 0 : i32
      %dma_start3A_58 = tpu.memref_slice %arg6[%add3A_16, %dma_start3A_57] : memref<10240x128xf32, #tpu.memory_space<vmem_shared>> -> memref<40x128xf32, #tpu.memory_space<vmem_shared>>
      tpu.enqueue_dma source(%arg5 : memref<40x128xf32, #tpu.memory_space<vmem>>) target(%dma_start3A_58 : memref<40x128xf32, #tpu.memory_space<vmem_shared>>) target_semaphore(%run_scoped3A : memref<!tpu.dma_semaphore, #tpu.memory_space<semaphore_mem>>)
      %dma_wait3A = arith.constant 0 : i32
      %dma_wait3A_59 = tpu.memref_slice %arg6[%add3A_16, %dma_wait3A] : memref<10240x128xf32, #tpu.memory_space<vmem_shared>> -> memref<40x128xf32, #tpu.memory_space<vmem_shared>>
      %dma_wait3A_60 = arith.constant 0 : i32
      %dma_wait3A_61 = tpu.memref_slice %arg6[%add3A_16, %dma_wait3A_60] : memref<10240x128xf32, #tpu.memory_space<vmem_shared>> -> memref<40x128xf32, #tpu.memory_space<vmem_shared>>
      tpu.wait_dma2 semaphore(%run_scoped3A : memref<!tpu.dma_semaphore, #tpu.memory_space<semaphore_mem>>) src(%arg5 : memref<40x128xf32, #tpu.memory_space<vmem>>) dst(%dma_wait3A_61 : memref<40x128xf32, #tpu.memory_space<vmem_shared>>)
      tpu.yield
    }) : () -> ()
    %add3A_17 = arith.constant 160 : i32
    %add3A_18 = arith.addi %mul3A_8, %add3A_17 : i32
    "tpu.region"() ({
      %run_scoped3A = tpu.sem_alloc : memref<!tpu.dma_semaphore, #tpu.memory_space<semaphore_mem>>
      %dma_start3A = arith.constant 0 : i32
      %dma_start3A_56 = tpu.memref_slice %arg6[%add3A_18, %dma_start3A] : memref<10240x128xf32, #tpu.memory_space<vmem_shared>> -> memref<40x128xf32, #tpu.memory_space<vmem_shared>>
      %dma_start3A_57 = arith.constant 0 : i32
      %dma_start3A_58 = tpu.memref_slice %arg6[%add3A_18, %dma_start3A_57] : memref<10240x128xf32, #tpu.memory_space<vmem_shared>> -> memref<40x128xf32, #tpu.memory_space<vmem_shared>>
      tpu.enqueue_dma source(%arg5 : memref<40x128xf32, #tpu.memory_space<vmem>>) target(%dma_start3A_58 : memref<40x128xf32, #tpu.memory_space<vmem_shared>>) target_semaphore(%run_scoped3A : memref<!tpu.dma_semaphore, #tpu.memory_space<semaphore_mem>>)
      %dma_wait3A = arith.constant 0 : i32
      %dma_wait3A_59 = tpu.memref_slice %arg6[%add3A_18, %dma_wait3A] : memref<10240x128xf32, #tpu.memory_space<vmem_shared>> -> memref<40x128xf32, #tpu.memory_space<vmem_shared>>
      %dma_wait3A_60 = arith.constant 0 : i32
      %dma_wait3A_61 = tpu.memref_slice %arg6[%add3A_18, %dma_wait3A_60] : memref<10240x128xf32, #tpu.memory_space<vmem_shared>> -> memref<40x128xf32, #tpu.memory_space<vmem_shared>>
      tpu.wait_dma2 semaphore(%run_scoped3A : memref<!tpu.dma_semaphore, #tpu.memory_space<semaphore_mem>>) src(%arg5 : memref<40x128xf32, #tpu.memory_space<vmem>>) dst(%dma_wait3A_61 : memref<40x128xf32, #tpu.memory_space<vmem_shared>>)
      tpu.yield
    }) : () -> ()
    %add3A_19 = arith.constant 200 : i32
    %add3A_20 = arith.addi %mul3A_8, %add3A_19 : i32
    "tpu.region"() ({
      %run_scoped3A = tpu.sem_alloc : memref<!tpu.dma_semaphore, #tpu.memory_space<semaphore_mem>>
      %dma_start3A = arith.constant 0 : i32
      %dma_start3A_56 = tpu.memref_slice %arg6[%add3A_20, %dma_start3A] : memref<10240x128xf32, #tpu.memory_space<vmem_shared>> -> memref<40x128xf32, #tpu.memory_space<vmem_shared>>
      %dma_start3A_57 = arith.constant 0 : i32
      %dma_start3A_58 = tpu.memref_slice %arg6[%add3A_20, %dma_start3A_57] : memref<10240x128xf32, #tpu.memory_space<vmem_shared>> -> memref<40x128xf32, #tpu.memory_space<vmem_shared>>
      tpu.enqueue_dma source(%arg5 : memref<40x128xf32, #tpu.memory_space<vmem>>) target(%dma_start3A_58 : memref<40x128xf32, #tpu.memory_space<vmem_shared>>) target_semaphore(%run_scoped3A : memref<!tpu.dma_semaphore, #tpu.memory_space<semaphore_mem>>)
      %dma_wait3A = arith.constant 0 : i32
      %dma_wait3A_59 = tpu.memref_slice %arg6[%add3A_20, %dma_wait3A] : memref<10240x128xf32, #tpu.memory_space<vmem_shared>> -> memref<40x128xf32, #tpu.memory_space<vmem_shared>>
      %dma_wait3A_60 = arith.constant 0 : i32
      %dma_wait3A_61 = tpu.memref_slice %arg6[%add3A_20, %dma_wait3A_60] : memref<10240x128xf32, #tpu.memory_space<vmem_shared>> -> memref<40x128xf32, #tpu.memory_space<vmem_shared>>
      tpu.wait_dma2 semaphore(%run_scoped3A : memref<!tpu.dma_semaphore, #tpu.memory_space<semaphore_mem>>) src(%arg5 : memref<40x128xf32, #tpu.memory_space<vmem>>) dst(%dma_wait3A_61 : memref<40x128xf32, #tpu.memory_space<vmem_shared>>)
      tpu.yield
    }) : () -> ()
    %add3A_21 = arith.constant 240 : i32
    %add3A_22 = arith.addi %mul3A_8, %add3A_21 : i32
    "tpu.region"() ({
      %run_scoped3A = tpu.sem_alloc : memref<!tpu.dma_semaphore, #tpu.memory_space<semaphore_mem>>
      %dma_start3A = arith.constant 0 : i32
      %dma_start3A_56 = tpu.memref_slice %arg6[%add3A_22, %dma_start3A] : memref<10240x128xf32, #tpu.memory_space<vmem_shared>> -> memref<40x128xf32, #tpu.memory_space<vmem_shared>>
      %dma_start3A_57 = arith.constant 0 : i32
      %dma_start3A_58 = tpu.memref_slice %arg6[%add3A_22, %dma_start3A_57] : memref<10240x128xf32, #tpu.memory_space<vmem_shared>> -> memref<40x128xf32, #tpu.memory_space<vmem_shared>>
      tpu.enqueue_dma source(%arg5 : memref<40x128xf32, #tpu.memory_space<vmem>>) target(%dma_start3A_58 : memref<40x128xf32, #tpu.memory_space<vmem_shared>>) target_semaphore(%run_scoped3A : memref<!tpu.dma_semaphore, #tpu.memory_space<semaphore_mem>>)
      %dma_wait3A = arith.constant 0 : i32
      %dma_wait3A_59 = tpu.memref_slice %arg6[%add3A_22, %dma_wait3A] : memref<10240x128xf32, #tpu.memory_space<vmem_shared>> -> memref<40x128xf32, #tpu.memory_space<vmem_shared>>
      %dma_wait3A_60 = arith.constant 0 : i32
      %dma_wait3A_61 = tpu.memref_slice %arg6[%add3A_22, %dma_wait3A_60] : memref<10240x128xf32, #tpu.memory_space<vmem_shared>> -> memref<40x128xf32, #tpu.memory_space<vmem_shared>>
      tpu.wait_dma2 semaphore(%run_scoped3A : memref<!tpu.dma_semaphore, #tpu.memory_space<semaphore_mem>>) src(%arg5 : memref<40x128xf32, #tpu.memory_space<vmem>>) dst(%dma_wait3A_61 : memref<40x128xf32, #tpu.memory_space<vmem_shared>>)
      tpu.yield
    }) : () -> ()
    %add3A_23 = arith.constant 280 : i32
    %add3A_24 = arith.addi %mul3A_8, %add3A_23 : i32
    "tpu.region"() ({
      %run_scoped3A = tpu.sem_alloc : memref<!tpu.dma_semaphore, #tpu.memory_space<semaphore_mem>>
      %dma_start3A = arith.constant 0 : i32
      %dma_start3A_56 = tpu.memref_slice %arg6[%add3A_24, %dma_start3A] : memref<10240x128xf32, #tpu.memory_space<vmem_shared>> -> memref<40x128xf32, #tpu.memory_space<vmem_shared>>
      %dma_start3A_57 = arith.constant 0 : i32
      %dma_start3A_58 = tpu.memref_slice %arg6[%add3A_24, %dma_start3A_57] : memref<10240x128xf32, #tpu.memory_space<vmem_shared>> -> memref<40x128xf32, #tpu.memory_space<vmem_shared>>
      tpu.enqueue_dma source(%arg5 : memref<40x128xf32, #tpu.memory_space<vmem>>) target(%dma_start3A_58 : memref<40x128xf32, #tpu.memory_space<vmem_shared>>) target_semaphore(%run_scoped3A : memref<!tpu.dma_semaphore, #tpu.memory_space<semaphore_mem>>)
      %dma_wait3A = arith.constant 0 : i32
      %dma_wait3A_59 = tpu.memref_slice %arg6[%add3A_24, %dma_wait3A] : memref<10240x128xf32, #tpu.memory_space<vmem_shared>> -> memref<40x128xf32, #tpu.memory_space<vmem_shared>>
      %dma_wait3A_60 = arith.constant 0 : i32
      %dma_wait3A_61 = tpu.memref_slice %arg6[%add3A_24, %dma_wait3A_60] : memref<10240x128xf32, #tpu.memory_space<vmem_shared>> -> memref<40x128xf32, #tpu.memory_space<vmem_shared>>
      tpu.wait_dma2 semaphore(%run_scoped3A : memref<!tpu.dma_semaphore, #tpu.memory_space<semaphore_mem>>) src(%arg5 : memref<40x128xf32, #tpu.memory_space<vmem>>) dst(%dma_wait3A_61 : memref<40x128xf32, #tpu.memory_space<vmem_shared>>)
      tpu.yield
    }) : () -> ()
    %add3A_25 = arith.constant 320 : i32
    %add3A_26 = arith.addi %mul3A_8, %add3A_25 : i32
    "tpu.region"() ({
      %run_scoped3A = tpu.sem_alloc : memref<!tpu.dma_semaphore, #tpu.memory_space<semaphore_mem>>
      %dma_start3A = arith.constant 0 : i32
      %dma_start3A_56 = tpu.memref_slice %arg6[%add3A_26, %dma_start3A] : memref<10240x128xf32, #tpu.memory_space<vmem_shared>> -> memref<40x128xf32, #tpu.memory_space<vmem_shared>>
      %dma_start3A_57 = arith.constant 0 : i32
      %dma_start3A_58 = tpu.memref_slice %arg6[%add3A_26, %dma_start3A_57] : memref<10240x128xf32, #tpu.memory_space<vmem_shared>> -> memref<40x128xf32, #tpu.memory_space<vmem_shared>>
      tpu.enqueue_dma source(%arg5 : memref<40x128xf32, #tpu.memory_space<vmem>>) target(%dma_start3A_58 : memref<40x128xf32, #tpu.memory_space<vmem_shared>>) target_semaphore(%run_scoped3A : memref<!tpu.dma_semaphore, #tpu.memory_space<semaphore_mem>>)
      %dma_wait3A = arith.constant 0 : i32
      %dma_wait3A_59 = tpu.memref_slice %arg6[%add3A_26, %dma_wait3A] : memref<10240x128xf32, #tpu.memory_space<vmem_shared>> -> memref<40x128xf32, #tpu.memory_space<vmem_shared>>
      %dma_wait3A_60 = arith.constant 0 : i32
      %dma_wait3A_61 = tpu.memref_slice %arg6[%add3A_26, %dma_wait3A_60] : memref<10240x128xf32, #tpu.memory_space<vmem_shared>> -> memref<40x128xf32, #tpu.memory_space<vmem_shared>>
      tpu.wait_dma2 semaphore(%run_scoped3A : memref<!tpu.dma_semaphore, #tpu.memory_space<semaphore_mem>>) src(%arg5 : memref<40x128xf32, #tpu.memory_space<vmem>>) dst(%dma_wait3A_61 : memref<40x128xf32, #tpu.memory_space<vmem_shared>>)
      tpu.yield
    }) : () -> ()
    %add3A_27 = arith.constant 360 : i32
    %add3A_28 = arith.addi %mul3A_8, %add3A_27 : i32
    "tpu.region"() ({
      %run_scoped3A = tpu.sem_alloc : memref<!tpu.dma_semaphore, #tpu.memory_space<semaphore_mem>>
      %dma_start3A = arith.constant 0 : i32
      %dma_start3A_56 = tpu.memref_slice %arg6[%add3A_28, %dma_start3A] : memref<10240x128xf32, #tpu.memory_space<vmem_shared>> -> memref<40x128xf32, #tpu.memory_space<vmem_shared>>
      %dma_start3A_57 = arith.constant 0 : i32
      %dma_start3A_58 = tpu.memref_slice %arg6[%add3A_28, %dma_start3A_57] : memref<10240x128xf32, #tpu.memory_space<vmem_shared>> -> memref<40x128xf32, #tpu.memory_space<vmem_shared>>
      tpu.enqueue_dma source(%arg5 : memref<40x128xf32, #tpu.memory_space<vmem>>) target(%dma_start3A_58 : memref<40x128xf32, #tpu.memory_space<vmem_shared>>) target_semaphore(%run_scoped3A : memref<!tpu.dma_semaphore, #tpu.memory_space<semaphore_mem>>)
      %dma_wait3A = arith.constant 0 : i32
      %dma_wait3A_59 = tpu.memref_slice %arg6[%add3A_28, %dma_wait3A] : memref<10240x128xf32, #tpu.memory_space<vmem_shared>> -> memref<40x128xf32, #tpu.memory_space<vmem_shared>>
      %dma_wait3A_60 = arith.constant 0 : i32
      %dma_wait3A_61 = tpu.memref_slice %arg6[%add3A_28, %dma_wait3A_60] : memref<10240x128xf32, #tpu.memory_space<vmem_shared>> -> memref<40x128xf32, #tpu.memory_space<vmem_shared>>
      tpu.wait_dma2 semaphore(%run_scoped3A : memref<!tpu.dma_semaphore, #tpu.memory_space<semaphore_mem>>) src(%arg5 : memref<40x128xf32, #tpu.memory_space<vmem>>) dst(%dma_wait3A_61 : memref<40x128xf32, #tpu.memory_space<vmem_shared>>)
      tpu.yield
    }) : () -> ()
    %add3A_29 = arith.constant 400 : i32
    %add3A_30 = arith.addi %mul3A_8, %add3A_29 : i32
    "tpu.region"() ({
      %run_scoped3A = tpu.sem_alloc : memref<!tpu.dma_semaphore, #tpu.memory_space<semaphore_mem>>
      %dma_start3A = arith.constant 0 : i32
      %dma_start3A_56 = tpu.memref_slice %arg6[%add3A_30, %dma_start3A] : memref<10240x128xf32, #tpu.memory_space<vmem_shared>> -> memref<40x128xf32, #tpu.memory_space<vmem_shared>>
      %dma_start3A_57 = arith.constant 0 : i32
      %dma_start3A_58 = tpu.memref_slice %arg6[%add3A_30, %dma_start3A_57] : memref<10240x128xf32, #tpu.memory_space<vmem_shared>> -> memref<40x128xf32, #tpu.memory_space<vmem_shared>>
      tpu.enqueue_dma source(%arg5 : memref<40x128xf32, #tpu.memory_space<vmem>>) target(%dma_start3A_58 : memref<40x128xf32, #tpu.memory_space<vmem_shared>>) target_semaphore(%run_scoped3A : memref<!tpu.dma_semaphore, #tpu.memory_space<semaphore_mem>>)
      %dma_wait3A = arith.constant 0 : i32
      %dma_wait3A_59 = tpu.memref_slice %arg6[%add3A_30, %dma_wait3A] : memref<10240x128xf32, #tpu.memory_space<vmem_shared>> -> memref<40x128xf32, #tpu.memory_space<vmem_shared>>
      %dma_wait3A_60 = arith.constant 0 : i32
      %dma_wait3A_61 = tpu.memref_slice %arg6[%add3A_30, %dma_wait3A_60] : memref<10240x128xf32, #tpu.memory_space<vmem_shared>> -> memref<40x128xf32, #tpu.memory_space<vmem_shared>>
      tpu.wait_dma2 semaphore(%run_scoped3A : memref<!tpu.dma_semaphore, #tpu.memory_space<semaphore_mem>>) src(%arg5 : memref<40x128xf32, #tpu.memory_space<vmem>>) dst(%dma_wait3A_61 : memref<40x128xf32, #tpu.memory_space<vmem_shared>>)
      tpu.yield
    }) : () -> ()
    %add3A_31 = arith.constant 440 : i32
    %add3A_32 = arith.addi %mul3A_8, %add3A_31 : i32
    "tpu.region"() ({
      %run_scoped3A = tpu.sem_alloc : memref<!tpu.dma_semaphore, #tpu.memory_space<semaphore_mem>>
      %dma_start3A = arith.constant 0 : i32
      %dma_start3A_56 = tpu.memref_slice %arg6[%add3A_32, %dma_start3A] : memref<10240x128xf32, #tpu.memory_space<vmem_shared>> -> memref<40x128xf32, #tpu.memory_space<vmem_shared>>
      %dma_start3A_57 = arith.constant 0 : i32
      %dma_start3A_58 = tpu.memref_slice %arg6[%add3A_32, %dma_start3A_57] : memref<10240x128xf32, #tpu.memory_space<vmem_shared>> -> memref<40x128xf32, #tpu.memory_space<vmem_shared>>
      tpu.enqueue_dma source(%arg5 : memref<40x128xf32, #tpu.memory_space<vmem>>) target(%dma_start3A_58 : memref<40x128xf32, #tpu.memory_space<vmem_shared>>) target_semaphore(%run_scoped3A : memref<!tpu.dma_semaphore, #tpu.memory_space<semaphore_mem>>)
      %dma_wait3A = arith.constant 0 : i32
      %dma_wait3A_59 = tpu.memref_slice %arg6[%add3A_32, %dma_wait3A] : memref<10240x128xf32, #tpu.memory_space<vmem_shared>> -> memref<40x128xf32, #tpu.memory_space<vmem_shared>>
      %dma_wait3A_60 = arith.constant 0 : i32
      %dma_wait3A_61 = tpu.memref_slice %arg6[%add3A_32, %dma_wait3A_60] : memref<10240x128xf32, #tpu.memory_space<vmem_shared>> -> memref<40x128xf32, #tpu.memory_space<vmem_shared>>
      tpu.wait_dma2 semaphore(%run_scoped3A : memref<!tpu.dma_semaphore, #tpu.memory_space<semaphore_mem>>) src(%arg5 : memref<40x128xf32, #tpu.memory_space<vmem>>) dst(%dma_wait3A_61 : memref<40x128xf32, #tpu.memory_space<vmem_shared>>)
      tpu.yield
    }) : () -> ()
    %add3A_33 = arith.constant 480 : i32
    %add3A_34 = arith.addi %mul3A_8, %add3A_33 : i32
    "tpu.region"() ({
      %run_scoped3A = tpu.sem_alloc : memref<!tpu.dma_semaphore, #tpu.memory_space<semaphore_mem>>
      %dma_start3A = arith.constant 0 : i32
      %dma_start3A_56 = tpu.memref_slice %arg6[%add3A_34, %dma_start3A] : memref<10240x128xf32, #tpu.memory_space<vmem_shared>> -> memref<40x128xf32, #tpu.memory_space<vmem_shared>>
      %dma_start3A_57 = arith.constant 0 : i32
      %dma_start3A_58 = tpu.memref_slice %arg6[%add3A_34, %dma_start3A_57] : memref<10240x128xf32, #tpu.memory_space<vmem_shared>> -> memref<40x128xf32, #tpu.memory_space<vmem_shared>>
      tpu.enqueue_dma source(%arg5 : memref<40x128xf32, #tpu.memory_space<vmem>>) target(%dma_start3A_58 : memref<40x128xf32, #tpu.memory_space<vmem_shared>>) target_semaphore(%run_scoped3A : memref<!tpu.dma_semaphore, #tpu.memory_space<semaphore_mem>>)
      %dma_wait3A = arith.constant 0 : i32
      %dma_wait3A_59 = tpu.memref_slice %arg6[%add3A_34, %dma_wait3A] : memref<10240x128xf32, #tpu.memory_space<vmem_shared>> -> memref<40x128xf32, #tpu.memory_space<vmem_shared>>
      %dma_wait3A_60 = arith.constant 0 : i32
      %dma_wait3A_61 = tpu.memref_slice %arg6[%add3A_34, %dma_wait3A_60] : memref<10240x128xf32, #tpu.memory_space<vmem_shared>> -> memref<40x128xf32, #tpu.memory_space<vmem_shared>>
      tpu.wait_dma2 semaphore(%run_scoped3A : memref<!tpu.dma_semaphore, #tpu.memory_space<semaphore_mem>>) src(%arg5 : memref<40x128xf32, #tpu.memory_space<vmem>>) dst(%dma_wait3A_61 : memref<40x128xf32, #tpu.memory_space<vmem_shared>>)
      tpu.yield
    }) : () -> ()
    %add3A_35 = arith.constant 520 : i32
    %add3A_36 = arith.addi %mul3A_8, %add3A_35 : i32
    "tpu.region"() ({
      %run_scoped3A = tpu.sem_alloc : memref<!tpu.dma_semaphore, #tpu.memory_space<semaphore_mem>>
      %dma_start3A = arith.constant 0 : i32
      %dma_start3A_56 = tpu.memref_slice %arg6[%add3A_36, %dma_start3A] : memref<10240x128xf32, #tpu.memory_space<vmem_shared>> -> memref<40x128xf32, #tpu.memory_space<vmem_shared>>
      %dma_start3A_57 = arith.constant 0 : i32
      %dma_start3A_58 = tpu.memref_slice %arg6[%add3A_36, %dma_start3A_57] : memref<10240x128xf32, #tpu.memory_space<vmem_shared>> -> memref<40x128xf32, #tpu.memory_space<vmem_shared>>
      tpu.enqueue_dma source(%arg5 : memref<40x128xf32, #tpu.memory_space<vmem>>) target(%dma_start3A_58 : memref<40x128xf32, #tpu.memory_space<vmem_shared>>) target_semaphore(%run_scoped3A : memref<!tpu.dma_semaphore, #tpu.memory_space<semaphore_mem>>)
      %dma_wait3A = arith.constant 0 : i32
      %dma_wait3A_59 = tpu.memref_slice %arg6[%add3A_36, %dma_wait3A] : memref<10240x128xf32, #tpu.memory_space<vmem_shared>> -> memref<40x128xf32, #tpu.memory_space<vmem_shared>>
      %dma_wait3A_60 = arith.constant 0 : i32
      %dma_wait3A_61 = tpu.memref_slice %arg6[%add3A_36, %dma_wait3A_60] : memref<10240x128xf32, #tpu.memory_space<vmem_shared>> -> memref<40x128xf32, #tpu.memory_space<vmem_shared>>
      tpu.wait_dma2 semaphore(%run_scoped3A : memref<!tpu.dma_semaphore, #tpu.memory_space<semaphore_mem>>) src(%arg5 : memref<40x128xf32, #tpu.memory_space<vmem>>) dst(%dma_wait3A_61 : memref<40x128xf32, #tpu.memory_space<vmem_shared>>)
      tpu.yield
    }) : () -> ()
    %add3A_37 = arith.constant 560 : i32
    %add3A_38 = arith.addi %mul3A_8, %add3A_37 : i32
    "tpu.region"() ({
      %run_scoped3A = tpu.sem_alloc : memref<!tpu.dma_semaphore, #tpu.memory_space<semaphore_mem>>
      %dma_start3A = arith.constant 0 : i32
      %dma_start3A_56 = tpu.memref_slice %arg6[%add3A_38, %dma_start3A] : memref<10240x128xf32, #tpu.memory_space<vmem_shared>> -> memref<40x128xf32, #tpu.memory_space<vmem_shared>>
      %dma_start3A_57 = arith.constant 0 : i32
      %dma_start3A_58 = tpu.memref_slice %arg6[%add3A_38, %dma_start3A_57] : memref<10240x128xf32, #tpu.memory_space<vmem_shared>> -> memref<40x128xf32, #tpu.memory_space<vmem_shared>>
      tpu.enqueue_dma source(%arg5 : memref<40x128xf32, #tpu.memory_space<vmem>>) target(%dma_start3A_58 : memref<40x128xf32, #tpu.memory_space<vmem_shared>>) target_semaphore(%run_scoped3A : memref<!tpu.dma_semaphore, #tpu.memory_space<semaphore_mem>>)
      %dma_wait3A = arith.constant 0 : i32
      %dma_wait3A_59 = tpu.memref_slice %arg6[%add3A_38, %dma_wait3A] : memref<10240x128xf32, #tpu.memory_space<vmem_shared>> -> memref<40x128xf32, #tpu.memory_space<vmem_shared>>
      %dma_wait3A_60 = arith.constant 0 : i32
      %dma_wait3A_61 = tpu.memref_slice %arg6[%add3A_38, %dma_wait3A_60] : memref<10240x128xf32, #tpu.memory_space<vmem_shared>> -> memref<40x128xf32, #tpu.memory_space<vmem_shared>>
      tpu.wait_dma2 semaphore(%run_scoped3A : memref<!tpu.dma_semaphore, #tpu.memory_space<semaphore_mem>>) src(%arg5 : memref<40x128xf32, #tpu.memory_space<vmem>>) dst(%dma_wait3A_61 : memref<40x128xf32, #tpu.memory_space<vmem_shared>>)
      tpu.yield
    }) : () -> ()
    %add3A_39 = arith.constant 600 : i32
    %add3A_40 = arith.addi %mul3A_8, %add3A_39 : i32
    "tpu.region"() ({
      %run_scoped3A = tpu.sem_alloc : memref<!tpu.dma_semaphore, #tpu.memory_space<semaphore_mem>>
      %dma_start3A = arith.constant 0 : i32
      %dma_start3A_56 = tpu.memref_slice %arg6[%add3A_40, %dma_start3A] : memref<10240x128xf32, #tpu.memory_space<vmem_shared>> -> memref<40x128xf32, #tpu.memory_space<vmem_shared>>
      %dma_start3A_57 = arith.constant 0 : i32
      %dma_start3A_58 = tpu.memref_slice %arg6[%add3A_40, %dma_start3A_57] : memref<10240x128xf32, #tpu.memory_space<vmem_shared>> -> memref<40x128xf32, #tpu.memory_space<vmem_shared>>
      tpu.enqueue_dma source(%arg5 : memref<40x128xf32, #tpu.memory_space<vmem>>) target(%dma_start3A_58 : memref<40x128xf32, #tpu.memory_space<vmem_shared>>) target_semaphore(%run_scoped3A : memref<!tpu.dma_semaphore, #tpu.memory_space<semaphore_mem>>)
      %dma_wait3A = arith.constant 0 : i32
      %dma_wait3A_59 = tpu.memref_slice %arg6[%add3A_40, %dma_wait3A] : memref<10240x128xf32, #tpu.memory_space<vmem_shared>> -> memref<40x128xf32, #tpu.memory_space<vmem_shared>>
      %dma_wait3A_60 = arith.constant 0 : i32
      %dma_wait3A_61 = tpu.memref_slice %arg6[%add3A_40, %dma_wait3A_60] : memref<10240x128xf32, #tpu.memory_space<vmem_shared>> -> memref<40x128xf32, #tpu.memory_space<vmem_shared>>
      tpu.wait_dma2 semaphore(%run_scoped3A : memref<!tpu.dma_semaphore, #tpu.memory_space<semaphore_mem>>) src(%arg5 : memref<40x128xf32, #tpu.memory_space<vmem>>) dst(%dma_wait3A_61 : memref<40x128xf32, #tpu.memory_space<vmem_shared>>)
      tpu.yield
    }) : () -> ()
    %broadcast_in_dim3A_41 = arith.constant 1.000000e+00 : f32
    %broadcast_in_dim3A_42 = vector.broadcast %broadcast_in_dim3A_41 : f32 to vector<16xf32>
    %scan3A_43 = arith.constant 0 : i32
    %scan3A_44 = arith.constant 0 : i32
    %scan3A_45 = arith.constant 40 : i32
    %scan3A_46 = arith.addi %scan3A_44, %scan3A_45 : i32
    %scan3A_47 = arith.constant 1 : i32
    scf.for %scan3A_56 = %scan3A_44 to %scan3A_46 step %scan3A_47  : i32 {
      %swap3A = arith.index_cast %scan3A_56 : i32 to index
      %swap3A_57 = arith.constant 0 : index
      %swap3A_58 = tpu.vector_load %arg5[%swap3A, %swap3A_57] {strides = array<i32>} : memref<40x128xf32, #tpu.memory_space<vmem>>, vector<1x16xf32>,
      %swap3A_59 = vector.shape_cast %swap3A_58 : vector<1x16xf32> to vector<16xf32>
      %swap3A_60 = vector.shape_cast %broadcast_in_dim3A_42 : vector<16xf32> to vector<1x16xf32>
      tpu.vector_store %arg5[%swap3A, %swap3A_57], %swap3A_60 {strides = array<i32>} : memref<40x128xf32, #tpu.memory_space<vmem>>, vector<1x16xf32>,
      %swap3A_61 = arith.index_cast %scan3A_56 : i32 to index
      %swap3A_62 = arith.constant 16 : index
      %swap3A_63 = tpu.vector_load %arg5[%swap3A_61, %swap3A_62] {strides = array<i32>} : memref<40x128xf32, #tpu.memory_space<vmem>>, vector<1x16xf32>,
      %swap3A_64 = vector.shape_cast %swap3A_63 : vector<1x16xf32> to vector<16xf32>
      %swap3A_65 = vector.shape_cast %broadcast_in_dim3A_42 : vector<16xf32> to vector<1x16xf32>
      tpu.vector_store %arg5[%swap3A_61, %swap3A_62], %swap3A_65 {strides = array<i32>} : memref<40x128xf32, #tpu.memory_space<vmem>>, vector<1x16xf32>,
      %swap3A_66 = arith.index_cast %scan3A_56 : i32 to index
      %swap3A_67 = arith.constant 32 : index
      %swap3A_68 = tpu.vector_load %arg5[%swap3A_66, %swap3A_67] {strides = array<i32>} : memref<40x128xf32, #tpu.memory_space<vmem>>, vector<1x16xf32>,
      %swap3A_69 = vector.shape_cast %swap3A_68 : vector<1x16xf32> to vector<16xf32>
      %swap3A_70 = vector.shape_cast %broadcast_in_dim3A_42 : vector<16xf32> to vector<1x16xf32>
      tpu.vector_store %arg5[%swap3A_66, %swap3A_67], %swap3A_70 {strides = array<i32>} : memref<40x128xf32, #tpu.memory_space<vmem>>, vector<1x16xf32>,
      %swap3A_71 = arith.index_cast %scan3A_56 : i32 to index
      %swap3A_72 = arith.constant 48 : index
      %swap3A_73 = tpu.vector_load %arg5[%swap3A_71, %swap3A_72] {strides = array<i32>} : memref<40x128xf32, #tpu.memory_space<vmem>>, vector<1x16xf32>,
      %swap3A_74 = vector.shape_cast %swap3A_73 : vector<1x16xf32> to vector<16xf32>
      %swap3A_75 = vector.shape_cast %broadcast_in_dim3A_42 : vector<16xf32> to vector<1x16xf32>
      tpu.vector_store %arg5[%swap3A_71, %swap3A_72], %swap3A_75 {strides = array<i32>} : memref<40x128xf32, #tpu.memory_space<vmem>>, vector<1x16xf32>,
      %swap3A_76 = arith.index_cast %scan3A_56 : i32 to index
      %swap3A_77 = arith.constant 64 : index
      %swap3A_78 = tpu.vector_load %arg5[%swap3A_76, %swap3A_77] {strides = array<i32>} : memref<40x128xf32, #tpu.memory_space<vmem>>, vector<1x16xf32>,
      %swap3A_79 = vector.shape_cast %swap3A_78 : vector<1x16xf32> to vector<16xf32>
      %swap3A_80 = vector.shape_cast %broadcast_in_dim3A_42 : vector<16xf32> to vector<1x16xf32>
      tpu.vector_store %arg5[%swap3A_76, %swap3A_77], %swap3A_80 {strides = array<i32>} : memref<40x128xf32, #tpu.memory_space<vmem>>, vector<1x16xf32>,
      %swap3A_81 = arith.index_cast %scan3A_56 : i32 to index
      %swap3A_82 = arith.constant 80 : index
      %swap3A_83 = tpu.vector_load %arg5[%swap3A_81, %swap3A_82] {strides = array<i32>} : memref<40x128xf32, #tpu.memory_space<vmem>>, vector<1x16xf32>,
      %swap3A_84 = vector.shape_cast %swap3A_83 : vector<1x16xf32> to vector<16xf32>
      %swap3A_85 = vector.shape_cast %broadcast_in_dim3A_42 : vector<16xf32> to vector<1x16xf32>
      tpu.vector_store %arg5[%swap3A_81, %swap3A_82], %swap3A_85 {strides = array<i32>} : memref<40x128xf32, #tpu.memory_space<vmem>>, vector<1x16xf32>,
      %swap3A_86 = arith.index_cast %scan3A_56 : i32 to index
      %swap3A_87 = arith.constant 96 : index
      %swap3A_88 = tpu.vector_load %arg5[%swap3A_86, %swap3A_87] {strides = array<i32>} : memref<40x128xf32, #tpu.memory_space<vmem>>, vector<1x16xf32>,
      %swap3A_89 = vector.shape_cast %swap3A_88 : vector<1x16xf32> to vector<16xf32>
      %swap3A_90 = vector.shape_cast %broadcast_in_dim3A_42 : vector<16xf32> to vector<1x16xf32>
      tpu.vector_store %arg5[%swap3A_86, %swap3A_87], %swap3A_90 {strides = array<i32>} : memref<40x128xf32, #tpu.memory_space<vmem>>, vector<1x16xf32>,
      %swap3A_91 = arith.index_cast %scan3A_56 : i32 to index
      %swap3A_92 = arith.constant 112 : index
      %swap3A_93 = tpu.vector_load %arg5[%swap3A_91, %swap3A_92] {strides = array<i32>} : memref<40x128xf32, #tpu.memory_space<vmem>>, vector<1x16xf32>,
      %swap3A_94 = vector.shape_cast %swap3A_93 : vector<1x16xf32> to vector<16xf32>
      %swap3A_95 = vector.shape_cast %broadcast_in_dim3A_42 : vector<16xf32> to vector<1x16xf32>
      tpu.vector_store %arg5[%swap3A_91, %swap3A_92], %swap3A_95 {strides = array<i32>} : memref<40x128xf32, #tpu.memory_space<vmem>>, vector<1x16xf32>,
    }
    %scan3A_48 = arith.constant 40 : i32
    %barrier3A = arith.constant 0 : index
    tpu.barrier barrier_id(%barrier3A)
    %scan3A_49 = arith.constant 0 : i32
    %scan3A_50 = arith.constant 0 : i32
    %scan3A_51 = arith.constant 32 : i32
    %scan3A_52 = arith.addi %scan3A_50, %scan3A_51 : i32
    %scan3A_53 = arith.constant 1 : i32
    scf.for %scan3A_56 = %scan3A_50 to %scan3A_52 step %scan3A_53  : i32 {
      %mul3A_57 = arith.constant 8 : i32
      %mul3A_58 = arith.muli %scan3A_56, %mul3A_57 : i32
      "tpu.region"() ({
        %run_scoped3A = tpu.sem_alloc : memref<!tpu.dma_semaphore, #tpu.memory_space<semaphore_mem>>
        %dma_start3A_169 = arith.constant 0 : i32
        %dma_start3A_170 = tpu.memref_slice %arg2[%add3A, %mul3A_58, %dma_start3A_169] : memref<32x256x40xi32, #tpu.memory_space<hbm>> -> memref<1x8x40xi32, #tpu.memory_space<hbm>>
        %dma_start3A_171 = tpu.memref_squeeze %dma_start3A_170 : memref<1x8x40xi32, #tpu.memory_space<hbm>> -> memref<8x40xi32, #tpu.memory_space<hbm>>
        %dma_start3A_172 = arith.constant 0 : i32
        %dma_start3A_173 = tpu.memref_slice %arg2[%add3A, %mul3A_58, %dma_start3A_172] : memref<32x256x40xi32, #tpu.memory_space<hbm>> -> memref<1x8x40xi32, #tpu.memory_space<hbm>>
        %dma_start3A_174 = tpu.memref_squeeze %dma_start3A_173 : memref<1x8x40xi32, #tpu.memory_space<hbm>> -> memref<8x40xi32, #tpu.memory_space<hbm>>
        tpu.enqueue_dma source(%dma_start3A_174 : memref<8x40xi32, #tpu.memory_space<hbm>>) target(%arg4 : memref<8x40xi32, #tpu.memory_space<vmem>>) target_semaphore(%run_scoped3A : memref<!tpu.dma_semaphore, #tpu.memory_space<semaphore_mem>>)
        %dma_wait3A_175 = arith.constant 0 : i32
        %dma_wait3A_176 = tpu.memref_slice %arg2[%add3A, %mul3A_58, %dma_wait3A_175] : memref<32x256x40xi32, #tpu.memory_space<hbm>> -> memref<1x8x40xi32, #tpu.memory_space<hbm>>
        %dma_wait3A_177 = tpu.memref_squeeze %dma_wait3A_176 : memref<1x8x40xi32, #tpu.memory_space<hbm>> -> memref<8x40xi32, #tpu.memory_space<hbm>>
        %dma_wait3A_178 = arith.constant 0 : i32
        %dma_wait3A_179 = tpu.memref_slice %arg2[%add3A, %mul3A_58, %dma_wait3A_178] : memref<32x256x40xi32, #tpu.memory_space<hbm>> -> memref<1x8x40xi32, #tpu.memory_space<hbm>>
        %dma_wait3A_180 = tpu.memref_squeeze %dma_wait3A_179 : memref<1x8x40xi32, #tpu.memory_space<hbm>> -> memref<8x40xi32, #tpu.memory_space<hbm>>
        tpu.wait_dma2 semaphore(%run_scoped3A : memref<!tpu.dma_semaphore, #tpu.memory_space<semaphore_mem>>) src(%dma_wait3A_180 : memref<8x40xi32, #tpu.memory_space<hbm>>) dst(%arg4 : memref<8x40xi32, #tpu.memory_space<vmem>>)
        tpu.yield
      }) : () -> ()
      %dma_start3A = arith.constant 0 : i32
      %dma_start3A_59 = arith.constant 0 : i32
      %dma_start3A_60 = tpu.memref_slice %arg4[%dma_start3A, %dma_start3A_59] : memref<8x40xi32, #tpu.memory_space<vmem>> -> memref<1x40xi32, #tpu.memory_space<vmem>>
      %dma_start3A_61 = tpu.memref_squeeze %dma_start3A_60 : memref<1x40xi32, #tpu.memory_space<vmem>> -> memref<40xi32, #tpu.memory_space<vmem>>
      %dma_start3A_62 = arith.constant 0 : i32
      %dma_start3A_63 = arith.constant 0 : i32
      %dma_start3A_64 = tpu.memref_slice %arg6[%dma_start3A_62, %dma_start3A_63] : memref<10240x128xf32, #tpu.memory_space<vmem_shared>> -> memref<10240x128xf32, #tpu.memory_space<vmem_shared>>
      tpu.enqueue_indirect_dma source(%arg5 : memref<40x128xf32, #tpu.memory_space<vmem>>) target(%dma_start3A_64 : memref<10240x128xf32, #tpu.memory_space<vmem_shared>>) offsets(%dma_start3A_61 : memref<40xi32, #tpu.memory_space<vmem>>) semaphore(%arg7 : memref<!tpu.dma_semaphore, #tpu.memory_space<semaphore_mem>>) {add = true}
      %dma_start3A_65 = arith.constant 1 : i32
      %dma_start3A_66 = arith.constant 0 : i32
      %dma_start3A_67 = tpu.memref_slice %arg4[%dma_start3A_65, %dma_start3A_66] : memref<8x40xi32, #tpu.memory_space<vmem>> -> memref<1x40xi32, #tpu.memory_space<vmem>>
      %dma_start3A_68 = tpu.memref_squeeze %dma_start3A_67 : memref<1x40xi32, #tpu.memory_space<vmem>> -> memref<40xi32, #tpu.memory_space<vmem>>
      %dma_start3A_69 = arith.constant 0 : i32
      %dma_start3A_70 = arith.constant 0 : i32
      %dma_start3A_71 = tpu.memref_slice %arg6[%dma_start3A_69, %dma_start3A_70] : memref<10240x128xf32, #tpu.memory_space<vmem_shared>> -> memref<10240x128xf32, #tpu.memory_space<vmem_shared>>
      tpu.enqueue_indirect_dma source(%arg5 : memref<40x128xf32, #tpu.memory_space<vmem>>) target(%dma_start3A_71 : memref<10240x128xf32, #tpu.memory_space<vmem_shared>>) offsets(%dma_start3A_68 : memref<40xi32, #tpu.memory_space<vmem>>) semaphore(%arg8 : memref<!tpu.dma_semaphore, #tpu.memory_space<semaphore_mem>>) {add = true}
      %dma_start3A_72 = arith.constant 2 : i32
      %dma_start3A_73 = arith.constant 0 : i32
      %dma_start3A_74 = tpu.memref_slice %arg4[%dma_start3A_72, %dma_start3A_73] : memref<8x40xi32, #tpu.memory_space<vmem>> -> memref<1x40xi32, #tpu.memory_space<vmem>>
      %dma_start3A_75 = tpu.memref_squeeze %dma_start3A_74 : memref<1x40xi32, #tpu.memory_space<vmem>> -> memref<40xi32, #tpu.memory_space<vmem>>
      %dma_start3A_76 = arith.constant 0 : i32
      %dma_start3A_77 = arith.constant 0 : i32
      %dma_start3A_78 = tpu.memref_slice %arg6[%dma_start3A_76, %dma_start3A_77] : memref<10240x128xf32, #tpu.memory_space<vmem_shared>> -> memref<10240x128xf32, #tpu.memory_space<vmem_shared>>
      tpu.enqueue_indirect_dma source(%arg5 : memref<40x128xf32, #tpu.memory_space<vmem>>) target(%dma_start3A_78 : memref<10240x128xf32, #tpu.memory_space<vmem_shared>>) offsets(%dma_start3A_75 : memref<40xi32, #tpu.memory_space<vmem>>) semaphore(%arg7 : memref<!tpu.dma_semaphore, #tpu.memory_space<semaphore_mem>>) {add = true}
      %dma_start3A_79 = arith.constant 3 : i32
      %dma_start3A_80 = arith.constant 0 : i32
      %dma_start3A_81 = tpu.memref_slice %arg4[%dma_start3A_79, %dma_start3A_80] : memref<8x40xi32, #tpu.memory_space<vmem>> -> memref<1x40xi32, #tpu.memory_space<vmem>>
      %dma_start3A_82 = tpu.memref_squeeze %dma_start3A_81 : memref<1x40xi32, #tpu.memory_space<vmem>> -> memref<40xi32, #tpu.memory_space<vmem>>
      %dma_start3A_83 = arith.constant 0 : i32
      %dma_start3A_84 = arith.constant 0 : i32
      %dma_start3A_85 = tpu.memref_slice %arg6[%dma_start3A_83, %dma_start3A_84] : memref<10240x128xf32, #tpu.memory_space<vmem_shared>> -> memref<10240x128xf32, #tpu.memory_space<vmem_shared>>
      tpu.enqueue_indirect_dma source(%arg5 : memref<40x128xf32, #tpu.memory_space<vmem>>) target(%dma_start3A_85 : memref<10240x128xf32, #tpu.memory_space<vmem_shared>>) offsets(%dma_start3A_82 : memref<40xi32, #tpu.memory_space<vmem>>) semaphore(%arg8 : memref<!tpu.dma_semaphore, #tpu.memory_space<semaphore_mem>>) {add = true}
      %dma_start3A_86 = arith.constant 4 : i32
      %dma_start3A_87 = arith.constant 0 : i32
      %dma_start3A_88 = tpu.memref_slice %arg4[%dma_start3A_86, %dma_start3A_87] : memref<8x40xi32, #tpu.memory_space<vmem>> -> memref<1x40xi32, #tpu.memory_space<vmem>>
      %dma_start3A_89 = tpu.memref_squeeze %dma_start3A_88 : memref<1x40xi32, #tpu.memory_space<vmem>> -> memref<40xi32, #tpu.memory_space<vmem>>
      %dma_start3A_90 = arith.constant 0 : i32
      %dma_start3A_91 = arith.constant 0 : i32
      %dma_start3A_92 = tpu.memref_slice %arg6[%dma_start3A_90, %dma_start3A_91] : memref<10240x128xf32, #tpu.memory_space<vmem_shared>> -> memref<10240x128xf32, #tpu.memory_space<vmem_shared>>
      tpu.enqueue_indirect_dma source(%arg5 : memref<40x128xf32, #tpu.memory_space<vmem>>) target(%dma_start3A_92 : memref<10240x128xf32, #tpu.memory_space<vmem_shared>>) offsets(%dma_start3A_89 : memref<40xi32, #tpu.memory_space<vmem>>) semaphore(%arg7 : memref<!tpu.dma_semaphore, #tpu.memory_space<semaphore_mem>>) {add = true}
      %dma_start3A_93 = arith.constant 5 : i32
      %dma_start3A_94 = arith.constant 0 : i32
      %dma_start3A_95 = tpu.memref_slice %arg4[%dma_start3A_93, %dma_start3A_94] : memref<8x40xi32, #tpu.memory_space<vmem>> -> memref<1x40xi32, #tpu.memory_space<vmem>>
      %dma_start3A_96 = tpu.memref_squeeze %dma_start3A_95 : memref<1x40xi32, #tpu.memory_space<vmem>> -> memref<40xi32, #tpu.memory_space<vmem>>
      %dma_start3A_97 = arith.constant 0 : i32
      %dma_start3A_98 = arith.constant 0 : i32
      %dma_start3A_99 = tpu.memref_slice %arg6[%dma_start3A_97, %dma_start3A_98] : memref<10240x128xf32, #tpu.memory_space<vmem_shared>> -> memref<10240x128xf32, #tpu.memory_space<vmem_shared>>
      tpu.enqueue_indirect_dma source(%arg5 : memref<40x128xf32, #tpu.memory_space<vmem>>) target(%dma_start3A_99 : memref<10240x128xf32, #tpu.memory_space<vmem_shared>>) offsets(%dma_start3A_96 : memref<40xi32, #tpu.memory_space<vmem>>) semaphore(%arg8 : memref<!tpu.dma_semaphore, #tpu.memory_space<semaphore_mem>>) {add = true}
      %dma_start3A_100 = arith.constant 6 : i32
      %dma_start3A_101 = arith.constant 0 : i32
      %dma_start3A_102 = tpu.memref_slice %arg4[%dma_start3A_100, %dma_start3A_101] : memref<8x40xi32, #tpu.memory_space<vmem>> -> memref<1x40xi32, #tpu.memory_space<vmem>>
      %dma_start3A_103 = tpu.memref_squeeze %dma_start3A_102 : memref<1x40xi32, #tpu.memory_space<vmem>> -> memref<40xi32, #tpu.memory_space<vmem>>
      %dma_start3A_104 = arith.constant 0 : i32
      %dma_start3A_105 = arith.constant 0 : i32
      %dma_start3A_106 = tpu.memref_slice %arg6[%dma_start3A_104, %dma_start3A_105] : memref<10240x128xf32, #tpu.memory_space<vmem_shared>> -> memref<10240x128xf32, #tpu.memory_space<vmem_shared>>
      tpu.enqueue_indirect_dma source(%arg5 : memref<40x128xf32, #tpu.memory_space<vmem>>) target(%dma_start3A_106 : memref<10240x128xf32, #tpu.memory_space<vmem_shared>>) offsets(%dma_start3A_103 : memref<40xi32, #tpu.memory_space<vmem>>) semaphore(%arg7 : memref<!tpu.dma_semaphore, #tpu.memory_space<semaphore_mem>>) {add = true}
      %dma_start3A_107 = arith.constant 7 : i32
      %dma_start3A_108 = arith.constant 0 : i32
      %dma_start3A_109 = tpu.memref_slice %arg4[%dma_start3A_107, %dma_start3A_108] : memref<8x40xi32, #tpu.memory_space<vmem>> -> memref<1x40xi32, #tpu.memory_space<vmem>>
      %dma_start3A_110 = tpu.memref_squeeze %dma_start3A_109 : memref<1x40xi32, #tpu.memory_space<vmem>> -> memref<40xi32, #tpu.memory_space<vmem>>
      %dma_start3A_111 = arith.constant 0 : i32
      %dma_start3A_112 = arith.constant 0 : i32
      %dma_start3A_113 = tpu.memref_slice %arg6[%dma_start3A_111, %dma_start3A_112] : memref<10240x128xf32, #tpu.memory_space<vmem_shared>> -> memref<10240x128xf32, #tpu.memory_space<vmem_shared>>
      tpu.enqueue_indirect_dma source(%arg5 : memref<40x128xf32, #tpu.memory_space<vmem>>) target(%dma_start3A_113 : memref<10240x128xf32, #tpu.memory_space<vmem_shared>>) offsets(%dma_start3A_110 : memref<40xi32, #tpu.memory_space<vmem>>) semaphore(%arg8 : memref<!tpu.dma_semaphore, #tpu.memory_space<semaphore_mem>>) {add = true}
      %dma_wait3A = arith.constant 0 : i32
      %dma_wait3A_114 = arith.constant 0 : i32
      %dma_wait3A_115 = tpu.memref_slice %arg4[%dma_wait3A, %dma_wait3A_114] : memref<8x40xi32, #tpu.memory_space<vmem>> -> memref<1x40xi32, #tpu.memory_space<vmem>>
      %dma_wait3A_116 = tpu.memref_squeeze %dma_wait3A_115 : memref<1x40xi32, #tpu.memory_space<vmem>> -> memref<40xi32, #tpu.memory_space<vmem>>
      %dma_wait3A_117 = arith.constant 0 : i32
      %dma_wait3A_118 = arith.constant 0 : i32
      %dma_wait3A_119 = tpu.memref_slice %arg6[%dma_wait3A_117, %dma_wait3A_118] : memref<10240x128xf32, #tpu.memory_space<vmem_shared>> -> memref<10240x128xf32, #tpu.memory_space<vmem_shared>>
      tpu.wait_indirect_dma semaphore(%arg7 : memref<!tpu.dma_semaphore, #tpu.memory_space<semaphore_mem>>) src(%arg5 : memref<40x128xf32, #tpu.memory_space<vmem>>) dst(%dma_wait3A_119 : memref<10240x128xf32, #tpu.memory_space<vmem_shared>>)
      %dma_wait3A_120 = arith.constant 1 : i32
      %dma_wait3A_121 = arith.constant 0 : i32
      %dma_wait3A_122 = tpu.memref_slice %arg4[%dma_wait3A_120, %dma_wait3A_121] : memref<8x40xi32, #tpu.memory_space<vmem>> -> memref<1x40xi32, #tpu.memory_space<vmem>>
      %dma_wait3A_123 = tpu.memref_squeeze %dma_wait3A_122 : memref<1x40xi32, #tpu.memory_space<vmem>> -> memref<40xi32, #tpu.memory_space<vmem>>
      %dma_wait3A_124 = arith.constant 0 : i32
      %dma_wait3A_125 = arith.constant 0 : i32
      %dma_wait3A_126 = tpu.memref_slice %arg6[%dma_wait3A_124, %dma_wait3A_125] : memref<10240x128xf32, #tpu.memory_space<vmem_shared>> -> memref<10240x128xf32, #tpu.memory_space<vmem_shared>>
      tpu.wait_indirect_dma semaphore(%arg8 : memref<!tpu.dma_semaphore, #tpu.memory_space<semaphore_mem>>) src(%arg5 : memref<40x128xf32, #tpu.memory_space<vmem>>) dst(%dma_wait3A_126 : memref<10240x128xf32, #tpu.memory_space<vmem_shared>>)
      %dma_wait3A_127 = arith.constant 2 : i32
      %dma_wait3A_128 = arith.constant 0 : i32
      %dma_wait3A_129 = tpu.memref_slice %arg4[%dma_wait3A_127, %dma_wait3A_128] : memref<8x40xi32, #tpu.memory_space<vmem>> -> memref<1x40xi32, #tpu.memory_space<vmem>>
      %dma_wait3A_130 = tpu.memref_squeeze %dma_wait3A_129 : memref<1x40xi32, #tpu.memory_space<vmem>> -> memref<40xi32, #tpu.memory_space<vmem>>
      %dma_wait3A_131 = arith.constant 0 : i32
      %dma_wait3A_132 = arith.constant 0 : i32
      %dma_wait3A_133 = tpu.memref_slice %arg6[%dma_wait3A_131, %dma_wait3A_132] : memref<10240x128xf32, #tpu.memory_space<vmem_shared>> -> memref<10240x128xf32, #tpu.memory_space<vmem_shared>>
      tpu.wait_indirect_dma semaphore(%arg7 : memref<!tpu.dma_semaphore, #tpu.memory_space<semaphore_mem>>) src(%arg5 : memref<40x128xf32, #tpu.memory_space<vmem>>) dst(%dma_wait3A_133 : memref<10240x128xf32, #tpu.memory_space<vmem_shared>>)
      %dma_wait3A_134 = arith.constant 3 : i32
      %dma_wait3A_135 = arith.constant 0 : i32
      %dma_wait3A_136 = tpu.memref_slice %arg4[%dma_wait3A_134, %dma_wait3A_135] : memref<8x40xi32, #tpu.memory_space<vmem>> -> memref<1x40xi32, #tpu.memory_space<vmem>>
      %dma_wait3A_137 = tpu.memref_squeeze %dma_wait3A_136 : memref<1x40xi32, #tpu.memory_space<vmem>> -> memref<40xi32, #tpu.memory_space<vmem>>
      %dma_wait3A_138 = arith.constant 0 : i32
      %dma_wait3A_139 = arith.constant 0 : i32
      %dma_wait3A_140 = tpu.memref_slice %arg6[%dma_wait3A_138, %dma_wait3A_139] : memref<10240x128xf32, #tpu.memory_space<vmem_shared>> -> memref<10240x128xf32, #tpu.memory_space<vmem_shared>>
      tpu.wait_indirect_dma semaphore(%arg8 : memref<!tpu.dma_semaphore, #tpu.memory_space<semaphore_mem>>) src(%arg5 : memref<40x128xf32, #tpu.memory_space<vmem>>) dst(%dma_wait3A_140 : memref<10240x128xf32, #tpu.memory_space<vmem_shared>>)
      %dma_wait3A_141 = arith.constant 4 : i32
      %dma_wait3A_142 = arith.constant 0 : i32
      %dma_wait3A_143 = tpu.memref_slice %arg4[%dma_wait3A_141, %dma_wait3A_142] : memref<8x40xi32, #tpu.memory_space<vmem>> -> memref<1x40xi32, #tpu.memory_space<vmem>>
      %dma_wait3A_144 = tpu.memref_squeeze %dma_wait3A_143 : memref<1x40xi32, #tpu.memory_space<vmem>> -> memref<40xi32, #tpu.memory_space<vmem>>
      %dma_wait3A_145 = arith.constant 0 : i32
      %dma_wait3A_146 = arith.constant 0 : i32
      %dma_wait3A_147 = tpu.memref_slice %arg6[%dma_wait3A_145, %dma_wait3A_146] : memref<10240x128xf32, #tpu.memory_space<vmem_shared>> -> memref<10240x128xf32, #tpu.memory_space<vmem_shared>>
      tpu.wait_indirect_dma semaphore(%arg7 : memref<!tpu.dma_semaphore, #tpu.memory_space<semaphore_mem>>) src(%arg5 : memref<40x128xf32, #tpu.memory_space<vmem>>) dst(%dma_wait3A_147 : memref<10240x128xf32, #tpu.memory_space<vmem_shared>>)
      %dma_wait3A_148 = arith.constant 5 : i32
      %dma_wait3A_149 = arith.constant 0 : i32
      %dma_wait3A_150 = tpu.memref_slice %arg4[%dma_wait3A_148, %dma_wait3A_149] : memref<8x40xi32, #tpu.memory_space<vmem>> -> memref<1x40xi32, #tpu.memory_space<vmem>>
      %dma_wait3A_151 = tpu.memref_squeeze %dma_wait3A_150 : memref<1x40xi32, #tpu.memory_space<vmem>> -> memref<40xi32, #tpu.memory_space<vmem>>
      %dma_wait3A_152 = arith.constant 0 : i32
      %dma_wait3A_153 = arith.constant 0 : i32
      %dma_wait3A_154 = tpu.memref_slice %arg6[%dma_wait3A_152, %dma_wait3A_153] : memref<10240x128xf32, #tpu.memory_space<vmem_shared>> -> memref<10240x128xf32, #tpu.memory_space<vmem_shared>>
      tpu.wait_indirect_dma semaphore(%arg8 : memref<!tpu.dma_semaphore, #tpu.memory_space<semaphore_mem>>) src(%arg5 : memref<40x128xf32, #tpu.memory_space<vmem>>) dst(%dma_wait3A_154 : memref<10240x128xf32, #tpu.memory_space<vmem_shared>>)
      %dma_wait3A_155 = arith.constant 6 : i32
      %dma_wait3A_156 = arith.constant 0 : i32
      %dma_wait3A_157 = tpu.memref_slice %arg4[%dma_wait3A_155, %dma_wait3A_156] : memref<8x40xi32, #tpu.memory_space<vmem>> -> memref<1x40xi32, #tpu.memory_space<vmem>>
      %dma_wait3A_158 = tpu.memref_squeeze %dma_wait3A_157 : memref<1x40xi32, #tpu.memory_space<vmem>> -> memref<40xi32, #tpu.memory_space<vmem>>
      %dma_wait3A_159 = arith.constant 0 : i32
      %dma_wait3A_160 = arith.constant 0 : i32
      %dma_wait3A_161 = tpu.memref_slice %arg6[%dma_wait3A_159, %dma_wait3A_160] : memref<10240x128xf32, #tpu.memory_space<vmem_shared>> -> memref<10240x128xf32, #tpu.memory_space<vmem_shared>>
      tpu.wait_indirect_dma semaphore(%arg7 : memref<!tpu.dma_semaphore, #tpu.memory_space<semaphore_mem>>) src(%arg5 : memref<40x128xf32, #tpu.memory_space<vmem>>) dst(%dma_wait3A_161 : memref<10240x128xf32, #tpu.memory_space<vmem_shared>>)
      %dma_wait3A_162 = arith.constant 7 : i32
      %dma_wait3A_163 = arith.constant 0 : i32
      %dma_wait3A_164 = tpu.memref_slice %arg4[%dma_wait3A_162, %dma_wait3A_163] : memref<8x40xi32, #tpu.memory_space<vmem>> -> memref<1x40xi32, #tpu.memory_space<vmem>>
      %dma_wait3A_165 = tpu.memref_squeeze %dma_wait3A_164 : memref<1x40xi32, #tpu.memory_space<vmem>> -> memref<40xi32, #tpu.memory_space<vmem>>
      %dma_wait3A_166 = arith.constant 0 : i32
      %dma_wait3A_167 = arith.constant 0 : i32
      %dma_wait3A_168 = tpu.memref_slice %arg6[%dma_wait3A_166, %dma_wait3A_167] : memref<10240x128xf32, #tpu.memory_space<vmem_shared>> -> memref<10240x128xf32, #tpu.memory_space<vmem_shared>>
      tpu.wait_indirect_dma semaphore(%arg8 : memref<!tpu.dma_semaphore, #tpu.memory_space<semaphore_mem>>) src(%arg5 : memref<40x128xf32, #tpu.memory_space<vmem>>) dst(%dma_wait3A_168 : memref<10240x128xf32, #tpu.memory_space<vmem_shared>>)
    }
    %scan3A_54 = arith.constant 32 : i32
    %barrier3A_55 = arith.constant 0 : index
    tpu.barrier barrier_id(%barrier3A_55)
    "tpu.region"() ({
      %run_scoped3A = tpu.sem_alloc : memref<!tpu.dma_semaphore, #tpu.memory_space<semaphore_mem>>
      %dma_start3A = arith.constant 0 : i32
      %dma_start3A_56 = tpu.memref_slice %arg3[%arg0, %mul3A_8, %dma_start3A] : memref<2x10240x128xf32, #tpu.memory_space<hbm>> -> memref<1x640x128xf32, #tpu.memory_space<hbm>>
      %dma_start3A_57 = tpu.memref_squeeze %dma_start3A_56 : memref<1x640x128xf32, #tpu.memory_space<hbm>> -> memref<640x128xf32, #tpu.memory_space<hbm>>
      %dma_start3A_58 = arith.constant 0 : i32
      %dma_start3A_59 = tpu.memref_slice %arg6[%mul3A_8, %dma_start3A_58] : memref<10240x128xf32, #tpu.memory_space<vmem_shared>> -> memref<640x128xf32, #tpu.memory_space<vmem_shared>>
      tpu.enqueue_dma source(%dma_start3A_59 : memref<640x128xf32, #tpu.memory_space<vmem_shared>>) target(%dma_start3A_57 : memref<640x128xf32, #tpu.memory_space<hbm>>) target_semaphore(%run_scoped3A : memref<!tpu.dma_semaphore, #tpu.memory_space<semaphore_mem>>)
      %dma_wait3A = arith.constant 0 : i32
      %dma_wait3A_60 = tpu.memref_slice %arg3[%arg0, %mul3A_8, %dma_wait3A] : memref<2x10240x128xf32, #tpu.memory_space<hbm>> -> memref<1x640x128xf32, #tpu.memory_space<hbm>>
      %dma_wait3A_61 = tpu.memref_squeeze %dma_wait3A_60 : memref<1x640x128xf32, #tpu.memory_space<hbm>> -> memref<640x128xf32, #tpu.memory_space<hbm>>
      %dma_wait3A_62 = arith.constant 0 : i32
      %dma_wait3A_63 = tpu.memref_slice %arg6[%mul3A_8, %dma_wait3A_62] : memref<10240x128xf32, #tpu.memory_space<vmem_shared>> -> memref<640x128xf32, #tpu.memory_space<vmem_shared>>
      tpu.wait_dma2 semaphore(%run_scoped3A : memref<!tpu.dma_semaphore, #tpu.memory_space<semaphore_mem>>) src(%dma_wait3A_63 : memref<640x128xf32, #tpu.memory_space<vmem_shared>>) dst(%dma_wait3A_61 : memref<640x128xf32, #tpu.memory_space<hbm>>)
      tpu.yield
    }) : () -> ()
    return
  }
}

#map = affine_map<(d0, d1) -> (0, 0)>
#map1 = affine_map<(d0, d1) -> (0)>
#map2 = affine_map<(d0, d1) -> (0, 0, 0)>
module attributes {stable_mosaic.version = 14 : i64} {
  func.func @_agg_body(%arg0: i32, %arg1: i32, %arg2: memref<10000x128xf32, #tpu.memory_space<hbm>>, %arg3: memref<327680xi32, #tpu.memory_space<hbm>>, %arg4: memref<32x80x128xi32, #tpu.memory_space<hbm>>, %arg5: memref<2x10240x128xf32, #tpu.memory_space<hbm>>, %arg6: memref<1024xi32, #tpu.memory_space<vmem>>, %arg7: memref<8x128xi32, #tpu.memory_space<vmem>>, %arg8: memref<2x128x128xf32, #tpu.memory_space<vmem>>, %arg9: memref<10240x128xf32, #tpu.memory_space<vmem_shared>>, %arg10: memref<!tpu.dma_semaphore, #tpu.memory_space<semaphore_mem>>, %arg11: memref<!tpu.dma_semaphore, #tpu.memory_space<semaphore_mem>>, %arg12: memref<!tpu.dma_semaphore, #tpu.memory_space<semaphore_mem>>, %arg13: memref<!tpu.dma_semaphore, #tpu.memory_space<semaphore_mem>>) attributes {dimension_semantics = [#tpu.dimension_semantics<core_parallel>, #tpu.dimension_semantics<subcore_parallel>], iteration_bounds = array<i64: 2, 16>, scalar_prefetch = 0 : i64, scratch_operands = 8 : i64, tpu.core_type = #tpu.core_type<sc_vector_subcore>, window_params = [{transform_indices = #map}, {transform_indices = #map1}, {transform_indices = #map2}, {transform_indices = #map2}]} {
    %mul3A = arith.constant 2 : i32
    %mul3A_0 = arith.muli %arg1, %mul3A : i32
    %add3A = arith.addi %mul3A_0, %arg0 : i32
    %broadcast_in_dim3A = arith.constant 0.000000e+00 : f32
    %broadcast_in_dim3A_1 = vector.broadcast %broadcast_in_dim3A : f32 to vector<16xf32>
    %scan3A = arith.constant 0 : i32
    %scan3A_2 = arith.constant 0 : i32
    %scan3A_3 = arith.constant 0 : i32
    %scan3A_4 = arith.constant 128 : i32
    %scan3A_5 = arith.addi %scan3A_3, %scan3A_4 : i32
    %scan3A_6 = arith.constant 1 : i32
    scf.for %scan3A_31 = %scan3A_3 to %scan3A_5 step %scan3A_6  : i32 {
      %swap3A = arith.constant 0 : i32
      %swap3A_32 = arith.constant 0 : i32
      %swap3A_33 = tpu.memref_slice %arg8[%scan3A_2, %swap3A, %swap3A_32] : memref<2x128x128xf32, #tpu.memory_space<vmem>> -> memref<1x128x128xf32, #tpu.memory_space<vmem>>
      %swap3A_34 = tpu.memref_squeeze %swap3A_33 : memref<1x128x128xf32, #tpu.memory_space<vmem>> -> memref<128x128xf32, #tpu.memory_space<vmem>>
      %swap3A_35 = arith.index_cast %scan3A_31 : i32 to index
      %swap3A_36 = arith.constant 0 : index
      %swap3A_37 = tpu.vector_load %swap3A_34[%swap3A_35, %swap3A_36] {strides = array<i32>} : memref<128x128xf32, #tpu.memory_space<vmem>>, vector<1x16xf32>,
      %swap3A_38 = vector.shape_cast %swap3A_37 : vector<1x16xf32> to vector<16xf32>
      %swap3A_39 = vector.shape_cast %broadcast_in_dim3A_1 : vector<16xf32> to vector<1x16xf32>
      tpu.vector_store %swap3A_34[%swap3A_35, %swap3A_36], %swap3A_39 {strides = array<i32>} : memref<128x128xf32, #tpu.memory_space<vmem>>, vector<1x16xf32>,
      %swap3A_40 = arith.constant 0 : i32
      %swap3A_41 = arith.constant 0 : i32
      %swap3A_42 = tpu.memref_slice %arg8[%scan3A_2, %swap3A_40, %swap3A_41] : memref<2x128x128xf32, #tpu.memory_space<vmem>> -> memref<1x128x128xf32, #tpu.memory_space<vmem>>
      %swap3A_43 = tpu.memref_squeeze %swap3A_42 : memref<1x128x128xf32, #tpu.memory_space<vmem>> -> memref<128x128xf32, #tpu.memory_space<vmem>>
      %swap3A_44 = arith.index_cast %scan3A_31 : i32 to index
      %swap3A_45 = arith.constant 16 : index
      %swap3A_46 = tpu.vector_load %swap3A_43[%swap3A_44, %swap3A_45] {strides = array<i32>} : memref<128x128xf32, #tpu.memory_space<vmem>>, vector<1x16xf32>,
      %swap3A_47 = vector.shape_cast %swap3A_46 : vector<1x16xf32> to vector<16xf32>
      %swap3A_48 = vector.shape_cast %broadcast_in_dim3A_1 : vector<16xf32> to vector<1x16xf32>
      tpu.vector_store %swap3A_43[%swap3A_44, %swap3A_45], %swap3A_48 {strides = array<i32>} : memref<128x128xf32, #tpu.memory_space<vmem>>, vector<1x16xf32>,
      %swap3A_49 = arith.constant 0 : i32
      %swap3A_50 = arith.constant 0 : i32
      %swap3A_51 = tpu.memref_slice %arg8[%scan3A_2, %swap3A_49, %swap3A_50] : memref<2x128x128xf32, #tpu.memory_space<vmem>> -> memref<1x128x128xf32, #tpu.memory_space<vmem>>
      %swap3A_52 = tpu.memref_squeeze %swap3A_51 : memref<1x128x128xf32, #tpu.memory_space<vmem>> -> memref<128x128xf32, #tpu.memory_space<vmem>>
      %swap3A_53 = arith.index_cast %scan3A_31 : i32 to index
      %swap3A_54 = arith.constant 32 : index
      %swap3A_55 = tpu.vector_load %swap3A_52[%swap3A_53, %swap3A_54] {strides = array<i32>} : memref<128x128xf32, #tpu.memory_space<vmem>>, vector<1x16xf32>,
      %swap3A_56 = vector.shape_cast %swap3A_55 : vector<1x16xf32> to vector<16xf32>
      %swap3A_57 = vector.shape_cast %broadcast_in_dim3A_1 : vector<16xf32> to vector<1x16xf32>
      tpu.vector_store %swap3A_52[%swap3A_53, %swap3A_54], %swap3A_57 {strides = array<i32>} : memref<128x128xf32, #tpu.memory_space<vmem>>, vector<1x16xf32>,
      %swap3A_58 = arith.constant 0 : i32
      %swap3A_59 = arith.constant 0 : i32
      %swap3A_60 = tpu.memref_slice %arg8[%scan3A_2, %swap3A_58, %swap3A_59] : memref<2x128x128xf32, #tpu.memory_space<vmem>> -> memref<1x128x128xf32, #tpu.memory_space<vmem>>
      %swap3A_61 = tpu.memref_squeeze %swap3A_60 : memref<1x128x128xf32, #tpu.memory_space<vmem>> -> memref<128x128xf32, #tpu.memory_space<vmem>>
      %swap3A_62 = arith.index_cast %scan3A_31 : i32 to index
      %swap3A_63 = arith.constant 48 : index
      %swap3A_64 = tpu.vector_load %swap3A_61[%swap3A_62, %swap3A_63] {strides = array<i32>} : memref<128x128xf32, #tpu.memory_space<vmem>>, vector<1x16xf32>,
      %swap3A_65 = vector.shape_cast %swap3A_64 : vector<1x16xf32> to vector<16xf32>
      %swap3A_66 = vector.shape_cast %broadcast_in_dim3A_1 : vector<16xf32> to vector<1x16xf32>
      tpu.vector_store %swap3A_61[%swap3A_62, %swap3A_63], %swap3A_66 {strides = array<i32>} : memref<128x128xf32, #tpu.memory_space<vmem>>, vector<1x16xf32>,
      %swap3A_67 = arith.constant 0 : i32
      %swap3A_68 = arith.constant 0 : i32
      %swap3A_69 = tpu.memref_slice %arg8[%scan3A_2, %swap3A_67, %swap3A_68] : memref<2x128x128xf32, #tpu.memory_space<vmem>> -> memref<1x128x128xf32, #tpu.memory_space<vmem>>
      %swap3A_70 = tpu.memref_squeeze %swap3A_69 : memref<1x128x128xf32, #tpu.memory_space<vmem>> -> memref<128x128xf32, #tpu.memory_space<vmem>>
      %swap3A_71 = arith.index_cast %scan3A_31 : i32 to index
      %swap3A_72 = arith.constant 64 : index
      %swap3A_73 = tpu.vector_load %swap3A_70[%swap3A_71, %swap3A_72] {strides = array<i32>} : memref<128x128xf32, #tpu.memory_space<vmem>>, vector<1x16xf32>,
      %swap3A_74 = vector.shape_cast %swap3A_73 : vector<1x16xf32> to vector<16xf32>
      %swap3A_75 = vector.shape_cast %broadcast_in_dim3A_1 : vector<16xf32> to vector<1x16xf32>
      tpu.vector_store %swap3A_70[%swap3A_71, %swap3A_72], %swap3A_75 {strides = array<i32>} : memref<128x128xf32, #tpu.memory_space<vmem>>, vector<1x16xf32>,
      %swap3A_76 = arith.constant 0 : i32
      %swap3A_77 = arith.constant 0 : i32
      %swap3A_78 = tpu.memref_slice %arg8[%scan3A_2, %swap3A_76, %swap3A_77] : memref<2x128x128xf32, #tpu.memory_space<vmem>> -> memref<1x128x128xf32, #tpu.memory_space<vmem>>
      %swap3A_79 = tpu.memref_squeeze %swap3A_78 : memref<1x128x128xf32, #tpu.memory_space<vmem>> -> memref<128x128xf32, #tpu.memory_space<vmem>>
      %swap3A_80 = arith.index_cast %scan3A_31 : i32 to index
      %swap3A_81 = arith.constant 80 : index
      %swap3A_82 = tpu.vector_load %swap3A_79[%swap3A_80, %swap3A_81] {strides = array<i32>} : memref<128x128xf32, #tpu.memory_space<vmem>>, vector<1x16xf32>,
      %swap3A_83 = vector.shape_cast %swap3A_82 : vector<1x16xf32> to vector<16xf32>
      %swap3A_84 = vector.shape_cast %broadcast_in_dim3A_1 : vector<16xf32> to vector<1x16xf32>
      tpu.vector_store %swap3A_79[%swap3A_80, %swap3A_81], %swap3A_84 {strides = array<i32>} : memref<128x128xf32, #tpu.memory_space<vmem>>, vector<1x16xf32>,
      %swap3A_85 = arith.constant 0 : i32
      %swap3A_86 = arith.constant 0 : i32
      %swap3A_87 = tpu.memref_slice %arg8[%scan3A_2, %swap3A_85, %swap3A_86] : memref<2x128x128xf32, #tpu.memory_space<vmem>> -> memref<1x128x128xf32, #tpu.memory_space<vmem>>
      %swap3A_88 = tpu.memref_squeeze %swap3A_87 : memref<1x128x128xf32, #tpu.memory_space<vmem>> -> memref<128x128xf32, #tpu.memory_space<vmem>>
      %swap3A_89 = arith.index_cast %scan3A_31 : i32 to index
      %swap3A_90 = arith.constant 96 : index
      %swap3A_91 = tpu.vector_load %swap3A_88[%swap3A_89, %swap3A_90] {strides = array<i32>} : memref<128x128xf32, #tpu.memory_space<vmem>>, vector<1x16xf32>,
      %swap3A_92 = vector.shape_cast %swap3A_91 : vector<1x16xf32> to vector<16xf32>
      %swap3A_93 = vector.shape_cast %broadcast_in_dim3A_1 : vector<16xf32> to vector<1x16xf32>
      tpu.vector_store %swap3A_88[%swap3A_89, %swap3A_90], %swap3A_93 {strides = array<i32>} : memref<128x128xf32, #tpu.memory_space<vmem>>, vector<1x16xf32>,
      %swap3A_94 = arith.constant 0 : i32
      %swap3A_95 = arith.constant 0 : i32
      %swap3A_96 = tpu.memref_slice %arg8[%scan3A_2, %swap3A_94, %swap3A_95] : memref<2x128x128xf32, #tpu.memory_space<vmem>> -> memref<1x128x128xf32, #tpu.memory_space<vmem>>
      %swap3A_97 = tpu.memref_squeeze %swap3A_96 : memref<1x128x128xf32, #tpu.memory_space<vmem>> -> memref<128x128xf32, #tpu.memory_space<vmem>>
      %swap3A_98 = arith.index_cast %scan3A_31 : i32 to index
      %swap3A_99 = arith.constant 112 : index
      %swap3A_100 = tpu.vector_load %swap3A_97[%swap3A_98, %swap3A_99] {strides = array<i32>} : memref<128x128xf32, #tpu.memory_space<vmem>>, vector<1x16xf32>,
      %swap3A_101 = vector.shape_cast %swap3A_100 : vector<1x16xf32> to vector<16xf32>
      %swap3A_102 = vector.shape_cast %broadcast_in_dim3A_1 : vector<16xf32> to vector<1x16xf32>
      tpu.vector_store %swap3A_97[%swap3A_98, %swap3A_99], %swap3A_102 {strides = array<i32>} : memref<128x128xf32, #tpu.memory_space<vmem>>, vector<1x16xf32>,
    }
    %scan3A_7 = arith.constant 128 : i32
    %mul3A_8 = arith.constant 640 : i32
    %mul3A_9 = arith.muli %arg1, %mul3A_8 : i32
    %add3A_10 = arith.constant 0 : i32
    %add3A_11 = arith.addi %mul3A_9, %add3A_10 : i32
    %run_scoped3A = arith.constant 0 : i32
    "tpu.region"() ({
      %run_scoped3A_31 = tpu.sem_alloc : memref<!tpu.dma_semaphore, #tpu.memory_space<semaphore_mem>>
      %dma_start3A = arith.constant 0 : i32
      %dma_start3A_32 = arith.constant 0 : i32
      %dma_start3A_33 = tpu.memref_slice %arg8[%run_scoped3A, %dma_start3A, %dma_start3A_32] : memref<2x128x128xf32, #tpu.memory_space<vmem>> -> memref<1x128x128xf32, #tpu.memory_space<vmem>>
      %dma_start3A_34 = tpu.memref_squeeze %dma_start3A_33 : memref<1x128x128xf32, #tpu.memory_space<vmem>> -> memref<128x128xf32, #tpu.memory_space<vmem>>
      %dma_start3A_35 = arith.constant 0 : i32
      %dma_start3A_36 = tpu.memref_slice %arg9[%add3A_11, %dma_start3A_35] : memref<10240x128xf32, #tpu.memory_space<vmem_shared>> -> memref<128x128xf32, #tpu.memory_space<vmem_shared>>
      %dma_start3A_37 = arith.constant 0 : i32
      %dma_start3A_38 = tpu.memref_slice %arg9[%add3A_11, %dma_start3A_37] : memref<10240x128xf32, #tpu.memory_space<vmem_shared>> -> memref<128x128xf32, #tpu.memory_space<vmem_shared>>
      %dma_start3A_39 = arith.constant 0 : i32
      %dma_start3A_40 = arith.constant 0 : i32
      %dma_start3A_41 = tpu.memref_slice %arg8[%run_scoped3A, %dma_start3A_39, %dma_start3A_40] : memref<2x128x128xf32, #tpu.memory_space<vmem>> -> memref<1x128x128xf32, #tpu.memory_space<vmem>>
      %dma_start3A_42 = tpu.memref_squeeze %dma_start3A_41 : memref<1x128x128xf32, #tpu.memory_space<vmem>> -> memref<128x128xf32, #tpu.memory_space<vmem>>
      tpu.enqueue_dma source(%dma_start3A_42 : memref<128x128xf32, #tpu.memory_space<vmem>>) target(%dma_start3A_38 : memref<128x128xf32, #tpu.memory_space<vmem_shared>>) target_semaphore(%run_scoped3A_31 : memref<!tpu.dma_semaphore, #tpu.memory_space<semaphore_mem>>)
      %dma_wait3A = arith.constant 0 : i32
      %dma_wait3A_43 = arith.constant 0 : i32
      %dma_wait3A_44 = tpu.memref_slice %arg8[%run_scoped3A, %dma_wait3A, %dma_wait3A_43] : memref<2x128x128xf32, #tpu.memory_space<vmem>> -> memref<1x128x128xf32, #tpu.memory_space<vmem>>
      %dma_wait3A_45 = tpu.memref_squeeze %dma_wait3A_44 : memref<1x128x128xf32, #tpu.memory_space<vmem>> -> memref<128x128xf32, #tpu.memory_space<vmem>>
      %dma_wait3A_46 = arith.constant 0 : i32
      %dma_wait3A_47 = tpu.memref_slice %arg9[%add3A_11, %dma_wait3A_46] : memref<10240x128xf32, #tpu.memory_space<vmem_shared>> -> memref<128x128xf32, #tpu.memory_space<vmem_shared>>
      %dma_wait3A_48 = arith.constant 0 : i32
      %dma_wait3A_49 = tpu.memref_slice %arg9[%add3A_11, %dma_wait3A_48] : memref<10240x128xf32, #tpu.memory_space<vmem_shared>> -> memref<128x128xf32, #tpu.memory_space<vmem_shared>>
      %dma_wait3A_50 = arith.constant 0 : i32
      %dma_wait3A_51 = arith.constant 0 : i32
      %dma_wait3A_52 = tpu.memref_slice %arg8[%run_scoped3A, %dma_wait3A_50, %dma_wait3A_51] : memref<2x128x128xf32, #tpu.memory_space<vmem>> -> memref<1x128x128xf32, #tpu.memory_space<vmem>>
      %dma_wait3A_53 = tpu.memref_squeeze %dma_wait3A_52 : memref<1x128x128xf32, #tpu.memory_space<vmem>> -> memref<128x128xf32, #tpu.memory_space<vmem>>
      tpu.wait_dma2 semaphore(%run_scoped3A_31 : memref<!tpu.dma_semaphore, #tpu.memory_space<semaphore_mem>>) src(%dma_wait3A_53 : memref<128x128xf32, #tpu.memory_space<vmem>>) dst(%dma_wait3A_49 : memref<128x128xf32, #tpu.memory_space<vmem_shared>>)
      tpu.yield
    }) : () -> ()
    %add3A_12 = arith.constant 128 : i32
    %add3A_13 = arith.addi %mul3A_9, %add3A_12 : i32
    %run_scoped3A_14 = arith.constant 0 : i32
    "tpu.region"() ({
      %run_scoped3A_31 = tpu.sem_alloc : memref<!tpu.dma_semaphore, #tpu.memory_space<semaphore_mem>>
      %dma_start3A = arith.constant 0 : i32
      %dma_start3A_32 = arith.constant 0 : i32
      %dma_start3A_33 = tpu.memref_slice %arg8[%run_scoped3A_14, %dma_start3A, %dma_start3A_32] : memref<2x128x128xf32, #tpu.memory_space<vmem>> -> memref<1x128x128xf32, #tpu.memory_space<vmem>>
      %dma_start3A_34 = tpu.memref_squeeze %dma_start3A_33 : memref<1x128x128xf32, #tpu.memory_space<vmem>> -> memref<128x128xf32, #tpu.memory_space<vmem>>
      %dma_start3A_35 = arith.constant 0 : i32
      %dma_start3A_36 = tpu.memref_slice %arg9[%add3A_13, %dma_start3A_35] : memref<10240x128xf32, #tpu.memory_space<vmem_shared>> -> memref<128x128xf32, #tpu.memory_space<vmem_shared>>
      %dma_start3A_37 = arith.constant 0 : i32
      %dma_start3A_38 = tpu.memref_slice %arg9[%add3A_13, %dma_start3A_37] : memref<10240x128xf32, #tpu.memory_space<vmem_shared>> -> memref<128x128xf32, #tpu.memory_space<vmem_shared>>
      %dma_start3A_39 = arith.constant 0 : i32
      %dma_start3A_40 = arith.constant 0 : i32
      %dma_start3A_41 = tpu.memref_slice %arg8[%run_scoped3A_14, %dma_start3A_39, %dma_start3A_40] : memref<2x128x128xf32, #tpu.memory_space<vmem>> -> memref<1x128x128xf32, #tpu.memory_space<vmem>>
      %dma_start3A_42 = tpu.memref_squeeze %dma_start3A_41 : memref<1x128x128xf32, #tpu.memory_space<vmem>> -> memref<128x128xf32, #tpu.memory_space<vmem>>
      tpu.enqueue_dma source(%dma_start3A_42 : memref<128x128xf32, #tpu.memory_space<vmem>>) target(%dma_start3A_38 : memref<128x128xf32, #tpu.memory_space<vmem_shared>>) target_semaphore(%run_scoped3A_31 : memref<!tpu.dma_semaphore, #tpu.memory_space<semaphore_mem>>)
      %dma_wait3A = arith.constant 0 : i32
      %dma_wait3A_43 = arith.constant 0 : i32
      %dma_wait3A_44 = tpu.memref_slice %arg8[%run_scoped3A_14, %dma_wait3A, %dma_wait3A_43] : memref<2x128x128xf32, #tpu.memory_space<vmem>> -> memref<1x128x128xf32, #tpu.memory_space<vmem>>
      %dma_wait3A_45 = tpu.memref_squeeze %dma_wait3A_44 : memref<1x128x128xf32, #tpu.memory_space<vmem>> -> memref<128x128xf32, #tpu.memory_space<vmem>>
      %dma_wait3A_46 = arith.constant 0 : i32
      %dma_wait3A_47 = tpu.memref_slice %arg9[%add3A_13, %dma_wait3A_46] : memref<10240x128xf32, #tpu.memory_space<vmem_shared>> -> memref<128x128xf32, #tpu.memory_space<vmem_shared>>
      %dma_wait3A_48 = arith.constant 0 : i32
      %dma_wait3A_49 = tpu.memref_slice %arg9[%add3A_13, %dma_wait3A_48] : memref<10240x128xf32, #tpu.memory_space<vmem_shared>> -> memref<128x128xf32, #tpu.memory_space<vmem_shared>>
      %dma_wait3A_50 = arith.constant 0 : i32
      %dma_wait3A_51 = arith.constant 0 : i32
      %dma_wait3A_52 = tpu.memref_slice %arg8[%run_scoped3A_14, %dma_wait3A_50, %dma_wait3A_51] : memref<2x128x128xf32, #tpu.memory_space<vmem>> -> memref<1x128x128xf32, #tpu.memory_space<vmem>>
      %dma_wait3A_53 = tpu.memref_squeeze %dma_wait3A_52 : memref<1x128x128xf32, #tpu.memory_space<vmem>> -> memref<128x128xf32, #tpu.memory_space<vmem>>
      tpu.wait_dma2 semaphore(%run_scoped3A_31 : memref<!tpu.dma_semaphore, #tpu.memory_space<semaphore_mem>>) src(%dma_wait3A_53 : memref<128x128xf32, #tpu.memory_space<vmem>>) dst(%dma_wait3A_49 : memref<128x128xf32, #tpu.memory_space<vmem_shared>>)
      tpu.yield
    }) : () -> ()
    %add3A_15 = arith.constant 256 : i32
    %add3A_16 = arith.addi %mul3A_9, %add3A_15 : i32
    %run_scoped3A_17 = arith.constant 0 : i32
    "tpu.region"() ({
      %run_scoped3A_31 = tpu.sem_alloc : memref<!tpu.dma_semaphore, #tpu.memory_space<semaphore_mem>>
      %dma_start3A = arith.constant 0 : i32
      %dma_start3A_32 = arith.constant 0 : i32
      %dma_start3A_33 = tpu.memref_slice %arg8[%run_scoped3A_17, %dma_start3A, %dma_start3A_32] : memref<2x128x128xf32, #tpu.memory_space<vmem>> -> memref<1x128x128xf32, #tpu.memory_space<vmem>>
      %dma_start3A_34 = tpu.memref_squeeze %dma_start3A_33 : memref<1x128x128xf32, #tpu.memory_space<vmem>> -> memref<128x128xf32, #tpu.memory_space<vmem>>
      %dma_start3A_35 = arith.constant 0 : i32
      %dma_start3A_36 = tpu.memref_slice %arg9[%add3A_16, %dma_start3A_35] : memref<10240x128xf32, #tpu.memory_space<vmem_shared>> -> memref<128x128xf32, #tpu.memory_space<vmem_shared>>
      %dma_start3A_37 = arith.constant 0 : i32
      %dma_start3A_38 = tpu.memref_slice %arg9[%add3A_16, %dma_start3A_37] : memref<10240x128xf32, #tpu.memory_space<vmem_shared>> -> memref<128x128xf32, #tpu.memory_space<vmem_shared>>
      %dma_start3A_39 = arith.constant 0 : i32
      %dma_start3A_40 = arith.constant 0 : i32
      %dma_start3A_41 = tpu.memref_slice %arg8[%run_scoped3A_17, %dma_start3A_39, %dma_start3A_40] : memref<2x128x128xf32, #tpu.memory_space<vmem>> -> memref<1x128x128xf32, #tpu.memory_space<vmem>>
      %dma_start3A_42 = tpu.memref_squeeze %dma_start3A_41 : memref<1x128x128xf32, #tpu.memory_space<vmem>> -> memref<128x128xf32, #tpu.memory_space<vmem>>
      tpu.enqueue_dma source(%dma_start3A_42 : memref<128x128xf32, #tpu.memory_space<vmem>>) target(%dma_start3A_38 : memref<128x128xf32, #tpu.memory_space<vmem_shared>>) target_semaphore(%run_scoped3A_31 : memref<!tpu.dma_semaphore, #tpu.memory_space<semaphore_mem>>)
      %dma_wait3A = arith.constant 0 : i32
      %dma_wait3A_43 = arith.constant 0 : i32
      %dma_wait3A_44 = tpu.memref_slice %arg8[%run_scoped3A_17, %dma_wait3A, %dma_wait3A_43] : memref<2x128x128xf32, #tpu.memory_space<vmem>> -> memref<1x128x128xf32, #tpu.memory_space<vmem>>
      %dma_wait3A_45 = tpu.memref_squeeze %dma_wait3A_44 : memref<1x128x128xf32, #tpu.memory_space<vmem>> -> memref<128x128xf32, #tpu.memory_space<vmem>>
      %dma_wait3A_46 = arith.constant 0 : i32
      %dma_wait3A_47 = tpu.memref_slice %arg9[%add3A_16, %dma_wait3A_46] : memref<10240x128xf32, #tpu.memory_space<vmem_shared>> -> memref<128x128xf32, #tpu.memory_space<vmem_shared>>
      %dma_wait3A_48 = arith.constant 0 : i32
      %dma_wait3A_49 = tpu.memref_slice %arg9[%add3A_16, %dma_wait3A_48] : memref<10240x128xf32, #tpu.memory_space<vmem_shared>> -> memref<128x128xf32, #tpu.memory_space<vmem_shared>>
      %dma_wait3A_50 = arith.constant 0 : i32
      %dma_wait3A_51 = arith.constant 0 : i32
      %dma_wait3A_52 = tpu.memref_slice %arg8[%run_scoped3A_17, %dma_wait3A_50, %dma_wait3A_51] : memref<2x128x128xf32, #tpu.memory_space<vmem>> -> memref<1x128x128xf32, #tpu.memory_space<vmem>>
      %dma_wait3A_53 = tpu.memref_squeeze %dma_wait3A_52 : memref<1x128x128xf32, #tpu.memory_space<vmem>> -> memref<128x128xf32, #tpu.memory_space<vmem>>
      tpu.wait_dma2 semaphore(%run_scoped3A_31 : memref<!tpu.dma_semaphore, #tpu.memory_space<semaphore_mem>>) src(%dma_wait3A_53 : memref<128x128xf32, #tpu.memory_space<vmem>>) dst(%dma_wait3A_49 : memref<128x128xf32, #tpu.memory_space<vmem_shared>>)
      tpu.yield
    }) : () -> ()
    %add3A_18 = arith.constant 384 : i32
    %add3A_19 = arith.addi %mul3A_9, %add3A_18 : i32
    %run_scoped3A_20 = arith.constant 0 : i32
    "tpu.region"() ({
      %run_scoped3A_31 = tpu.sem_alloc : memref<!tpu.dma_semaphore, #tpu.memory_space<semaphore_mem>>
      %dma_start3A = arith.constant 0 : i32
      %dma_start3A_32 = arith.constant 0 : i32
      %dma_start3A_33 = tpu.memref_slice %arg8[%run_scoped3A_20, %dma_start3A, %dma_start3A_32] : memref<2x128x128xf32, #tpu.memory_space<vmem>> -> memref<1x128x128xf32, #tpu.memory_space<vmem>>
      %dma_start3A_34 = tpu.memref_squeeze %dma_start3A_33 : memref<1x128x128xf32, #tpu.memory_space<vmem>> -> memref<128x128xf32, #tpu.memory_space<vmem>>
      %dma_start3A_35 = arith.constant 0 : i32
      %dma_start3A_36 = tpu.memref_slice %arg9[%add3A_19, %dma_start3A_35] : memref<10240x128xf32, #tpu.memory_space<vmem_shared>> -> memref<128x128xf32, #tpu.memory_space<vmem_shared>>
      %dma_start3A_37 = arith.constant 0 : i32
      %dma_start3A_38 = tpu.memref_slice %arg9[%add3A_19, %dma_start3A_37] : memref<10240x128xf32, #tpu.memory_space<vmem_shared>> -> memref<128x128xf32, #tpu.memory_space<vmem_shared>>
      %dma_start3A_39 = arith.constant 0 : i32
      %dma_start3A_40 = arith.constant 0 : i32
      %dma_start3A_41 = tpu.memref_slice %arg8[%run_scoped3A_20, %dma_start3A_39, %dma_start3A_40] : memref<2x128x128xf32, #tpu.memory_space<vmem>> -> memref<1x128x128xf32, #tpu.memory_space<vmem>>
      %dma_start3A_42 = tpu.memref_squeeze %dma_start3A_41 : memref<1x128x128xf32, #tpu.memory_space<vmem>> -> memref<128x128xf32, #tpu.memory_space<vmem>>
      tpu.enqueue_dma source(%dma_start3A_42 : memref<128x128xf32, #tpu.memory_space<vmem>>) target(%dma_start3A_38 : memref<128x128xf32, #tpu.memory_space<vmem_shared>>) target_semaphore(%run_scoped3A_31 : memref<!tpu.dma_semaphore, #tpu.memory_space<semaphore_mem>>)
      %dma_wait3A = arith.constant 0 : i32
      %dma_wait3A_43 = arith.constant 0 : i32
      %dma_wait3A_44 = tpu.memref_slice %arg8[%run_scoped3A_20, %dma_wait3A, %dma_wait3A_43] : memref<2x128x128xf32, #tpu.memory_space<vmem>> -> memref<1x128x128xf32, #tpu.memory_space<vmem>>
      %dma_wait3A_45 = tpu.memref_squeeze %dma_wait3A_44 : memref<1x128x128xf32, #tpu.memory_space<vmem>> -> memref<128x128xf32, #tpu.memory_space<vmem>>
      %dma_wait3A_46 = arith.constant 0 : i32
      %dma_wait3A_47 = tpu.memref_slice %arg9[%add3A_19, %dma_wait3A_46] : memref<10240x128xf32, #tpu.memory_space<vmem_shared>> -> memref<128x128xf32, #tpu.memory_space<vmem_shared>>
      %dma_wait3A_48 = arith.constant 0 : i32
      %dma_wait3A_49 = tpu.memref_slice %arg9[%add3A_19, %dma_wait3A_48] : memref<10240x128xf32, #tpu.memory_space<vmem_shared>> -> memref<128x128xf32, #tpu.memory_space<vmem_shared>>
      %dma_wait3A_50 = arith.constant 0 : i32
      %dma_wait3A_51 = arith.constant 0 : i32
      %dma_wait3A_52 = tpu.memref_slice %arg8[%run_scoped3A_20, %dma_wait3A_50, %dma_wait3A_51] : memref<2x128x128xf32, #tpu.memory_space<vmem>> -> memref<1x128x128xf32, #tpu.memory_space<vmem>>
      %dma_wait3A_53 = tpu.memref_squeeze %dma_wait3A_52 : memref<1x128x128xf32, #tpu.memory_space<vmem>> -> memref<128x128xf32, #tpu.memory_space<vmem>>
      tpu.wait_dma2 semaphore(%run_scoped3A_31 : memref<!tpu.dma_semaphore, #tpu.memory_space<semaphore_mem>>) src(%dma_wait3A_53 : memref<128x128xf32, #tpu.memory_space<vmem>>) dst(%dma_wait3A_49 : memref<128x128xf32, #tpu.memory_space<vmem_shared>>)
      tpu.yield
    }) : () -> ()
    %add3A_21 = arith.constant 512 : i32
    %add3A_22 = arith.addi %mul3A_9, %add3A_21 : i32
    %run_scoped3A_23 = arith.constant 0 : i32
    "tpu.region"() ({
      %run_scoped3A_31 = tpu.sem_alloc : memref<!tpu.dma_semaphore, #tpu.memory_space<semaphore_mem>>
      %dma_start3A = arith.constant 0 : i32
      %dma_start3A_32 = arith.constant 0 : i32
      %dma_start3A_33 = tpu.memref_slice %arg8[%run_scoped3A_23, %dma_start3A, %dma_start3A_32] : memref<2x128x128xf32, #tpu.memory_space<vmem>> -> memref<1x128x128xf32, #tpu.memory_space<vmem>>
      %dma_start3A_34 = tpu.memref_squeeze %dma_start3A_33 : memref<1x128x128xf32, #tpu.memory_space<vmem>> -> memref<128x128xf32, #tpu.memory_space<vmem>>
      %dma_start3A_35 = arith.constant 0 : i32
      %dma_start3A_36 = tpu.memref_slice %arg9[%add3A_22, %dma_start3A_35] : memref<10240x128xf32, #tpu.memory_space<vmem_shared>> -> memref<128x128xf32, #tpu.memory_space<vmem_shared>>
      %dma_start3A_37 = arith.constant 0 : i32
      %dma_start3A_38 = tpu.memref_slice %arg9[%add3A_22, %dma_start3A_37] : memref<10240x128xf32, #tpu.memory_space<vmem_shared>> -> memref<128x128xf32, #tpu.memory_space<vmem_shared>>
      %dma_start3A_39 = arith.constant 0 : i32
      %dma_start3A_40 = arith.constant 0 : i32
      %dma_start3A_41 = tpu.memref_slice %arg8[%run_scoped3A_23, %dma_start3A_39, %dma_start3A_40] : memref<2x128x128xf32, #tpu.memory_space<vmem>> -> memref<1x128x128xf32, #tpu.memory_space<vmem>>
      %dma_start3A_42 = tpu.memref_squeeze %dma_start3A_41 : memref<1x128x128xf32, #tpu.memory_space<vmem>> -> memref<128x128xf32, #tpu.memory_space<vmem>>
      tpu.enqueue_dma source(%dma_start3A_42 : memref<128x128xf32, #tpu.memory_space<vmem>>) target(%dma_start3A_38 : memref<128x128xf32, #tpu.memory_space<vmem_shared>>) target_semaphore(%run_scoped3A_31 : memref<!tpu.dma_semaphore, #tpu.memory_space<semaphore_mem>>)
      %dma_wait3A = arith.constant 0 : i32
      %dma_wait3A_43 = arith.constant 0 : i32
      %dma_wait3A_44 = tpu.memref_slice %arg8[%run_scoped3A_23, %dma_wait3A, %dma_wait3A_43] : memref<2x128x128xf32, #tpu.memory_space<vmem>> -> memref<1x128x128xf32, #tpu.memory_space<vmem>>
      %dma_wait3A_45 = tpu.memref_squeeze %dma_wait3A_44 : memref<1x128x128xf32, #tpu.memory_space<vmem>> -> memref<128x128xf32, #tpu.memory_space<vmem>>
      %dma_wait3A_46 = arith.constant 0 : i32
      %dma_wait3A_47 = tpu.memref_slice %arg9[%add3A_22, %dma_wait3A_46] : memref<10240x128xf32, #tpu.memory_space<vmem_shared>> -> memref<128x128xf32, #tpu.memory_space<vmem_shared>>
      %dma_wait3A_48 = arith.constant 0 : i32
      %dma_wait3A_49 = tpu.memref_slice %arg9[%add3A_22, %dma_wait3A_48] : memref<10240x128xf32, #tpu.memory_space<vmem_shared>> -> memref<128x128xf32, #tpu.memory_space<vmem_shared>>
      %dma_wait3A_50 = arith.constant 0 : i32
      %dma_wait3A_51 = arith.constant 0 : i32
      %dma_wait3A_52 = tpu.memref_slice %arg8[%run_scoped3A_23, %dma_wait3A_50, %dma_wait3A_51] : memref<2x128x128xf32, #tpu.memory_space<vmem>> -> memref<1x128x128xf32, #tpu.memory_space<vmem>>
      %dma_wait3A_53 = tpu.memref_squeeze %dma_wait3A_52 : memref<1x128x128xf32, #tpu.memory_space<vmem>> -> memref<128x128xf32, #tpu.memory_space<vmem>>
      tpu.wait_dma2 semaphore(%run_scoped3A_31 : memref<!tpu.dma_semaphore, #tpu.memory_space<semaphore_mem>>) src(%dma_wait3A_53 : memref<128x128xf32, #tpu.memory_space<vmem>>) dst(%dma_wait3A_49 : memref<128x128xf32, #tpu.memory_space<vmem_shared>>)
      tpu.yield
    }) : () -> ()
    %barrier3A = arith.constant 0 : index
    tpu.barrier barrier_id(%barrier3A)
    %scan3A_24 = arith.constant 0 : i32
    %scan3A_25 = arith.constant 0 : i32
    %scan3A_26 = arith.constant 10 : i32
    %scan3A_27 = arith.addi %scan3A_25, %scan3A_26 : i32
    %scan3A_28 = arith.constant 1 : i32
    scf.for %scan3A_31 = %scan3A_25 to %scan3A_27 step %scan3A_28  : i32 {
      %mul3A_32 = arith.constant 8 : i32
      %mul3A_33 = arith.muli %scan3A_31, %mul3A_32 : i32
      "tpu.region"() ({
        %run_scoped3A_389 = tpu.sem_alloc : memref<!tpu.dma_semaphore, #tpu.memory_space<semaphore_mem>>
        %dma_start3A_390 = arith.constant 0 : i32
        %dma_start3A_391 = tpu.memref_slice %arg4[%add3A, %mul3A_33, %dma_start3A_390] : memref<32x80x128xi32, #tpu.memory_space<hbm>> -> memref<1x8x128xi32, #tpu.memory_space<hbm>>
        %dma_start3A_392 = tpu.memref_squeeze %dma_start3A_391 : memref<1x8x128xi32, #tpu.memory_space<hbm>> -> memref<8x128xi32, #tpu.memory_space<hbm>>
        %dma_start3A_393 = arith.constant 0 : i32
        %dma_start3A_394 = tpu.memref_slice %arg4[%add3A, %mul3A_33, %dma_start3A_393] : memref<32x80x128xi32, #tpu.memory_space<hbm>> -> memref<1x8x128xi32, #tpu.memory_space<hbm>>
        %dma_start3A_395 = tpu.memref_squeeze %dma_start3A_394 : memref<1x8x128xi32, #tpu.memory_space<hbm>> -> memref<8x128xi32, #tpu.memory_space<hbm>>
        tpu.enqueue_dma source(%dma_start3A_395 : memref<8x128xi32, #tpu.memory_space<hbm>>) target(%arg7 : memref<8x128xi32, #tpu.memory_space<vmem>>) target_semaphore(%run_scoped3A_389 : memref<!tpu.dma_semaphore, #tpu.memory_space<semaphore_mem>>)
        %dma_wait3A_396 = arith.constant 0 : i32
        %dma_wait3A_397 = tpu.memref_slice %arg4[%add3A, %mul3A_33, %dma_wait3A_396] : memref<32x80x128xi32, #tpu.memory_space<hbm>> -> memref<1x8x128xi32, #tpu.memory_space<hbm>>
        %dma_wait3A_398 = tpu.memref_squeeze %dma_wait3A_397 : memref<1x8x128xi32, #tpu.memory_space<hbm>> -> memref<8x128xi32, #tpu.memory_space<hbm>>
        %dma_wait3A_399 = arith.constant 0 : i32
        %dma_wait3A_400 = tpu.memref_slice %arg4[%add3A, %mul3A_33, %dma_wait3A_399] : memref<32x80x128xi32, #tpu.memory_space<hbm>> -> memref<1x8x128xi32, #tpu.memory_space<hbm>>
        %dma_wait3A_401 = tpu.memref_squeeze %dma_wait3A_400 : memref<1x8x128xi32, #tpu.memory_space<hbm>> -> memref<8x128xi32, #tpu.memory_space<hbm>>
        tpu.wait_dma2 semaphore(%run_scoped3A_389 : memref<!tpu.dma_semaphore, #tpu.memory_space<semaphore_mem>>) src(%dma_wait3A_401 : memref<8x128xi32, #tpu.memory_space<hbm>>) dst(%arg7 : memref<8x128xi32, #tpu.memory_space<vmem>>)
        tpu.yield
      }) : () -> ()
      %mul3A_34 = arith.constant 10240 : i32
      %mul3A_35 = arith.muli %add3A, %mul3A_34 : i32
      %mul3A_36 = arith.constant 1024 : i32
      %mul3A_37 = arith.muli %scan3A_31, %mul3A_36 : i32
      %add3A_38 = arith.addi %mul3A_35, %mul3A_37 : i32
      "tpu.region"() ({
        %run_scoped3A_389 = tpu.sem_alloc : memref<!tpu.dma_semaphore, #tpu.memory_space<semaphore_mem>>
        %dma_start3A_390 = tpu.memref_slice %arg3[%add3A_38] : memref<327680xi32, #tpu.memory_space<hbm>> -> memref<1024xi32, #tpu.memory_space<hbm>>
        %dma_start3A_391 = tpu.memref_slice %arg3[%add3A_38] : memref<327680xi32, #tpu.memory_space<hbm>> -> memref<1024xi32, #tpu.memory_space<hbm>>
        tpu.enqueue_dma source(%dma_start3A_391 : memref<1024xi32, #tpu.memory_space<hbm>>) target(%arg6 : memref<1024xi32, #tpu.memory_space<vmem>>) target_semaphore(%run_scoped3A_389 : memref<!tpu.dma_semaphore, #tpu.memory_space<semaphore_mem>>)
        %dma_wait3A_392 = tpu.memref_slice %arg3[%add3A_38] : memref<327680xi32, #tpu.memory_space<hbm>> -> memref<1024xi32, #tpu.memory_space<hbm>>
        %dma_wait3A_393 = tpu.memref_slice %arg3[%add3A_38] : memref<327680xi32, #tpu.memory_space<hbm>> -> memref<1024xi32, #tpu.memory_space<hbm>>
        tpu.wait_dma2 semaphore(%run_scoped3A_389 : memref<!tpu.dma_semaphore, #tpu.memory_space<semaphore_mem>>) src(%dma_wait3A_393 : memref<1024xi32, #tpu.memory_space<hbm>>) dst(%arg6 : memref<1024xi32, #tpu.memory_space<vmem>>)
        tpu.yield
      }) : () -> ()
      %dma_start3A = arith.constant 0 : i32
      %dma_start3A_39 = arith.constant 0 : i32
      %dma_start3A_40 = arith.constant 0 : i32
      %dma_start3A_41 = tpu.memref_slice %arg8[%dma_start3A, %dma_start3A_39, %dma_start3A_40] : memref<2x128x128xf32, #tpu.memory_space<vmem>> -> memref<1x128x128xf32, #tpu.memory_space<vmem>>
      %dma_start3A_42 = tpu.memref_squeeze %dma_start3A_41 : memref<1x128x128xf32, #tpu.memory_space<vmem>> -> memref<128x128xf32, #tpu.memory_space<vmem>>
      %dma_start3A_43 = arith.constant 0 : i32
      %dma_start3A_44 = tpu.memref_slice %arg6[%dma_start3A_43] : memref<1024xi32, #tpu.memory_space<vmem>> -> memref<128xi32, #tpu.memory_space<vmem>>
      %dma_start3A_45 = arith.constant 0 : i32
      %dma_start3A_46 = arith.constant 0 : i32
      %dma_start3A_47 = tpu.memref_slice %arg2[%dma_start3A_45, %dma_start3A_46] : memref<10000x128xf32, #tpu.memory_space<hbm>> -> memref<10000x128xf32, #tpu.memory_space<hbm>>
      tpu.enqueue_indirect_dma source(%dma_start3A_47 : memref<10000x128xf32, #tpu.memory_space<hbm>>) target(%dma_start3A_42 : memref<128x128xf32, #tpu.memory_space<vmem>>) offsets(%dma_start3A_44 : memref<128xi32, #tpu.memory_space<vmem>>) semaphore(%arg10 : memref<!tpu.dma_semaphore, #tpu.memory_space<semaphore_mem>>)
      %dma_start3A_48 = arith.constant 1 : i32
      %dma_start3A_49 = arith.constant 0 : i32
      %dma_start3A_50 = arith.constant 0 : i32
      %dma_start3A_51 = tpu.memref_slice %arg8[%dma_start3A_48, %dma_start3A_49, %dma_start3A_50] : memref<2x128x128xf32, #tpu.memory_space<vmem>> -> memref<1x128x128xf32, #tpu.memory_space<vmem>>
      %dma_start3A_52 = tpu.memref_squeeze %dma_start3A_51 : memref<1x128x128xf32, #tpu.memory_space<vmem>> -> memref<128x128xf32, #tpu.memory_space<vmem>>
      %dma_start3A_53 = arith.constant 128 : i32
      %dma_start3A_54 = tpu.memref_slice %arg6[%dma_start3A_53] : memref<1024xi32, #tpu.memory_space<vmem>> -> memref<128xi32, #tpu.memory_space<vmem>>
      %dma_start3A_55 = arith.constant 0 : i32
      %dma_start3A_56 = arith.constant 0 : i32
      %dma_start3A_57 = tpu.memref_slice %arg2[%dma_start3A_55, %dma_start3A_56] : memref<10000x128xf32, #tpu.memory_space<hbm>> -> memref<10000x128xf32, #tpu.memory_space<hbm>>
      tpu.enqueue_indirect_dma source(%dma_start3A_57 : memref<10000x128xf32, #tpu.memory_space<hbm>>) target(%dma_start3A_52 : memref<128x128xf32, #tpu.memory_space<vmem>>) offsets(%dma_start3A_54 : memref<128xi32, #tpu.memory_space<vmem>>) semaphore(%arg11 : memref<!tpu.dma_semaphore, #tpu.memory_space<semaphore_mem>>)
      %dma_wait3A = arith.constant 0 : i32
      %dma_wait3A_58 = arith.constant 0 : i32
      %dma_wait3A_59 = arith.constant 0 : i32
      %dma_wait3A_60 = tpu.memref_slice %arg8[%dma_wait3A, %dma_wait3A_58, %dma_wait3A_59] : memref<2x128x128xf32, #tpu.memory_space<vmem>> -> memref<1x128x128xf32, #tpu.memory_space<vmem>>
      %dma_wait3A_61 = tpu.memref_squeeze %dma_wait3A_60 : memref<1x128x128xf32, #tpu.memory_space<vmem>> -> memref<128x128xf32, #tpu.memory_space<vmem>>
      %dma_wait3A_62 = arith.constant 0 : i32
      %dma_wait3A_63 = tpu.memref_slice %arg6[%dma_wait3A_62] : memref<1024xi32, #tpu.memory_space<vmem>> -> memref<128xi32, #tpu.memory_space<vmem>>
      %dma_wait3A_64 = arith.constant 0 : i32
      %dma_wait3A_65 = arith.constant 0 : i32
      %dma_wait3A_66 = tpu.memref_slice %arg2[%dma_wait3A_64, %dma_wait3A_65] : memref<10000x128xf32, #tpu.memory_space<hbm>> -> memref<10000x128xf32, #tpu.memory_space<hbm>>
      tpu.wait_indirect_dma semaphore(%arg10 : memref<!tpu.dma_semaphore, #tpu.memory_space<semaphore_mem>>) src(%dma_wait3A_66 : memref<10000x128xf32, #tpu.memory_space<hbm>>) dst(%dma_wait3A_61 : memref<128x128xf32, #tpu.memory_space<vmem>>)
      %dma_start3A_67 = arith.constant 0 : i32
      %dma_start3A_68 = arith.constant 0 : i32
      %dma_start3A_69 = arith.constant 0 : i32
      %dma_start3A_70 = arith.constant 0 : i32
      %dma_start3A_71 = tpu.memref_slice %arg8[%dma_start3A_67, %dma_start3A_69, %dma_start3A_70] : memref<2x128x128xf32, #tpu.memory_space<vmem>> -> memref<1x128x128xf32, #tpu.memory_space<vmem>>
      %dma_start3A_72 = tpu.memref_squeeze %dma_start3A_71 : memref<1x128x128xf32, #tpu.memory_space<vmem>> -> memref<128x128xf32, #tpu.memory_space<vmem>>
      %dma_start3A_73 = arith.constant 0 : i32
      %dma_start3A_74 = tpu.memref_slice %arg7[%dma_start3A_68, %dma_start3A_73] : memref<8x128xi32, #tpu.memory_space<vmem>> -> memref<1x128xi32, #tpu.memory_space<vmem>>
      %dma_start3A_75 = tpu.memref_squeeze %dma_start3A_74 : memref<1x128xi32, #tpu.memory_space<vmem>> -> memref<128xi32, #tpu.memory_space<vmem>>
      %dma_start3A_76 = arith.constant 0 : i32
      %dma_start3A_77 = arith.constant 0 : i32
      %dma_start3A_78 = tpu.memref_slice %arg9[%dma_start3A_76, %dma_start3A_77] : memref<10240x128xf32, #tpu.memory_space<vmem_shared>> -> memref<10240x128xf32, #tpu.memory_space<vmem_shared>>
      tpu.enqueue_indirect_dma source(%dma_start3A_72 : memref<128x128xf32, #tpu.memory_space<vmem>>) target(%dma_start3A_78 : memref<10240x128xf32, #tpu.memory_space<vmem_shared>>) offsets(%dma_start3A_75 : memref<128xi32, #tpu.memory_space<vmem>>) semaphore(%arg12 : memref<!tpu.dma_semaphore, #tpu.memory_space<semaphore_mem>>) {add = true}
      %dma_wait3A_79 = arith.constant 0 : i32
      %dma_wait3A_80 = arith.constant 0 : i32
      %dma_wait3A_81 = arith.constant 0 : i32
      %dma_wait3A_82 = arith.constant 0 : i32
      %dma_wait3A_83 = tpu.memref_slice %arg8[%dma_wait3A_79, %dma_wait3A_81, %dma_wait3A_82] : memref<2x128x128xf32, #tpu.memory_space<vmem>> -> memref<1x128x128xf32, #tpu.memory_space<vmem>>
      %dma_wait3A_84 = tpu.memref_squeeze %dma_wait3A_83 : memref<1x128x128xf32, #tpu.memory_space<vmem>> -> memref<128x128xf32, #tpu.memory_space<vmem>>
      %dma_wait3A_85 = arith.constant 0 : i32
      %dma_wait3A_86 = tpu.memref_slice %arg7[%dma_wait3A_80, %dma_wait3A_85] : memref<8x128xi32, #tpu.memory_space<vmem>> -> memref<1x128xi32, #tpu.memory_space<vmem>>
      %dma_wait3A_87 = tpu.memref_squeeze %dma_wait3A_86 : memref<1x128xi32, #tpu.memory_space<vmem>> -> memref<128xi32, #tpu.memory_space<vmem>>
      %dma_wait3A_88 = arith.constant 0 : i32
      %dma_wait3A_89 = arith.constant 0 : i32
      %dma_wait3A_90 = tpu.memref_slice %arg9[%dma_wait3A_88, %dma_wait3A_89] : memref<10240x128xf32, #tpu.memory_space<vmem_shared>> -> memref<10240x128xf32, #tpu.memory_space<vmem_shared>>
      tpu.wait_indirect_dma semaphore(%arg12 : memref<!tpu.dma_semaphore, #tpu.memory_space<semaphore_mem>>) src(%dma_wait3A_84 : memref<128x128xf32, #tpu.memory_space<vmem>>) dst(%dma_wait3A_90 : memref<10240x128xf32, #tpu.memory_space<vmem_shared>>)
      %dma_start3A_91 = arith.constant 0 : i32
      %dma_start3A_92 = arith.constant 0 : i32
      %dma_start3A_93 = arith.constant 0 : i32
      %dma_start3A_94 = tpu.memref_slice %arg8[%dma_start3A_91, %dma_start3A_92, %dma_start3A_93] : memref<2x128x128xf32, #tpu.memory_space<vmem>> -> memref<1x128x128xf32, #tpu.memory_space<vmem>>
      %dma_start3A_95 = tpu.memref_squeeze %dma_start3A_94 : memref<1x128x128xf32, #tpu.memory_space<vmem>> -> memref<128x128xf32, #tpu.memory_space<vmem>>
      %dma_start3A_96 = arith.constant 256 : i32
      %dma_start3A_97 = tpu.memref_slice %arg6[%dma_start3A_96] : memref<1024xi32, #tpu.memory_space<vmem>> -> memref<128xi32, #tpu.memory_space<vmem>>
      %dma_start3A_98 = arith.constant 0 : i32
      %dma_start3A_99 = arith.constant 0 : i32
      %dma_start3A_100 = tpu.memref_slice %arg2[%dma_start3A_98, %dma_start3A_99] : memref<10000x128xf32, #tpu.memory_space<hbm>> -> memref<10000x128xf32, #tpu.memory_space<hbm>>
      tpu.enqueue_indirect_dma source(%dma_start3A_100 : memref<10000x128xf32, #tpu.memory_space<hbm>>) target(%dma_start3A_95 : memref<128x128xf32, #tpu.memory_space<vmem>>) offsets(%dma_start3A_97 : memref<128xi32, #tpu.memory_space<vmem>>) semaphore(%arg10 : memref<!tpu.dma_semaphore, #tpu.memory_space<semaphore_mem>>)
      %dma_wait3A_101 = arith.constant 1 : i32
      %dma_wait3A_102 = arith.constant 0 : i32
      %dma_wait3A_103 = arith.constant 0 : i32
      %dma_wait3A_104 = tpu.memref_slice %arg8[%dma_wait3A_101, %dma_wait3A_102, %dma_wait3A_103] : memref<2x128x128xf32, #tpu.memory_space<vmem>> -> memref<1x128x128xf32, #tpu.memory_space<vmem>>
      %dma_wait3A_105 = tpu.memref_squeeze %dma_wait3A_104 : memref<1x128x128xf32, #tpu.memory_space<vmem>> -> memref<128x128xf32, #tpu.memory_space<vmem>>
      %dma_wait3A_106 = arith.constant 128 : i32
      %dma_wait3A_107 = tpu.memref_slice %arg6[%dma_wait3A_106] : memref<1024xi32, #tpu.memory_space<vmem>> -> memref<128xi32, #tpu.memory_space<vmem>>
      %dma_wait3A_108 = arith.constant 0 : i32
      %dma_wait3A_109 = arith.constant 0 : i32
      %dma_wait3A_110 = tpu.memref_slice %arg2[%dma_wait3A_108, %dma_wait3A_109] : memref<10000x128xf32, #tpu.memory_space<hbm>> -> memref<10000x128xf32, #tpu.memory_space<hbm>>
      tpu.wait_indirect_dma semaphore(%arg11 : memref<!tpu.dma_semaphore, #tpu.memory_space<semaphore_mem>>) src(%dma_wait3A_110 : memref<10000x128xf32, #tpu.memory_space<hbm>>) dst(%dma_wait3A_105 : memref<128x128xf32, #tpu.memory_space<vmem>>)
      %dma_start3A_111 = arith.constant 1 : i32
      %dma_start3A_112 = arith.constant 1 : i32
      %dma_start3A_113 = arith.constant 0 : i32
      %dma_start3A_114 = arith.constant 0 : i32
      %dma_start3A_115 = tpu.memref_slice %arg8[%dma_start3A_111, %dma_start3A_113, %dma_start3A_114] : memref<2x128x128xf32, #tpu.memory_space<vmem>> -> memref<1x128x128xf32, #tpu.memory_space<vmem>>
      %dma_start3A_116 = tpu.memref_squeeze %dma_start3A_115 : memref<1x128x128xf32, #tpu.memory_space<vmem>> -> memref<128x128xf32, #tpu.memory_space<vmem>>
      %dma_start3A_117 = arith.constant 0 : i32
      %dma_start3A_118 = tpu.memref_slice %arg7[%dma_start3A_112, %dma_start3A_117] : memref<8x128xi32, #tpu.memory_space<vmem>> -> memref<1x128xi32, #tpu.memory_space<vmem>>
      %dma_start3A_119 = tpu.memref_squeeze %dma_start3A_118 : memref<1x128xi32, #tpu.memory_space<vmem>> -> memref<128xi32, #tpu.memory_space<vmem>>
      %dma_start3A_120 = arith.constant 0 : i32
      %dma_start3A_121 = arith.constant 0 : i32
      %dma_start3A_122 = tpu.memref_slice %arg9[%dma_start3A_120, %dma_start3A_121] : memref<10240x128xf32, #tpu.memory_space<vmem_shared>> -> memref<10240x128xf32, #tpu.memory_space<vmem_shared>>
      tpu.enqueue_indirect_dma source(%dma_start3A_116 : memref<128x128xf32, #tpu.memory_space<vmem>>) target(%dma_start3A_122 : memref<10240x128xf32, #tpu.memory_space<vmem_shared>>) offsets(%dma_start3A_119 : memref<128xi32, #tpu.memory_space<vmem>>) semaphore(%arg13 : memref<!tpu.dma_semaphore, #tpu.memory_space<semaphore_mem>>) {add = true}
      %dma_wait3A_123 = arith.constant 1 : i32
      %dma_wait3A_124 = arith.constant 1 : i32
      %dma_wait3A_125 = arith.constant 0 : i32
      %dma_wait3A_126 = arith.constant 0 : i32
      %dma_wait3A_127 = tpu.memref_slice %arg8[%dma_wait3A_123, %dma_wait3A_125, %dma_wait3A_126] : memref<2x128x128xf32, #tpu.memory_space<vmem>> -> memref<1x128x128xf32, #tpu.memory_space<vmem>>
      %dma_wait3A_128 = tpu.memref_squeeze %dma_wait3A_127 : memref<1x128x128xf32, #tpu.memory_space<vmem>> -> memref<128x128xf32, #tpu.memory_space<vmem>>
      %dma_wait3A_129 = arith.constant 0 : i32
      %dma_wait3A_130 = tpu.memref_slice %arg7[%dma_wait3A_124, %dma_wait3A_129] : memref<8x128xi32, #tpu.memory_space<vmem>> -> memref<1x128xi32, #tpu.memory_space<vmem>>
      %dma_wait3A_131 = tpu.memref_squeeze %dma_wait3A_130 : memref<1x128xi32, #tpu.memory_space<vmem>> -> memref<128xi32, #tpu.memory_space<vmem>>
      %dma_wait3A_132 = arith.constant 0 : i32
      %dma_wait3A_133 = arith.constant 0 : i32
      %dma_wait3A_134 = tpu.memref_slice %arg9[%dma_wait3A_132, %dma_wait3A_133] : memref<10240x128xf32, #tpu.memory_space<vmem_shared>> -> memref<10240x128xf32, #tpu.memory_space<vmem_shared>>
      tpu.wait_indirect_dma semaphore(%arg13 : memref<!tpu.dma_semaphore, #tpu.memory_space<semaphore_mem>>) src(%dma_wait3A_128 : memref<128x128xf32, #tpu.memory_space<vmem>>) dst(%dma_wait3A_134 : memref<10240x128xf32, #tpu.memory_space<vmem_shared>>)
      %dma_start3A_135 = arith.constant 1 : i32
      %dma_start3A_136 = arith.constant 0 : i32
      %dma_start3A_137 = arith.constant 0 : i32
      %dma_start3A_138 = tpu.memref_slice %arg8[%dma_start3A_135, %dma_start3A_136, %dma_start3A_137] : memref<2x128x128xf32, #tpu.memory_space<vmem>> -> memref<1x128x128xf32, #tpu.memory_space<vmem>>
      %dma_start3A_139 = tpu.memref_squeeze %dma_start3A_138 : memref<1x128x128xf32, #tpu.memory_space<vmem>> -> memref<128x128xf32, #tpu.memory_space<vmem>>
      %dma_start3A_140 = arith.constant 384 : i32
      %dma_start3A_141 = tpu.memref_slice %arg6[%dma_start3A_140] : memref<1024xi32, #tpu.memory_space<vmem>> -> memref<128xi32, #tpu.memory_space<vmem>>
      %dma_start3A_142 = arith.constant 0 : i32
      %dma_start3A_143 = arith.constant 0 : i32
      %dma_start3A_144 = tpu.memref_slice %arg2[%dma_start3A_142, %dma_start3A_143] : memref<10000x128xf32, #tpu.memory_space<hbm>> -> memref<10000x128xf32, #tpu.memory_space<hbm>>
      tpu.enqueue_indirect_dma source(%dma_start3A_144 : memref<10000x128xf32, #tpu.memory_space<hbm>>) target(%dma_start3A_139 : memref<128x128xf32, #tpu.memory_space<vmem>>) offsets(%dma_start3A_141 : memref<128xi32, #tpu.memory_space<vmem>>) semaphore(%arg11 : memref<!tpu.dma_semaphore, #tpu.memory_space<semaphore_mem>>)
      %dma_wait3A_145 = arith.constant 0 : i32
      %dma_wait3A_146 = arith.constant 0 : i32
      %dma_wait3A_147 = arith.constant 0 : i32
      %dma_wait3A_148 = tpu.memref_slice %arg8[%dma_wait3A_145, %dma_wait3A_146, %dma_wait3A_147] : memref<2x128x128xf32, #tpu.memory_space<vmem>> -> memref<1x128x128xf32, #tpu.memory_space<vmem>>
      %dma_wait3A_149 = tpu.memref_squeeze %dma_wait3A_148 : memref<1x128x128xf32, #tpu.memory_space<vmem>> -> memref<128x128xf32, #tpu.memory_space<vmem>>
      %dma_wait3A_150 = arith.constant 256 : i32
      %dma_wait3A_151 = tpu.memref_slice %arg6[%dma_wait3A_150] : memref<1024xi32, #tpu.memory_space<vmem>> -> memref<128xi32, #tpu.memory_space<vmem>>
      %dma_wait3A_152 = arith.constant 0 : i32
      %dma_wait3A_153 = arith.constant 0 : i32
      %dma_wait3A_154 = tpu.memref_slice %arg2[%dma_wait3A_152, %dma_wait3A_153] : memref<10000x128xf32, #tpu.memory_space<hbm>> -> memref<10000x128xf32, #tpu.memory_space<hbm>>
      tpu.wait_indirect_dma semaphore(%arg10 : memref<!tpu.dma_semaphore, #tpu.memory_space<semaphore_mem>>) src(%dma_wait3A_154 : memref<10000x128xf32, #tpu.memory_space<hbm>>) dst(%dma_wait3A_149 : memref<128x128xf32, #tpu.memory_space<vmem>>)
      %dma_start3A_155 = arith.constant 0 : i32
      %dma_start3A_156 = arith.constant 2 : i32
      %dma_start3A_157 = arith.constant 0 : i32
      %dma_start3A_158 = arith.constant 0 : i32
      %dma_start3A_159 = tpu.memref_slice %arg8[%dma_start3A_155, %dma_start3A_157, %dma_start3A_158] : memref<2x128x128xf32, #tpu.memory_space<vmem>> -> memref<1x128x128xf32, #tpu.memory_space<vmem>>
      %dma_start3A_160 = tpu.memref_squeeze %dma_start3A_159 : memref<1x128x128xf32, #tpu.memory_space<vmem>> -> memref<128x128xf32, #tpu.memory_space<vmem>>
      %dma_start3A_161 = arith.constant 0 : i32
      %dma_start3A_162 = tpu.memref_slice %arg7[%dma_start3A_156, %dma_start3A_161] : memref<8x128xi32, #tpu.memory_space<vmem>> -> memref<1x128xi32, #tpu.memory_space<vmem>>
      %dma_start3A_163 = tpu.memref_squeeze %dma_start3A_162 : memref<1x128xi32, #tpu.memory_space<vmem>> -> memref<128xi32, #tpu.memory_space<vmem>>
      %dma_start3A_164 = arith.constant 0 : i32
      %dma_start3A_165 = arith.constant 0 : i32
      %dma_start3A_166 = tpu.memref_slice %arg9[%dma_start3A_164, %dma_start3A_165] : memref<10240x128xf32, #tpu.memory_space<vmem_shared>> -> memref<10240x128xf32, #tpu.memory_space<vmem_shared>>
      tpu.enqueue_indirect_dma source(%dma_start3A_160 : memref<128x128xf32, #tpu.memory_space<vmem>>) target(%dma_start3A_166 : memref<10240x128xf32, #tpu.memory_space<vmem_shared>>) offsets(%dma_start3A_163 : memref<128xi32, #tpu.memory_space<vmem>>) semaphore(%arg12 : memref<!tpu.dma_semaphore, #tpu.memory_space<semaphore_mem>>) {add = true}
      %dma_wait3A_167 = arith.constant 0 : i32
      %dma_wait3A_168 = arith.constant 2 : i32
      %dma_wait3A_169 = arith.constant 0 : i32
      %dma_wait3A_170 = arith.constant 0 : i32
      %dma_wait3A_171 = tpu.memref_slice %arg8[%dma_wait3A_167, %dma_wait3A_169, %dma_wait3A_170] : memref<2x128x128xf32, #tpu.memory_space<vmem>> -> memref<1x128x128xf32, #tpu.memory_space<vmem>>
      %dma_wait3A_172 = tpu.memref_squeeze %dma_wait3A_171 : memref<1x128x128xf32, #tpu.memory_space<vmem>> -> memref<128x128xf32, #tpu.memory_space<vmem>>
      %dma_wait3A_173 = arith.constant 0 : i32
      %dma_wait3A_174 = tpu.memref_slice %arg7[%dma_wait3A_168, %dma_wait3A_173] : memref<8x128xi32, #tpu.memory_space<vmem>> -> memref<1x128xi32, #tpu.memory_space<vmem>>
      %dma_wait3A_175 = tpu.memref_squeeze %dma_wait3A_174 : memref<1x128xi32, #tpu.memory_space<vmem>> -> memref<128xi32, #tpu.memory_space<vmem>>
      %dma_wait3A_176 = arith.constant 0 : i32
      %dma_wait3A_177 = arith.constant 0 : i32
      %dma_wait3A_178 = tpu.memref_slice %arg9[%dma_wait3A_176, %dma_wait3A_177] : memref<10240x128xf32, #tpu.memory_space<vmem_shared>> -> memref<10240x128xf32, #tpu.memory_space<vmem_shared>>
      tpu.wait_indirect_dma semaphore(%arg12 : memref<!tpu.dma_semaphore, #tpu.memory_space<semaphore_mem>>) src(%dma_wait3A_172 : memref<128x128xf32, #tpu.memory_space<vmem>>) dst(%dma_wait3A_178 : memref<10240x128xf32, #tpu.memory_space<vmem_shared>>)
      %dma_start3A_179 = arith.constant 0 : i32
      %dma_start3A_180 = arith.constant 0 : i32
      %dma_start3A_181 = arith.constant 0 : i32
      %dma_start3A_182 = tpu.memref_slice %arg8[%dma_start3A_179, %dma_start3A_180, %dma_start3A_181] : memref<2x128x128xf32, #tpu.memory_space<vmem>> -> memref<1x128x128xf32, #tpu.memory_space<vmem>>
      %dma_start3A_183 = tpu.memref_squeeze %dma_start3A_182 : memref<1x128x128xf32, #tpu.memory_space<vmem>> -> memref<128x128xf32, #tpu.memory_space<vmem>>
      %dma_start3A_184 = arith.constant 512 : i32
      %dma_start3A_185 = tpu.memref_slice %arg6[%dma_start3A_184] : memref<1024xi32, #tpu.memory_space<vmem>> -> memref<128xi32, #tpu.memory_space<vmem>>
      %dma_start3A_186 = arith.constant 0 : i32
      %dma_start3A_187 = arith.constant 0 : i32
      %dma_start3A_188 = tpu.memref_slice %arg2[%dma_start3A_186, %dma_start3A_187] : memref<10000x128xf32, #tpu.memory_space<hbm>> -> memref<10000x128xf32, #tpu.memory_space<hbm>>
      tpu.enqueue_indirect_dma source(%dma_start3A_188 : memref<10000x128xf32, #tpu.memory_space<hbm>>) target(%dma_start3A_183 : memref<128x128xf32, #tpu.memory_space<vmem>>) offsets(%dma_start3A_185 : memref<128xi32, #tpu.memory_space<vmem>>) semaphore(%arg10 : memref<!tpu.dma_semaphore, #tpu.memory_space<semaphore_mem>>)
      %dma_wait3A_189 = arith.constant 1 : i32
      %dma_wait3A_190 = arith.constant 0 : i32
      %dma_wait3A_191 = arith.constant 0 : i32
      %dma_wait3A_192 = tpu.memref_slice %arg8[%dma_wait3A_189, %dma_wait3A_190, %dma_wait3A_191] : memref<2x128x128xf32, #tpu.memory_space<vmem>> -> memref<1x128x128xf32, #tpu.memory_space<vmem>>
      %dma_wait3A_193 = tpu.memref_squeeze %dma_wait3A_192 : memref<1x128x128xf32, #tpu.memory_space<vmem>> -> memref<128x128xf32, #tpu.memory_space<vmem>>
      %dma_wait3A_194 = arith.constant 384 : i32
      %dma_wait3A_195 = tpu.memref_slice %arg6[%dma_wait3A_194] : memref<1024xi32, #tpu.memory_space<vmem>> -> memref<128xi32, #tpu.memory_space<vmem>>
      %dma_wait3A_196 = arith.constant 0 : i32
      %dma_wait3A_197 = arith.constant 0 : i32
      %dma_wait3A_198 = tpu.memref_slice %arg2[%dma_wait3A_196, %dma_wait3A_197] : memref<10000x128xf32, #tpu.memory_space<hbm>> -> memref<10000x128xf32, #tpu.memory_space<hbm>>
      tpu.wait_indirect_dma semaphore(%arg11 : memref<!tpu.dma_semaphore, #tpu.memory_space<semaphore_mem>>) src(%dma_wait3A_198 : memref<10000x128xf32, #tpu.memory_space<hbm>>) dst(%dma_wait3A_193 : memref<128x128xf32, #tpu.memory_space<vmem>>)
      %dma_start3A_199 = arith.constant 1 : i32
      %dma_start3A_200 = arith.constant 3 : i32
      %dma_start3A_201 = arith.constant 0 : i32
      %dma_start3A_202 = arith.constant 0 : i32
      %dma_start3A_203 = tpu.memref_slice %arg8[%dma_start3A_199, %dma_start3A_201, %dma_start3A_202] : memref<2x128x128xf32, #tpu.memory_space<vmem>> -> memref<1x128x128xf32, #tpu.memory_space<vmem>>
      %dma_start3A_204 = tpu.memref_squeeze %dma_start3A_203 : memref<1x128x128xf32, #tpu.memory_space<vmem>> -> memref<128x128xf32, #tpu.memory_space<vmem>>
      %dma_start3A_205 = arith.constant 0 : i32
      %dma_start3A_206 = tpu.memref_slice %arg7[%dma_start3A_200, %dma_start3A_205] : memref<8x128xi32, #tpu.memory_space<vmem>> -> memref<1x128xi32, #tpu.memory_space<vmem>>
      %dma_start3A_207 = tpu.memref_squeeze %dma_start3A_206 : memref<1x128xi32, #tpu.memory_space<vmem>> -> memref<128xi32, #tpu.memory_space<vmem>>
      %dma_start3A_208 = arith.constant 0 : i32
      %dma_start3A_209 = arith.constant 0 : i32
      %dma_start3A_210 = tpu.memref_slice %arg9[%dma_start3A_208, %dma_start3A_209] : memref<10240x128xf32, #tpu.memory_space<vmem_shared>> -> memref<10240x128xf32, #tpu.memory_space<vmem_shared>>
      tpu.enqueue_indirect_dma source(%dma_start3A_204 : memref<128x128xf32, #tpu.memory_space<vmem>>) target(%dma_start3A_210 : memref<10240x128xf32, #tpu.memory_space<vmem_shared>>) offsets(%dma_start3A_207 : memref<128xi32, #tpu.memory_space<vmem>>) semaphore(%arg13 : memref<!tpu.dma_semaphore, #tpu.memory_space<semaphore_mem>>) {add = true}
      %dma_wait3A_211 = arith.constant 1 : i32
      %dma_wait3A_212 = arith.constant 3 : i32
      %dma_wait3A_213 = arith.constant 0 : i32
      %dma_wait3A_214 = arith.constant 0 : i32
      %dma_wait3A_215 = tpu.memref_slice %arg8[%dma_wait3A_211, %dma_wait3A_213, %dma_wait3A_214] : memref<2x128x128xf32, #tpu.memory_space<vmem>> -> memref<1x128x128xf32, #tpu.memory_space<vmem>>
      %dma_wait3A_216 = tpu.memref_squeeze %dma_wait3A_215 : memref<1x128x128xf32, #tpu.memory_space<vmem>> -> memref<128x128xf32, #tpu.memory_space<vmem>>
      %dma_wait3A_217 = arith.constant 0 : i32
      %dma_wait3A_218 = tpu.memref_slice %arg7[%dma_wait3A_212, %dma_wait3A_217] : memref<8x128xi32, #tpu.memory_space<vmem>> -> memref<1x128xi32, #tpu.memory_space<vmem>>
      %dma_wait3A_219 = tpu.memref_squeeze %dma_wait3A_218 : memref<1x128xi32, #tpu.memory_space<vmem>> -> memref<128xi32, #tpu.memory_space<vmem>>
      %dma_wait3A_220 = arith.constant 0 : i32
      %dma_wait3A_221 = arith.constant 0 : i32
      %dma_wait3A_222 = tpu.memref_slice %arg9[%dma_wait3A_220, %dma_wait3A_221] : memref<10240x128xf32, #tpu.memory_space<vmem_shared>> -> memref<10240x128xf32, #tpu.memory_space<vmem_shared>>
      tpu.wait_indirect_dma semaphore(%arg13 : memref<!tpu.dma_semaphore, #tpu.memory_space<semaphore_mem>>) src(%dma_wait3A_216 : memref<128x128xf32, #tpu.memory_space<vmem>>) dst(%dma_wait3A_222 : memref<10240x128xf32, #tpu.memory_space<vmem_shared>>)
      %dma_start3A_223 = arith.constant 1 : i32
      %dma_start3A_224 = arith.constant 0 : i32
      %dma_start3A_225 = arith.constant 0 : i32
      %dma_start3A_226 = tpu.memref_slice %arg8[%dma_start3A_223, %dma_start3A_224, %dma_start3A_225] : memref<2x128x128xf32, #tpu.memory_space<vmem>> -> memref<1x128x128xf32, #tpu.memory_space<vmem>>
      %dma_start3A_227 = tpu.memref_squeeze %dma_start3A_226 : memref<1x128x128xf32, #tpu.memory_space<vmem>> -> memref<128x128xf32, #tpu.memory_space<vmem>>
      %dma_start3A_228 = arith.constant 640 : i32
      %dma_start3A_229 = tpu.memref_slice %arg6[%dma_start3A_228] : memref<1024xi32, #tpu.memory_space<vmem>> -> memref<128xi32, #tpu.memory_space<vmem>>
      %dma_start3A_230 = arith.constant 0 : i32
      %dma_start3A_231 = arith.constant 0 : i32
      %dma_start3A_232 = tpu.memref_slice %arg2[%dma_start3A_230, %dma_start3A_231] : memref<10000x128xf32, #tpu.memory_space<hbm>> -> memref<10000x128xf32, #tpu.memory_space<hbm>>
      tpu.enqueue_indirect_dma source(%dma_start3A_232 : memref<10000x128xf32, #tpu.memory_space<hbm>>) target(%dma_start3A_227 : memref<128x128xf32, #tpu.memory_space<vmem>>) offsets(%dma_start3A_229 : memref<128xi32, #tpu.memory_space<vmem>>) semaphore(%arg11 : memref<!tpu.dma_semaphore, #tpu.memory_space<semaphore_mem>>)
      %dma_wait3A_233 = arith.constant 0 : i32
      %dma_wait3A_234 = arith.constant 0 : i32
      %dma_wait3A_235 = arith.constant 0 : i32
      %dma_wait3A_236 = tpu.memref_slice %arg8[%dma_wait3A_233, %dma_wait3A_234, %dma_wait3A_235] : memref<2x128x128xf32, #tpu.memory_space<vmem>> -> memref<1x128x128xf32, #tpu.memory_space<vmem>>
      %dma_wait3A_237 = tpu.memref_squeeze %dma_wait3A_236 : memref<1x128x128xf32, #tpu.memory_space<vmem>> -> memref<128x128xf32, #tpu.memory_space<vmem>>
      %dma_wait3A_238 = arith.constant 512 : i32
      %dma_wait3A_239 = tpu.memref_slice %arg6[%dma_wait3A_238] : memref<1024xi32, #tpu.memory_space<vmem>> -> memref<128xi32, #tpu.memory_space<vmem>>
      %dma_wait3A_240 = arith.constant 0 : i32
      %dma_wait3A_241 = arith.constant 0 : i32
      %dma_wait3A_242 = tpu.memref_slice %arg2[%dma_wait3A_240, %dma_wait3A_241] : memref<10000x128xf32, #tpu.memory_space<hbm>> -> memref<10000x128xf32, #tpu.memory_space<hbm>>
      tpu.wait_indirect_dma semaphore(%arg10 : memref<!tpu.dma_semaphore, #tpu.memory_space<semaphore_mem>>) src(%dma_wait3A_242 : memref<10000x128xf32, #tpu.memory_space<hbm>>) dst(%dma_wait3A_237 : memref<128x128xf32, #tpu.memory_space<vmem>>)
      %dma_start3A_243 = arith.constant 0 : i32
      %dma_start3A_244 = arith.constant 4 : i32
      %dma_start3A_245 = arith.constant 0 : i32
      %dma_start3A_246 = arith.constant 0 : i32
      %dma_start3A_247 = tpu.memref_slice %arg8[%dma_start3A_243, %dma_start3A_245, %dma_start3A_246] : memref<2x128x128xf32, #tpu.memory_space<vmem>> -> memref<1x128x128xf32, #tpu.memory_space<vmem>>
      %dma_start3A_248 = tpu.memref_squeeze %dma_start3A_247 : memref<1x128x128xf32, #tpu.memory_space<vmem>> -> memref<128x128xf32, #tpu.memory_space<vmem>>
      %dma_start3A_249 = arith.constant 0 : i32
      %dma_start3A_250 = tpu.memref_slice %arg7[%dma_start3A_244, %dma_start3A_249] : memref<8x128xi32, #tpu.memory_space<vmem>> -> memref<1x128xi32, #tpu.memory_space<vmem>>
      %dma_start3A_251 = tpu.memref_squeeze %dma_start3A_250 : memref<1x128xi32, #tpu.memory_space<vmem>> -> memref<128xi32, #tpu.memory_space<vmem>>
      %dma_start3A_252 = arith.constant 0 : i32
      %dma_start3A_253 = arith.constant 0 : i32
      %dma_start3A_254 = tpu.memref_slice %arg9[%dma_start3A_252, %dma_start3A_253] : memref<10240x128xf32, #tpu.memory_space<vmem_shared>> -> memref<10240x128xf32, #tpu.memory_space<vmem_shared>>
      tpu.enqueue_indirect_dma source(%dma_start3A_248 : memref<128x128xf32, #tpu.memory_space<vmem>>) target(%dma_start3A_254 : memref<10240x128xf32, #tpu.memory_space<vmem_shared>>) offsets(%dma_start3A_251 : memref<128xi32, #tpu.memory_space<vmem>>) semaphore(%arg12 : memref<!tpu.dma_semaphore, #tpu.memory_space<semaphore_mem>>) {add = true}
      %dma_wait3A_255 = arith.constant 0 : i32
      %dma_wait3A_256 = arith.constant 4 : i32
      %dma_wait3A_257 = arith.constant 0 : i32
      %dma_wait3A_258 = arith.constant 0 : i32
      %dma_wait3A_259 = tpu.memref_slice %arg8[%dma_wait3A_255, %dma_wait3A_257, %dma_wait3A_258] : memref<2x128x128xf32, #tpu.memory_space<vmem>> -> memref<1x128x128xf32, #tpu.memory_space<vmem>>
      %dma_wait3A_260 = tpu.memref_squeeze %dma_wait3A_259 : memref<1x128x128xf32, #tpu.memory_space<vmem>> -> memref<128x128xf32, #tpu.memory_space<vmem>>
      %dma_wait3A_261 = arith.constant 0 : i32
      %dma_wait3A_262 = tpu.memref_slice %arg7[%dma_wait3A_256, %dma_wait3A_261] : memref<8x128xi32, #tpu.memory_space<vmem>> -> memref<1x128xi32, #tpu.memory_space<vmem>>
      %dma_wait3A_263 = tpu.memref_squeeze %dma_wait3A_262 : memref<1x128xi32, #tpu.memory_space<vmem>> -> memref<128xi32, #tpu.memory_space<vmem>>
      %dma_wait3A_264 = arith.constant 0 : i32
      %dma_wait3A_265 = arith.constant 0 : i32
      %dma_wait3A_266 = tpu.memref_slice %arg9[%dma_wait3A_264, %dma_wait3A_265] : memref<10240x128xf32, #tpu.memory_space<vmem_shared>> -> memref<10240x128xf32, #tpu.memory_space<vmem_shared>>
      tpu.wait_indirect_dma semaphore(%arg12 : memref<!tpu.dma_semaphore, #tpu.memory_space<semaphore_mem>>) src(%dma_wait3A_260 : memref<128x128xf32, #tpu.memory_space<vmem>>) dst(%dma_wait3A_266 : memref<10240x128xf32, #tpu.memory_space<vmem_shared>>)
      %dma_start3A_267 = arith.constant 0 : i32
      %dma_start3A_268 = arith.constant 0 : i32
      %dma_start3A_269 = arith.constant 0 : i32
      %dma_start3A_270 = tpu.memref_slice %arg8[%dma_start3A_267, %dma_start3A_268, %dma_start3A_269] : memref<2x128x128xf32, #tpu.memory_space<vmem>> -> memref<1x128x128xf32, #tpu.memory_space<vmem>>
      %dma_start3A_271 = tpu.memref_squeeze %dma_start3A_270 : memref<1x128x128xf32, #tpu.memory_space<vmem>> -> memref<128x128xf32, #tpu.memory_space<vmem>>
      %dma_start3A_272 = arith.constant 768 : i32
      %dma_start3A_273 = tpu.memref_slice %arg6[%dma_start3A_272] : memref<1024xi32, #tpu.memory_space<vmem>> -> memref<128xi32, #tpu.memory_space<vmem>>
      %dma_start3A_274 = arith.constant 0 : i32
      %dma_start3A_275 = arith.constant 0 : i32
      %dma_start3A_276 = tpu.memref_slice %arg2[%dma_start3A_274, %dma_start3A_275] : memref<10000x128xf32, #tpu.memory_space<hbm>> -> memref<10000x128xf32, #tpu.memory_space<hbm>>
      tpu.enqueue_indirect_dma source(%dma_start3A_276 : memref<10000x128xf32, #tpu.memory_space<hbm>>) target(%dma_start3A_271 : memref<128x128xf32, #tpu.memory_space<vmem>>) offsets(%dma_start3A_273 : memref<128xi32, #tpu.memory_space<vmem>>) semaphore(%arg10 : memref<!tpu.dma_semaphore, #tpu.memory_space<semaphore_mem>>)
      %dma_wait3A_277 = arith.constant 1 : i32
      %dma_wait3A_278 = arith.constant 0 : i32
      %dma_wait3A_279 = arith.constant 0 : i32
      %dma_wait3A_280 = tpu.memref_slice %arg8[%dma_wait3A_277, %dma_wait3A_278, %dma_wait3A_279] : memref<2x128x128xf32, #tpu.memory_space<vmem>> -> memref<1x128x128xf32, #tpu.memory_space<vmem>>
      %dma_wait3A_281 = tpu.memref_squeeze %dma_wait3A_280 : memref<1x128x128xf32, #tpu.memory_space<vmem>> -> memref<128x128xf32, #tpu.memory_space<vmem>>
      %dma_wait3A_282 = arith.constant 640 : i32
      %dma_wait3A_283 = tpu.memref_slice %arg6[%dma_wait3A_282] : memref<1024xi32, #tpu.memory_space<vmem>> -> memref<128xi32, #tpu.memory_space<vmem>>
      %dma_wait3A_284 = arith.constant 0 : i32
      %dma_wait3A_285 = arith.constant 0 : i32
      %dma_wait3A_286 = tpu.memref_slice %arg2[%dma_wait3A_284, %dma_wait3A_285] : memref<10000x128xf32, #tpu.memory_space<hbm>> -> memref<10000x128xf32, #tpu.memory_space<hbm>>
      tpu.wait_indirect_dma semaphore(%arg11 : memref<!tpu.dma_semaphore, #tpu.memory_space<semaphore_mem>>) src(%dma_wait3A_286 : memref<10000x128xf32, #tpu.memory_space<hbm>>) dst(%dma_wait3A_281 : memref<128x128xf32, #tpu.memory_space<vmem>>)
      %dma_start3A_287 = arith.constant 1 : i32
      %dma_start3A_288 = arith.constant 5 : i32
      %dma_start3A_289 = arith.constant 0 : i32
      %dma_start3A_290 = arith.constant 0 : i32
      %dma_start3A_291 = tpu.memref_slice %arg8[%dma_start3A_287, %dma_start3A_289, %dma_start3A_290] : memref<2x128x128xf32, #tpu.memory_space<vmem>> -> memref<1x128x128xf32, #tpu.memory_space<vmem>>
      %dma_start3A_292 = tpu.memref_squeeze %dma_start3A_291 : memref<1x128x128xf32, #tpu.memory_space<vmem>> -> memref<128x128xf32, #tpu.memory_space<vmem>>
      %dma_start3A_293 = arith.constant 0 : i32
      %dma_start3A_294 = tpu.memref_slice %arg7[%dma_start3A_288, %dma_start3A_293] : memref<8x128xi32, #tpu.memory_space<vmem>> -> memref<1x128xi32, #tpu.memory_space<vmem>>
      %dma_start3A_295 = tpu.memref_squeeze %dma_start3A_294 : memref<1x128xi32, #tpu.memory_space<vmem>> -> memref<128xi32, #tpu.memory_space<vmem>>
      %dma_start3A_296 = arith.constant 0 : i32
      %dma_start3A_297 = arith.constant 0 : i32
      %dma_start3A_298 = tpu.memref_slice %arg9[%dma_start3A_296, %dma_start3A_297] : memref<10240x128xf32, #tpu.memory_space<vmem_shared>> -> memref<10240x128xf32, #tpu.memory_space<vmem_shared>>
      tpu.enqueue_indirect_dma source(%dma_start3A_292 : memref<128x128xf32, #tpu.memory_space<vmem>>) target(%dma_start3A_298 : memref<10240x128xf32, #tpu.memory_space<vmem_shared>>) offsets(%dma_start3A_295 : memref<128xi32, #tpu.memory_space<vmem>>) semaphore(%arg13 : memref<!tpu.dma_semaphore, #tpu.memory_space<semaphore_mem>>) {add = true}
      %dma_wait3A_299 = arith.constant 1 : i32
      %dma_wait3A_300 = arith.constant 5 : i32
      %dma_wait3A_301 = arith.constant 0 : i32
      %dma_wait3A_302 = arith.constant 0 : i32
      %dma_wait3A_303 = tpu.memref_slice %arg8[%dma_wait3A_299, %dma_wait3A_301, %dma_wait3A_302] : memref<2x128x128xf32, #tpu.memory_space<vmem>> -> memref<1x128x128xf32, #tpu.memory_space<vmem>>
      %dma_wait3A_304 = tpu.memref_squeeze %dma_wait3A_303 : memref<1x128x128xf32, #tpu.memory_space<vmem>> -> memref<128x128xf32, #tpu.memory_space<vmem>>
      %dma_wait3A_305 = arith.constant 0 : i32
      %dma_wait3A_306 = tpu.memref_slice %arg7[%dma_wait3A_300, %dma_wait3A_305] : memref<8x128xi32, #tpu.memory_space<vmem>> -> memref<1x128xi32, #tpu.memory_space<vmem>>
      %dma_wait3A_307 = tpu.memref_squeeze %dma_wait3A_306 : memref<1x128xi32, #tpu.memory_space<vmem>> -> memref<128xi32, #tpu.memory_space<vmem>>
      %dma_wait3A_308 = arith.constant 0 : i32
      %dma_wait3A_309 = arith.constant 0 : i32
      %dma_wait3A_310 = tpu.memref_slice %arg9[%dma_wait3A_308, %dma_wait3A_309] : memref<10240x128xf32, #tpu.memory_space<vmem_shared>> -> memref<10240x128xf32, #tpu.memory_space<vmem_shared>>
      tpu.wait_indirect_dma semaphore(%arg13 : memref<!tpu.dma_semaphore, #tpu.memory_space<semaphore_mem>>) src(%dma_wait3A_304 : memref<128x128xf32, #tpu.memory_space<vmem>>) dst(%dma_wait3A_310 : memref<10240x128xf32, #tpu.memory_space<vmem_shared>>)
      %dma_start3A_311 = arith.constant 1 : i32
      %dma_start3A_312 = arith.constant 0 : i32
      %dma_start3A_313 = arith.constant 0 : i32
      %dma_start3A_314 = tpu.memref_slice %arg8[%dma_start3A_311, %dma_start3A_312, %dma_start3A_313] : memref<2x128x128xf32, #tpu.memory_space<vmem>> -> memref<1x128x128xf32, #tpu.memory_space<vmem>>
      %dma_start3A_315 = tpu.memref_squeeze %dma_start3A_314 : memref<1x128x128xf32, #tpu.memory_space<vmem>> -> memref<128x128xf32, #tpu.memory_space<vmem>>
      %dma_start3A_316 = arith.constant 896 : i32
      %dma_start3A_317 = tpu.memref_slice %arg6[%dma_start3A_316] : memref<1024xi32, #tpu.memory_space<vmem>> -> memref<128xi32, #tpu.memory_space<vmem>>
      %dma_start3A_318 = arith.constant 0 : i32
      %dma_start3A_319 = arith.constant 0 : i32
      %dma_start3A_320 = tpu.memref_slice %arg2[%dma_start3A_318, %dma_start3A_319] : memref<10000x128xf32, #tpu.memory_space<hbm>> -> memref<10000x128xf32, #tpu.memory_space<hbm>>
      tpu.enqueue_indirect_dma source(%dma_start3A_320 : memref<10000x128xf32, #tpu.memory_space<hbm>>) target(%dma_start3A_315 : memref<128x128xf32, #tpu.memory_space<vmem>>) offsets(%dma_start3A_317 : memref<128xi32, #tpu.memory_space<vmem>>) semaphore(%arg11 : memref<!tpu.dma_semaphore, #tpu.memory_space<semaphore_mem>>)
      %dma_wait3A_321 = arith.constant 0 : i32
      %dma_wait3A_322 = arith.constant 0 : i32
      %dma_wait3A_323 = arith.constant 0 : i32
      %dma_wait3A_324 = tpu.memref_slice %arg8[%dma_wait3A_321, %dma_wait3A_322, %dma_wait3A_323] : memref<2x128x128xf32, #tpu.memory_space<vmem>> -> memref<1x128x128xf32, #tpu.memory_space<vmem>>
      %dma_wait3A_325 = tpu.memref_squeeze %dma_wait3A_324 : memref<1x128x128xf32, #tpu.memory_space<vmem>> -> memref<128x128xf32, #tpu.memory_space<vmem>>
      %dma_wait3A_326 = arith.constant 768 : i32
      %dma_wait3A_327 = tpu.memref_slice %arg6[%dma_wait3A_326] : memref<1024xi32, #tpu.memory_space<vmem>> -> memref<128xi32, #tpu.memory_space<vmem>>
      %dma_wait3A_328 = arith.constant 0 : i32
      %dma_wait3A_329 = arith.constant 0 : i32
      %dma_wait3A_330 = tpu.memref_slice %arg2[%dma_wait3A_328, %dma_wait3A_329] : memref<10000x128xf32, #tpu.memory_space<hbm>> -> memref<10000x128xf32, #tpu.memory_space<hbm>>
      tpu.wait_indirect_dma semaphore(%arg10 : memref<!tpu.dma_semaphore, #tpu.memory_space<semaphore_mem>>) src(%dma_wait3A_330 : memref<10000x128xf32, #tpu.memory_space<hbm>>) dst(%dma_wait3A_325 : memref<128x128xf32, #tpu.memory_space<vmem>>)
      %dma_start3A_331 = arith.constant 0 : i32
      %dma_start3A_332 = arith.constant 6 : i32
      %dma_start3A_333 = arith.constant 0 : i32
      %dma_start3A_334 = arith.constant 0 : i32
      %dma_start3A_335 = tpu.memref_slice %arg8[%dma_start3A_331, %dma_start3A_333, %dma_start3A_334] : memref<2x128x128xf32, #tpu.memory_space<vmem>> -> memref<1x128x128xf32, #tpu.memory_space<vmem>>
      %dma_start3A_336 = tpu.memref_squeeze %dma_start3A_335 : memref<1x128x128xf32, #tpu.memory_space<vmem>> -> memref<128x128xf32, #tpu.memory_space<vmem>>
      %dma_start3A_337 = arith.constant 0 : i32
      %dma_start3A_338 = tpu.memref_slice %arg7[%dma_start3A_332, %dma_start3A_337] : memref<8x128xi32, #tpu.memory_space<vmem>> -> memref<1x128xi32, #tpu.memory_space<vmem>>
      %dma_start3A_339 = tpu.memref_squeeze %dma_start3A_338 : memref<1x128xi32, #tpu.memory_space<vmem>> -> memref<128xi32, #tpu.memory_space<vmem>>
      %dma_start3A_340 = arith.constant 0 : i32
      %dma_start3A_341 = arith.constant 0 : i32
      %dma_start3A_342 = tpu.memref_slice %arg9[%dma_start3A_340, %dma_start3A_341] : memref<10240x128xf32, #tpu.memory_space<vmem_shared>> -> memref<10240x128xf32, #tpu.memory_space<vmem_shared>>
      tpu.enqueue_indirect_dma source(%dma_start3A_336 : memref<128x128xf32, #tpu.memory_space<vmem>>) target(%dma_start3A_342 : memref<10240x128xf32, #tpu.memory_space<vmem_shared>>) offsets(%dma_start3A_339 : memref<128xi32, #tpu.memory_space<vmem>>) semaphore(%arg12 : memref<!tpu.dma_semaphore, #tpu.memory_space<semaphore_mem>>) {add = true}
      %dma_wait3A_343 = arith.constant 1 : i32
      %dma_wait3A_344 = arith.constant 0 : i32
      %dma_wait3A_345 = arith.constant 0 : i32
      %dma_wait3A_346 = tpu.memref_slice %arg8[%dma_wait3A_343, %dma_wait3A_344, %dma_wait3A_345] : memref<2x128x128xf32, #tpu.memory_space<vmem>> -> memref<1x128x128xf32, #tpu.memory_space<vmem>>
      %dma_wait3A_347 = tpu.memref_squeeze %dma_wait3A_346 : memref<1x128x128xf32, #tpu.memory_space<vmem>> -> memref<128x128xf32, #tpu.memory_space<vmem>>
      %dma_wait3A_348 = arith.constant 896 : i32
      %dma_wait3A_349 = tpu.memref_slice %arg6[%dma_wait3A_348] : memref<1024xi32, #tpu.memory_space<vmem>> -> memref<128xi32, #tpu.memory_space<vmem>>
      %dma_wait3A_350 = arith.constant 0 : i32
      %dma_wait3A_351 = arith.constant 0 : i32
      %dma_wait3A_352 = tpu.memref_slice %arg2[%dma_wait3A_350, %dma_wait3A_351] : memref<10000x128xf32, #tpu.memory_space<hbm>> -> memref<10000x128xf32, #tpu.memory_space<hbm>>
      tpu.wait_indirect_dma semaphore(%arg11 : memref<!tpu.dma_semaphore, #tpu.memory_space<semaphore_mem>>) src(%dma_wait3A_352 : memref<10000x128xf32, #tpu.memory_space<hbm>>) dst(%dma_wait3A_347 : memref<128x128xf32, #tpu.memory_space<vmem>>)
      %dma_start3A_353 = arith.constant 1 : i32
      %dma_start3A_354 = arith.constant 7 : i32
      %dma_start3A_355 = arith.constant 0 : i32
      %dma_start3A_356 = arith.constant 0 : i32
      %dma_start3A_357 = tpu.memref_slice %arg8[%dma_start3A_353, %dma_start3A_355, %dma_start3A_356] : memref<2x128x128xf32, #tpu.memory_space<vmem>> -> memref<1x128x128xf32, #tpu.memory_space<vmem>>
      %dma_start3A_358 = tpu.memref_squeeze %dma_start3A_357 : memref<1x128x128xf32, #tpu.memory_space<vmem>> -> memref<128x128xf32, #tpu.memory_space<vmem>>
      %dma_start3A_359 = arith.constant 0 : i32
      %dma_start3A_360 = tpu.memref_slice %arg7[%dma_start3A_354, %dma_start3A_359] : memref<8x128xi32, #tpu.memory_space<vmem>> -> memref<1x128xi32, #tpu.memory_space<vmem>>
      %dma_start3A_361 = tpu.memref_squeeze %dma_start3A_360 : memref<1x128xi32, #tpu.memory_space<vmem>> -> memref<128xi32, #tpu.memory_space<vmem>>
      %dma_start3A_362 = arith.constant 0 : i32
      %dma_start3A_363 = arith.constant 0 : i32
      %dma_start3A_364 = tpu.memref_slice %arg9[%dma_start3A_362, %dma_start3A_363] : memref<10240x128xf32, #tpu.memory_space<vmem_shared>> -> memref<10240x128xf32, #tpu.memory_space<vmem_shared>>
      tpu.enqueue_indirect_dma source(%dma_start3A_358 : memref<128x128xf32, #tpu.memory_space<vmem>>) target(%dma_start3A_364 : memref<10240x128xf32, #tpu.memory_space<vmem_shared>>) offsets(%dma_start3A_361 : memref<128xi32, #tpu.memory_space<vmem>>) semaphore(%arg13 : memref<!tpu.dma_semaphore, #tpu.memory_space<semaphore_mem>>) {add = true}
      %dma_wait3A_365 = arith.constant 0 : i32
      %dma_wait3A_366 = arith.constant 6 : i32
      %dma_wait3A_367 = arith.constant 0 : i32
      %dma_wait3A_368 = arith.constant 0 : i32
      %dma_wait3A_369 = tpu.memref_slice %arg8[%dma_wait3A_365, %dma_wait3A_367, %dma_wait3A_368] : memref<2x128x128xf32, #tpu.memory_space<vmem>> -> memref<1x128x128xf32, #tpu.memory_space<vmem>>
      %dma_wait3A_370 = tpu.memref_squeeze %dma_wait3A_369 : memref<1x128x128xf32, #tpu.memory_space<vmem>> -> memref<128x128xf32, #tpu.memory_space<vmem>>
      %dma_wait3A_371 = arith.constant 0 : i32
      %dma_wait3A_372 = tpu.memref_slice %arg7[%dma_wait3A_366, %dma_wait3A_371] : memref<8x128xi32, #tpu.memory_space<vmem>> -> memref<1x128xi32, #tpu.memory_space<vmem>>
      %dma_wait3A_373 = tpu.memref_squeeze %dma_wait3A_372 : memref<1x128xi32, #tpu.memory_space<vmem>> -> memref<128xi32, #tpu.memory_space<vmem>>
      %dma_wait3A_374 = arith.constant 0 : i32
      %dma_wait3A_375 = arith.constant 0 : i32
      %dma_wait3A_376 = tpu.memref_slice %arg9[%dma_wait3A_374, %dma_wait3A_375] : memref<10240x128xf32, #tpu.memory_space<vmem_shared>> -> memref<10240x128xf32, #tpu.memory_space<vmem_shared>>
      tpu.wait_indirect_dma semaphore(%arg12 : memref<!tpu.dma_semaphore, #tpu.memory_space<semaphore_mem>>) src(%dma_wait3A_370 : memref<128x128xf32, #tpu.memory_space<vmem>>) dst(%dma_wait3A_376 : memref<10240x128xf32, #tpu.memory_space<vmem_shared>>)
      %dma_wait3A_377 = arith.constant 1 : i32
      %dma_wait3A_378 = arith.constant 7 : i32
      %dma_wait3A_379 = arith.constant 0 : i32
      %dma_wait3A_380 = arith.constant 0 : i32
      %dma_wait3A_381 = tpu.memref_slice %arg8[%dma_wait3A_377, %dma_wait3A_379, %dma_wait3A_380] : memref<2x128x128xf32, #tpu.memory_space<vmem>> -> memref<1x128x128xf32, #tpu.memory_space<vmem>>
      %dma_wait3A_382 = tpu.memref_squeeze %dma_wait3A_381 : memref<1x128x128xf32, #tpu.memory_space<vmem>> -> memref<128x128xf32, #tpu.memory_space<vmem>>
      %dma_wait3A_383 = arith.constant 0 : i32
      %dma_wait3A_384 = tpu.memref_slice %arg7[%dma_wait3A_378, %dma_wait3A_383] : memref<8x128xi32, #tpu.memory_space<vmem>> -> memref<1x128xi32, #tpu.memory_space<vmem>>
      %dma_wait3A_385 = tpu.memref_squeeze %dma_wait3A_384 : memref<1x128xi32, #tpu.memory_space<vmem>> -> memref<128xi32, #tpu.memory_space<vmem>>
      %dma_wait3A_386 = arith.constant 0 : i32
      %dma_wait3A_387 = arith.constant 0 : i32
      %dma_wait3A_388 = tpu.memref_slice %arg9[%dma_wait3A_386, %dma_wait3A_387] : memref<10240x128xf32, #tpu.memory_space<vmem_shared>> -> memref<10240x128xf32, #tpu.memory_space<vmem_shared>>
      tpu.wait_indirect_dma semaphore(%arg13 : memref<!tpu.dma_semaphore, #tpu.memory_space<semaphore_mem>>) src(%dma_wait3A_382 : memref<128x128xf32, #tpu.memory_space<vmem>>) dst(%dma_wait3A_388 : memref<10240x128xf32, #tpu.memory_space<vmem_shared>>)
    }
    %scan3A_29 = arith.constant 10 : i32
    %barrier3A_30 = arith.constant 0 : index
    tpu.barrier barrier_id(%barrier3A_30)
    "tpu.region"() ({
      %run_scoped3A_31 = tpu.sem_alloc : memref<!tpu.dma_semaphore, #tpu.memory_space<semaphore_mem>>
      %dma_start3A = arith.constant 0 : i32
      %dma_start3A_32 = tpu.memref_slice %arg5[%arg0, %mul3A_9, %dma_start3A] : memref<2x10240x128xf32, #tpu.memory_space<hbm>> -> memref<1x640x128xf32, #tpu.memory_space<hbm>>
      %dma_start3A_33 = tpu.memref_squeeze %dma_start3A_32 : memref<1x640x128xf32, #tpu.memory_space<hbm>> -> memref<640x128xf32, #tpu.memory_space<hbm>>
      %dma_start3A_34 = arith.constant 0 : i32
      %dma_start3A_35 = tpu.memref_slice %arg9[%mul3A_9, %dma_start3A_34] : memref<10240x128xf32, #tpu.memory_space<vmem_shared>> -> memref<640x128xf32, #tpu.memory_space<vmem_shared>>
      tpu.enqueue_dma source(%dma_start3A_35 : memref<640x128xf32, #tpu.memory_space<vmem_shared>>) target(%dma_start3A_33 : memref<640x128xf32, #tpu.memory_space<hbm>>) target_semaphore(%run_scoped3A_31 : memref<!tpu.dma_semaphore, #tpu.memory_space<semaphore_mem>>)
      %dma_wait3A = arith.constant 0 : i32
      %dma_wait3A_36 = tpu.memref_slice %arg5[%arg0, %mul3A_9, %dma_wait3A] : memref<2x10240x128xf32, #tpu.memory_space<hbm>> -> memref<1x640x128xf32, #tpu.memory_space<hbm>>
      %dma_wait3A_37 = tpu.memref_squeeze %dma_wait3A_36 : memref<1x640x128xf32, #tpu.memory_space<hbm>> -> memref<640x128xf32, #tpu.memory_space<hbm>>
      %dma_wait3A_38 = arith.constant 0 : i32
      %dma_wait3A_39 = tpu.memref_slice %arg9[%mul3A_9, %dma_wait3A_38] : memref<10240x128xf32, #tpu.memory_space<vmem_shared>> -> memref<640x128xf32, #tpu.memory_space<vmem_shared>>
      tpu.wait_dma2 semaphore(%run_scoped3A_31 : memref<!tpu.dma_semaphore, #tpu.memory_space<semaphore_mem>>) src(%dma_wait3A_39 : memref<640x128xf32, #tpu.memory_space<vmem_shared>>) dst(%dma_wait3A_37 : memref<640x128xf32, #tpu.memory_space<hbm>>)
      tpu.yield
    }) : () -> ()
    return
  }
}

#map = affine_map<(d0, d1) -> (0, 0)>
#map1 = affine_map<(d0, d1) -> (0)>
#map2 = affine_map<(d0, d1) -> (0, 0, 0)>
module attributes {stable_mosaic.version = 14 : i64} {
  func.func @_agg_body(%arg0: i32, %arg1: i32, %arg2: memref<10000x128xf32, #tpu.memory_space<hbm>>, %arg3: memref<327680xi32, #tpu.memory_space<hbm>>, %arg4: memref<32x80x128xi32, #tpu.memory_space<hbm>>, %arg5: memref<2x10240x128xf32, #tpu.memory_space<hbm>>, %arg6: memref<1024xi32, #tpu.memory_space<vmem>>, %arg7: memref<8x128xi32, #tpu.memory_space<vmem>>, %arg8: memref<2x128x128xf32, #tpu.memory_space<vmem>>, %arg9: memref<10240x128xf32, #tpu.memory_space<vmem_shared>>, %arg10: memref<!tpu.dma_semaphore, #tpu.memory_space<semaphore_mem>>, %arg11: memref<!tpu.dma_semaphore, #tpu.memory_space<semaphore_mem>>, %arg12: memref<!tpu.dma_semaphore, #tpu.memory_space<semaphore_mem>>, %arg13: memref<!tpu.dma_semaphore, #tpu.memory_space<semaphore_mem>>) attributes {dimension_semantics = [#tpu.dimension_semantics<core_parallel>, #tpu.dimension_semantics<subcore_parallel>], iteration_bounds = array<i64: 2, 16>, scalar_prefetch = 0 : i64, scratch_operands = 8 : i64, tpu.core_type = #tpu.core_type<sc_vector_subcore>, window_params = [{transform_indices = #map}, {transform_indices = #map1}, {transform_indices = #map2}, {transform_indices = #map2}]} {
    %mul3A = arith.constant 2 : i32
    %mul3A_0 = arith.muli %arg1, %mul3A : i32
    %add3A = arith.addi %mul3A_0, %arg0 : i32
    %broadcast_in_dim3A = arith.constant 0.000000e+00 : f32
    %broadcast_in_dim3A_1 = vector.broadcast %broadcast_in_dim3A : f32 to vector<16xf32>
    %scan3A = arith.constant 0 : i32
    %scan3A_2 = arith.constant 0 : i32
    %scan3A_3 = arith.constant 0 : i32
    %scan3A_4 = arith.constant 128 : i32
    %scan3A_5 = arith.addi %scan3A_3, %scan3A_4 : i32
    %scan3A_6 = arith.constant 1 : i32
    scf.for %scan3A_31 = %scan3A_3 to %scan3A_5 step %scan3A_6  : i32 {
      %swap3A = arith.constant 0 : i32
      %swap3A_32 = arith.constant 0 : i32
      %swap3A_33 = tpu.memref_slice %arg8[%scan3A_2, %swap3A, %swap3A_32] : memref<2x128x128xf32, #tpu.memory_space<vmem>> -> memref<1x128x128xf32, #tpu.memory_space<vmem>>
      %swap3A_34 = tpu.memref_squeeze %swap3A_33 : memref<1x128x128xf32, #tpu.memory_space<vmem>> -> memref<128x128xf32, #tpu.memory_space<vmem>>
      %swap3A_35 = arith.index_cast %scan3A_31 : i32 to index
      %swap3A_36 = arith.constant 0 : index
      %swap3A_37 = tpu.vector_load %swap3A_34[%swap3A_35, %swap3A_36] {strides = array<i32>} : memref<128x128xf32, #tpu.memory_space<vmem>>, vector<1x16xf32>,
      %swap3A_38 = vector.shape_cast %swap3A_37 : vector<1x16xf32> to vector<16xf32>
      %swap3A_39 = vector.shape_cast %broadcast_in_dim3A_1 : vector<16xf32> to vector<1x16xf32>
      tpu.vector_store %swap3A_34[%swap3A_35, %swap3A_36], %swap3A_39 {strides = array<i32>} : memref<128x128xf32, #tpu.memory_space<vmem>>, vector<1x16xf32>,
      %swap3A_40 = arith.constant 0 : i32
      %swap3A_41 = arith.constant 0 : i32
      %swap3A_42 = tpu.memref_slice %arg8[%scan3A_2, %swap3A_40, %swap3A_41] : memref<2x128x128xf32, #tpu.memory_space<vmem>> -> memref<1x128x128xf32, #tpu.memory_space<vmem>>
      %swap3A_43 = tpu.memref_squeeze %swap3A_42 : memref<1x128x128xf32, #tpu.memory_space<vmem>> -> memref<128x128xf32, #tpu.memory_space<vmem>>
      %swap3A_44 = arith.index_cast %scan3A_31 : i32 to index
      %swap3A_45 = arith.constant 16 : index
      %swap3A_46 = tpu.vector_load %swap3A_43[%swap3A_44, %swap3A_45] {strides = array<i32>} : memref<128x128xf32, #tpu.memory_space<vmem>>, vector<1x16xf32>,
      %swap3A_47 = vector.shape_cast %swap3A_46 : vector<1x16xf32> to vector<16xf32>
      %swap3A_48 = vector.shape_cast %broadcast_in_dim3A_1 : vector<16xf32> to vector<1x16xf32>
      tpu.vector_store %swap3A_43[%swap3A_44, %swap3A_45], %swap3A_48 {strides = array<i32>} : memref<128x128xf32, #tpu.memory_space<vmem>>, vector<1x16xf32>,
      %swap3A_49 = arith.constant 0 : i32
      %swap3A_50 = arith.constant 0 : i32
      %swap3A_51 = tpu.memref_slice %arg8[%scan3A_2, %swap3A_49, %swap3A_50] : memref<2x128x128xf32, #tpu.memory_space<vmem>> -> memref<1x128x128xf32, #tpu.memory_space<vmem>>
      %swap3A_52 = tpu.memref_squeeze %swap3A_51 : memref<1x128x128xf32, #tpu.memory_space<vmem>> -> memref<128x128xf32, #tpu.memory_space<vmem>>
      %swap3A_53 = arith.index_cast %scan3A_31 : i32 to index
      %swap3A_54 = arith.constant 32 : index
      %swap3A_55 = tpu.vector_load %swap3A_52[%swap3A_53, %swap3A_54] {strides = array<i32>} : memref<128x128xf32, #tpu.memory_space<vmem>>, vector<1x16xf32>,
      %swap3A_56 = vector.shape_cast %swap3A_55 : vector<1x16xf32> to vector<16xf32>
      %swap3A_57 = vector.shape_cast %broadcast_in_dim3A_1 : vector<16xf32> to vector<1x16xf32>
      tpu.vector_store %swap3A_52[%swap3A_53, %swap3A_54], %swap3A_57 {strides = array<i32>} : memref<128x128xf32, #tpu.memory_space<vmem>>, vector<1x16xf32>,
      %swap3A_58 = arith.constant 0 : i32
      %swap3A_59 = arith.constant 0 : i32
      %swap3A_60 = tpu.memref_slice %arg8[%scan3A_2, %swap3A_58, %swap3A_59] : memref<2x128x128xf32, #tpu.memory_space<vmem>> -> memref<1x128x128xf32, #tpu.memory_space<vmem>>
      %swap3A_61 = tpu.memref_squeeze %swap3A_60 : memref<1x128x128xf32, #tpu.memory_space<vmem>> -> memref<128x128xf32, #tpu.memory_space<vmem>>
      %swap3A_62 = arith.index_cast %scan3A_31 : i32 to index
      %swap3A_63 = arith.constant 48 : index
      %swap3A_64 = tpu.vector_load %swap3A_61[%swap3A_62, %swap3A_63] {strides = array<i32>} : memref<128x128xf32, #tpu.memory_space<vmem>>, vector<1x16xf32>,
      %swap3A_65 = vector.shape_cast %swap3A_64 : vector<1x16xf32> to vector<16xf32>
      %swap3A_66 = vector.shape_cast %broadcast_in_dim3A_1 : vector<16xf32> to vector<1x16xf32>
      tpu.vector_store %swap3A_61[%swap3A_62, %swap3A_63], %swap3A_66 {strides = array<i32>} : memref<128x128xf32, #tpu.memory_space<vmem>>, vector<1x16xf32>,
      %swap3A_67 = arith.constant 0 : i32
      %swap3A_68 = arith.constant 0 : i32
      %swap3A_69 = tpu.memref_slice %arg8[%scan3A_2, %swap3A_67, %swap3A_68] : memref<2x128x128xf32, #tpu.memory_space<vmem>> -> memref<1x128x128xf32, #tpu.memory_space<vmem>>
      %swap3A_70 = tpu.memref_squeeze %swap3A_69 : memref<1x128x128xf32, #tpu.memory_space<vmem>> -> memref<128x128xf32, #tpu.memory_space<vmem>>
      %swap3A_71 = arith.index_cast %scan3A_31 : i32 to index
      %swap3A_72 = arith.constant 64 : index
      %swap3A_73 = tpu.vector_load %swap3A_70[%swap3A_71, %swap3A_72] {strides = array<i32>} : memref<128x128xf32, #tpu.memory_space<vmem>>, vector<1x16xf32>,
      %swap3A_74 = vector.shape_cast %swap3A_73 : vector<1x16xf32> to vector<16xf32>
      %swap3A_75 = vector.shape_cast %broadcast_in_dim3A_1 : vector<16xf32> to vector<1x16xf32>
      tpu.vector_store %swap3A_70[%swap3A_71, %swap3A_72], %swap3A_75 {strides = array<i32>} : memref<128x128xf32, #tpu.memory_space<vmem>>, vector<1x16xf32>,
      %swap3A_76 = arith.constant 0 : i32
      %swap3A_77 = arith.constant 0 : i32
      %swap3A_78 = tpu.memref_slice %arg8[%scan3A_2, %swap3A_76, %swap3A_77] : memref<2x128x128xf32, #tpu.memory_space<vmem>> -> memref<1x128x128xf32, #tpu.memory_space<vmem>>
      %swap3A_79 = tpu.memref_squeeze %swap3A_78 : memref<1x128x128xf32, #tpu.memory_space<vmem>> -> memref<128x128xf32, #tpu.memory_space<vmem>>
      %swap3A_80 = arith.index_cast %scan3A_31 : i32 to index
      %swap3A_81 = arith.constant 80 : index
      %swap3A_82 = tpu.vector_load %swap3A_79[%swap3A_80, %swap3A_81] {strides = array<i32>} : memref<128x128xf32, #tpu.memory_space<vmem>>, vector<1x16xf32>,
      %swap3A_83 = vector.shape_cast %swap3A_82 : vector<1x16xf32> to vector<16xf32>
      %swap3A_84 = vector.shape_cast %broadcast_in_dim3A_1 : vector<16xf32> to vector<1x16xf32>
      tpu.vector_store %swap3A_79[%swap3A_80, %swap3A_81], %swap3A_84 {strides = array<i32>} : memref<128x128xf32, #tpu.memory_space<vmem>>, vector<1x16xf32>,
      %swap3A_85 = arith.constant 0 : i32
      %swap3A_86 = arith.constant 0 : i32
      %swap3A_87 = tpu.memref_slice %arg8[%scan3A_2, %swap3A_85, %swap3A_86] : memref<2x128x128xf32, #tpu.memory_space<vmem>> -> memref<1x128x128xf32, #tpu.memory_space<vmem>>
      %swap3A_88 = tpu.memref_squeeze %swap3A_87 : memref<1x128x128xf32, #tpu.memory_space<vmem>> -> memref<128x128xf32, #tpu.memory_space<vmem>>
      %swap3A_89 = arith.index_cast %scan3A_31 : i32 to index
      %swap3A_90 = arith.constant 96 : index
      %swap3A_91 = tpu.vector_load %swap3A_88[%swap3A_89, %swap3A_90] {strides = array<i32>} : memref<128x128xf32, #tpu.memory_space<vmem>>, vector<1x16xf32>,
      %swap3A_92 = vector.shape_cast %swap3A_91 : vector<1x16xf32> to vector<16xf32>
      %swap3A_93 = vector.shape_cast %broadcast_in_dim3A_1 : vector<16xf32> to vector<1x16xf32>
      tpu.vector_store %swap3A_88[%swap3A_89, %swap3A_90], %swap3A_93 {strides = array<i32>} : memref<128x128xf32, #tpu.memory_space<vmem>>, vector<1x16xf32>,
      %swap3A_94 = arith.constant 0 : i32
      %swap3A_95 = arith.constant 0 : i32
      %swap3A_96 = tpu.memref_slice %arg8[%scan3A_2, %swap3A_94, %swap3A_95] : memref<2x128x128xf32, #tpu.memory_space<vmem>> -> memref<1x128x128xf32, #tpu.memory_space<vmem>>
      %swap3A_97 = tpu.memref_squeeze %swap3A_96 : memref<1x128x128xf32, #tpu.memory_space<vmem>> -> memref<128x128xf32, #tpu.memory_space<vmem>>
      %swap3A_98 = arith.index_cast %scan3A_31 : i32 to index
      %swap3A_99 = arith.constant 112 : index
      %swap3A_100 = tpu.vector_load %swap3A_97[%swap3A_98, %swap3A_99] {strides = array<i32>} : memref<128x128xf32, #tpu.memory_space<vmem>>, vector<1x16xf32>,
      %swap3A_101 = vector.shape_cast %swap3A_100 : vector<1x16xf32> to vector<16xf32>
      %swap3A_102 = vector.shape_cast %broadcast_in_dim3A_1 : vector<16xf32> to vector<1x16xf32>
      tpu.vector_store %swap3A_97[%swap3A_98, %swap3A_99], %swap3A_102 {strides = array<i32>} : memref<128x128xf32, #tpu.memory_space<vmem>>, vector<1x16xf32>,
    }
    %scan3A_7 = arith.constant 128 : i32
    %mul3A_8 = arith.constant 640 : i32
    %mul3A_9 = arith.muli %arg1, %mul3A_8 : i32
    %add3A_10 = arith.constant 0 : i32
    %add3A_11 = arith.addi %mul3A_9, %add3A_10 : i32
    %run_scoped3A = arith.constant 0 : i32
    "tpu.region"() ({
      %run_scoped3A_31 = tpu.sem_alloc : memref<!tpu.dma_semaphore, #tpu.memory_space<semaphore_mem>>
      %dma_start3A = arith.constant 0 : i32
      %dma_start3A_32 = arith.constant 0 : i32
      %dma_start3A_33 = tpu.memref_slice %arg8[%run_scoped3A, %dma_start3A, %dma_start3A_32] : memref<2x128x128xf32, #tpu.memory_space<vmem>> -> memref<1x128x128xf32, #tpu.memory_space<vmem>>
      %dma_start3A_34 = tpu.memref_squeeze %dma_start3A_33 : memref<1x128x128xf32, #tpu.memory_space<vmem>> -> memref<128x128xf32, #tpu.memory_space<vmem>>
      %dma_start3A_35 = arith.constant 0 : i32
      %dma_start3A_36 = tpu.memref_slice %arg9[%add3A_11, %dma_start3A_35] : memref<10240x128xf32, #tpu.memory_space<vmem_shared>> -> memref<128x128xf32, #tpu.memory_space<vmem_shared>>
      %dma_start3A_37 = arith.constant 0 : i32
      %dma_start3A_38 = tpu.memref_slice %arg9[%add3A_11, %dma_start3A_37] : memref<10240x128xf32, #tpu.memory_space<vmem_shared>> -> memref<128x128xf32, #tpu.memory_space<vmem_shared>>
      %dma_start3A_39 = arith.constant 0 : i32
      %dma_start3A_40 = arith.constant 0 : i32
      %dma_start3A_41 = tpu.memref_slice %arg8[%run_scoped3A, %dma_start3A_39, %dma_start3A_40] : memref<2x128x128xf32, #tpu.memory_space<vmem>> -> memref<1x128x128xf32, #tpu.memory_space<vmem>>
      %dma_start3A_42 = tpu.memref_squeeze %dma_start3A_41 : memref<1x128x128xf32, #tpu.memory_space<vmem>> -> memref<128x128xf32, #tpu.memory_space<vmem>>
      tpu.enqueue_dma source(%dma_start3A_42 : memref<128x128xf32, #tpu.memory_space<vmem>>) target(%dma_start3A_38 : memref<128x128xf32, #tpu.memory_space<vmem_shared>>) target_semaphore(%run_scoped3A_31 : memref<!tpu.dma_semaphore, #tpu.memory_space<semaphore_mem>>)
      %dma_wait3A = arith.constant 0 : i32
      %dma_wait3A_43 = arith.constant 0 : i32
      %dma_wait3A_44 = tpu.memref_slice %arg8[%run_scoped3A, %dma_wait3A, %dma_wait3A_43] : memref<2x128x128xf32, #tpu.memory_space<vmem>> -> memref<1x128x128xf32, #tpu.memory_space<vmem>>
      %dma_wait3A_45 = tpu.memref_squeeze %dma_wait3A_44 : memref<1x128x128xf32, #tpu.memory_space<vmem>> -> memref<128x128xf32, #tpu.memory_space<vmem>>
      %dma_wait3A_46 = arith.constant 0 : i32
      %dma_wait3A_47 = tpu.memref_slice %arg9[%add3A_11, %dma_wait3A_46] : memref<10240x128xf32, #tpu.memory_space<vmem_shared>> -> memref<128x128xf32, #tpu.memory_space<vmem_shared>>
      %dma_wait3A_48 = arith.constant 0 : i32
      %dma_wait3A_49 = tpu.memref_slice %arg9[%add3A_11, %dma_wait3A_48] : memref<10240x128xf32, #tpu.memory_space<vmem_shared>> -> memref<128x128xf32, #tpu.memory_space<vmem_shared>>
      %dma_wait3A_50 = arith.constant 0 : i32
      %dma_wait3A_51 = arith.constant 0 : i32
      %dma_wait3A_52 = tpu.memref_slice %arg8[%run_scoped3A, %dma_wait3A_50, %dma_wait3A_51] : memref<2x128x128xf32, #tpu.memory_space<vmem>> -> memref<1x128x128xf32, #tpu.memory_space<vmem>>
      %dma_wait3A_53 = tpu.memref_squeeze %dma_wait3A_52 : memref<1x128x128xf32, #tpu.memory_space<vmem>> -> memref<128x128xf32, #tpu.memory_space<vmem>>
      tpu.wait_dma2 semaphore(%run_scoped3A_31 : memref<!tpu.dma_semaphore, #tpu.memory_space<semaphore_mem>>) src(%dma_wait3A_53 : memref<128x128xf32, #tpu.memory_space<vmem>>) dst(%dma_wait3A_49 : memref<128x128xf32, #tpu.memory_space<vmem_shared>>)
      tpu.yield
    }) : () -> ()
    %add3A_12 = arith.constant 128 : i32
    %add3A_13 = arith.addi %mul3A_9, %add3A_12 : i32
    %run_scoped3A_14 = arith.constant 0 : i32
    "tpu.region"() ({
      %run_scoped3A_31 = tpu.sem_alloc : memref<!tpu.dma_semaphore, #tpu.memory_space<semaphore_mem>>
      %dma_start3A = arith.constant 0 : i32
      %dma_start3A_32 = arith.constant 0 : i32
      %dma_start3A_33 = tpu.memref_slice %arg8[%run_scoped3A_14, %dma_start3A, %dma_start3A_32] : memref<2x128x128xf32, #tpu.memory_space<vmem>> -> memref<1x128x128xf32, #tpu.memory_space<vmem>>
      %dma_start3A_34 = tpu.memref_squeeze %dma_start3A_33 : memref<1x128x128xf32, #tpu.memory_space<vmem>> -> memref<128x128xf32, #tpu.memory_space<vmem>>
      %dma_start3A_35 = arith.constant 0 : i32
      %dma_start3A_36 = tpu.memref_slice %arg9[%add3A_13, %dma_start3A_35] : memref<10240x128xf32, #tpu.memory_space<vmem_shared>> -> memref<128x128xf32, #tpu.memory_space<vmem_shared>>
      %dma_start3A_37 = arith.constant 0 : i32
      %dma_start3A_38 = tpu.memref_slice %arg9[%add3A_13, %dma_start3A_37] : memref<10240x128xf32, #tpu.memory_space<vmem_shared>> -> memref<128x128xf32, #tpu.memory_space<vmem_shared>>
      %dma_start3A_39 = arith.constant 0 : i32
      %dma_start3A_40 = arith.constant 0 : i32
      %dma_start3A_41 = tpu.memref_slice %arg8[%run_scoped3A_14, %dma_start3A_39, %dma_start3A_40] : memref<2x128x128xf32, #tpu.memory_space<vmem>> -> memref<1x128x128xf32, #tpu.memory_space<vmem>>
      %dma_start3A_42 = tpu.memref_squeeze %dma_start3A_41 : memref<1x128x128xf32, #tpu.memory_space<vmem>> -> memref<128x128xf32, #tpu.memory_space<vmem>>
      tpu.enqueue_dma source(%dma_start3A_42 : memref<128x128xf32, #tpu.memory_space<vmem>>) target(%dma_start3A_38 : memref<128x128xf32, #tpu.memory_space<vmem_shared>>) target_semaphore(%run_scoped3A_31 : memref<!tpu.dma_semaphore, #tpu.memory_space<semaphore_mem>>)
      %dma_wait3A = arith.constant 0 : i32
      %dma_wait3A_43 = arith.constant 0 : i32
      %dma_wait3A_44 = tpu.memref_slice %arg8[%run_scoped3A_14, %dma_wait3A, %dma_wait3A_43] : memref<2x128x128xf32, #tpu.memory_space<vmem>> -> memref<1x128x128xf32, #tpu.memory_space<vmem>>
      %dma_wait3A_45 = tpu.memref_squeeze %dma_wait3A_44 : memref<1x128x128xf32, #tpu.memory_space<vmem>> -> memref<128x128xf32, #tpu.memory_space<vmem>>
      %dma_wait3A_46 = arith.constant 0 : i32
      %dma_wait3A_47 = tpu.memref_slice %arg9[%add3A_13, %dma_wait3A_46] : memref<10240x128xf32, #tpu.memory_space<vmem_shared>> -> memref<128x128xf32, #tpu.memory_space<vmem_shared>>
      %dma_wait3A_48 = arith.constant 0 : i32
      %dma_wait3A_49 = tpu.memref_slice %arg9[%add3A_13, %dma_wait3A_48] : memref<10240x128xf32, #tpu.memory_space<vmem_shared>> -> memref<128x128xf32, #tpu.memory_space<vmem_shared>>
      %dma_wait3A_50 = arith.constant 0 : i32
      %dma_wait3A_51 = arith.constant 0 : i32
      %dma_wait3A_52 = tpu.memref_slice %arg8[%run_scoped3A_14, %dma_wait3A_50, %dma_wait3A_51] : memref<2x128x128xf32, #tpu.memory_space<vmem>> -> memref<1x128x128xf32, #tpu.memory_space<vmem>>
      %dma_wait3A_53 = tpu.memref_squeeze %dma_wait3A_52 : memref<1x128x128xf32, #tpu.memory_space<vmem>> -> memref<128x128xf32, #tpu.memory_space<vmem>>
      tpu.wait_dma2 semaphore(%run_scoped3A_31 : memref<!tpu.dma_semaphore, #tpu.memory_space<semaphore_mem>>) src(%dma_wait3A_53 : memref<128x128xf32, #tpu.memory_space<vmem>>) dst(%dma_wait3A_49 : memref<128x128xf32, #tpu.memory_space<vmem_shared>>)
      tpu.yield
    }) : () -> ()
    %add3A_15 = arith.constant 256 : i32
    %add3A_16 = arith.addi %mul3A_9, %add3A_15 : i32
    %run_scoped3A_17 = arith.constant 0 : i32
    "tpu.region"() ({
      %run_scoped3A_31 = tpu.sem_alloc : memref<!tpu.dma_semaphore, #tpu.memory_space<semaphore_mem>>
      %dma_start3A = arith.constant 0 : i32
      %dma_start3A_32 = arith.constant 0 : i32
      %dma_start3A_33 = tpu.memref_slice %arg8[%run_scoped3A_17, %dma_start3A, %dma_start3A_32] : memref<2x128x128xf32, #tpu.memory_space<vmem>> -> memref<1x128x128xf32, #tpu.memory_space<vmem>>
      %dma_start3A_34 = tpu.memref_squeeze %dma_start3A_33 : memref<1x128x128xf32, #tpu.memory_space<vmem>> -> memref<128x128xf32, #tpu.memory_space<vmem>>
      %dma_start3A_35 = arith.constant 0 : i32
      %dma_start3A_36 = tpu.memref_slice %arg9[%add3A_16, %dma_start3A_35] : memref<10240x128xf32, #tpu.memory_space<vmem_shared>> -> memref<128x128xf32, #tpu.memory_space<vmem_shared>>
      %dma_start3A_37 = arith.constant 0 : i32
      %dma_start3A_38 = tpu.memref_slice %arg9[%add3A_16, %dma_start3A_37] : memref<10240x128xf32, #tpu.memory_space<vmem_shared>> -> memref<128x128xf32, #tpu.memory_space<vmem_shared>>
      %dma_start3A_39 = arith.constant 0 : i32
      %dma_start3A_40 = arith.constant 0 : i32
      %dma_start3A_41 = tpu.memref_slice %arg8[%run_scoped3A_17, %dma_start3A_39, %dma_start3A_40] : memref<2x128x128xf32, #tpu.memory_space<vmem>> -> memref<1x128x128xf32, #tpu.memory_space<vmem>>
      %dma_start3A_42 = tpu.memref_squeeze %dma_start3A_41 : memref<1x128x128xf32, #tpu.memory_space<vmem>> -> memref<128x128xf32, #tpu.memory_space<vmem>>
      tpu.enqueue_dma source(%dma_start3A_42 : memref<128x128xf32, #tpu.memory_space<vmem>>) target(%dma_start3A_38 : memref<128x128xf32, #tpu.memory_space<vmem_shared>>) target_semaphore(%run_scoped3A_31 : memref<!tpu.dma_semaphore, #tpu.memory_space<semaphore_mem>>)
      %dma_wait3A = arith.constant 0 : i32
      %dma_wait3A_43 = arith.constant 0 : i32
      %dma_wait3A_44 = tpu.memref_slice %arg8[%run_scoped3A_17, %dma_wait3A, %dma_wait3A_43] : memref<2x128x128xf32, #tpu.memory_space<vmem>> -> memref<1x128x128xf32, #tpu.memory_space<vmem>>
      %dma_wait3A_45 = tpu.memref_squeeze %dma_wait3A_44 : memref<1x128x128xf32, #tpu.memory_space<vmem>> -> memref<128x128xf32, #tpu.memory_space<vmem>>
      %dma_wait3A_46 = arith.constant 0 : i32
      %dma_wait3A_47 = tpu.memref_slice %arg9[%add3A_16, %dma_wait3A_46] : memref<10240x128xf32, #tpu.memory_space<vmem_shared>> -> memref<128x128xf32, #tpu.memory_space<vmem_shared>>
      %dma_wait3A_48 = arith.constant 0 : i32
      %dma_wait3A_49 = tpu.memref_slice %arg9[%add3A_16, %dma_wait3A_48] : memref<10240x128xf32, #tpu.memory_space<vmem_shared>> -> memref<128x128xf32, #tpu.memory_space<vmem_shared>>
      %dma_wait3A_50 = arith.constant 0 : i32
      %dma_wait3A_51 = arith.constant 0 : i32
      %dma_wait3A_52 = tpu.memref_slice %arg8[%run_scoped3A_17, %dma_wait3A_50, %dma_wait3A_51] : memref<2x128x128xf32, #tpu.memory_space<vmem>> -> memref<1x128x128xf32, #tpu.memory_space<vmem>>
      %dma_wait3A_53 = tpu.memref_squeeze %dma_wait3A_52 : memref<1x128x128xf32, #tpu.memory_space<vmem>> -> memref<128x128xf32, #tpu.memory_space<vmem>>
      tpu.wait_dma2 semaphore(%run_scoped3A_31 : memref<!tpu.dma_semaphore, #tpu.memory_space<semaphore_mem>>) src(%dma_wait3A_53 : memref<128x128xf32, #tpu.memory_space<vmem>>) dst(%dma_wait3A_49 : memref<128x128xf32, #tpu.memory_space<vmem_shared>>)
      tpu.yield
    }) : () -> ()
    %add3A_18 = arith.constant 384 : i32
    %add3A_19 = arith.addi %mul3A_9, %add3A_18 : i32
    %run_scoped3A_20 = arith.constant 0 : i32
    "tpu.region"() ({
      %run_scoped3A_31 = tpu.sem_alloc : memref<!tpu.dma_semaphore, #tpu.memory_space<semaphore_mem>>
      %dma_start3A = arith.constant 0 : i32
      %dma_start3A_32 = arith.constant 0 : i32
      %dma_start3A_33 = tpu.memref_slice %arg8[%run_scoped3A_20, %dma_start3A, %dma_start3A_32] : memref<2x128x128xf32, #tpu.memory_space<vmem>> -> memref<1x128x128xf32, #tpu.memory_space<vmem>>
      %dma_start3A_34 = tpu.memref_squeeze %dma_start3A_33 : memref<1x128x128xf32, #tpu.memory_space<vmem>> -> memref<128x128xf32, #tpu.memory_space<vmem>>
      %dma_start3A_35 = arith.constant 0 : i32
      %dma_start3A_36 = tpu.memref_slice %arg9[%add3A_19, %dma_start3A_35] : memref<10240x128xf32, #tpu.memory_space<vmem_shared>> -> memref<128x128xf32, #tpu.memory_space<vmem_shared>>
      %dma_start3A_37 = arith.constant 0 : i32
      %dma_start3A_38 = tpu.memref_slice %arg9[%add3A_19, %dma_start3A_37] : memref<10240x128xf32, #tpu.memory_space<vmem_shared>> -> memref<128x128xf32, #tpu.memory_space<vmem_shared>>
      %dma_start3A_39 = arith.constant 0 : i32
      %dma_start3A_40 = arith.constant 0 : i32
      %dma_start3A_41 = tpu.memref_slice %arg8[%run_scoped3A_20, %dma_start3A_39, %dma_start3A_40] : memref<2x128x128xf32, #tpu.memory_space<vmem>> -> memref<1x128x128xf32, #tpu.memory_space<vmem>>
      %dma_start3A_42 = tpu.memref_squeeze %dma_start3A_41 : memref<1x128x128xf32, #tpu.memory_space<vmem>> -> memref<128x128xf32, #tpu.memory_space<vmem>>
      tpu.enqueue_dma source(%dma_start3A_42 : memref<128x128xf32, #tpu.memory_space<vmem>>) target(%dma_start3A_38 : memref<128x128xf32, #tpu.memory_space<vmem_shared>>) target_semaphore(%run_scoped3A_31 : memref<!tpu.dma_semaphore, #tpu.memory_space<semaphore_mem>>)
      %dma_wait3A = arith.constant 0 : i32
      %dma_wait3A_43 = arith.constant 0 : i32
      %dma_wait3A_44 = tpu.memref_slice %arg8[%run_scoped3A_20, %dma_wait3A, %dma_wait3A_43] : memref<2x128x128xf32, #tpu.memory_space<vmem>> -> memref<1x128x128xf32, #tpu.memory_space<vmem>>
      %dma_wait3A_45 = tpu.memref_squeeze %dma_wait3A_44 : memref<1x128x128xf32, #tpu.memory_space<vmem>> -> memref<128x128xf32, #tpu.memory_space<vmem>>
      %dma_wait3A_46 = arith.constant 0 : i32
      %dma_wait3A_47 = tpu.memref_slice %arg9[%add3A_19, %dma_wait3A_46] : memref<10240x128xf32, #tpu.memory_space<vmem_shared>> -> memref<128x128xf32, #tpu.memory_space<vmem_shared>>
      %dma_wait3A_48 = arith.constant 0 : i32
      %dma_wait3A_49 = tpu.memref_slice %arg9[%add3A_19, %dma_wait3A_48] : memref<10240x128xf32, #tpu.memory_space<vmem_shared>> -> memref<128x128xf32, #tpu.memory_space<vmem_shared>>
      %dma_wait3A_50 = arith.constant 0 : i32
      %dma_wait3A_51 = arith.constant 0 : i32
      %dma_wait3A_52 = tpu.memref_slice %arg8[%run_scoped3A_20, %dma_wait3A_50, %dma_wait3A_51] : memref<2x128x128xf32, #tpu.memory_space<vmem>> -> memref<1x128x128xf32, #tpu.memory_space<vmem>>
      %dma_wait3A_53 = tpu.memref_squeeze %dma_wait3A_52 : memref<1x128x128xf32, #tpu.memory_space<vmem>> -> memref<128x128xf32, #tpu.memory_space<vmem>>
      tpu.wait_dma2 semaphore(%run_scoped3A_31 : memref<!tpu.dma_semaphore, #tpu.memory_space<semaphore_mem>>) src(%dma_wait3A_53 : memref<128x128xf32, #tpu.memory_space<vmem>>) dst(%dma_wait3A_49 : memref<128x128xf32, #tpu.memory_space<vmem_shared>>)
      tpu.yield
    }) : () -> ()
    %add3A_21 = arith.constant 512 : i32
    %add3A_22 = arith.addi %mul3A_9, %add3A_21 : i32
    %run_scoped3A_23 = arith.constant 0 : i32
    "tpu.region"() ({
      %run_scoped3A_31 = tpu.sem_alloc : memref<!tpu.dma_semaphore, #tpu.memory_space<semaphore_mem>>
      %dma_start3A = arith.constant 0 : i32
      %dma_start3A_32 = arith.constant 0 : i32
      %dma_start3A_33 = tpu.memref_slice %arg8[%run_scoped3A_23, %dma_start3A, %dma_start3A_32] : memref<2x128x128xf32, #tpu.memory_space<vmem>> -> memref<1x128x128xf32, #tpu.memory_space<vmem>>
      %dma_start3A_34 = tpu.memref_squeeze %dma_start3A_33 : memref<1x128x128xf32, #tpu.memory_space<vmem>> -> memref<128x128xf32, #tpu.memory_space<vmem>>
      %dma_start3A_35 = arith.constant 0 : i32
      %dma_start3A_36 = tpu.memref_slice %arg9[%add3A_22, %dma_start3A_35] : memref<10240x128xf32, #tpu.memory_space<vmem_shared>> -> memref<128x128xf32, #tpu.memory_space<vmem_shared>>
      %dma_start3A_37 = arith.constant 0 : i32
      %dma_start3A_38 = tpu.memref_slice %arg9[%add3A_22, %dma_start3A_37] : memref<10240x128xf32, #tpu.memory_space<vmem_shared>> -> memref<128x128xf32, #tpu.memory_space<vmem_shared>>
      %dma_start3A_39 = arith.constant 0 : i32
      %dma_start3A_40 = arith.constant 0 : i32
      %dma_start3A_41 = tpu.memref_slice %arg8[%run_scoped3A_23, %dma_start3A_39, %dma_start3A_40] : memref<2x128x128xf32, #tpu.memory_space<vmem>> -> memref<1x128x128xf32, #tpu.memory_space<vmem>>
      %dma_start3A_42 = tpu.memref_squeeze %dma_start3A_41 : memref<1x128x128xf32, #tpu.memory_space<vmem>> -> memref<128x128xf32, #tpu.memory_space<vmem>>
      tpu.enqueue_dma source(%dma_start3A_42 : memref<128x128xf32, #tpu.memory_space<vmem>>) target(%dma_start3A_38 : memref<128x128xf32, #tpu.memory_space<vmem_shared>>) target_semaphore(%run_scoped3A_31 : memref<!tpu.dma_semaphore, #tpu.memory_space<semaphore_mem>>)
      %dma_wait3A = arith.constant 0 : i32
      %dma_wait3A_43 = arith.constant 0 : i32
      %dma_wait3A_44 = tpu.memref_slice %arg8[%run_scoped3A_23, %dma_wait3A, %dma_wait3A_43] : memref<2x128x128xf32, #tpu.memory_space<vmem>> -> memref<1x128x128xf32, #tpu.memory_space<vmem>>
      %dma_wait3A_45 = tpu.memref_squeeze %dma_wait3A_44 : memref<1x128x128xf32, #tpu.memory_space<vmem>> -> memref<128x128xf32, #tpu.memory_space<vmem>>
      %dma_wait3A_46 = arith.constant 0 : i32
      %dma_wait3A_47 = tpu.memref_slice %arg9[%add3A_22, %dma_wait3A_46] : memref<10240x128xf32, #tpu.memory_space<vmem_shared>> -> memref<128x128xf32, #tpu.memory_space<vmem_shared>>
      %dma_wait3A_48 = arith.constant 0 : i32
      %dma_wait3A_49 = tpu.memref_slice %arg9[%add3A_22, %dma_wait3A_48] : memref<10240x128xf32, #tpu.memory_space<vmem_shared>> -> memref<128x128xf32, #tpu.memory_space<vmem_shared>>
      %dma_wait3A_50 = arith.constant 0 : i32
      %dma_wait3A_51 = arith.constant 0 : i32
      %dma_wait3A_52 = tpu.memref_slice %arg8[%run_scoped3A_23, %dma_wait3A_50, %dma_wait3A_51] : memref<2x128x128xf32, #tpu.memory_space<vmem>> -> memref<1x128x128xf32, #tpu.memory_space<vmem>>
      %dma_wait3A_53 = tpu.memref_squeeze %dma_wait3A_52 : memref<1x128x128xf32, #tpu.memory_space<vmem>> -> memref<128x128xf32, #tpu.memory_space<vmem>>
      tpu.wait_dma2 semaphore(%run_scoped3A_31 : memref<!tpu.dma_semaphore, #tpu.memory_space<semaphore_mem>>) src(%dma_wait3A_53 : memref<128x128xf32, #tpu.memory_space<vmem>>) dst(%dma_wait3A_49 : memref<128x128xf32, #tpu.memory_space<vmem_shared>>)
      tpu.yield
    }) : () -> ()
    %barrier3A = arith.constant 0 : index
    tpu.barrier barrier_id(%barrier3A)
    %scan3A_24 = arith.constant 0 : i32
    %scan3A_25 = arith.constant 0 : i32
    %scan3A_26 = arith.constant 10 : i32
    %scan3A_27 = arith.addi %scan3A_25, %scan3A_26 : i32
    %scan3A_28 = arith.constant 1 : i32
    scf.for %scan3A_31 = %scan3A_25 to %scan3A_27 step %scan3A_28  : i32 {
      %mul3A_32 = arith.constant 8 : i32
      %mul3A_33 = arith.muli %scan3A_31, %mul3A_32 : i32
      "tpu.region"() ({
        %run_scoped3A_389 = tpu.sem_alloc : memref<!tpu.dma_semaphore, #tpu.memory_space<semaphore_mem>>
        %dma_start3A_390 = arith.constant 0 : i32
        %dma_start3A_391 = tpu.memref_slice %arg4[%add3A, %mul3A_33, %dma_start3A_390] : memref<32x80x128xi32, #tpu.memory_space<hbm>> -> memref<1x8x128xi32, #tpu.memory_space<hbm>>
        %dma_start3A_392 = tpu.memref_squeeze %dma_start3A_391 : memref<1x8x128xi32, #tpu.memory_space<hbm>> -> memref<8x128xi32, #tpu.memory_space<hbm>>
        %dma_start3A_393 = arith.constant 0 : i32
        %dma_start3A_394 = tpu.memref_slice %arg4[%add3A, %mul3A_33, %dma_start3A_393] : memref<32x80x128xi32, #tpu.memory_space<hbm>> -> memref<1x8x128xi32, #tpu.memory_space<hbm>>
        %dma_start3A_395 = tpu.memref_squeeze %dma_start3A_394 : memref<1x8x128xi32, #tpu.memory_space<hbm>> -> memref<8x128xi32, #tpu.memory_space<hbm>>
        tpu.enqueue_dma source(%dma_start3A_395 : memref<8x128xi32, #tpu.memory_space<hbm>>) target(%arg7 : memref<8x128xi32, #tpu.memory_space<vmem>>) target_semaphore(%run_scoped3A_389 : memref<!tpu.dma_semaphore, #tpu.memory_space<semaphore_mem>>)
        %dma_wait3A_396 = arith.constant 0 : i32
        %dma_wait3A_397 = tpu.memref_slice %arg4[%add3A, %mul3A_33, %dma_wait3A_396] : memref<32x80x128xi32, #tpu.memory_space<hbm>> -> memref<1x8x128xi32, #tpu.memory_space<hbm>>
        %dma_wait3A_398 = tpu.memref_squeeze %dma_wait3A_397 : memref<1x8x128xi32, #tpu.memory_space<hbm>> -> memref<8x128xi32, #tpu.memory_space<hbm>>
        %dma_wait3A_399 = arith.constant 0 : i32
        %dma_wait3A_400 = tpu.memref_slice %arg4[%add3A, %mul3A_33, %dma_wait3A_399] : memref<32x80x128xi32, #tpu.memory_space<hbm>> -> memref<1x8x128xi32, #tpu.memory_space<hbm>>
        %dma_wait3A_401 = tpu.memref_squeeze %dma_wait3A_400 : memref<1x8x128xi32, #tpu.memory_space<hbm>> -> memref<8x128xi32, #tpu.memory_space<hbm>>
        tpu.wait_dma2 semaphore(%run_scoped3A_389 : memref<!tpu.dma_semaphore, #tpu.memory_space<semaphore_mem>>) src(%dma_wait3A_401 : memref<8x128xi32, #tpu.memory_space<hbm>>) dst(%arg7 : memref<8x128xi32, #tpu.memory_space<vmem>>)
        tpu.yield
      }) : () -> ()
      %mul3A_34 = arith.constant 10240 : i32
      %mul3A_35 = arith.muli %add3A, %mul3A_34 : i32
      %mul3A_36 = arith.constant 1024 : i32
      %mul3A_37 = arith.muli %scan3A_31, %mul3A_36 : i32
      %add3A_38 = arith.addi %mul3A_35, %mul3A_37 : i32
      "tpu.region"() ({
        %run_scoped3A_389 = tpu.sem_alloc : memref<!tpu.dma_semaphore, #tpu.memory_space<semaphore_mem>>
        %dma_start3A_390 = tpu.memref_slice %arg3[%add3A_38] : memref<327680xi32, #tpu.memory_space<hbm>> -> memref<1024xi32, #tpu.memory_space<hbm>>
        %dma_start3A_391 = tpu.memref_slice %arg3[%add3A_38] : memref<327680xi32, #tpu.memory_space<hbm>> -> memref<1024xi32, #tpu.memory_space<hbm>>
        tpu.enqueue_dma source(%dma_start3A_391 : memref<1024xi32, #tpu.memory_space<hbm>>) target(%arg6 : memref<1024xi32, #tpu.memory_space<vmem>>) target_semaphore(%run_scoped3A_389 : memref<!tpu.dma_semaphore, #tpu.memory_space<semaphore_mem>>)
        %dma_wait3A_392 = tpu.memref_slice %arg3[%add3A_38] : memref<327680xi32, #tpu.memory_space<hbm>> -> memref<1024xi32, #tpu.memory_space<hbm>>
        %dma_wait3A_393 = tpu.memref_slice %arg3[%add3A_38] : memref<327680xi32, #tpu.memory_space<hbm>> -> memref<1024xi32, #tpu.memory_space<hbm>>
        tpu.wait_dma2 semaphore(%run_scoped3A_389 : memref<!tpu.dma_semaphore, #tpu.memory_space<semaphore_mem>>) src(%dma_wait3A_393 : memref<1024xi32, #tpu.memory_space<hbm>>) dst(%arg6 : memref<1024xi32, #tpu.memory_space<vmem>>)
        tpu.yield
      }) : () -> ()
      %dma_start3A = arith.constant 0 : i32
      %dma_start3A_39 = arith.constant 0 : i32
      %dma_start3A_40 = arith.constant 0 : i32
      %dma_start3A_41 = tpu.memref_slice %arg8[%dma_start3A, %dma_start3A_39, %dma_start3A_40] : memref<2x128x128xf32, #tpu.memory_space<vmem>> -> memref<1x128x128xf32, #tpu.memory_space<vmem>>
      %dma_start3A_42 = tpu.memref_squeeze %dma_start3A_41 : memref<1x128x128xf32, #tpu.memory_space<vmem>> -> memref<128x128xf32, #tpu.memory_space<vmem>>
      %dma_start3A_43 = arith.constant 0 : i32
      %dma_start3A_44 = tpu.memref_slice %arg6[%dma_start3A_43] : memref<1024xi32, #tpu.memory_space<vmem>> -> memref<128xi32, #tpu.memory_space<vmem>>
      %dma_start3A_45 = arith.constant 0 : i32
      %dma_start3A_46 = arith.constant 0 : i32
      %dma_start3A_47 = tpu.memref_slice %arg2[%dma_start3A_45, %dma_start3A_46] : memref<10000x128xf32, #tpu.memory_space<hbm>> -> memref<10000x128xf32, #tpu.memory_space<hbm>>
      tpu.enqueue_indirect_dma source(%dma_start3A_47 : memref<10000x128xf32, #tpu.memory_space<hbm>>) target(%dma_start3A_42 : memref<128x128xf32, #tpu.memory_space<vmem>>) offsets(%dma_start3A_44 : memref<128xi32, #tpu.memory_space<vmem>>) semaphore(%arg10 : memref<!tpu.dma_semaphore, #tpu.memory_space<semaphore_mem>>)
      %dma_start3A_48 = arith.constant 1 : i32
      %dma_start3A_49 = arith.constant 0 : i32
      %dma_start3A_50 = arith.constant 0 : i32
      %dma_start3A_51 = tpu.memref_slice %arg8[%dma_start3A_48, %dma_start3A_49, %dma_start3A_50] : memref<2x128x128xf32, #tpu.memory_space<vmem>> -> memref<1x128x128xf32, #tpu.memory_space<vmem>>
      %dma_start3A_52 = tpu.memref_squeeze %dma_start3A_51 : memref<1x128x128xf32, #tpu.memory_space<vmem>> -> memref<128x128xf32, #tpu.memory_space<vmem>>
      %dma_start3A_53 = arith.constant 128 : i32
      %dma_start3A_54 = tpu.memref_slice %arg6[%dma_start3A_53] : memref<1024xi32, #tpu.memory_space<vmem>> -> memref<128xi32, #tpu.memory_space<vmem>>
      %dma_start3A_55 = arith.constant 0 : i32
      %dma_start3A_56 = arith.constant 0 : i32
      %dma_start3A_57 = tpu.memref_slice %arg2[%dma_start3A_55, %dma_start3A_56] : memref<10000x128xf32, #tpu.memory_space<hbm>> -> memref<10000x128xf32, #tpu.memory_space<hbm>>
      tpu.enqueue_indirect_dma source(%dma_start3A_57 : memref<10000x128xf32, #tpu.memory_space<hbm>>) target(%dma_start3A_52 : memref<128x128xf32, #tpu.memory_space<vmem>>) offsets(%dma_start3A_54 : memref<128xi32, #tpu.memory_space<vmem>>) semaphore(%arg11 : memref<!tpu.dma_semaphore, #tpu.memory_space<semaphore_mem>>)
      %dma_wait3A = arith.constant 0 : i32
      %dma_wait3A_58 = arith.constant 0 : i32
      %dma_wait3A_59 = arith.constant 0 : i32
      %dma_wait3A_60 = tpu.memref_slice %arg8[%dma_wait3A, %dma_wait3A_58, %dma_wait3A_59] : memref<2x128x128xf32, #tpu.memory_space<vmem>> -> memref<1x128x128xf32, #tpu.memory_space<vmem>>
      %dma_wait3A_61 = tpu.memref_squeeze %dma_wait3A_60 : memref<1x128x128xf32, #tpu.memory_space<vmem>> -> memref<128x128xf32, #tpu.memory_space<vmem>>
      %dma_wait3A_62 = arith.constant 0 : i32
      %dma_wait3A_63 = tpu.memref_slice %arg6[%dma_wait3A_62] : memref<1024xi32, #tpu.memory_space<vmem>> -> memref<128xi32, #tpu.memory_space<vmem>>
      %dma_wait3A_64 = arith.constant 0 : i32
      %dma_wait3A_65 = arith.constant 0 : i32
      %dma_wait3A_66 = tpu.memref_slice %arg2[%dma_wait3A_64, %dma_wait3A_65] : memref<10000x128xf32, #tpu.memory_space<hbm>> -> memref<10000x128xf32, #tpu.memory_space<hbm>>
      tpu.wait_indirect_dma semaphore(%arg10 : memref<!tpu.dma_semaphore, #tpu.memory_space<semaphore_mem>>) src(%dma_wait3A_66 : memref<10000x128xf32, #tpu.memory_space<hbm>>) dst(%dma_wait3A_61 : memref<128x128xf32, #tpu.memory_space<vmem>>)
      %dma_start3A_67 = arith.constant 0 : i32
      %dma_start3A_68 = arith.constant 0 : i32
      %dma_start3A_69 = arith.constant 0 : i32
      %dma_start3A_70 = arith.constant 0 : i32
      %dma_start3A_71 = tpu.memref_slice %arg8[%dma_start3A_67, %dma_start3A_69, %dma_start3A_70] : memref<2x128x128xf32, #tpu.memory_space<vmem>> -> memref<1x128x128xf32, #tpu.memory_space<vmem>>
      %dma_start3A_72 = tpu.memref_squeeze %dma_start3A_71 : memref<1x128x128xf32, #tpu.memory_space<vmem>> -> memref<128x128xf32, #tpu.memory_space<vmem>>
      %dma_start3A_73 = arith.constant 0 : i32
      %dma_start3A_74 = tpu.memref_slice %arg7[%dma_start3A_68, %dma_start3A_73] : memref<8x128xi32, #tpu.memory_space<vmem>> -> memref<1x128xi32, #tpu.memory_space<vmem>>
      %dma_start3A_75 = tpu.memref_squeeze %dma_start3A_74 : memref<1x128xi32, #tpu.memory_space<vmem>> -> memref<128xi32, #tpu.memory_space<vmem>>
      %dma_start3A_76 = arith.constant 0 : i32
      %dma_start3A_77 = arith.constant 0 : i32
      %dma_start3A_78 = tpu.memref_slice %arg9[%dma_start3A_76, %dma_start3A_77] : memref<10240x128xf32, #tpu.memory_space<vmem_shared>> -> memref<10240x128xf32, #tpu.memory_space<vmem_shared>>
      tpu.enqueue_indirect_dma source(%dma_start3A_72 : memref<128x128xf32, #tpu.memory_space<vmem>>) target(%dma_start3A_78 : memref<10240x128xf32, #tpu.memory_space<vmem_shared>>) offsets(%dma_start3A_75 : memref<128xi32, #tpu.memory_space<vmem>>) semaphore(%arg12 : memref<!tpu.dma_semaphore, #tpu.memory_space<semaphore_mem>>) {add = true}
      %dma_wait3A_79 = arith.constant 0 : i32
      %dma_wait3A_80 = arith.constant 0 : i32
      %dma_wait3A_81 = arith.constant 0 : i32
      %dma_wait3A_82 = arith.constant 0 : i32
      %dma_wait3A_83 = tpu.memref_slice %arg8[%dma_wait3A_79, %dma_wait3A_81, %dma_wait3A_82] : memref<2x128x128xf32, #tpu.memory_space<vmem>> -> memref<1x128x128xf32, #tpu.memory_space<vmem>>
      %dma_wait3A_84 = tpu.memref_squeeze %dma_wait3A_83 : memref<1x128x128xf32, #tpu.memory_space<vmem>> -> memref<128x128xf32, #tpu.memory_space<vmem>>
      %dma_wait3A_85 = arith.constant 0 : i32
      %dma_wait3A_86 = tpu.memref_slice %arg7[%dma_wait3A_80, %dma_wait3A_85] : memref<8x128xi32, #tpu.memory_space<vmem>> -> memref<1x128xi32, #tpu.memory_space<vmem>>
      %dma_wait3A_87 = tpu.memref_squeeze %dma_wait3A_86 : memref<1x128xi32, #tpu.memory_space<vmem>> -> memref<128xi32, #tpu.memory_space<vmem>>
      %dma_wait3A_88 = arith.constant 0 : i32
      %dma_wait3A_89 = arith.constant 0 : i32
      %dma_wait3A_90 = tpu.memref_slice %arg9[%dma_wait3A_88, %dma_wait3A_89] : memref<10240x128xf32, #tpu.memory_space<vmem_shared>> -> memref<10240x128xf32, #tpu.memory_space<vmem_shared>>
      tpu.wait_indirect_dma semaphore(%arg12 : memref<!tpu.dma_semaphore, #tpu.memory_space<semaphore_mem>>) src(%dma_wait3A_84 : memref<128x128xf32, #tpu.memory_space<vmem>>) dst(%dma_wait3A_90 : memref<10240x128xf32, #tpu.memory_space<vmem_shared>>)
      %dma_start3A_91 = arith.constant 0 : i32
      %dma_start3A_92 = arith.constant 0 : i32
      %dma_start3A_93 = arith.constant 0 : i32
      %dma_start3A_94 = tpu.memref_slice %arg8[%dma_start3A_91, %dma_start3A_92, %dma_start3A_93] : memref<2x128x128xf32, #tpu.memory_space<vmem>> -> memref<1x128x128xf32, #tpu.memory_space<vmem>>
      %dma_start3A_95 = tpu.memref_squeeze %dma_start3A_94 : memref<1x128x128xf32, #tpu.memory_space<vmem>> -> memref<128x128xf32, #tpu.memory_space<vmem>>
      %dma_start3A_96 = arith.constant 256 : i32
      %dma_start3A_97 = tpu.memref_slice %arg6[%dma_start3A_96] : memref<1024xi32, #tpu.memory_space<vmem>> -> memref<128xi32, #tpu.memory_space<vmem>>
      %dma_start3A_98 = arith.constant 0 : i32
      %dma_start3A_99 = arith.constant 0 : i32
      %dma_start3A_100 = tpu.memref_slice %arg2[%dma_start3A_98, %dma_start3A_99] : memref<10000x128xf32, #tpu.memory_space<hbm>> -> memref<10000x128xf32, #tpu.memory_space<hbm>>
      tpu.enqueue_indirect_dma source(%dma_start3A_100 : memref<10000x128xf32, #tpu.memory_space<hbm>>) target(%dma_start3A_95 : memref<128x128xf32, #tpu.memory_space<vmem>>) offsets(%dma_start3A_97 : memref<128xi32, #tpu.memory_space<vmem>>) semaphore(%arg10 : memref<!tpu.dma_semaphore, #tpu.memory_space<semaphore_mem>>)
      %dma_wait3A_101 = arith.constant 1 : i32
      %dma_wait3A_102 = arith.constant 0 : i32
      %dma_wait3A_103 = arith.constant 0 : i32
      %dma_wait3A_104 = tpu.memref_slice %arg8[%dma_wait3A_101, %dma_wait3A_102, %dma_wait3A_103] : memref<2x128x128xf32, #tpu.memory_space<vmem>> -> memref<1x128x128xf32, #tpu.memory_space<vmem>>
      %dma_wait3A_105 = tpu.memref_squeeze %dma_wait3A_104 : memref<1x128x128xf32, #tpu.memory_space<vmem>> -> memref<128x128xf32, #tpu.memory_space<vmem>>
      %dma_wait3A_106 = arith.constant 128 : i32
      %dma_wait3A_107 = tpu.memref_slice %arg6[%dma_wait3A_106] : memref<1024xi32, #tpu.memory_space<vmem>> -> memref<128xi32, #tpu.memory_space<vmem>>
      %dma_wait3A_108 = arith.constant 0 : i32
      %dma_wait3A_109 = arith.constant 0 : i32
      %dma_wait3A_110 = tpu.memref_slice %arg2[%dma_wait3A_108, %dma_wait3A_109] : memref<10000x128xf32, #tpu.memory_space<hbm>> -> memref<10000x128xf32, #tpu.memory_space<hbm>>
      tpu.wait_indirect_dma semaphore(%arg11 : memref<!tpu.dma_semaphore, #tpu.memory_space<semaphore_mem>>) src(%dma_wait3A_110 : memref<10000x128xf32, #tpu.memory_space<hbm>>) dst(%dma_wait3A_105 : memref<128x128xf32, #tpu.memory_space<vmem>>)
      %dma_start3A_111 = arith.constant 1 : i32
      %dma_start3A_112 = arith.constant 1 : i32
      %dma_start3A_113 = arith.constant 0 : i32
      %dma_start3A_114 = arith.constant 0 : i32
      %dma_start3A_115 = tpu.memref_slice %arg8[%dma_start3A_111, %dma_start3A_113, %dma_start3A_114] : memref<2x128x128xf32, #tpu.memory_space<vmem>> -> memref<1x128x128xf32, #tpu.memory_space<vmem>>
      %dma_start3A_116 = tpu.memref_squeeze %dma_start3A_115 : memref<1x128x128xf32, #tpu.memory_space<vmem>> -> memref<128x128xf32, #tpu.memory_space<vmem>>
      %dma_start3A_117 = arith.constant 0 : i32
      %dma_start3A_118 = tpu.memref_slice %arg7[%dma_start3A_112, %dma_start3A_117] : memref<8x128xi32, #tpu.memory_space<vmem>> -> memref<1x128xi32, #tpu.memory_space<vmem>>
      %dma_start3A_119 = tpu.memref_squeeze %dma_start3A_118 : memref<1x128xi32, #tpu.memory_space<vmem>> -> memref<128xi32, #tpu.memory_space<vmem>>
      %dma_start3A_120 = arith.constant 0 : i32
      %dma_start3A_121 = arith.constant 0 : i32
      %dma_start3A_122 = tpu.memref_slice %arg9[%dma_start3A_120, %dma_start3A_121] : memref<10240x128xf32, #tpu.memory_space<vmem_shared>> -> memref<10240x128xf32, #tpu.memory_space<vmem_shared>>
      tpu.enqueue_indirect_dma source(%dma_start3A_116 : memref<128x128xf32, #tpu.memory_space<vmem>>) target(%dma_start3A_122 : memref<10240x128xf32, #tpu.memory_space<vmem_shared>>) offsets(%dma_start3A_119 : memref<128xi32, #tpu.memory_space<vmem>>) semaphore(%arg13 : memref<!tpu.dma_semaphore, #tpu.memory_space<semaphore_mem>>) {add = true}
      %dma_wait3A_123 = arith.constant 1 : i32
      %dma_wait3A_124 = arith.constant 1 : i32
      %dma_wait3A_125 = arith.constant 0 : i32
      %dma_wait3A_126 = arith.constant 0 : i32
      %dma_wait3A_127 = tpu.memref_slice %arg8[%dma_wait3A_123, %dma_wait3A_125, %dma_wait3A_126] : memref<2x128x128xf32, #tpu.memory_space<vmem>> -> memref<1x128x128xf32, #tpu.memory_space<vmem>>
      %dma_wait3A_128 = tpu.memref_squeeze %dma_wait3A_127 : memref<1x128x128xf32, #tpu.memory_space<vmem>> -> memref<128x128xf32, #tpu.memory_space<vmem>>
      %dma_wait3A_129 = arith.constant 0 : i32
      %dma_wait3A_130 = tpu.memref_slice %arg7[%dma_wait3A_124, %dma_wait3A_129] : memref<8x128xi32, #tpu.memory_space<vmem>> -> memref<1x128xi32, #tpu.memory_space<vmem>>
      %dma_wait3A_131 = tpu.memref_squeeze %dma_wait3A_130 : memref<1x128xi32, #tpu.memory_space<vmem>> -> memref<128xi32, #tpu.memory_space<vmem>>
      %dma_wait3A_132 = arith.constant 0 : i32
      %dma_wait3A_133 = arith.constant 0 : i32
      %dma_wait3A_134 = tpu.memref_slice %arg9[%dma_wait3A_132, %dma_wait3A_133] : memref<10240x128xf32, #tpu.memory_space<vmem_shared>> -> memref<10240x128xf32, #tpu.memory_space<vmem_shared>>
      tpu.wait_indirect_dma semaphore(%arg13 : memref<!tpu.dma_semaphore, #tpu.memory_space<semaphore_mem>>) src(%dma_wait3A_128 : memref<128x128xf32, #tpu.memory_space<vmem>>) dst(%dma_wait3A_134 : memref<10240x128xf32, #tpu.memory_space<vmem_shared>>)
      %dma_start3A_135 = arith.constant 1 : i32
      %dma_start3A_136 = arith.constant 0 : i32
      %dma_start3A_137 = arith.constant 0 : i32
      %dma_start3A_138 = tpu.memref_slice %arg8[%dma_start3A_135, %dma_start3A_136, %dma_start3A_137] : memref<2x128x128xf32, #tpu.memory_space<vmem>> -> memref<1x128x128xf32, #tpu.memory_space<vmem>>
      %dma_start3A_139 = tpu.memref_squeeze %dma_start3A_138 : memref<1x128x128xf32, #tpu.memory_space<vmem>> -> memref<128x128xf32, #tpu.memory_space<vmem>>
      %dma_start3A_140 = arith.constant 384 : i32
      %dma_start3A_141 = tpu.memref_slice %arg6[%dma_start3A_140] : memref<1024xi32, #tpu.memory_space<vmem>> -> memref<128xi32, #tpu.memory_space<vmem>>
      %dma_start3A_142 = arith.constant 0 : i32
      %dma_start3A_143 = arith.constant 0 : i32
      %dma_start3A_144 = tpu.memref_slice %arg2[%dma_start3A_142, %dma_start3A_143] : memref<10000x128xf32, #tpu.memory_space<hbm>> -> memref<10000x128xf32, #tpu.memory_space<hbm>>
      tpu.enqueue_indirect_dma source(%dma_start3A_144 : memref<10000x128xf32, #tpu.memory_space<hbm>>) target(%dma_start3A_139 : memref<128x128xf32, #tpu.memory_space<vmem>>) offsets(%dma_start3A_141 : memref<128xi32, #tpu.memory_space<vmem>>) semaphore(%arg11 : memref<!tpu.dma_semaphore, #tpu.memory_space<semaphore_mem>>)
      %dma_wait3A_145 = arith.constant 0 : i32
      %dma_wait3A_146 = arith.constant 0 : i32
      %dma_wait3A_147 = arith.constant 0 : i32
      %dma_wait3A_148 = tpu.memref_slice %arg8[%dma_wait3A_145, %dma_wait3A_146, %dma_wait3A_147] : memref<2x128x128xf32, #tpu.memory_space<vmem>> -> memref<1x128x128xf32, #tpu.memory_space<vmem>>
      %dma_wait3A_149 = tpu.memref_squeeze %dma_wait3A_148 : memref<1x128x128xf32, #tpu.memory_space<vmem>> -> memref<128x128xf32, #tpu.memory_space<vmem>>
      %dma_wait3A_150 = arith.constant 256 : i32
      %dma_wait3A_151 = tpu.memref_slice %arg6[%dma_wait3A_150] : memref<1024xi32, #tpu.memory_space<vmem>> -> memref<128xi32, #tpu.memory_space<vmem>>
      %dma_wait3A_152 = arith.constant 0 : i32
      %dma_wait3A_153 = arith.constant 0 : i32
      %dma_wait3A_154 = tpu.memref_slice %arg2[%dma_wait3A_152, %dma_wait3A_153] : memref<10000x128xf32, #tpu.memory_space<hbm>> -> memref<10000x128xf32, #tpu.memory_space<hbm>>
      tpu.wait_indirect_dma semaphore(%arg10 : memref<!tpu.dma_semaphore, #tpu.memory_space<semaphore_mem>>) src(%dma_wait3A_154 : memref<10000x128xf32, #tpu.memory_space<hbm>>) dst(%dma_wait3A_149 : memref<128x128xf32, #tpu.memory_space<vmem>>)
      %dma_start3A_155 = arith.constant 0 : i32
      %dma_start3A_156 = arith.constant 2 : i32
      %dma_start3A_157 = arith.constant 0 : i32
      %dma_start3A_158 = arith.constant 0 : i32
      %dma_start3A_159 = tpu.memref_slice %arg8[%dma_start3A_155, %dma_start3A_157, %dma_start3A_158] : memref<2x128x128xf32, #tpu.memory_space<vmem>> -> memref<1x128x128xf32, #tpu.memory_space<vmem>>
      %dma_start3A_160 = tpu.memref_squeeze %dma_start3A_159 : memref<1x128x128xf32, #tpu.memory_space<vmem>> -> memref<128x128xf32, #tpu.memory_space<vmem>>
      %dma_start3A_161 = arith.constant 0 : i32
      %dma_start3A_162 = tpu.memref_slice %arg7[%dma_start3A_156, %dma_start3A_161] : memref<8x128xi32, #tpu.memory_space<vmem>> -> memref<1x128xi32, #tpu.memory_space<vmem>>
      %dma_start3A_163 = tpu.memref_squeeze %dma_start3A_162 : memref<1x128xi32, #tpu.memory_space<vmem>> -> memref<128xi32, #tpu.memory_space<vmem>>
      %dma_start3A_164 = arith.constant 0 : i32
      %dma_start3A_165 = arith.constant 0 : i32
      %dma_start3A_166 = tpu.memref_slice %arg9[%dma_start3A_164, %dma_start3A_165] : memref<10240x128xf32, #tpu.memory_space<vmem_shared>> -> memref<10240x128xf32, #tpu.memory_space<vmem_shared>>
      tpu.enqueue_indirect_dma source(%dma_start3A_160 : memref<128x128xf32, #tpu.memory_space<vmem>>) target(%dma_start3A_166 : memref<10240x128xf32, #tpu.memory_space<vmem_shared>>) offsets(%dma_start3A_163 : memref<128xi32, #tpu.memory_space<vmem>>) semaphore(%arg12 : memref<!tpu.dma_semaphore, #tpu.memory_space<semaphore_mem>>) {add = true}
      %dma_wait3A_167 = arith.constant 0 : i32
      %dma_wait3A_168 = arith.constant 2 : i32
      %dma_wait3A_169 = arith.constant 0 : i32
      %dma_wait3A_170 = arith.constant 0 : i32
      %dma_wait3A_171 = tpu.memref_slice %arg8[%dma_wait3A_167, %dma_wait3A_169, %dma_wait3A_170] : memref<2x128x128xf32, #tpu.memory_space<vmem>> -> memref<1x128x128xf32, #tpu.memory_space<vmem>>
      %dma_wait3A_172 = tpu.memref_squeeze %dma_wait3A_171 : memref<1x128x128xf32, #tpu.memory_space<vmem>> -> memref<128x128xf32, #tpu.memory_space<vmem>>
      %dma_wait3A_173 = arith.constant 0 : i32
      %dma_wait3A_174 = tpu.memref_slice %arg7[%dma_wait3A_168, %dma_wait3A_173] : memref<8x128xi32, #tpu.memory_space<vmem>> -> memref<1x128xi32, #tpu.memory_space<vmem>>
      %dma_wait3A_175 = tpu.memref_squeeze %dma_wait3A_174 : memref<1x128xi32, #tpu.memory_space<vmem>> -> memref<128xi32, #tpu.memory_space<vmem>>
      %dma_wait3A_176 = arith.constant 0 : i32
      %dma_wait3A_177 = arith.constant 0 : i32
      %dma_wait3A_178 = tpu.memref_slice %arg9[%dma_wait3A_176, %dma_wait3A_177] : memref<10240x128xf32, #tpu.memory_space<vmem_shared>> -> memref<10240x128xf32, #tpu.memory_space<vmem_shared>>
      tpu.wait_indirect_dma semaphore(%arg12 : memref<!tpu.dma_semaphore, #tpu.memory_space<semaphore_mem>>) src(%dma_wait3A_172 : memref<128x128xf32, #tpu.memory_space<vmem>>) dst(%dma_wait3A_178 : memref<10240x128xf32, #tpu.memory_space<vmem_shared>>)
      %dma_start3A_179 = arith.constant 0 : i32
      %dma_start3A_180 = arith.constant 0 : i32
      %dma_start3A_181 = arith.constant 0 : i32
      %dma_start3A_182 = tpu.memref_slice %arg8[%dma_start3A_179, %dma_start3A_180, %dma_start3A_181] : memref<2x128x128xf32, #tpu.memory_space<vmem>> -> memref<1x128x128xf32, #tpu.memory_space<vmem>>
      %dma_start3A_183 = tpu.memref_squeeze %dma_start3A_182 : memref<1x128x128xf32, #tpu.memory_space<vmem>> -> memref<128x128xf32, #tpu.memory_space<vmem>>
      %dma_start3A_184 = arith.constant 512 : i32
      %dma_start3A_185 = tpu.memref_slice %arg6[%dma_start3A_184] : memref<1024xi32, #tpu.memory_space<vmem>> -> memref<128xi32, #tpu.memory_space<vmem>>
      %dma_start3A_186 = arith.constant 0 : i32
      %dma_start3A_187 = arith.constant 0 : i32
      %dma_start3A_188 = tpu.memref_slice %arg2[%dma_start3A_186, %dma_start3A_187] : memref<10000x128xf32, #tpu.memory_space<hbm>> -> memref<10000x128xf32, #tpu.memory_space<hbm>>
      tpu.enqueue_indirect_dma source(%dma_start3A_188 : memref<10000x128xf32, #tpu.memory_space<hbm>>) target(%dma_start3A_183 : memref<128x128xf32, #tpu.memory_space<vmem>>) offsets(%dma_start3A_185 : memref<128xi32, #tpu.memory_space<vmem>>) semaphore(%arg10 : memref<!tpu.dma_semaphore, #tpu.memory_space<semaphore_mem>>)
      %dma_wait3A_189 = arith.constant 1 : i32
      %dma_wait3A_190 = arith.constant 0 : i32
      %dma_wait3A_191 = arith.constant 0 : i32
      %dma_wait3A_192 = tpu.memref_slice %arg8[%dma_wait3A_189, %dma_wait3A_190, %dma_wait3A_191] : memref<2x128x128xf32, #tpu.memory_space<vmem>> -> memref<1x128x128xf32, #tpu.memory_space<vmem>>
      %dma_wait3A_193 = tpu.memref_squeeze %dma_wait3A_192 : memref<1x128x128xf32, #tpu.memory_space<vmem>> -> memref<128x128xf32, #tpu.memory_space<vmem>>
      %dma_wait3A_194 = arith.constant 384 : i32
      %dma_wait3A_195 = tpu.memref_slice %arg6[%dma_wait3A_194] : memref<1024xi32, #tpu.memory_space<vmem>> -> memref<128xi32, #tpu.memory_space<vmem>>
      %dma_wait3A_196 = arith.constant 0 : i32
      %dma_wait3A_197 = arith.constant 0 : i32
      %dma_wait3A_198 = tpu.memref_slice %arg2[%dma_wait3A_196, %dma_wait3A_197] : memref<10000x128xf32, #tpu.memory_space<hbm>> -> memref<10000x128xf32, #tpu.memory_space<hbm>>
      tpu.wait_indirect_dma semaphore(%arg11 : memref<!tpu.dma_semaphore, #tpu.memory_space<semaphore_mem>>) src(%dma_wait3A_198 : memref<10000x128xf32, #tpu.memory_space<hbm>>) dst(%dma_wait3A_193 : memref<128x128xf32, #tpu.memory_space<vmem>>)
      %dma_start3A_199 = arith.constant 1 : i32
      %dma_start3A_200 = arith.constant 3 : i32
      %dma_start3A_201 = arith.constant 0 : i32
      %dma_start3A_202 = arith.constant 0 : i32
      %dma_start3A_203 = tpu.memref_slice %arg8[%dma_start3A_199, %dma_start3A_201, %dma_start3A_202] : memref<2x128x128xf32, #tpu.memory_space<vmem>> -> memref<1x128x128xf32, #tpu.memory_space<vmem>>
      %dma_start3A_204 = tpu.memref_squeeze %dma_start3A_203 : memref<1x128x128xf32, #tpu.memory_space<vmem>> -> memref<128x128xf32, #tpu.memory_space<vmem>>
      %dma_start3A_205 = arith.constant 0 : i32
      %dma_start3A_206 = tpu.memref_slice %arg7[%dma_start3A_200, %dma_start3A_205] : memref<8x128xi32, #tpu.memory_space<vmem>> -> memref<1x128xi32, #tpu.memory_space<vmem>>
      %dma_start3A_207 = tpu.memref_squeeze %dma_start3A_206 : memref<1x128xi32, #tpu.memory_space<vmem>> -> memref<128xi32, #tpu.memory_space<vmem>>
      %dma_start3A_208 = arith.constant 0 : i32
      %dma_start3A_209 = arith.constant 0 : i32
      %dma_start3A_210 = tpu.memref_slice %arg9[%dma_start3A_208, %dma_start3A_209] : memref<10240x128xf32, #tpu.memory_space<vmem_shared>> -> memref<10240x128xf32, #tpu.memory_space<vmem_shared>>
      tpu.enqueue_indirect_dma source(%dma_start3A_204 : memref<128x128xf32, #tpu.memory_space<vmem>>) target(%dma_start3A_210 : memref<10240x128xf32, #tpu.memory_space<vmem_shared>>) offsets(%dma_start3A_207 : memref<128xi32, #tpu.memory_space<vmem>>) semaphore(%arg13 : memref<!tpu.dma_semaphore, #tpu.memory_space<semaphore_mem>>) {add = true}
      %dma_wait3A_211 = arith.constant 1 : i32
      %dma_wait3A_212 = arith.constant 3 : i32
      %dma_wait3A_213 = arith.constant 0 : i32
      %dma_wait3A_214 = arith.constant 0 : i32
      %dma_wait3A_215 = tpu.memref_slice %arg8[%dma_wait3A_211, %dma_wait3A_213, %dma_wait3A_214] : memref<2x128x128xf32, #tpu.memory_space<vmem>> -> memref<1x128x128xf32, #tpu.memory_space<vmem>>
      %dma_wait3A_216 = tpu.memref_squeeze %dma_wait3A_215 : memref<1x128x128xf32, #tpu.memory_space<vmem>> -> memref<128x128xf32, #tpu.memory_space<vmem>>
      %dma_wait3A_217 = arith.constant 0 : i32
      %dma_wait3A_218 = tpu.memref_slice %arg7[%dma_wait3A_212, %dma_wait3A_217] : memref<8x128xi32, #tpu.memory_space<vmem>> -> memref<1x128xi32, #tpu.memory_space<vmem>>
      %dma_wait3A_219 = tpu.memref_squeeze %dma_wait3A_218 : memref<1x128xi32, #tpu.memory_space<vmem>> -> memref<128xi32, #tpu.memory_space<vmem>>
      %dma_wait3A_220 = arith.constant 0 : i32
      %dma_wait3A_221 = arith.constant 0 : i32
      %dma_wait3A_222 = tpu.memref_slice %arg9[%dma_wait3A_220, %dma_wait3A_221] : memref<10240x128xf32, #tpu.memory_space<vmem_shared>> -> memref<10240x128xf32, #tpu.memory_space<vmem_shared>>
      tpu.wait_indirect_dma semaphore(%arg13 : memref<!tpu.dma_semaphore, #tpu.memory_space<semaphore_mem>>) src(%dma_wait3A_216 : memref<128x128xf32, #tpu.memory_space<vmem>>) dst(%dma_wait3A_222 : memref<10240x128xf32, #tpu.memory_space<vmem_shared>>)
      %dma_start3A_223 = arith.constant 1 : i32
      %dma_start3A_224 = arith.constant 0 : i32
      %dma_start3A_225 = arith.constant 0 : i32
      %dma_start3A_226 = tpu.memref_slice %arg8[%dma_start3A_223, %dma_start3A_224, %dma_start3A_225] : memref<2x128x128xf32, #tpu.memory_space<vmem>> -> memref<1x128x128xf32, #tpu.memory_space<vmem>>
      %dma_start3A_227 = tpu.memref_squeeze %dma_start3A_226 : memref<1x128x128xf32, #tpu.memory_space<vmem>> -> memref<128x128xf32, #tpu.memory_space<vmem>>
      %dma_start3A_228 = arith.constant 640 : i32
      %dma_start3A_229 = tpu.memref_slice %arg6[%dma_start3A_228] : memref<1024xi32, #tpu.memory_space<vmem>> -> memref<128xi32, #tpu.memory_space<vmem>>
      %dma_start3A_230 = arith.constant 0 : i32
      %dma_start3A_231 = arith.constant 0 : i32
      %dma_start3A_232 = tpu.memref_slice %arg2[%dma_start3A_230, %dma_start3A_231] : memref<10000x128xf32, #tpu.memory_space<hbm>> -> memref<10000x128xf32, #tpu.memory_space<hbm>>
      tpu.enqueue_indirect_dma source(%dma_start3A_232 : memref<10000x128xf32, #tpu.memory_space<hbm>>) target(%dma_start3A_227 : memref<128x128xf32, #tpu.memory_space<vmem>>) offsets(%dma_start3A_229 : memref<128xi32, #tpu.memory_space<vmem>>) semaphore(%arg11 : memref<!tpu.dma_semaphore, #tpu.memory_space<semaphore_mem>>)
      %dma_wait3A_233 = arith.constant 0 : i32
      %dma_wait3A_234 = arith.constant 0 : i32
      %dma_wait3A_235 = arith.constant 0 : i32
      %dma_wait3A_236 = tpu.memref_slice %arg8[%dma_wait3A_233, %dma_wait3A_234, %dma_wait3A_235] : memref<2x128x128xf32, #tpu.memory_space<vmem>> -> memref<1x128x128xf32, #tpu.memory_space<vmem>>
      %dma_wait3A_237 = tpu.memref_squeeze %dma_wait3A_236 : memref<1x128x128xf32, #tpu.memory_space<vmem>> -> memref<128x128xf32, #tpu.memory_space<vmem>>
      %dma_wait3A_238 = arith.constant 512 : i32
      %dma_wait3A_239 = tpu.memref_slice %arg6[%dma_wait3A_238] : memref<1024xi32, #tpu.memory_space<vmem>> -> memref<128xi32, #tpu.memory_space<vmem>>
      %dma_wait3A_240 = arith.constant 0 : i32
      %dma_wait3A_241 = arith.constant 0 : i32
      %dma_wait3A_242 = tpu.memref_slice %arg2[%dma_wait3A_240, %dma_wait3A_241] : memref<10000x128xf32, #tpu.memory_space<hbm>> -> memref<10000x128xf32, #tpu.memory_space<hbm>>
      tpu.wait_indirect_dma semaphore(%arg10 : memref<!tpu.dma_semaphore, #tpu.memory_space<semaphore_mem>>) src(%dma_wait3A_242 : memref<10000x128xf32, #tpu.memory_space<hbm>>) dst(%dma_wait3A_237 : memref<128x128xf32, #tpu.memory_space<vmem>>)
      %dma_start3A_243 = arith.constant 0 : i32
      %dma_start3A_244 = arith.constant 4 : i32
      %dma_start3A_245 = arith.constant 0 : i32
      %dma_start3A_246 = arith.constant 0 : i32
      %dma_start3A_247 = tpu.memref_slice %arg8[%dma_start3A_243, %dma_start3A_245, %dma_start3A_246] : memref<2x128x128xf32, #tpu.memory_space<vmem>> -> memref<1x128x128xf32, #tpu.memory_space<vmem>>
      %dma_start3A_248 = tpu.memref_squeeze %dma_start3A_247 : memref<1x128x128xf32, #tpu.memory_space<vmem>> -> memref<128x128xf32, #tpu.memory_space<vmem>>
      %dma_start3A_249 = arith.constant 0 : i32
      %dma_start3A_250 = tpu.memref_slice %arg7[%dma_start3A_244, %dma_start3A_249] : memref<8x128xi32, #tpu.memory_space<vmem>> -> memref<1x128xi32, #tpu.memory_space<vmem>>
      %dma_start3A_251 = tpu.memref_squeeze %dma_start3A_250 : memref<1x128xi32, #tpu.memory_space<vmem>> -> memref<128xi32, #tpu.memory_space<vmem>>
      %dma_start3A_252 = arith.constant 0 : i32
      %dma_start3A_253 = arith.constant 0 : i32
      %dma_start3A_254 = tpu.memref_slice %arg9[%dma_start3A_252, %dma_start3A_253] : memref<10240x128xf32, #tpu.memory_space<vmem_shared>> -> memref<10240x128xf32, #tpu.memory_space<vmem_shared>>
      tpu.enqueue_indirect_dma source(%dma_start3A_248 : memref<128x128xf32, #tpu.memory_space<vmem>>) target(%dma_start3A_254 : memref<10240x128xf32, #tpu.memory_space<vmem_shared>>) offsets(%dma_start3A_251 : memref<128xi32, #tpu.memory_space<vmem>>) semaphore(%arg12 : memref<!tpu.dma_semaphore, #tpu.memory_space<semaphore_mem>>) {add = true}
      %dma_wait3A_255 = arith.constant 0 : i32
      %dma_wait3A_256 = arith.constant 4 : i32
      %dma_wait3A_257 = arith.constant 0 : i32
      %dma_wait3A_258 = arith.constant 0 : i32
      %dma_wait3A_259 = tpu.memref_slice %arg8[%dma_wait3A_255, %dma_wait3A_257, %dma_wait3A_258] : memref<2x128x128xf32, #tpu.memory_space<vmem>> -> memref<1x128x128xf32, #tpu.memory_space<vmem>>
      %dma_wait3A_260 = tpu.memref_squeeze %dma_wait3A_259 : memref<1x128x128xf32, #tpu.memory_space<vmem>> -> memref<128x128xf32, #tpu.memory_space<vmem>>
      %dma_wait3A_261 = arith.constant 0 : i32
      %dma_wait3A_262 = tpu.memref_slice %arg7[%dma_wait3A_256, %dma_wait3A_261] : memref<8x128xi32, #tpu.memory_space<vmem>> -> memref<1x128xi32, #tpu.memory_space<vmem>>
      %dma_wait3A_263 = tpu.memref_squeeze %dma_wait3A_262 : memref<1x128xi32, #tpu.memory_space<vmem>> -> memref<128xi32, #tpu.memory_space<vmem>>
      %dma_wait3A_264 = arith.constant 0 : i32
      %dma_wait3A_265 = arith.constant 0 : i32
      %dma_wait3A_266 = tpu.memref_slice %arg9[%dma_wait3A_264, %dma_wait3A_265] : memref<10240x128xf32, #tpu.memory_space<vmem_shared>> -> memref<10240x128xf32, #tpu.memory_space<vmem_shared>>
      tpu.wait_indirect_dma semaphore(%arg12 : memref<!tpu.dma_semaphore, #tpu.memory_space<semaphore_mem>>) src(%dma_wait3A_260 : memref<128x128xf32, #tpu.memory_space<vmem>>) dst(%dma_wait3A_266 : memref<10240x128xf32, #tpu.memory_space<vmem_shared>>)
      %dma_start3A_267 = arith.constant 0 : i32
      %dma_start3A_268 = arith.constant 0 : i32
      %dma_start3A_269 = arith.constant 0 : i32
      %dma_start3A_270 = tpu.memref_slice %arg8[%dma_start3A_267, %dma_start3A_268, %dma_start3A_269] : memref<2x128x128xf32, #tpu.memory_space<vmem>> -> memref<1x128x128xf32, #tpu.memory_space<vmem>>
      %dma_start3A_271 = tpu.memref_squeeze %dma_start3A_270 : memref<1x128x128xf32, #tpu.memory_space<vmem>> -> memref<128x128xf32, #tpu.memory_space<vmem>>
      %dma_start3A_272 = arith.constant 768 : i32
      %dma_start3A_273 = tpu.memref_slice %arg6[%dma_start3A_272] : memref<1024xi32, #tpu.memory_space<vmem>> -> memref<128xi32, #tpu.memory_space<vmem>>
      %dma_start3A_274 = arith.constant 0 : i32
      %dma_start3A_275 = arith.constant 0 : i32
      %dma_start3A_276 = tpu.memref_slice %arg2[%dma_start3A_274, %dma_start3A_275] : memref<10000x128xf32, #tpu.memory_space<hbm>> -> memref<10000x128xf32, #tpu.memory_space<hbm>>
      tpu.enqueue_indirect_dma source(%dma_start3A_276 : memref<10000x128xf32, #tpu.memory_space<hbm>>) target(%dma_start3A_271 : memref<128x128xf32, #tpu.memory_space<vmem>>) offsets(%dma_start3A_273 : memref<128xi32, #tpu.memory_space<vmem>>) semaphore(%arg10 : memref<!tpu.dma_semaphore, #tpu.memory_space<semaphore_mem>>)
      %dma_wait3A_277 = arith.constant 1 : i32
      %dma_wait3A_278 = arith.constant 0 : i32
      %dma_wait3A_279 = arith.constant 0 : i32
      %dma_wait3A_280 = tpu.memref_slice %arg8[%dma_wait3A_277, %dma_wait3A_278, %dma_wait3A_279] : memref<2x128x128xf32, #tpu.memory_space<vmem>> -> memref<1x128x128xf32, #tpu.memory_space<vmem>>
      %dma_wait3A_281 = tpu.memref_squeeze %dma_wait3A_280 : memref<1x128x128xf32, #tpu.memory_space<vmem>> -> memref<128x128xf32, #tpu.memory_space<vmem>>
      %dma_wait3A_282 = arith.constant 640 : i32
      %dma_wait3A_283 = tpu.memref_slice %arg6[%dma_wait3A_282] : memref<1024xi32, #tpu.memory_space<vmem>> -> memref<128xi32, #tpu.memory_space<vmem>>
      %dma_wait3A_284 = arith.constant 0 : i32
      %dma_wait3A_285 = arith.constant 0 : i32
      %dma_wait3A_286 = tpu.memref_slice %arg2[%dma_wait3A_284, %dma_wait3A_285] : memref<10000x128xf32, #tpu.memory_space<hbm>> -> memref<10000x128xf32, #tpu.memory_space<hbm>>
      tpu.wait_indirect_dma semaphore(%arg11 : memref<!tpu.dma_semaphore, #tpu.memory_space<semaphore_mem>>) src(%dma_wait3A_286 : memref<10000x128xf32, #tpu.memory_space<hbm>>) dst(%dma_wait3A_281 : memref<128x128xf32, #tpu.memory_space<vmem>>)
      %dma_start3A_287 = arith.constant 1 : i32
      %dma_start3A_288 = arith.constant 5 : i32
      %dma_start3A_289 = arith.constant 0 : i32
      %dma_start3A_290 = arith.constant 0 : i32
      %dma_start3A_291 = tpu.memref_slice %arg8[%dma_start3A_287, %dma_start3A_289, %dma_start3A_290] : memref<2x128x128xf32, #tpu.memory_space<vmem>> -> memref<1x128x128xf32, #tpu.memory_space<vmem>>
      %dma_start3A_292 = tpu.memref_squeeze %dma_start3A_291 : memref<1x128x128xf32, #tpu.memory_space<vmem>> -> memref<128x128xf32, #tpu.memory_space<vmem>>
      %dma_start3A_293 = arith.constant 0 : i32
      %dma_start3A_294 = tpu.memref_slice %arg7[%dma_start3A_288, %dma_start3A_293] : memref<8x128xi32, #tpu.memory_space<vmem>> -> memref<1x128xi32, #tpu.memory_space<vmem>>
      %dma_start3A_295 = tpu.memref_squeeze %dma_start3A_294 : memref<1x128xi32, #tpu.memory_space<vmem>> -> memref<128xi32, #tpu.memory_space<vmem>>
      %dma_start3A_296 = arith.constant 0 : i32
      %dma_start3A_297 = arith.constant 0 : i32
      %dma_start3A_298 = tpu.memref_slice %arg9[%dma_start3A_296, %dma_start3A_297] : memref<10240x128xf32, #tpu.memory_space<vmem_shared>> -> memref<10240x128xf32, #tpu.memory_space<vmem_shared>>
      tpu.enqueue_indirect_dma source(%dma_start3A_292 : memref<128x128xf32, #tpu.memory_space<vmem>>) target(%dma_start3A_298 : memref<10240x128xf32, #tpu.memory_space<vmem_shared>>) offsets(%dma_start3A_295 : memref<128xi32, #tpu.memory_space<vmem>>) semaphore(%arg13 : memref<!tpu.dma_semaphore, #tpu.memory_space<semaphore_mem>>) {add = true}
      %dma_wait3A_299 = arith.constant 1 : i32
      %dma_wait3A_300 = arith.constant 5 : i32
      %dma_wait3A_301 = arith.constant 0 : i32
      %dma_wait3A_302 = arith.constant 0 : i32
      %dma_wait3A_303 = tpu.memref_slice %arg8[%dma_wait3A_299, %dma_wait3A_301, %dma_wait3A_302] : memref<2x128x128xf32, #tpu.memory_space<vmem>> -> memref<1x128x128xf32, #tpu.memory_space<vmem>>
      %dma_wait3A_304 = tpu.memref_squeeze %dma_wait3A_303 : memref<1x128x128xf32, #tpu.memory_space<vmem>> -> memref<128x128xf32, #tpu.memory_space<vmem>>
      %dma_wait3A_305 = arith.constant 0 : i32
      %dma_wait3A_306 = tpu.memref_slice %arg7[%dma_wait3A_300, %dma_wait3A_305] : memref<8x128xi32, #tpu.memory_space<vmem>> -> memref<1x128xi32, #tpu.memory_space<vmem>>
      %dma_wait3A_307 = tpu.memref_squeeze %dma_wait3A_306 : memref<1x128xi32, #tpu.memory_space<vmem>> -> memref<128xi32, #tpu.memory_space<vmem>>
      %dma_wait3A_308 = arith.constant 0 : i32
      %dma_wait3A_309 = arith.constant 0 : i32
      %dma_wait3A_310 = tpu.memref_slice %arg9[%dma_wait3A_308, %dma_wait3A_309] : memref<10240x128xf32, #tpu.memory_space<vmem_shared>> -> memref<10240x128xf32, #tpu.memory_space<vmem_shared>>
      tpu.wait_indirect_dma semaphore(%arg13 : memref<!tpu.dma_semaphore, #tpu.memory_space<semaphore_mem>>) src(%dma_wait3A_304 : memref<128x128xf32, #tpu.memory_space<vmem>>) dst(%dma_wait3A_310 : memref<10240x128xf32, #tpu.memory_space<vmem_shared>>)
      %dma_start3A_311 = arith.constant 1 : i32
      %dma_start3A_312 = arith.constant 0 : i32
      %dma_start3A_313 = arith.constant 0 : i32
      %dma_start3A_314 = tpu.memref_slice %arg8[%dma_start3A_311, %dma_start3A_312, %dma_start3A_313] : memref<2x128x128xf32, #tpu.memory_space<vmem>> -> memref<1x128x128xf32, #tpu.memory_space<vmem>>
      %dma_start3A_315 = tpu.memref_squeeze %dma_start3A_314 : memref<1x128x128xf32, #tpu.memory_space<vmem>> -> memref<128x128xf32, #tpu.memory_space<vmem>>
      %dma_start3A_316 = arith.constant 896 : i32
      %dma_start3A_317 = tpu.memref_slice %arg6[%dma_start3A_316] : memref<1024xi32, #tpu.memory_space<vmem>> -> memref<128xi32, #tpu.memory_space<vmem>>
      %dma_start3A_318 = arith.constant 0 : i32
      %dma_start3A_319 = arith.constant 0 : i32
      %dma_start3A_320 = tpu.memref_slice %arg2[%dma_start3A_318, %dma_start3A_319] : memref<10000x128xf32, #tpu.memory_space<hbm>> -> memref<10000x128xf32, #tpu.memory_space<hbm>>
      tpu.enqueue_indirect_dma source(%dma_start3A_320 : memref<10000x128xf32, #tpu.memory_space<hbm>>) target(%dma_start3A_315 : memref<128x128xf32, #tpu.memory_space<vmem>>) offsets(%dma_start3A_317 : memref<128xi32, #tpu.memory_space<vmem>>) semaphore(%arg11 : memref<!tpu.dma_semaphore, #tpu.memory_space<semaphore_mem>>)
      %dma_wait3A_321 = arith.constant 0 : i32
      %dma_wait3A_322 = arith.constant 0 : i32
      %dma_wait3A_323 = arith.constant 0 : i32
      %dma_wait3A_324 = tpu.memref_slice %arg8[%dma_wait3A_321, %dma_wait3A_322, %dma_wait3A_323] : memref<2x128x128xf32, #tpu.memory_space<vmem>> -> memref<1x128x128xf32, #tpu.memory_space<vmem>>
      %dma_wait3A_325 = tpu.memref_squeeze %dma_wait3A_324 : memref<1x128x128xf32, #tpu.memory_space<vmem>> -> memref<128x128xf32, #tpu.memory_space<vmem>>
      %dma_wait3A_326 = arith.constant 768 : i32
      %dma_wait3A_327 = tpu.memref_slice %arg6[%dma_wait3A_326] : memref<1024xi32, #tpu.memory_space<vmem>> -> memref<128xi32, #tpu.memory_space<vmem>>
      %dma_wait3A_328 = arith.constant 0 : i32
      %dma_wait3A_329 = arith.constant 0 : i32
      %dma_wait3A_330 = tpu.memref_slice %arg2[%dma_wait3A_328, %dma_wait3A_329] : memref<10000x128xf32, #tpu.memory_space<hbm>> -> memref<10000x128xf32, #tpu.memory_space<hbm>>
      tpu.wait_indirect_dma semaphore(%arg10 : memref<!tpu.dma_semaphore, #tpu.memory_space<semaphore_mem>>) src(%dma_wait3A_330 : memref<10000x128xf32, #tpu.memory_space<hbm>>) dst(%dma_wait3A_325 : memref<128x128xf32, #tpu.memory_space<vmem>>)
      %dma_start3A_331 = arith.constant 0 : i32
      %dma_start3A_332 = arith.constant 6 : i32
      %dma_start3A_333 = arith.constant 0 : i32
      %dma_start3A_334 = arith.constant 0 : i32
      %dma_start3A_335 = tpu.memref_slice %arg8[%dma_start3A_331, %dma_start3A_333, %dma_start3A_334] : memref<2x128x128xf32, #tpu.memory_space<vmem>> -> memref<1x128x128xf32, #tpu.memory_space<vmem>>
      %dma_start3A_336 = tpu.memref_squeeze %dma_start3A_335 : memref<1x128x128xf32, #tpu.memory_space<vmem>> -> memref<128x128xf32, #tpu.memory_space<vmem>>
      %dma_start3A_337 = arith.constant 0 : i32
      %dma_start3A_338 = tpu.memref_slice %arg7[%dma_start3A_332, %dma_start3A_337] : memref<8x128xi32, #tpu.memory_space<vmem>> -> memref<1x128xi32, #tpu.memory_space<vmem>>
      %dma_start3A_339 = tpu.memref_squeeze %dma_start3A_338 : memref<1x128xi32, #tpu.memory_space<vmem>> -> memref<128xi32, #tpu.memory_space<vmem>>
      %dma_start3A_340 = arith.constant 0 : i32
      %dma_start3A_341 = arith.constant 0 : i32
      %dma_start3A_342 = tpu.memref_slice %arg9[%dma_start3A_340, %dma_start3A_341] : memref<10240x128xf32, #tpu.memory_space<vmem_shared>> -> memref<10240x128xf32, #tpu.memory_space<vmem_shared>>
      tpu.enqueue_indirect_dma source(%dma_start3A_336 : memref<128x128xf32, #tpu.memory_space<vmem>>) target(%dma_start3A_342 : memref<10240x128xf32, #tpu.memory_space<vmem_shared>>) offsets(%dma_start3A_339 : memref<128xi32, #tpu.memory_space<vmem>>) semaphore(%arg12 : memref<!tpu.dma_semaphore, #tpu.memory_space<semaphore_mem>>) {add = true}
      %dma_wait3A_343 = arith.constant 1 : i32
      %dma_wait3A_344 = arith.constant 0 : i32
      %dma_wait3A_345 = arith.constant 0 : i32
      %dma_wait3A_346 = tpu.memref_slice %arg8[%dma_wait3A_343, %dma_wait3A_344, %dma_wait3A_345] : memref<2x128x128xf32, #tpu.memory_space<vmem>> -> memref<1x128x128xf32, #tpu.memory_space<vmem>>
      %dma_wait3A_347 = tpu.memref_squeeze %dma_wait3A_346 : memref<1x128x128xf32, #tpu.memory_space<vmem>> -> memref<128x128xf32, #tpu.memory_space<vmem>>
      %dma_wait3A_348 = arith.constant 896 : i32
      %dma_wait3A_349 = tpu.memref_slice %arg6[%dma_wait3A_348] : memref<1024xi32, #tpu.memory_space<vmem>> -> memref<128xi32, #tpu.memory_space<vmem>>
      %dma_wait3A_350 = arith.constant 0 : i32
      %dma_wait3A_351 = arith.constant 0 : i32
      %dma_wait3A_352 = tpu.memref_slice %arg2[%dma_wait3A_350, %dma_wait3A_351] : memref<10000x128xf32, #tpu.memory_space<hbm>> -> memref<10000x128xf32, #tpu.memory_space<hbm>>
      tpu.wait_indirect_dma semaphore(%arg11 : memref<!tpu.dma_semaphore, #tpu.memory_space<semaphore_mem>>) src(%dma_wait3A_352 : memref<10000x128xf32, #tpu.memory_space<hbm>>) dst(%dma_wait3A_347 : memref<128x128xf32, #tpu.memory_space<vmem>>)
      %dma_start3A_353 = arith.constant 1 : i32
      %dma_start3A_354 = arith.constant 7 : i32
      %dma_start3A_355 = arith.constant 0 : i32
      %dma_start3A_356 = arith.constant 0 : i32
      %dma_start3A_357 = tpu.memref_slice %arg8[%dma_start3A_353, %dma_start3A_355, %dma_start3A_356] : memref<2x128x128xf32, #tpu.memory_space<vmem>> -> memref<1x128x128xf32, #tpu.memory_space<vmem>>
      %dma_start3A_358 = tpu.memref_squeeze %dma_start3A_357 : memref<1x128x128xf32, #tpu.memory_space<vmem>> -> memref<128x128xf32, #tpu.memory_space<vmem>>
      %dma_start3A_359 = arith.constant 0 : i32
      %dma_start3A_360 = tpu.memref_slice %arg7[%dma_start3A_354, %dma_start3A_359] : memref<8x128xi32, #tpu.memory_space<vmem>> -> memref<1x128xi32, #tpu.memory_space<vmem>>
      %dma_start3A_361 = tpu.memref_squeeze %dma_start3A_360 : memref<1x128xi32, #tpu.memory_space<vmem>> -> memref<128xi32, #tpu.memory_space<vmem>>
      %dma_start3A_362 = arith.constant 0 : i32
      %dma_start3A_363 = arith.constant 0 : i32
      %dma_start3A_364 = tpu.memref_slice %arg9[%dma_start3A_362, %dma_start3A_363] : memref<10240x128xf32, #tpu.memory_space<vmem_shared>> -> memref<10240x128xf32, #tpu.memory_space<vmem_shared>>
      tpu.enqueue_indirect_dma source(%dma_start3A_358 : memref<128x128xf32, #tpu.memory_space<vmem>>) target(%dma_start3A_364 : memref<10240x128xf32, #tpu.memory_space<vmem_shared>>) offsets(%dma_start3A_361 : memref<128xi32, #tpu.memory_space<vmem>>) semaphore(%arg13 : memref<!tpu.dma_semaphore, #tpu.memory_space<semaphore_mem>>) {add = true}
      %dma_wait3A_365 = arith.constant 0 : i32
      %dma_wait3A_366 = arith.constant 6 : i32
      %dma_wait3A_367 = arith.constant 0 : i32
      %dma_wait3A_368 = arith.constant 0 : i32
      %dma_wait3A_369 = tpu.memref_slice %arg8[%dma_wait3A_365, %dma_wait3A_367, %dma_wait3A_368] : memref<2x128x128xf32, #tpu.memory_space<vmem>> -> memref<1x128x128xf32, #tpu.memory_space<vmem>>
      %dma_wait3A_370 = tpu.memref_squeeze %dma_wait3A_369 : memref<1x128x128xf32, #tpu.memory_space<vmem>> -> memref<128x128xf32, #tpu.memory_space<vmem>>
      %dma_wait3A_371 = arith.constant 0 : i32
      %dma_wait3A_372 = tpu.memref_slice %arg7[%dma_wait3A_366, %dma_wait3A_371] : memref<8x128xi32, #tpu.memory_space<vmem>> -> memref<1x128xi32, #tpu.memory_space<vmem>>
      %dma_wait3A_373 = tpu.memref_squeeze %dma_wait3A_372 : memref<1x128xi32, #tpu.memory_space<vmem>> -> memref<128xi32, #tpu.memory_space<vmem>>
      %dma_wait3A_374 = arith.constant 0 : i32
      %dma_wait3A_375 = arith.constant 0 : i32
      %dma_wait3A_376 = tpu.memref_slice %arg9[%dma_wait3A_374, %dma_wait3A_375] : memref<10240x128xf32, #tpu.memory_space<vmem_shared>> -> memref<10240x128xf32, #tpu.memory_space<vmem_shared>>
      tpu.wait_indirect_dma semaphore(%arg12 : memref<!tpu.dma_semaphore, #tpu.memory_space<semaphore_mem>>) src(%dma_wait3A_370 : memref<128x128xf32, #tpu.memory_space<vmem>>) dst(%dma_wait3A_376 : memref<10240x128xf32, #tpu.memory_space<vmem_shared>>)
      %dma_wait3A_377 = arith.constant 1 : i32
      %dma_wait3A_378 = arith.constant 7 : i32
      %dma_wait3A_379 = arith.constant 0 : i32
      %dma_wait3A_380 = arith.constant 0 : i32
      %dma_wait3A_381 = tpu.memref_slice %arg8[%dma_wait3A_377, %dma_wait3A_379, %dma_wait3A_380] : memref<2x128x128xf32, #tpu.memory_space<vmem>> -> memref<1x128x128xf32, #tpu.memory_space<vmem>>
      %dma_wait3A_382 = tpu.memref_squeeze %dma_wait3A_381 : memref<1x128x128xf32, #tpu.memory_space<vmem>> -> memref<128x128xf32, #tpu.memory_space<vmem>>
      %dma_wait3A_383 = arith.constant 0 : i32
      %dma_wait3A_384 = tpu.memref_slice %arg7[%dma_wait3A_378, %dma_wait3A_383] : memref<8x128xi32, #tpu.memory_space<vmem>> -> memref<1x128xi32, #tpu.memory_space<vmem>>
      %dma_wait3A_385 = tpu.memref_squeeze %dma_wait3A_384 : memref<1x128xi32, #tpu.memory_space<vmem>> -> memref<128xi32, #tpu.memory_space<vmem>>
      %dma_wait3A_386 = arith.constant 0 : i32
      %dma_wait3A_387 = arith.constant 0 : i32
      %dma_wait3A_388 = tpu.memref_slice %arg9[%dma_wait3A_386, %dma_wait3A_387] : memref<10240x128xf32, #tpu.memory_space<vmem_shared>> -> memref<10240x128xf32, #tpu.memory_space<vmem_shared>>
      tpu.wait_indirect_dma semaphore(%arg13 : memref<!tpu.dma_semaphore, #tpu.memory_space<semaphore_mem>>) src(%dma_wait3A_382 : memref<128x128xf32, #tpu.memory_space<vmem>>) dst(%dma_wait3A_388 : memref<10240x128xf32, #tpu.memory_space<vmem_shared>>)
    }
    %scan3A_29 = arith.constant 10 : i32
    %barrier3A_30 = arith.constant 0 : index
    tpu.barrier barrier_id(%barrier3A_30)
    "tpu.region"() ({
      %run_scoped3A_31 = tpu.sem_alloc : memref<!tpu.dma_semaphore, #tpu.memory_space<semaphore_mem>>
      %dma_start3A = arith.constant 0 : i32
      %dma_start3A_32 = tpu.memref_slice %arg5[%arg0, %mul3A_9, %dma_start3A] : memref<2x10240x128xf32, #tpu.memory_space<hbm>> -> memref<1x640x128xf32, #tpu.memory_space<hbm>>
      %dma_start3A_33 = tpu.memref_squeeze %dma_start3A_32 : memref<1x640x128xf32, #tpu.memory_space<hbm>> -> memref<640x128xf32, #tpu.memory_space<hbm>>
      %dma_start3A_34 = arith.constant 0 : i32
      %dma_start3A_35 = tpu.memref_slice %arg9[%mul3A_9, %dma_start3A_34] : memref<10240x128xf32, #tpu.memory_space<vmem_shared>> -> memref<640x128xf32, #tpu.memory_space<vmem_shared>>
      tpu.enqueue_dma source(%dma_start3A_35 : memref<640x128xf32, #tpu.memory_space<vmem_shared>>) target(%dma_start3A_33 : memref<640x128xf32, #tpu.memory_space<hbm>>) target_semaphore(%run_scoped3A_31 : memref<!tpu.dma_semaphore, #tpu.memory_space<semaphore_mem>>)
      %dma_wait3A = arith.constant 0 : i32
      %dma_wait3A_36 = tpu.memref_slice %arg5[%arg0, %mul3A_9, %dma_wait3A] : memref<2x10240x128xf32, #tpu.memory_space<hbm>> -> memref<1x640x128xf32, #tpu.memory_space<hbm>>
      %dma_wait3A_37 = tpu.memref_squeeze %dma_wait3A_36 : memref<1x640x128xf32, #tpu.memory_space<hbm>> -> memref<640x128xf32, #tpu.memory_space<hbm>>
      %dma_wait3A_38 = arith.constant 0 : i32
      %dma_wait3A_39 = tpu.memref_slice %arg9[%mul3A_9, %dma_wait3A_38] : memref<10240x128xf32, #tpu.memory_space<vmem_shared>> -> memref<640x128xf32, #tpu.memory_space<vmem_shared>>
      tpu.wait_dma2 semaphore(%run_scoped3A_31 : memref<!tpu.dma_semaphore, #tpu.memory_space<semaphore_mem>>) src(%dma_wait3A_39 : memref<640x128xf32, #tpu.memory_space<vmem_shared>>) dst(%dma_wait3A_37 : memref<640x128xf32, #tpu.memory_space<hbm>>)
      tpu.yield
    }) : () -> ()
    return
  }
}

module attributes {stable_mosaic.version = 14 : i64} {
  func.func @_dense_body(%arg0: i32, %arg1: memref<2x2000x128xf32, #tpu.memory_space<vmem>>, %arg2: memref<2000x128xf32, #tpu.memory_space<vmem>>, %arg3: memref<2x2000x128xf32, #tpu.memory_space<vmem>>, %arg4: memref<128x128xf32, #tpu.memory_space<vmem>>, %arg5: memref<1x128xf32, #tpu.memory_space<vmem>>, %arg6: memref<128x128xf32, #tpu.memory_space<vmem>>, %arg7: memref<1x128xf32, #tpu.memory_space<vmem>>, %arg8: memref<1x128xf32, #tpu.memory_space<vmem>>, %arg9: memref<2000x128xf32, #tpu.memory_space<vmem>>) attributes {dimension_semantics = [#tpu.dimension_semantics<arbitrary>], iteration_bounds = array<i64: 5>, scalar_prefetch = 0 : i64, scratch_operands = 0 : i64, tpu.core_type = #tpu.core_type<tc>, window_params = [{transform_indices = @transform_0, window_bounds = array<i64: 2, 2000, 128>}, {transform_indices = @transform_1, window_bounds = array<i64: 2000, 128>}, {transform_indices = @transform_2, window_bounds = array<i64: 2, 2000, 128>}, {pipeline_mode = #tpu.pipeline_mode<synchronous>, transform_indices = @transform_3, window_bounds = array<i64: 128, 128>}, {pipeline_mode = #tpu.pipeline_mode<synchronous>, transform_indices = @transform_4, window_bounds = array<i64: 1, 128>}, {pipeline_mode = #tpu.pipeline_mode<synchronous>, transform_indices = @transform_5, window_bounds = array<i64: 128, 128>}, {pipeline_mode = #tpu.pipeline_mode<synchronous>, transform_indices = @transform_6, window_bounds = array<i64: 1, 128>}, {pipeline_mode = #tpu.pipeline_mode<synchronous>, transform_indices = @transform_7, window_bounds = array<i64: 1, 128>}, {transform_indices = @transform_8, window_bounds = array<i64: 2000, 128>}]} {
    %get3A = arith.constant 0 : index
    %get3A_0 = arith.constant 0 : index
    %get3A_1 = arith.constant 0 : index
    %get3A_2 = vector.load %arg3[%get3A, %get3A_0, %get3A_1] : memref<2x2000x128xf32, #tpu.memory_space<vmem>>, vector<1x2000x1xf32>
    %get3A_3 = vector.shape_cast %get3A_2 : vector<1x2000x1xf32> to vector<2000x1xf32>
    %get3A_4 = arith.constant 1 : index
    %get3A_5 = arith.constant 0 : index
    %get3A_6 = arith.constant 0 : index
    %get3A_7 = vector.load %arg3[%get3A_4, %get3A_5, %get3A_6] : memref<2x2000x128xf32, #tpu.memory_space<vmem>>, vector<1x2000x1xf32>
    %get3A_8 = vector.shape_cast %get3A_7 : vector<1x2000x1xf32> to vector<2000x1xf32>
    %add3A = arith.addf %get3A_3, %get3A_8 : vector<2000x1xf32>
    %max3A = arith.constant 1.000000e+00 : f32
    %max3A_9 = vector.broadcast %max3A : f32 to vector<2000x1xf32>
    %max3A_10 = arith.maximumf %add3A, %max3A_9 : vector<2000x1xf32>
    %div3A = arith.constant 1.000000e+00 : f32
    %div3A_11 = vector.broadcast %div3A : f32 to vector<2000x1xf32>
    %div3A_12 = arith.divf %div3A_11, %max3A_10 : vector<2000x1xf32>
    %get3A_13 = arith.constant 0 : index
    %get3A_14 = arith.constant 0 : index
    %get3A_15 = arith.constant 0 : index
    %get3A_16 = vector.load %arg1[%get3A_13, %get3A_14, %get3A_15] : memref<2x2000x128xf32, #tpu.memory_space<vmem>>, vector<1x2000x128xf32>
    %get3A_17 = vector.shape_cast %get3A_16 : vector<1x2000x128xf32> to vector<2000x128xf32>
    %get3A_18 = arith.constant 1 : index
    %get3A_19 = arith.constant 0 : index
    %get3A_20 = arith.constant 0 : index
    %get3A_21 = vector.load %arg1[%get3A_18, %get3A_19, %get3A_20] : memref<2x2000x128xf32, #tpu.memory_space<vmem>>, vector<1x2000x128xf32>
    %get3A_22 = vector.shape_cast %get3A_21 : vector<1x2000x128xf32> to vector<2000x128xf32>
    %add3A_23 = arith.addf %get3A_17, %get3A_22 : vector<2000x128xf32>
    %mul3A = vector.broadcast %div3A_12 : vector<2000x1xf32> to vector<2000x128xf32>
    %mul3A_24 = arith.mulf %add3A_23, %mul3A : vector<2000x128xf32>
    %get3A_25 = arith.constant 0 : index
    %get3A_26 = arith.constant 0 : index
    %get3A_27 = vector.load %arg4[%get3A_25, %get3A_26] : memref<128x128xf32, #tpu.memory_space<vmem>>, vector<128x128xf32>
    %dot_general3A = arith.constant dense<0.000000e+00> : vector<2000x128xf32>
    %dot_general3A_28 = tpu.matmul %mul3A_24, %get3A_27, %dot_general3A {dimension_numbers = #tpu.dot_dimension_numbers<[1], [0], [0], [1], [0, 0, 1, 1], [], []>, transpose_lhs_hint = false} : vector<2000x128xf32>, vector<128x128xf32>, vector<2000x128xf32> -> vector<2000x128xf32>
    %get3A_29 = arith.constant 0 : index
    %get3A_30 = arith.constant 0 : index
    %get3A_31 = vector.load %arg5[%get3A_29, %get3A_30] : memref<1x128xf32, #tpu.memory_space<vmem>>, vector<1x128xf32>
    %add3A_32 = vector.broadcast %get3A_31 : vector<1x128xf32> to vector<2000x128xf32>
    %add3A_33 = arith.addf %dot_general3A_28, %add3A_32 : vector<2000x128xf32>
    %get3A_34 = arith.constant 0 : index
    %get3A_35 = arith.constant 0 : index
    %get3A_36 = vector.load %arg2[%get3A_34, %get3A_35] : memref<2000x128xf32, #tpu.memory_space<vmem>>, vector<2000x128xf32>
    %get3A_37 = arith.constant 0 : index
    %get3A_38 = arith.constant 0 : index
    %get3A_39 = vector.load %arg6[%get3A_37, %get3A_38] : memref<128x128xf32, #tpu.memory_space<vmem>>, vector<128x128xf32>
    %dot_general3A_40 = arith.constant dense<0.000000e+00> : vector<2000x128xf32>
    %dot_general3A_41 = tpu.matmul %get3A_36, %get3A_39, %dot_general3A_40 {dimension_numbers = #tpu.dot_dimension_numbers<[1], [0], [0], [1], [0, 0, 1, 1], [], []>, transpose_lhs_hint = false} : vector<2000x128xf32>, vector<128x128xf32>, vector<2000x128xf32> -> vector<2000x128xf32>
    %add3A_42 = arith.addf %add3A_33, %dot_general3A_41 : vector<2000x128xf32>
    %max3A_43 = arith.constant 0.000000e+00 : f32
    %max3A_44 = vector.broadcast %max3A_43 : f32 to vector<2000x128xf32>
    %max3A_45 = arith.maximumf %add3A_42, %max3A_44 : vector<2000x128xf32>
    %get3A_46 = arith.constant 0 : index
    %get3A_47 = arith.constant 0 : index
    %get3A_48 = vector.load %arg7[%get3A_46, %get3A_47] : memref<1x128xf32, #tpu.memory_space<vmem>>, vector<1x128xf32>
    %mul3A_49 = arith.constant 0.999994993 : f32
    %mul3A_50 = vector.broadcast %mul3A_49 : f32 to vector<1x128xf32>
    %mul3A_51 = arith.mulf %get3A_48, %mul3A_50 : vector<1x128xf32>
    %mul3A_52 = vector.broadcast %mul3A_51 : vector<1x128xf32> to vector<2000x128xf32>
    %mul3A_53 = arith.mulf %max3A_45, %mul3A_52 : vector<2000x128xf32>
    %get3A_54 = arith.constant 0 : index
    %get3A_55 = arith.constant 0 : index
    %get3A_56 = vector.load %arg8[%get3A_54, %get3A_55] : memref<1x128xf32, #tpu.memory_space<vmem>>, vector<1x128xf32>
    %add3A_57 = vector.broadcast %get3A_56 : vector<1x128xf32> to vector<2000x128xf32>
    %add3A_58 = arith.addf %mul3A_53, %add3A_57 : vector<2000x128xf32>
    %swap3A = arith.constant 0 : index
    %swap3A_59 = arith.constant 0 : index
    %swap3A_60 = vector.load %arg9[%swap3A, %swap3A_59] : memref<2000x128xf32, #tpu.memory_space<vmem>>, vector<2000x128xf32>
    tpu.vector_store %arg9[%swap3A, %swap3A_59], %add3A_58 {strides = array<i32>} : memref<2000x128xf32, #tpu.memory_space<vmem>>, vector<2000x128xf32>,
    return
  }
  func.func @transform_0(%arg0: i32) -> (i32, i32, i32) {
    %c0_i32 = arith.constant 0 : i32
    %c0_i32_0 = arith.constant 0 : i32
    %c0_i32_1 = arith.constant 0 : i32
    return %c0_i32, %arg0, %c0_i32_0 : i32, i32, i32
  }
  func.func @transform_1(%arg0: i32) -> (i32, i32) {
    %c0_i32 = arith.constant 0 : i32
    %c0_i32_0 = arith.constant 0 : i32
    return %arg0, %c0_i32 : i32, i32
  }
  func.func @transform_2(%arg0: i32) -> (i32, i32, i32) {
    %c0_i32 = arith.constant 0 : i32
    %c0_i32_0 = arith.constant 0 : i32
    %c0_i32_1 = arith.constant 0 : i32
    return %c0_i32, %arg0, %c0_i32_0 : i32, i32, i32
  }
  func.func @transform_3(%arg0: i32) -> (i32, i32) {
    %c0_i32 = arith.constant 0 : i32
    %c0_i32_0 = arith.constant 0 : i32
    %c0_i32_1 = arith.constant 0 : i32
    return %c0_i32, %c0_i32_0 : i32, i32
  }
  func.func @transform_4(%arg0: i32) -> (i32, i32) {
    %c0_i32 = arith.constant 0 : i32
    %c0_i32_0 = arith.constant 0 : i32
    %c0_i32_1 = arith.constant 0 : i32
    return %c0_i32, %c0_i32_0 : i32, i32
  }
  func.func @transform_5(%arg0: i32) -> (i32, i32) {
    %c0_i32 = arith.constant 0 : i32
    %c0_i32_0 = arith.constant 0 : i32
    %c0_i32_1 = arith.constant 0 : i32
    return %c0_i32, %c0_i32_0 : i32, i32
  }
  func.func @transform_6(%arg0: i32) -> (i32, i32) {
    %c0_i32 = arith.constant 0 : i32
    %c0_i32_0 = arith.constant 0 : i32
    %c0_i32_1 = arith.constant 0 : i32
    return %c0_i32, %c0_i32_0 : i32, i32
  }
  func.func @transform_7(%arg0: i32) -> (i32, i32) {
    %c0_i32 = arith.constant 0 : i32
    %c0_i32_0 = arith.constant 0 : i32
    %c0_i32_1 = arith.constant 0 : i32
    return %c0_i32, %c0_i32_0 : i32, i32
  }
  func.func @transform_8(%arg0: i32) -> (i32, i32) {
    %c0_i32 = arith.constant 0 : i32
    %c0_i32_0 = arith.constant 0 : i32
    return %arg0, %c0_i32 : i32, i32
  }
}

module attributes {stable_mosaic.version = 14 : i64} {
  func.func @_head_body(%arg0: i32, %arg1: memref<2x1024x128xf32, #tpu.memory_space<vmem>>, %arg2: memref<1024x128xf32, #tpu.memory_space<vmem>>, %arg3: memref<2x1024x128xf32, #tpu.memory_space<vmem>>, %arg4: memref<128x128xf32, #tpu.memory_space<vmem>>, %arg5: memref<1x128xf32, #tpu.memory_space<vmem>>, %arg6: memref<128x128xf32, #tpu.memory_space<vmem>>, %arg7: memref<1x128xf32, #tpu.memory_space<vmem>>, %arg8: memref<1x128xf32, #tpu.memory_space<vmem>>, %arg9: memref<128x128xf32, #tpu.memory_space<vmem>>, %arg10: memref<1x128xf32, #tpu.memory_space<vmem>>, %arg11: memref<1x128xf32, #tpu.memory_space<vmem>>, %arg12: memref<1x128xf32, #tpu.memory_space<vmem>>, %arg13: memref<128x64xf32, #tpu.memory_space<vmem>>, %arg14: memref<1x64xf32, #tpu.memory_space<vmem>>, %arg15: memref<1x64xf32, #tpu.memory_space<vmem>>, %arg16: memref<1x64xf32, #tpu.memory_space<vmem>>, %arg17: memref<64x1xf32, #tpu.memory_space<vmem>>, %arg18: memref<1x1xf32, #tpu.memory_space<vmem>>, %arg19: memref<1024x1xf32, #tpu.memory_space<vmem>>) attributes {dimension_semantics = [#tpu.dimension_semantics<arbitrary>], iteration_bounds = array<i64: 1>, scalar_prefetch = 0 : i64, scratch_operands = 0 : i64, tpu.core_type = #tpu.core_type<tc>, window_params = [{pipeline_mode = #tpu.pipeline_mode<synchronous>, transform_indices = @transform_0, window_bounds = array<i64: 2, 1024, 128>}, {pipeline_mode = #tpu.pipeline_mode<synchronous>, transform_indices = @transform_1, window_bounds = array<i64: 1024, 128>}, {pipeline_mode = #tpu.pipeline_mode<synchronous>, transform_indices = @transform_2, window_bounds = array<i64: 2, 1024, 128>}, {pipeline_mode = #tpu.pipeline_mode<synchronous>, transform_indices = @transform_3, window_bounds = array<i64: 128, 128>}, {pipeline_mode = #tpu.pipeline_mode<synchronous>, transform_indices = @transform_4, window_bounds = array<i64: 1, 128>}, {pipeline_mode = #tpu.pipeline_mode<synchronous>, transform_indices = @transform_5, window_bounds = array<i64: 128, 128>}, {pipeline_mode = #tpu.pipeline_mode<synchronous>, transform_indices = @transform_6, window_bounds = array<i64: 1, 128>}, {pipeline_mode = #tpu.pipeline_mode<synchronous>, transform_indices = @transform_7, window_bounds = array<i64: 1, 128>}, {pipeline_mode = #tpu.pipeline_mode<synchronous>, transform_indices = @transform_8, window_bounds = array<i64: 128, 128>}, {pipeline_mode = #tpu.pipeline_mode<synchronous>, transform_indices = @transform_9, window_bounds = array<i64: 1, 128>}, {pipeline_mode = #tpu.pipeline_mode<synchronous>, transform_indices = @transform_10, window_bounds = array<i64: 1, 128>}, {pipeline_mode = #tpu.pipeline_mode<synchronous>, transform_indices = @transform_11, window_bounds = array<i64: 1, 128>}, {pipeline_mode = #tpu.pipeline_mode<synchronous>, transform_indices = @transform_12, window_bounds = array<i64: 128, 64>}, {pipeline_mode = #tpu.pipeline_mode<synchronous>, transform_indices = @transform_13, window_bounds = array<i64: 1, 64>}, {pipeline_mode = #tpu.pipeline_mode<synchronous>, transform_indices = @transform_14, window_bounds = array<i64: 1, 64>}, {pipeline_mode = #tpu.pipeline_mode<synchronous>, transform_indices = @transform_15, window_bounds = array<i64: 1, 64>}, {pipeline_mode = #tpu.pipeline_mode<synchronous>, transform_indices = @transform_16, window_bounds = array<i64: 64, 1>}, {pipeline_mode = #tpu.pipeline_mode<synchronous>, transform_indices = @transform_17, window_bounds = array<i64: 1, 1>}, {pipeline_mode = #tpu.pipeline_mode<synchronous>, transform_indices = @transform_18, window_bounds = array<i64: 1024, 1>}]} {
    %get3A = arith.constant 0 : index
    %get3A_0 = arith.constant 0 : index
    %get3A_1 = arith.constant 0 : index
    %get3A_2 = vector.load %arg3[%get3A, %get3A_0, %get3A_1] : memref<2x1024x128xf32, #tpu.memory_space<vmem>>, vector<1x1024x1xf32>
    %get3A_3 = vector.shape_cast %get3A_2 : vector<1x1024x1xf32> to vector<1024x1xf32>
    %get3A_4 = arith.constant 1 : index
    %get3A_5 = arith.constant 0 : index
    %get3A_6 = arith.constant 0 : index
    %get3A_7 = vector.load %arg3[%get3A_4, %get3A_5, %get3A_6] : memref<2x1024x128xf32, #tpu.memory_space<vmem>>, vector<1x1024x1xf32>
    %get3A_8 = vector.shape_cast %get3A_7 : vector<1x1024x1xf32> to vector<1024x1xf32>
    %add3A = arith.addf %get3A_3, %get3A_8 : vector<1024x1xf32>
    %max3A = arith.constant 1.000000e+00 : f32
    %max3A_9 = vector.broadcast %max3A : f32 to vector<1024x1xf32>
    %max3A_10 = arith.maximumf %add3A, %max3A_9 : vector<1024x1xf32>
    %div3A = arith.constant 1.000000e+00 : f32
    %div3A_11 = vector.broadcast %div3A : f32 to vector<1024x1xf32>
    %div3A_12 = arith.divf %div3A_11, %max3A_10 : vector<1024x1xf32>
    %get3A_13 = arith.constant 0 : index
    %get3A_14 = arith.constant 0 : index
    %get3A_15 = arith.constant 0 : index
    %get3A_16 = vector.load %arg1[%get3A_13, %get3A_14, %get3A_15] : memref<2x1024x128xf32, #tpu.memory_space<vmem>>, vector<1x1024x128xf32>
    %get3A_17 = vector.shape_cast %get3A_16 : vector<1x1024x128xf32> to vector<1024x128xf32>
    %get3A_18 = arith.constant 1 : index
    %get3A_19 = arith.constant 0 : index
    %get3A_20 = arith.constant 0 : index
    %get3A_21 = vector.load %arg1[%get3A_18, %get3A_19, %get3A_20] : memref<2x1024x128xf32, #tpu.memory_space<vmem>>, vector<1x1024x128xf32>
    %get3A_22 = vector.shape_cast %get3A_21 : vector<1x1024x128xf32> to vector<1024x128xf32>
    %add3A_23 = arith.addf %get3A_17, %get3A_22 : vector<1024x128xf32>
    %mul3A = vector.broadcast %div3A_12 : vector<1024x1xf32> to vector<1024x128xf32>
    %mul3A_24 = arith.mulf %add3A_23, %mul3A : vector<1024x128xf32>
    %get3A_25 = arith.constant 0 : index
    %get3A_26 = arith.constant 0 : index
    %get3A_27 = vector.load %arg4[%get3A_25, %get3A_26] : memref<128x128xf32, #tpu.memory_space<vmem>>, vector<128x128xf32>
    %dot_general3A = arith.constant dense<0.000000e+00> : vector<1024x128xf32>
    %dot_general3A_28 = tpu.matmul %mul3A_24, %get3A_27, %dot_general3A {dimension_numbers = #tpu.dot_dimension_numbers<[1], [0], [0], [1], [0, 0, 1, 1], [], []>, transpose_lhs_hint = false} : vector<1024x128xf32>, vector<128x128xf32>, vector<1024x128xf32> -> vector<1024x128xf32>
    %get3A_29 = arith.constant 0 : index
    %get3A_30 = arith.constant 0 : index
    %get3A_31 = vector.load %arg5[%get3A_29, %get3A_30] : memref<1x128xf32, #tpu.memory_space<vmem>>, vector<1x128xf32>
    %add3A_32 = vector.broadcast %get3A_31 : vector<1x128xf32> to vector<1024x128xf32>
    %add3A_33 = arith.addf %dot_general3A_28, %add3A_32 : vector<1024x128xf32>
    %get3A_34 = arith.constant 0 : index
    %get3A_35 = arith.constant 0 : index
    %get3A_36 = vector.load %arg2[%get3A_34, %get3A_35] : memref<1024x128xf32, #tpu.memory_space<vmem>>, vector<1024x128xf32>
    %get3A_37 = arith.constant 0 : index
    %get3A_38 = arith.constant 0 : index
    %get3A_39 = vector.load %arg6[%get3A_37, %get3A_38] : memref<128x128xf32, #tpu.memory_space<vmem>>, vector<128x128xf32>
    %dot_general3A_40 = arith.constant dense<0.000000e+00> : vector<1024x128xf32>
    %dot_general3A_41 = tpu.matmul %get3A_36, %get3A_39, %dot_general3A_40 {dimension_numbers = #tpu.dot_dimension_numbers<[1], [0], [0], [1], [0, 0, 1, 1], [], []>, transpose_lhs_hint = false} : vector<1024x128xf32>, vector<128x128xf32>, vector<1024x128xf32> -> vector<1024x128xf32>
    %add3A_42 = arith.addf %add3A_33, %dot_general3A_41 : vector<1024x128xf32>
    %max3A_43 = arith.constant 0.000000e+00 : f32
    %max3A_44 = vector.broadcast %max3A_43 : f32 to vector<1024x128xf32>
    %max3A_45 = arith.maximumf %add3A_42, %max3A_44 : vector<1024x128xf32>
    %get3A_46 = arith.constant 0 : index
    %get3A_47 = arith.constant 0 : index
    %get3A_48 = vector.load %arg7[%get3A_46, %get3A_47] : memref<1x128xf32, #tpu.memory_space<vmem>>, vector<1x128xf32>
    %mul3A_49 = arith.constant 0.999994993 : f32
    %mul3A_50 = vector.broadcast %mul3A_49 : f32 to vector<1x128xf32>
    %mul3A_51 = arith.mulf %get3A_48, %mul3A_50 : vector<1x128xf32>
    %mul3A_52 = vector.broadcast %mul3A_51 : vector<1x128xf32> to vector<1024x128xf32>
    %mul3A_53 = arith.mulf %max3A_45, %mul3A_52 : vector<1024x128xf32>
    %get3A_54 = arith.constant 0 : index
    %get3A_55 = arith.constant 0 : index
    %get3A_56 = vector.load %arg8[%get3A_54, %get3A_55] : memref<1x128xf32, #tpu.memory_space<vmem>>, vector<1x128xf32>
    %add3A_57 = vector.broadcast %get3A_56 : vector<1x128xf32> to vector<1024x128xf32>
    %add3A_58 = arith.addf %mul3A_53, %add3A_57 : vector<1024x128xf32>
    %get3A_59 = arith.constant 0 : index
    %get3A_60 = arith.constant 0 : index
    %get3A_61 = vector.load %arg9[%get3A_59, %get3A_60] : memref<128x128xf32, #tpu.memory_space<vmem>>, vector<128x128xf32>
    %dot_general3A_62 = arith.constant dense<0.000000e+00> : vector<1024x128xf32>
    %dot_general3A_63 = tpu.matmul %add3A_58, %get3A_61, %dot_general3A_62 {dimension_numbers = #tpu.dot_dimension_numbers<[1], [0], [0], [1], [0, 0, 1, 1], [], []>, transpose_lhs_hint = false} : vector<1024x128xf32>, vector<128x128xf32>, vector<1024x128xf32> -> vector<1024x128xf32>
    %get3A_64 = arith.constant 0 : index
    %get3A_65 = arith.constant 0 : index
    %get3A_66 = vector.load %arg10[%get3A_64, %get3A_65] : memref<1x128xf32, #tpu.memory_space<vmem>>, vector<1x128xf32>
    %add3A_67 = vector.broadcast %get3A_66 : vector<1x128xf32> to vector<1024x128xf32>
    %add3A_68 = arith.addf %dot_general3A_63, %add3A_67 : vector<1024x128xf32>
    %mul3A_69 = arith.constant 0.999994993 : f32
    %mul3A_70 = vector.broadcast %mul3A_69 : f32 to vector<1024x128xf32>
    %mul3A_71 = arith.mulf %add3A_68, %mul3A_70 : vector<1024x128xf32>
    %get3A_72 = arith.constant 0 : index
    %get3A_73 = arith.constant 0 : index
    %get3A_74 = vector.load %arg11[%get3A_72, %get3A_73] : memref<1x128xf32, #tpu.memory_space<vmem>>, vector<1x128xf32>
    %mul3A_75 = vector.broadcast %get3A_74 : vector<1x128xf32> to vector<1024x128xf32>
    %mul3A_76 = arith.mulf %mul3A_71, %mul3A_75 : vector<1024x128xf32>
    %get3A_77 = arith.constant 0 : index
    %get3A_78 = arith.constant 0 : index
    %get3A_79 = vector.load %arg12[%get3A_77, %get3A_78] : memref<1x128xf32, #tpu.memory_space<vmem>>, vector<1x128xf32>
    %add3A_80 = vector.broadcast %get3A_79 : vector<1x128xf32> to vector<1024x128xf32>
    %add3A_81 = arith.addf %mul3A_76, %add3A_80 : vector<1024x128xf32>
    %max3A_82 = arith.constant 0.000000e+00 : f32
    %max3A_83 = vector.broadcast %max3A_82 : f32 to vector<1024x128xf32>
    %max3A_84 = arith.maximumf %add3A_81, %max3A_83 : vector<1024x128xf32>
    %get3A_85 = arith.constant 0 : index
    %get3A_86 = arith.constant 0 : index
    %get3A_87 = vector.load %arg13[%get3A_85, %get3A_86] : memref<128x64xf32, #tpu.memory_space<vmem>>, vector<128x64xf32>
    %dot_general3A_88 = arith.constant dense<0.000000e+00> : vector<1024x64xf32>
    %dot_general3A_89 = tpu.matmul %max3A_84, %get3A_87, %dot_general3A_88 {dimension_numbers = #tpu.dot_dimension_numbers<[1], [0], [0], [1], [0, 0, 1, 1], [], []>, transpose_lhs_hint = false} : vector<1024x128xf32>, vector<128x64xf32>, vector<1024x64xf32> -> vector<1024x64xf32>
    %get3A_90 = arith.constant 0 : index
    %get3A_91 = arith.constant 0 : index
    %get3A_92 = vector.load %arg14[%get3A_90, %get3A_91] : memref<1x64xf32, #tpu.memory_space<vmem>>, vector<1x64xf32>
    %add3A_93 = vector.broadcast %get3A_92 : vector<1x64xf32> to vector<1024x64xf32>
    %add3A_94 = arith.addf %dot_general3A_89, %add3A_93 : vector<1024x64xf32>
    %mul3A_95 = arith.constant 0.999994993 : f32
    %mul3A_96 = vector.broadcast %mul3A_95 : f32 to vector<1024x64xf32>
    %mul3A_97 = arith.mulf %add3A_94, %mul3A_96 : vector<1024x64xf32>
    %get3A_98 = arith.constant 0 : index
    %get3A_99 = arith.constant 0 : index
    %get3A_100 = vector.load %arg15[%get3A_98, %get3A_99] : memref<1x64xf32, #tpu.memory_space<vmem>>, vector<1x64xf32>
    %mul3A_101 = vector.broadcast %get3A_100 : vector<1x64xf32> to vector<1024x64xf32>
    %mul3A_102 = arith.mulf %mul3A_97, %mul3A_101 : vector<1024x64xf32>
    %get3A_103 = arith.constant 0 : index
    %get3A_104 = arith.constant 0 : index
    %get3A_105 = vector.load %arg16[%get3A_103, %get3A_104] : memref<1x64xf32, #tpu.memory_space<vmem>>, vector<1x64xf32>
    %add3A_106 = vector.broadcast %get3A_105 : vector<1x64xf32> to vector<1024x64xf32>
    %add3A_107 = arith.addf %mul3A_102, %add3A_106 : vector<1024x64xf32>
    %max3A_108 = arith.constant 0.000000e+00 : f32
    %max3A_109 = vector.broadcast %max3A_108 : f32 to vector<1024x64xf32>
    %max3A_110 = arith.maximumf %add3A_107, %max3A_109 : vector<1024x64xf32>
    %get3A_111 = arith.constant 0 : index
    %get3A_112 = arith.constant 0 : index
    %get3A_113 = vector.load %arg17[%get3A_111, %get3A_112] : memref<64x1xf32, #tpu.memory_space<vmem>>, vector<64x1xf32>
    %dot_general3A_114 = arith.constant dense<0.000000e+00> : vector<1024x1xf32>
    %dot_general3A_115 = tpu.matmul %max3A_110, %get3A_113, %dot_general3A_114 {dimension_numbers = #tpu.dot_dimension_numbers<[1], [0], [0], [1], [0, 0, 1, 1], [], []>, transpose_lhs_hint = false} : vector<1024x64xf32>, vector<64x1xf32>, vector<1024x1xf32> -> vector<1024x1xf32>
    %get3A_116 = arith.constant 0 : index
    %get3A_117 = arith.constant 0 : index
    %get3A_118 = vector.load %arg18[%get3A_116, %get3A_117] : memref<1x1xf32, #tpu.memory_space<vmem>>, vector<1x1xf32>
    %add3A_119 = vector.broadcast %get3A_118 : vector<1x1xf32> to vector<1024x1xf32>
    %add3A_120 = arith.addf %dot_general3A_115, %add3A_119 : vector<1024x1xf32>
    %swap3A = arith.constant 0 : index
    %swap3A_121 = arith.constant 0 : index
    %swap3A_122 = vector.load %arg19[%swap3A, %swap3A_121] : memref<1024x1xf32, #tpu.memory_space<vmem>>, vector<1024x1xf32>
    tpu.vector_store %arg19[%swap3A, %swap3A_121], %add3A_120 {strides = array<i32>} : memref<1024x1xf32, #tpu.memory_space<vmem>>, vector<1024x1xf32>,
    return
  }
  func.func @transform_0(%arg0: i32) -> (i32, i32, i32) {
    %c0_i32 = arith.constant 0 : i32
    %c0_i32_0 = arith.constant 0 : i32
    %c0_i32_1 = arith.constant 0 : i32
    %c0_i32_2 = arith.constant 0 : i32
    return %c0_i32, %c0_i32_0, %c0_i32_1 : i32, i32, i32
  }
  func.func @transform_1(%arg0: i32) -> (i32, i32) {
    %c0_i32 = arith.constant 0 : i32
    %c0_i32_0 = arith.constant 0 : i32
    %c0_i32_1 = arith.constant 0 : i32
    return %c0_i32, %c0_i32_0 : i32, i32
  }
  func.func @transform_2(%arg0: i32) -> (i32, i32, i32) {
    %c0_i32 = arith.constant 0 : i32
    %c0_i32_0 = arith.constant 0 : i32
    %c0_i32_1 = arith.constant 0 : i32
    %c0_i32_2 = arith.constant 0 : i32
    return %c0_i32, %c0_i32_0, %c0_i32_1 : i32, i32, i32
  }
  func.func @transform_3(%arg0: i32) -> (i32, i32) {
    %c0_i32 = arith.constant 0 : i32
    %c0_i32_0 = arith.constant 0 : i32
    %c0_i32_1 = arith.constant 0 : i32
    return %c0_i32, %c0_i32_0 : i32, i32
  }
  func.func @transform_4(%arg0: i32) -> (i32, i32) {
    %c0_i32 = arith.constant 0 : i32
    %c0_i32_0 = arith.constant 0 : i32
    %c0_i32_1 = arith.constant 0 : i32
    return %c0_i32, %c0_i32_0 : i32, i32
  }
  func.func @transform_5(%arg0: i32) -> (i32, i32) {
    %c0_i32 = arith.constant 0 : i32
    %c0_i32_0 = arith.constant 0 : i32
    %c0_i32_1 = arith.constant 0 : i32
    return %c0_i32, %c0_i32_0 : i32, i32
  }
  func.func @transform_6(%arg0: i32) -> (i32, i32) {
    %c0_i32 = arith.constant 0 : i32
    %c0_i32_0 = arith.constant 0 : i32
    %c0_i32_1 = arith.constant 0 : i32
    return %c0_i32, %c0_i32_0 : i32, i32
  }
  func.func @transform_7(%arg0: i32) -> (i32, i32) {
    %c0_i32 = arith.constant 0 : i32
    %c0_i32_0 = arith.constant 0 : i32
    %c0_i32_1 = arith.constant 0 : i32
    return %c0_i32, %c0_i32_0 : i32, i32
  }
  func.func @transform_8(%arg0: i32) -> (i32, i32) {
    %c0_i32 = arith.constant 0 : i32
    %c0_i32_0 = arith.constant 0 : i32
    %c0_i32_1 = arith.constant 0 : i32
    return %c0_i32, %c0_i32_0 : i32, i32
  }
  func.func @transform_9(%arg0: i32) -> (i32, i32) {
    %c0_i32 = arith.constant 0 : i32
    %c0_i32_0 = arith.constant 0 : i32
    %c0_i32_1 = arith.constant 0 : i32
    return %c0_i32, %c0_i32_0 : i32, i32
  }
  func.func @transform_10(%arg0: i32) -> (i32, i32) {
    %c0_i32 = arith.constant 0 : i32
    %c0_i32_0 = arith.constant 0 : i32
    %c0_i32_1 = arith.constant 0 : i32
    return %c0_i32, %c0_i32_0 : i32, i32
  }
  func.func @transform_11(%arg0: i32) -> (i32, i32) {
    %c0_i32 = arith.constant 0 : i32
    %c0_i32_0 = arith.constant 0 : i32
    %c0_i32_1 = arith.constant 0 : i32
    return %c0_i32, %c0_i32_0 : i32, i32
  }
  func.func @transform_12(%arg0: i32) -> (i32, i32) {
    %c0_i32 = arith.constant 0 : i32
    %c0_i32_0 = arith.constant 0 : i32
    %c0_i32_1 = arith.constant 0 : i32
    return %c0_i32, %c0_i32_0 : i32, i32
  }
  func.func @transform_13(%arg0: i32) -> (i32, i32) {
    %c0_i32 = arith.constant 0 : i32
    %c0_i32_0 = arith.constant 0 : i32
    %c0_i32_1 = arith.constant 0 : i32
    return %c0_i32, %c0_i32_0 : i32, i32
  }
  func.func @transform_14(%arg0: i32) -> (i32, i32) {
    %c0_i32 = arith.constant 0 : i32
    %c0_i32_0 = arith.constant 0 : i32
    %c0_i32_1 = arith.constant 0 : i32
    return %c0_i32, %c0_i32_0 : i32, i32
  }
  func.func @transform_15(%arg0: i32) -> (i32, i32) {
    %c0_i32 = arith.constant 0 : i32
    %c0_i32_0 = arith.constant 0 : i32
    %c0_i32_1 = arith.constant 0 : i32
    return %c0_i32, %c0_i32_0 : i32, i32
  }
  func.func @transform_16(%arg0: i32) -> (i32, i32) {
    %c0_i32 = arith.constant 0 : i32
    %c0_i32_0 = arith.constant 0 : i32
    %c0_i32_1 = arith.constant 0 : i32
    return %c0_i32, %c0_i32_0 : i32, i32
  }
  func.func @transform_17(%arg0: i32) -> (i32, i32) {
    %c0_i32 = arith.constant 0 : i32
    %c0_i32_0 = arith.constant 0 : i32
    %c0_i32_1 = arith.constant 0 : i32
    return %c0_i32, %c0_i32_0 : i32, i32
  }
  func.func @transform_18(%arg0: i32) -> (i32, i32) {
    %c0_i32 = arith.constant 0 : i32
    %c0_i32_0 = arith.constant 0 : i32
    %c0_i32_1 = arith.constant 0 : i32
    return %c0_i32, %c0_i32_0 : i32, i32
  }
}

</mosaic_0001>

<sc_bundles>
// kernel: kernel.12.cloned.1.call-start
scs
__scs_entry_jumppad:
0x0: {  	(pc) =	sbr.rel $0x88, $3  }
0x1: {  	(tag) =	ssettag $0x0;
	lr =	simm.s32 $0x1  }
0x2: {  	[smem:$0x3F86] =	sst lr;
	_ =	strace $0xD0000000  }
0x3: {  	_ = 	snop  }
0x4: {  	_ = 	snop  }
0x5: {  	_ = 	snop  }
0x6: {  	_ = 	snop  }
0x7: {  	_ = 	snop  }
__scs_overlays_trampoline_lowered:
0x8: {  	[smem:$0x3F95] =	sst s0  }
0x9: {  	[smem:$0x3F96] =	sst s1  }
0xa: {  	[smem:$0x3F97] =	sst s2  }
0xb: {  	[smem:$0x3F98] =	sst s3  }
0xc: {  	[smem:$0x3F99] =	sst s4  }
0xd: {  	[smem:$0x3F9A] =	sst s5  }
0xe: {  	[smem:$0x3F9B] =	sst s6  }
0xf: {  	[smem:$0x3F9C] =	sst s7  }
0x10: {  	[smem:$0x3F9D] =	sst s8  }
0x11: {  	[smem:$0x3F9E] =	sst s9;
	s0 =	simm.s32 @!p0 $0x0  }
0x12: {  	s1 =	sld [smem:$0x3F84];
	s0 =	simm.s32 @p0 $0x1  }
0x13: {  	[smem:$0x3F9F] =	sst s0;
	s0 =	simm.s32 @!p1 $0x0  }
0x14: {  	s2 =	sld [smem:$0x3F83];
	s0 =	simm.s32 @p1 $0x1  }
0x15: {  	[smem:$0x3FA0] =	sst s0;
	s0 =	simm.s32 @!p2 $0x0  }
0x16: {  	s3 =	sld [smem:$0x3FDB];
	s0 =	simm.s32 @p2 $0x1  }
0x17: {  	s4 =	simm.s32 $0x1BF5;
	[smem:$0x3FA2] =	sst s0  }
0x18: {  	s0 =	sld [smem:$0x3F85];
	_ =	swait.ge [sflag:s4], $0x0  }
0x19: {  	s7 =	sld [smem:$0x3F86]  }
0x1a: {  	s8 =	sadd.s32 $0xFFFFE003, lr  }
0x1b: {  	s9 =	sadd.s32 $0xFFFFFEF7, lr;
	s5 =	simm.s32 $0xFFFFFFFF;
	p2 =	slt.u32 s8, $0xFFFFF086  }
0x1c: {  	p1 =	slt.u32 s9, $0xF7A;
	s5 =	simm.s32 @!p2 $0x0  }
0x1d: {  	s5 =	simm.s32 @p1 $0x1;
	p0 =	seq.s32 s7, s2  }
0x1e: {  	s7 =	smul.u32 @!p0 $0xF7A, s2;
	p2 =	seq.s32 @!p0 s5, $0x0  }
0x1f: {  	s9 =	smul.u32 $0xF7A, s1;
	s8 =	simm.s32 @!p0 $0x1BF5;
	p2 =	por !p2, p0  }
0x20: {  	[sflag:s8] =	ssyncset.s32 @!p0 $0xFFFFF086;
	s6 =	sadd.s32 @!p0 s3, s7;
	s7 =	simm.s32 @!p0 $0x108  }
0x21: {  	s3 =	sadd.s32 s3, s9;
	s6 =	sadd.s32 @!p0 $0x88, s6;
	s7 =	simm.s32 @p2 $0x1082  }
0x22: {  	[simem:s7], [sflag:s8] =	dma.local @!p0 [hbm:s6], $0xF7A  }
0x23: {  	s9 =	sor.u32 $0xD0000000, s2;
	s6 =	simm.s32 $0x108;
	_ =	swait.ge @!p0 [sflag:s8], $0x0  }
0x24: {  	s3 =	sadd.s32 $0x88, s3;
	s6 =	simm.s32 @!p1 $0x1082;
	[sflag:s4] =	ssyncset.s32 $0xFFFFF086  }
0x25: {  	[simem:s6], [sflag:s4] =	dma.local [hbm:s3], $0xF7A  }
0x26: {  	[smem:$0x3F86] =	sst s1;
	(tag) =	ssettag s2;
	_ =	strace s9  }
0x27: {  	s1 =	sld [smem:$0x3F96]  }
0x28: {  	s2 =	sld [smem:$0x3F97]  }
0x29: {  	s4 =	sld [smem:$0x3F99]  }
0x2a: {  	p0 =	seq.s32 s5, $0x0;
	s5 =	sld [smem:$0x3F9A]  }
0x2b: {  	s6 =	sld [smem:$0x3F9B]  }
0x2c: {  	s7 =	sld [smem:$0x3F9C]  }
0x2d: {  	s3 =	simm.s32 $0x108;
	s8 =	sld [smem:$0x3F9D]  }
0x2e: {  	s3 =	simm.s32 @!p0 $0x1082;
	s9 =	sld [smem:$0x3F9E]  }
0x2f: {  	lr =	sadd.s32 s0, s3;
	s0 =	sld [smem:$0x3F95]  }
0x30: {  	s3 =	sld [smem:$0x3F98]  }
0x31: {  	[smem:$0x3FA1] =	sst s10  }
0x32: {  	s10 =	sld [smem:$0x3F9F];
	_ =	sdelay $0x3  }
0x33: {  	p0 =	seq.s32 s10, $0x1;
	s10 =	sld [smem:$0x3FA1];
	_ =	sdelay $0x3  }
0x34: {  	[smem:$0x3FA1] =	sst s10  }
0x35: {  	s10 =	sld [smem:$0x3FA0];
	_ =	sdelay $0x3  }
0x36: {  	p1 =	seq.s32 s10, $0x1;
	s10 =	sld [smem:$0x3FA1];
	_ =	sdelay $0x3  }
0x37: {  	[smem:$0x3FA1] =	sst s10  }
0x38: {  	s10 =	sld [smem:$0x3FA2]  }
0x39: {  	_ = 	snop;
	(pc) =	sbr.ind lr, $3  }
0x3a: {  	_ = 	snop  }
0x3b: {  	_ = 	snop  }
0x3c: {  	p2 =	seq.s32 s10, $0x1;
	s10 =	sld [smem:$0x3FA1]  }
0x3d: {  	_ =	shalt  }
0x3e: {  	_ =	shalt  }
0x3f: {  	_ =	shalt  }
0x40: {  	_ =	shalt  }
0x41: {  	_ =	shalt  }
0x42: {  	_ =	shalt  }
0x43: {  	_ =	shalt  }
0x44: {  	_ =	shalt  }
0x45: {  	_ =	shalt  }
0x46: {  	_ =	shalt  }
0x47: {  	_ =	shalt  }
0x48: {  	_ =	shalt  }
0x49: {  	_ =	shalt  }
0x4a: {  	_ =	shalt  }
0x4b: {  	_ =	shalt  }
0x4c: {  	_ =	shalt  }
0x4d: {  	_ =	shalt  }
0x4e: {  	_ =	shalt  }
0x4f: {  	_ =	shalt  }
0x50: {  	_ =	shalt  }
0x51: {  	_ =	shalt  }
0x52: {  	_ =	shalt  }
0x53: {  	_ =	shalt  }
0x54: {  	_ =	shalt  }
0x55: {  	_ =	shalt  }
0x56: {  	_ =	shalt  }
0x57: {  	_ =	shalt  }
0x58: {  	_ =	shalt  }
0x59: {  	_ =	shalt  }
0x5a: {  	_ =	shalt  }
0x5b: {  	_ =	shalt  }
0x5c: {  	_ =	shalt  }
0x5d: {  	_ =	shalt  }
0x5e: {  	_ =	shalt  }
0x5f: {  	_ =	shalt  }
0x60: {  	_ =	shalt  }
0x61: {  	_ =	shalt  }
0x62: {  	_ =	shalt  }
0x63: {  	_ =	shalt  }
0x64: {  	_ =	shalt  }
0x65: {  	_ =	shalt  }
0x66: {  	_ =	shalt  }
0x67: {  	_ =	shalt  }
0x68: {  	_ =	shalt  }
0x69: {  	_ =	shalt  }
0x6a: {  	_ =	shalt  }
0x6b: {  	_ =	shalt  }
0x6c: {  	_ =	shalt  }
0x6d: {  	_ =	shalt  }
0x6e: {  	_ =	shalt  }
0x6f: {  	_ =	shalt  }
0x70: {  	_ =	shalt  }
0x71: {  	_ =	shalt  }
0x72: {  	_ =	shalt  }
0x73: {  	_ =	shalt  }
0x74: {  	_ =	shalt  }
0x75: {  	_ =	shalt  }
0x76: {  	_ =	shalt  }
0x77: {  	_ =	shalt  }
0x78: {  	_ =	shalt  }
0x79: {  	_ =	shalt  }
0x7a: {  	_ =	shalt  }
0x7b: {  	_ =	shalt  }
0x7c: {  	_ =	shalt  }
0x7d: {  	_ =	shalt  }
0x7e: {  	_ =	shalt  }
0x7f: {  	_ =	shalt  }
0x80: {  	_ =	shalt  }
0x81: {  	_ =	shalt  }
0x82: {  	_ =	shalt  }
0x83: {  	_ =	shalt  }
0x84: {  	_ =	shalt  }
0x85: {  	_ =	shalt  }
0x86: {  	_ =	shalt  }
0x87: {  	_ =	shalt  }
.Lfunc_end0:
.L_simem_size_0:
called_computation.1_lowered:
.L_overlay_start_0:
0x88: {  	s2 =	sld [smem:$0x3FD9]  }
0x89: {  	s3 =	sld [smem:$0x3FFE];
	_ =	sdelay $0x1  }
0x8a: {  	s1 =	srdreg.scid  }
0x8b: {  	s0 =	sand.u32 $0x1, s1  }
0x8c: {  	s17 =	sshll.u32 s0, $0xA;
	s2 =	sadd.s32 s3, s2  }
0x8d: {  	s2 =	sadd.s32 s2, s17  }
0x8e: {  	[smem:$0x3FAD] =	sst s2  }
0x8f: {  	_ = 	snop  }
0x90: {  	s2 =	sld [smem:$0x3FC9];
	(tm) =	ssettm $0x1  }
0x91: {  	s18 =	sld [smem:$0x3FFB];
	_ =	sdelay $0x3  }
0x92: {  	_ =	strace s18  }
0x93: {  	s3 =	sld [smem:$0x3FFC];
	_ =	sdelay $0x3  }
0x94: {  	_ =	strace s3  }
0x95: {  	s3 =	sld [smem:$0x3FFD];
	_ =	sdelay $0x3  }
0x96: {  	_ =	strace s3  }
0x97: {  	_ =	strace $0x8FFFFFFF  }
0x98: {  	s19 =	sld [smem:$0x3FDB];
	_ =	sdelay $0x1  }
0x99: {  	s4 =	simm.s32 $_scs_section_size  }
0x9a: {  	s5 =	simm.s32 $_size__tile_overlayer_lowered;
	s6 =	simm.s32 $_tile_overlayer_lowered  }
0x9b: {  	s22 =	simm.s32 $0x1BFF;
	s21 =	sshll.u32 s6, $0x1;
	s3 =	sadd.s32 s4, s19  }
0x9c: {  	s7 =	simm.s32 $0x0;
	s20 =	sshll.u32 s5, $0x1;
	s5 =	sadd.s32 s21, s3  }
0x9d: {  	[timem:s7], [sflag:s22] =	dma.local [hbm:s5], s20  }
0x9e: {  	_ =	swait.ge [sflag:s22], s20  }
0x9f: {  	s4 =	ssub.s32 $0x0, s20;
	[sflag:s22] =	ssyncset.done $0x0  }
0xa0: {  	[sflag:s22] =	ssyncadd.s32 s4;
	_ =	sdelay $0x1  }
0xa1: {  	s23 =	simm.s32 $0x1B8B  }
0xa2: {  	_ =	swait.ge [sflag:s23], $0x1  }
0xa3: {  	[sflag:s23] =	ssyncset.done $0x0  }
0xa4: {  	s25 =	simm.s32 $0x1B8E;
	s24 =	sld [smem:$0x3FFE];
	[sflag:s23] =	ssyncadd.s32 $0xFFFFFFFF  }
0xa5: {  	s26 =	simm.s32 $execute0_lowered;
	[smem:$0x3FD2] =	sst s25  }
0xa6: {  	s5 =	sshll.u32 s26, $0x1;
	_ =	strace $0x80000046;
	[dreg:$0x1] =	wrdreg $0xFFFFFFFF  }
0xa7: {  	s28 =	simm.s32 $_size_execute0_lowered;
	s3 =	sadd.s32 s3, s5;
	[dreg:$0x0] =	wrdreg $0x0  }
0xa8: {  	s5 =	sshll.u32 s28, $0x1;
	[dreg:$0x2] =	wrdreg s3  }
0xa9: {  	[dreg:$0x3] =	wrdreg s5  }
0xaa: {  	[dreg:$0x4] =	wrdreg $0xC0  }
0xab: {  	_ =	task [dreg:s7], $0x5FFFF  }
0xac: {  	[dreg:$0x1] =	wrdreg $0xFFFFFFFF  }
0xad: {  	[dreg:$0x0] =	wrdreg $0x60  }
0xae: {  	[dreg:$0x2] =	wrdreg s2  }
0xaf: {  	[dreg:$0x3] =	wrdreg s24  }
0xb0: {  	[dreg:$0x4] =	wrdreg $0x88000  }
0xb1: {  	[dreg:$0x5] =	wrdreg $0xA  }
0xb2: {  	_ =	task.clear_ibuf [dreg:s7], $0x6FFFF;
	_ =	strace $0x90000046  }
0xb3: {  	s29 =	simm.s32 $0xA;
	_ =	strace $0x80000048  }
0xb4: {  	_ =	swait.ge [sflag:s29], $0x1  }
0xb5: {  	[sflag:s29] =	ssyncadd.s32 $0xFFFFFFFF  }
0xb6: {  	_ =	strace $0x90000048  }
0xb7: {  	_ =	sfence  }
0xb8: {  	s30 =	sld [smem:$0x0];
	_ =	sdelay $0x2  }
0xb9: {  	s31 =	sshll.u32 s1, $0xD;
	s1 =	sshrl.u32 s1, $0x2  }
0xba: {  	s3 =	sand.u32 $0x4000, s31;
	s1 =	sadd.s32 s1, s30  }
0xbb: {  	s0 =	sor.u32 s3, s0;
	s1 =	sshll.u32 s1, $0x11  }
0xbc: {  	s0 =	sor.u32 s1, s0  }
0xbd: {  	s0 =	sadd.s32 $0x8F2B, s0  }
0xbe: {  	[sflag:s0] =	ssyncadd.remote.s32 $0x1  }
0xbf: {  	_ =	sfence.sel $0xFFFF  }
0xc0: {  	[dreg:$0x0] =	wrdreg $0xFFFFFFFF;
	(pc) =	sbr.abs _section_cstart, $3  }
0xc1: {  	[dreg:$0x1] =	wrdreg $0xFFFFFFFF  }
0xc2: {  	_ =	task.clear_ibuf [dreg:s7], $0x2FFFF;
	_ =	strace $0x9FFFFFFF  }
0xc3: {  	(tm) =	ssettm $0x7FFFFFFF  }
tec
execute0_lowered:
.L_overlay_start_1:
0x0: {  	(tag) =	ssettag $0x1  }
0x1: {  	s1 =	rddreg [dreg:$0x0];
	s0 =	srdreg.scid  }
0x2: {  	s8 =	stileid.u32;
	s2 =	rddreg [dreg:$0x1]  }
0x3: {  	s3 =	rddreg [dreg:$0x2];
	s4 =	simm.s32 $0x0;
	s13 =	simm.s32 $0x800  }
0x4: {  	s14 =	simm.s32 $0x5;
	s15 =	simm.s32 $0x400;
	s5 =	smul.u32 $0x5000, s8  }
0x5: {  	s16 =	simm.s32 $0x80;
	s17 =	simm.s32 $0x4800;
	s18 =	smul.u32 $0x14000, s8  }
0x6: {  	s28 =	simm.s32 $0x580;
	s0 =	sand.u32 $0x1, s0;
	s8 =	smul.u32 $0x50000, s8  }
0x7: {  	s29 =	simm.s32 $0x280;
	s30 =	simm.s32 $0x600;
	s6 =	smul.u32 $0x2800, s0  }
0x8: {  	s31 =	simm.s32 $0x300;
	[smem:$0x7FF] =	sst s4;
	s7 =	smul.u32 $0x140000, s0  }
0x9: {  	_ =	strace $0x80000047;
	s0 =	ssub.s32 $0x2, s0;
	s20 =	sshrl.u32 s8, $0x2  }
0xa: {  	s21 =	sshrl.u32 s0, $0x1;
	s8 =	simm.s32 $0x0;
	s5 =	sadd.s32 s6, s5  }
0xb: {  	s19 =	sadd.s32 s18, s7;
	s11 =	sadd.s32 s20, s3;
	s0 =	ssub.s32 s0, s21  }
0xc: {  	s18 =	simm.s32 $0x1;
	s20 =	simm.s32 $0x100;
	s21 =	simm.s32 $0x2  }
0xd: {  	s6 =	simm.s32 $0x700;
	s22 =	sadd.s32 $0x4000, s11;
	[dreg:$0x5] =	wrdreg s11  }
0xe: {  	s7 =	simm.s32 $0x780;
	s23 =	sadd.s32 $0x8000, s11;
	[dreg:$0x6] =	wrdreg s22  }
0xf: {  	s5 =	sshrl.u32 s5, $0x3;
	s24 =	sadd.s32 $0xC000, s11;
	[dreg:$0x7] =	wrdreg s23  }
0x10: {  	s25 =	sadd.s32 $0x10000, s11;
	s0 =	smax.u32 s0, $0x1;
	[dreg:$0x8] =	wrdreg s24  }
0x11: {  	s9 =	sadd.s32 s5, s2;
	s5 =	sshrl.u32 s19, $0x3;
	[dreg:$0x9] =	wrdreg s25  }
0x12: {  	[dreg:$0xb] =	wrdreg s0;
	s19 =	simm.s32 $0x3;
	s22 =	simm.s32 $0x480  }
0x13: {  	s23 =	simm.s32 $0x4;
	s24 =	simm.s32 $0x180;
	s25 =	simm.s32 $0x500  }
0x14: {  	s0 =	simm.s32 $0x380;
	s2 =	sadd.s32 s5, s2;
	s26 =	sadd.s32 $0xE600, s9  }
0x15: {  	s12 =	sadd.s32 $0x4600, s9;
	s2 =	sadd.s32 $0x18600, s2;
	[dreg:$0x4] =	wrdreg s26  }
0x16: {  	v0 =	vimm.f32 $0.0e+00;
	s26 =	simm.s32 $0x200;
	[dreg:$0xa] =	wrdreg s2;
	s2 =	simm.s32 $0x680  }
.LBB2_1:
0x17: {  	s9 =	simm.s32 $0x0;
	s10 =	simm.s32 $0x200  }
.LBB2_2:
0x18: {  	p0 =	sne.s32 s10, $0xFE00;
	[tilespmem:s9+$0x870] =	vst v0  }
0x19: {  	[tilespmem:s9+$0x800] =	vst v0  }
0x1a: {  	[tilespmem:s9+$0x810] =	vst v0  }
.Ltmp0:
0x1b: {  	[tilespmem:s9+$0x820] =	vst v0;
	(pc) =	sbr.rel @p0 .LBB2_2-.Ltmp0, $4  }
0x1c: {  	[tilespmem:s9+$0x830] =	vst v0  }
0x1d: {  	[tilespmem:s9+$0x840] =	vst v0  }
0x1e: {  	[tilespmem:s9+$0x850] =	vst v0  }
0x1f: {  	[tilespmem:s9+$0x860] =	vst v0;
	s9 =	sshra.s32 s10, $0x2;
	s10 =	sadd.s32 $0x200, s10  }
0x20: {  	[tilespmem:s9+$0x870] =	vst v0  }
0x21: {  	[tilespmem:s9+$0x800] =	vst v0  }
0x22: {  	[tilespmem:s9+$0x810] =	vst v0  }
0x23: {  	[tilespmem:s9+$0x820] =	vst v0  }
0x24: {  	[tilespmem:s9+$0x830] =	vst v0  }
0x25: {  	[tilespmem:s9+$0x840] =	vst v0  }
0x26: {  	[tilespmem:s9+$0x850] =	vst v0  }
0x27: {  	[dreg:$0xc] =	wrdreg s8;
	[tilespmem:s9+$0x860] =	vst v0  }
0x28: {  	[spmem:s11] =	stream.linear.scatter [tilespmem:s13], [sflag:$0x5], $0x4000, $0x38;
	[tilespmem:$0x1C800] =	vst v63  }
0x29: {  	_ =	swait.ge [sflag:s14], $0x4000  }
0x2a: {  	[sflag:s14] =	ssyncset.done $0x0  }
0x2b: {  	s5 =	rddreg [dreg:$0x6];
	[sflag:s14] =	ssyncadd.s32 $0xFFFFC000  }
0x2c: {  	[spmem:s5] =	stream.linear.scatter [tilespmem:s13], [sflag:$0x5], $0x4000, $0x38;
	[tilespmem:$0x1C800] =	vst v63  }
0x2d: {  	_ =	swait.ge [sflag:s14], $0x4000  }
0x2e: {  	[sflag:s14] =	ssyncset.done $0x0  }
0x2f: {  	s11 =	rddreg [dreg:$0x7];
	[sflag:s14] =	ssyncadd.s32 $0xFFFFC000  }
0x30: {  	[spmem:s11] =	stream.linear.scatter [tilespmem:s13], [sflag:$0x5], $0x4000, $0x38;
	[tilespmem:$0x1C800] =	vst v63  }
0x31: {  	_ =	swait.ge [sflag:s14], $0x4000  }
0x32: {  	[sflag:s14] =	ssyncset.done $0x0  }
0x33: {  	s8 =	rddreg [dreg:$0x8];
	[sflag:s14] =	ssyncadd.s32 $0xFFFFC000  }
0x34: {  	[spmem:s8] =	stream.linear.scatter [tilespmem:s13], [sflag:$0x5], $0x4000, $0x38;
	[tilespmem:$0x1C800] =	vst v63  }
0x35: {  	_ =	swait.ge [sflag:s14], $0x4000  }
0x36: {  	[sflag:s14] =	ssyncset.done $0x0  }
0x37: {  	s9 =	rddreg [dreg:$0x9];
	[sflag:s14] =	ssyncadd.s32 $0xFFFFC000  }
0x38: {  	[spmem:s9] =	stream.linear.scatter [tilespmem:s13], [sflag:$0x5], $0x4000, $0x38;
	[tilespmem:$0x1C800] =	vst v63  }
0x39: {  	_ =	swait.ge [sflag:s14], $0x4000  }
0x3a: {  	[sflag:s14] =	ssyncset.done $0x0  }
0x3b: {  	[sflag:s14] =	ssyncadd.s32 $0xFFFFC000  }
0x3c: {  	s10 =	sadd.s32 $0x0, s12;
	[bflag:$0x0] =	sbarrier.arrive $0xFFFF  }
0x3d: {  	[tilespmem:s15], [sflag:$0x5] =	stream.linear.gather [hbm4b:s10+s4], $0x400, $0x38;
	[tilespmem:$0x1C800] =	vst v63  }
0x3e: {  	_ =	swait.ge [sflag:s14], $0x400  }
0x3f: {  	s11 =	rddreg [dreg:$0x4];
	[sflag:s14] =	ssyncset.done $0x0  }
0x40: {  	[sflag:s14] =	ssyncadd.s32 $0xFFFFFC00;
	s9 =	sadd.s32 $0x0, s11  }
0x41: {  	[tilespmem:s4], [sflag:$0x5] =	stream.linear.gather [hbm4b:s9+s4], $0x400, $0x38;
	[tilespmem:$0x1C800] =	vst v63  }
0x42: {  	_ =	swait.ge [sflag:s14], $0x400  }
0x43: {  	[sflag:s14] =	ssyncset.done $0x0  }
0x44: {  	[sflag:s14] =	ssyncadd.s32 $0xFFFFFC00  }
0x45: {  	[tilespmem:s13], [sflag:$0x1] =	stream.indirect.gather [hbm4b:s1+s16], $0x80, s4, s16, $0xb8;
	[tilespmem:$0x1C800] =	vst v63  }
0x46: {  	_ = 	snop  }
0x47: {  	[tilespmem:s17], [sflag:$0x2] =	stream.indirect.gather [hbm4b:s1+s16], $0x80, s16, s16, $0xb8;
	[tilespmem:$0x1C800] =	vst v63  }
0x48: {  	_ =	swait.ge [sflag:s18], $0x4000  }
0x49: {  	[sflag:s18] =	ssyncset.done $0x0  }
0x4a: {  	[sflag:s18] =	ssyncadd.s32 $0xFFFFC000  }
0x4b: {  	[spmem:s3] =	stream.indirect.scatter.add.f32 [tilespmem:s13], [sflag:$0x3], $0x80, s15, s16, $0xb8;
	[tilespmem:$0x1C800] =	vst v63  }
0x4c: {  	_ =	swait.ge [sflag:s19], $0x4000  }
0x4d: {  	[sflag:s19] =	ssyncset.done $0x0  }
0x4e: {  	[sflag:s19] =	ssyncadd.s32 $0xFFFFC000  }
0x4f: {  	[tilespmem:s13], [sflag:$0x1] =	stream.indirect.gather [hbm4b:s1+s16], $0x80, s20, s16, $0xb8;
	[tilespmem:$0x1C800] =	vst v63  }
0x50: {  	_ =	swait.ge [sflag:s21], $0x4000  }
0x51: {  	[sflag:s21] =	ssyncset.done $0x0  }
0x52: {  	[sflag:s21] =	ssyncadd.s32 $0xFFFFC000  }
0x53: {  	[spmem:s3] =	stream.indirect.scatter.add.f32 [tilespmem:s17], [sflag:$0x4], $0x80, s22, s16, $0xb8;
	[tilespmem:$0x1C800] =	vst v63  }
0x54: {  	_ =	swait.ge [sflag:s23], $0x4000  }
0x55: {  	[sflag:s23] =	ssyncset.done $0x0  }
0x56: {  	[sflag:s23] =	ssyncadd.s32 $0xFFFFC000  }
0x57: {  	[tilespmem:s17], [sflag:$0x2] =	stream.indirect.gather [hbm4b:s1+s16], $0x80, s24, s16, $0xb8;
	[tilespmem:$0x1C800] =	vst v63  }
0x58: {  	_ =	swait.ge [sflag:s18], $0x4000  }
0x59: {  	[sflag:s18] =	ssyncset.done $0x0  }
0x5a: {  	[sflag:s18] =	ssyncadd.s32 $0xFFFFC000  }
0x5b: {  	[spmem:s3] =	stream.indirect.scatter.add.f32 [tilespmem:s13], [sflag:$0x3], $0x80, s25, s16, $0xb8;
	[tilespmem:$0x1C800] =	vst v63  }
0x5c: {  	_ =	swait.ge [sflag:s19], $0x4000  }
0x5d: {  	[sflag:s19] =	ssyncset.done $0x0  }
0x5e: {  	[sflag:s19] =	ssyncadd.s32 $0xFFFFC000  }
0x5f: {  	[tilespmem:s13], [sflag:$0x1] =	stream.indirect.gather [hbm4b:s1+s16], $0x80, s26, s16, $0xb8;
	[tilespmem:$0x1C800] =	vst v63  }
0x60: {  	_ =	swait.ge [sflag:s21], $0x4000  }
0x61: {  	[sflag:s21] =	ssyncset.done $0x0  }
0x62: {  	[sflag:s21] =	ssyncadd.s32 $0xFFFFC000  }
0x63: {  	[spmem:s3] =	stream.indirect.scatter.add.f32 [tilespmem:s17], [sflag:$0x4], $0x80, s28, s16, $0xb8;
	[tilespmem:$0x1C800] =	vst v63  }
0x64: {  	_ =	swait.ge [sflag:s23], $0x4000  }
0x65: {  	[sflag:s23] =	ssyncset.done $0x0  }
0x66: {  	[sflag:s23] =	ssyncadd.s32 $0xFFFFC000  }
0x67: {  	[tilespmem:s17], [sflag:$0x2] =	stream.indirect.gather [hbm4b:s1+s16], $0x80, s29, s16, $0xb8;
	[tilespmem:$0x1C800] =	vst v63  }
0x68: {  	_ =	swait.ge [sflag:s18], $0x4000  }
0x69: {  	[sflag:s18] =	ssyncset.done $0x0  }
0x6a: {  	[sflag:s18] =	ssyncadd.s32 $0xFFFFC000  }
0x6b: {  	[spmem:s3] =	stream.indirect.scatter.add.f32 [tilespmem:s13], [sflag:$0x3], $0x80, s30, s16, $0xb8;
	[tilespmem:$0x1C800] =	vst v63  }
0x6c: {  	_ =	swait.ge [sflag:s19], $0x4000  }
0x6d: {  	[sflag:s19] =	ssyncset.done $0x0  }
0x6e: {  	[sflag:s19] =	ssyncadd.s32 $0xFFFFC000  }
0x6f: {  	[tilespmem:s13], [sflag:$0x1] =	stream.indirect.gather [hbm4b:s1+s16], $0x80, s31, s16, $0xb8;
	[tilespmem:$0x1C800] =	vst v63  }
0x70: {  	_ =	swait.ge [sflag:s21], $0x4000  }
0x71: {  	[sflag:s21] =	ssyncset.done $0x0  }
0x72: {  	[sflag:s21] =	ssyncadd.s32 $0xFFFFC000  }
0x73: {  	[spmem:s3] =	stream.indirect.scatter.add.f32 [tilespmem:s17], [sflag:$0x4], $0x80, s2, s16, $0xb8;
	[tilespmem:$0x1C800] =	vst v63  }
0x74: {  	_ =	swait.ge [sflag:s23], $0x4000  }
0x75: {  	[sflag:s23] =	ssyncset.done $0x0  }
0x76: {  	[sflag:s23] =	ssyncadd.s32 $0xFFFFC000  }
0x77: {  	[tilespmem:s17], [sflag:$0x2] =	stream.indirect.gather [hbm4b:s1+s16], $0x80, s0, s16, $0xb8;
	[tilespmem:$0x1C800] =	vst v63  }
0x78: {  	_ =	swait.ge [sflag:s18], $0x4000  }
0x79: {  	[sflag:s18] =	ssyncset.done $0x0  }
0x7a: {  	[sflag:s18] =	ssyncadd.s32 $0xFFFFC000  }
0x7b: {  	[spmem:s3] =	stream.indirect.scatter.add.f32 [tilespmem:s13], [sflag:$0x3], $0x80, s6, s16, $0xb8;
	[tilespmem:$0x1C800] =	vst v63  }
0x7c: {  	_ =	swait.ge [sflag:s21], $0x4000  }
0x7d: {  	[sflag:s21] =	ssyncset.done $0x0  }
0x7e: {  	[sflag:s21] =	ssyncadd.s32 $0xFFFFC000  }
0x7f: {  	[spmem:s3] =	stream.indirect.scatter.add.f32 [tilespmem:s17], [sflag:$0x4], $0x80, s7, s16, $0xb8;
	[tilespmem:$0x1C800] =	vst v63  }
0x80: {  	_ =	swait.ge [sflag:s19], $0x4000  }
0x81: {  	[sflag:s19] =	ssyncset.done $0x0  }
0x82: {  	[sflag:s19] =	ssyncadd.s32 $0xFFFFC000  }
0x83: {  	_ =	swait.ge [sflag:s23], $0x4000  }
0x84: {  	s10 =	simm.s32 $0x100;
	s9 =	simm.s32 $0x80;
	[sflag:s23] =	ssyncset.done $0x0  }
.LBB2_4:
0x85: {  	s5 =	sadd.s32 s9, s12;
	[sflag:s23] =	ssyncadd.s32 $0xFFFFC000  }
0x86: {  	[tilespmem:s15], [sflag:$0x5] =	stream.linear.gather [hbm4b:s5+s4], $0x400, $0x38;
	[tilespmem:$0x1C800] =	vst v63  }
0x87: {  	s8 =	smov.u32 s10;
	s11 =	sadd.s32 $0x80, s10;
	_ =	swait.ge [sflag:s14], $0x400  }
0x88: {  	p0 =	sne.s32 s10, $0x480;
	s10 =	rddreg [dreg:$0x4];
	[sflag:s14] =	ssyncset.done $0x0  }
0x89: {  	[sflag:s14] =	ssyncadd.s32 $0xFFFFFC00;
	s5 =	sadd.s32 s9, s10  }
0x8a: {  	[tilespmem:s4], [sflag:$0x5] =	stream.linear.gather [hbm4b:s5+s4], $0x400, $0x38;
	[tilespmem:$0x1C800] =	vst v63  }
0x8b: {  	_ =	swait.ge [sflag:s14], $0x400  }
0x8c: {  	[sflag:s14] =	ssyncset.done $0x0  }
0x8d: {  	[sflag:s14] =	ssyncadd.s32 $0xFFFFFC00  }
0x8e: {  	[tilespmem:s13], [sflag:$0x1] =	stream.indirect.gather [hbm4b:s1+s16], $0x80, s4, s16, $0xb8;
	[tilespmem:$0x1C800] =	vst v63  }
0x8f: {  	_ = 	snop  }
0x90: {  	[tilespmem:s17], [sflag:$0x2] =	stream.indirect.gather [hbm4b:s1+s16], $0x80, s16, s16, $0xb8;
	[tilespmem:$0x1C800] =	vst v63  }
0x91: {  	_ =	swait.ge [sflag:s18], $0x4000  }
0x92: {  	[sflag:s18] =	ssyncset.done $0x0  }
0x93: {  	[sflag:s18] =	ssyncadd.s32 $0xFFFFC000  }
0x94: {  	[spmem:s3] =	stream.indirect.scatter.add.f32 [tilespmem:s13], [sflag:$0x3], $0x80, s15, s16, $0xb8;
	[tilespmem:$0x1C800] =	vst v63  }
0x95: {  	_ =	swait.ge [sflag:s19], $0x4000  }
0x96: {  	[sflag:s19] =	ssyncset.done $0x0  }
0x97: {  	[sflag:s19] =	ssyncadd.s32 $0xFFFFC000  }
0x98: {  	[tilespmem:s13], [sflag:$0x1] =	stream.indirect.gather [hbm4b:s1+s16], $0x80, s20, s16, $0xb8;
	[tilespmem:$0x1C800] =	vst v63  }
0x99: {  	_ =	swait.ge [sflag:s21], $0x4000  }
0x9a: {  	[sflag:s21] =	ssyncset.done $0x0  }
0x9b: {  	[sflag:s21] =	ssyncadd.s32 $0xFFFFC000  }
0x9c: {  	[spmem:s3] =	stream.indirect.scatter.add.f32 [tilespmem:s17], [sflag:$0x4], $0x80, s22, s16, $0xb8;
	[tilespmem:$0x1C800] =	vst v63  }
0x9d: {  	_ =	swait.ge [sflag:s23], $0x4000  }
0x9e: {  	[sflag:s23] =	ssyncset.done $0x0  }
0x9f: {  	[sflag:s23] =	ssyncadd.s32 $0xFFFFC000  }
0xa0: {  	[tilespmem:s17], [sflag:$0x2] =	stream.indirect.gather [hbm4b:s1+s16], $0x80, s24, s16, $0xb8;
	[tilespmem:$0x1C800] =	vst v63  }
0xa1: {  	_ =	swait.ge [sflag:s18], $0x4000  }
0xa2: {  	[sflag:s18] =	ssyncset.done $0x0  }
0xa3: {  	[sflag:s18] =	ssyncadd.s32 $0xFFFFC000  }
0xa4: {  	[spmem:s3] =	stream.indirect.scatter.add.f32 [tilespmem:s13], [sflag:$0x3], $0x80, s25, s16, $0xb8;
	[tilespmem:$0x1C800] =	vst v63  }
0xa5: {  	_ =	swait.ge [sflag:s19], $0x4000  }
0xa6: {  	[sflag:s19] =	ssyncset.done $0x0  }
0xa7: {  	[sflag:s19] =	ssyncadd.s32 $0xFFFFC000  }
0xa8: {  	[tilespmem:s13], [sflag:$0x1] =	stream.indirect.gather [hbm4b:s1+s16], $0x80, s26, s16, $0xb8;
	[tilespmem:$0x1C800] =	vst v63  }
0xa9: {  	_ =	swait.ge [sflag:s21], $0x4000  }
0xaa: {  	[sflag:s21] =	ssyncset.done $0x0  }
0xab: {  	[sflag:s21] =	ssyncadd.s32 $0xFFFFC000  }
0xac: {  	[spmem:s3] =	stream.indirect.scatter.add.f32 [tilespmem:s17], [sflag:$0x4], $0x80, s28, s16, $0xb8;
	[tilespmem:$0x1C800] =	vst v63  }
0xad: {  	_ =	swait.ge [sflag:s23], $0x4000  }
0xae: {  	[sflag:s23] =	ssyncset.done $0x0  }
0xaf: {  	[sflag:s23] =	ssyncadd.s32 $0xFFFFC000  }
0xb0: {  	[tilespmem:s17], [sflag:$0x2] =	stream.indirect.gather [hbm4b:s1+s16], $0x80, s29, s16, $0xb8;
	[tilespmem:$0x1C800] =	vst v63  }
0xb1: {  	_ =	swait.ge [sflag:s18], $0x4000  }
0xb2: {  	[sflag:s18] =	ssyncset.done $0x0  }
0xb3: {  	[sflag:s18] =	ssyncadd.s32 $0xFFFFC000  }
0xb4: {  	[spmem:s3] =	stream.indirect.scatter.add.f32 [tilespmem:s13], [sflag:$0x3], $0x80, s30, s16, $0xb8;
	[tilespmem:$0x1C800] =	vst v63  }
0xb5: {  	_ =	swait.ge [sflag:s19], $0x4000  }
0xb6: {  	[sflag:s19] =	ssyncset.done $0x0  }
0xb7: {  	[sflag:s19] =	ssyncadd.s32 $0xFFFFC000  }
0xb8: {  	[tilespmem:s13], [sflag:$0x1] =	stream.indirect.gather [hbm4b:s1+s16], $0x80, s31, s16, $0xb8;
	[tilespmem:$0x1C800] =	vst v63  }
0xb9: {  	_ =	swait.ge [sflag:s21], $0x4000  }
0xba: {  	[sflag:s21] =	ssyncset.done $0x0  }
0xbb: {  	[sflag:s21] =	ssyncadd.s32 $0xFFFFC000  }
0xbc: {  	[spmem:s3] =	stream.indirect.scatter.add.f32 [tilespmem:s17], [sflag:$0x4], $0x80, s2, s16, $0xb8;
	[tilespmem:$0x1C800] =	vst v63  }
0xbd: {  	_ =	swait.ge [sflag:s23], $0x4000  }
0xbe: {  	[sflag:s23] =	ssyncset.done $0x0  }
0xbf: {  	[sflag:s23] =	ssyncadd.s32 $0xFFFFC000  }
0xc0: {  	[tilespmem:s17], [sflag:$0x2] =	stream.indirect.gather [hbm4b:s1+s16], $0x80, s0, s16, $0xb8;
	[tilespmem:$0x1C800] =	vst v63  }
0xc1: {  	_ =	swait.ge [sflag:s18], $0x4000  }
0xc2: {  	[sflag:s18] =	ssyncset.done $0x0  }
0xc3: {  	[sflag:s18] =	ssyncadd.s32 $0xFFFFC000  }
0xc4: {  	[spmem:s3] =	stream.indirect.scatter.add.f32 [tilespmem:s13], [sflag:$0x3], $0x80, s6, s16, $0xb8;
	[tilespmem:$0x1C800] =	vst v63  }
0xc5: {  	_ =	swait.ge [sflag:s21], $0x4000  }
0xc6: {  	[sflag:s21] =	ssyncset.done $0x0  }
0xc7: {  	[sflag:s21] =	ssyncadd.s32 $0xFFFFC000  }
0xc8: {  	[spmem:s3] =	stream.indirect.scatter.add.f32 [tilespmem:s17], [sflag:$0x4], $0x80, s7, s16, $0xb8;
	[tilespmem:$0x1C800] =	vst v63  }
.Ltmp1:
0xc9: {  	_ =	swait.ge [sflag:s19], $0x4000;
	(pc) =	sbr.rel @p0 .LBB2_4-.Ltmp1, $4  }
0xca: {  	[sflag:s19] =	ssyncset.done $0x0  }
0xcb: {  	[sflag:s19] =	ssyncadd.s32 $0xFFFFC000  }
0xcc: {  	_ =	swait.ge [sflag:s23], $0x4000  }
0xcd: {  	s9 =	smov.u32 s8;
	s10 =	smov.u32 s11;
	[sflag:s23] =	ssyncset.done $0x0  }
0xce: {  	s5 =	sadd.s32 s9, s12;
	[sflag:s23] =	ssyncadd.s32 $0xFFFFC000  }
0xcf: {  	[tilespmem:s15], [sflag:$0x5] =	stream.linear.gather [hbm4b:s5+s4], $0x400, $0x38;
	[tilespmem:$0x1C800] =	vst v63  }
0xd0: {  	_ =	swait.ge [sflag:s14], $0x400  }
0xd1: {  	s8 =	rddreg [dreg:$0x4];
	[sflag:s14] =	ssyncset.done $0x0  }
0xd2: {  	[sflag:s14] =	ssyncadd.s32 $0xFFFFFC00;
	s5 =	sadd.s32 s9, s8  }
0xd3: {  	[tilespmem:s4], [sflag:$0x5] =	stream.linear.gather [hbm4b:s5+s4], $0x400, $0x38;
	[tilespmem:$0x1C800] =	vst v63  }
0xd4: {  	_ =	swait.ge [sflag:s14], $0x400  }
0xd5: {  	[sflag:s14] =	ssyncset.done $0x0  }
0xd6: {  	[sflag:s14] =	ssyncadd.s32 $0xFFFFFC00  }
0xd7: {  	[tilespmem:s13], [sflag:$0x1] =	stream.indirect.gather [hbm4b:s1+s16], $0x80, s4, s16, $0xb8;
	[tilespmem:$0x1C800] =	vst v63  }
0xd8: {  	_ = 	snop  }
0xd9: {  	[tilespmem:s17], [sflag:$0x2] =	stream.indirect.gather [hbm4b:s1+s16], $0x80, s16, s16, $0xb8;
	[tilespmem:$0x1C800] =	vst v63  }
0xda: {  	_ =	swait.ge [sflag:s18], $0x4000  }
0xdb: {  	[sflag:s18] =	ssyncset.done $0x0  }
0xdc: {  	[sflag:s18] =	ssyncadd.s32 $0xFFFFC000  }
0xdd: {  	[spmem:s3] =	stream.indirect.scatter.add.f32 [tilespmem:s13], [sflag:$0x3], $0x80, s15, s16, $0xb8;
	[tilespmem:$0x1C800] =	vst v63  }
0xde: {  	_ =	swait.ge [sflag:s19], $0x4000  }
0xdf: {  	[sflag:s19] =	ssyncset.done $0x0  }
0xe0: {  	[sflag:s19] =	ssyncadd.s32 $0xFFFFC000  }
0xe1: {  	[tilespmem:s13], [sflag:$0x1] =	stream.indirect.gather [hbm4b:s1+s16], $0x80, s20, s16, $0xb8;
	[tilespmem:$0x1C800] =	vst v63  }
0xe2: {  	_ =	swait.ge [sflag:s21], $0x4000  }
0xe3: {  	[sflag:s21] =	ssyncset.done $0x0  }
0xe4: {  	[sflag:s21] =	ssyncadd.s32 $0xFFFFC000  }
0xe5: {  	[spmem:s3] =	stream.indirect.scatter.add.f32 [tilespmem:s17], [sflag:$0x4], $0x80, s22, s16, $0xb8;
	[tilespmem:$0x1C800] =	vst v63  }
0xe6: {  	_ =	swait.ge [sflag:s23], $0x4000  }
0xe7: {  	[sflag:s23] =	ssyncset.done $0x0  }
0xe8: {  	[sflag:s23] =	ssyncadd.s32 $0xFFFFC000  }
0xe9: {  	[tilespmem:s17], [sflag:$0x2] =	stream.indirect.gather [hbm4b:s1+s16], $0x80, s24, s16, $0xb8;
	[tilespmem:$0x1C800] =	vst v63  }
0xea: {  	_ =	swait.ge [sflag:s18], $0x4000  }
0xeb: {  	[sflag:s18] =	ssyncset.done $0x0  }
0xec: {  	[sflag:s18] =	ssyncadd.s32 $0xFFFFC000  }
0xed: {  	[spmem:s3] =	stream.indirect.scatter.add.f32 [tilespmem:s13], [sflag:$0x3], $0x80, s25, s16, $0xb8;
	[tilespmem:$0x1C800] =	vst v63  }
0xee: {  	_ =	swait.ge [sflag:s19], $0x4000  }
0xef: {  	[sflag:s19] =	ssyncset.done $0x0  }
0xf0: {  	[sflag:s19] =	ssyncadd.s32 $0xFFFFC000  }
0xf1: {  	[tilespmem:s13], [sflag:$0x1] =	stream.indirect.gather [hbm4b:s1+s16], $0x80, s26, s16, $0xb8;
	[tilespmem:$0x1C800] =	vst v63  }
0xf2: {  	_ =	swait.ge [sflag:s21], $0x4000  }
0xf3: {  	[sflag:s21] =	ssyncset.done $0x0  }
0xf4: {  	[sflag:s21] =	ssyncadd.s32 $0xFFFFC000  }
0xf5: {  	[spmem:s3] =	stream.indirect.scatter.add.f32 [tilespmem:s17], [sflag:$0x4], $0x80, s28, s16, $0xb8;
	[tilespmem:$0x1C800] =	vst v63  }
0xf6: {  	_ =	swait.ge [sflag:s23], $0x4000  }
0xf7: {  	[sflag:s23] =	ssyncset.done $0x0  }
0xf8: {  	[sflag:s23] =	ssyncadd.s32 $0xFFFFC000  }
0xf9: {  	[tilespmem:s17], [sflag:$0x2] =	stream.indirect.gather [hbm4b:s1+s16], $0x80, s29, s16, $0xb8;
	[tilespmem:$0x1C800] =	vst v63  }
0xfa: {  	_ =	swait.ge [sflag:s18], $0x4000  }
0xfb: {  	[sflag:s18] =	ssyncset.done $0x0  }
0xfc: {  	[sflag:s18] =	ssyncadd.s32 $0xFFFFC000  }
0xfd: {  	[spmem:s3] =	stream.indirect.scatter.add.f32 [tilespmem:s13], [sflag:$0x3], $0x80, s30, s16, $0xb8;
	[tilespmem:$0x1C800] =	vst v63  }
0xfe: {  	_ =	swait.ge [sflag:s19], $0x4000  }
0xff: {  	[sflag:s19] =	ssyncset.done $0x0  }
0x100: {  	[sflag:s19] =	ssyncadd.s32 $0xFFFFC000  }
0x101: {  	[tilespmem:s13], [sflag:$0x1] =	stream.indirect.gather [hbm4b:s1+s16], $0x80, s31, s16, $0xb8;
	[tilespmem:$0x1C800] =	vst v63  }
0x102: {  	_ =	swait.ge [sflag:s21], $0x4000  }
0x103: {  	[sflag:s21] =	ssyncset.done $0x0  }
0x104: {  	[sflag:s21] =	ssyncadd.s32 $0xFFFFC000  }
0x105: {  	[spmem:s3] =	stream.indirect.scatter.add.f32 [tilespmem:s17], [sflag:$0x4], $0x80, s2, s16, $0xb8;
	[tilespmem:$0x1C800] =	vst v63  }
0x106: {  	_ =	swait.ge [sflag:s23], $0x4000  }
0x107: {  	[sflag:s23] =	ssyncset.done $0x0  }
0x108: {  	[sflag:s23] =	ssyncadd.s32 $0xFFFFC000  }
0x109: {  	[tilespmem:s17], [sflag:$0x2] =	stream.indirect.gather [hbm4b:s1+s16], $0x80, s0, s16, $0xb8;
	[tilespmem:$0x1C800] =	vst v63  }
0x10a: {  	_ =	swait.ge [sflag:s18], $0x4000  }
0x10b: {  	[sflag:s18] =	ssyncset.done $0x0  }
0x10c: {  	[sflag:s18] =	ssyncadd.s32 $0xFFFFC000  }
0x10d: {  	[spmem:s3] =	stream.indirect.scatter.add.f32 [tilespmem:s13], [sflag:$0x3], $0x80, s6, s16, $0xb8;
	[tilespmem:$0x1C800] =	vst v63  }
0x10e: {  	_ =	swait.ge [sflag:s21], $0x4000  }
0x10f: {  	[sflag:s21] =	ssyncset.done $0x0  }
0x110: {  	[sflag:s21] =	ssyncadd.s32 $0xFFFFC000  }
0x111: {  	[spmem:s3] =	stream.indirect.scatter.add.f32 [tilespmem:s17], [sflag:$0x4], $0x80, s7, s16, $0xb8;
	[tilespmem:$0x1C800] =	vst v63  }
0x112: {  	_ =	swait.ge [sflag:s19], $0x4000  }
0x113: {  	[sflag:s19] =	ssyncset.done $0x0  }
0x114: {  	[sflag:s19] =	ssyncadd.s32 $0xFFFFC000  }
0x115: {  	_ =	swait.ge [sflag:s23], $0x4000  }
0x116: {  	[sflag:s23] =	ssyncset.done $0x0  }
0x117: {  	[sflag:s23] =	ssyncadd.s32 $0xFFFFC000  }
0x118: {  	s9 =	stileid.u32;
	[bflag:$0x0] =	sbarrier.arrive $0xFFFF  }
0x119: {  	s5 =	sshll.u32 s9, $0x6;
	s11 =	rddreg [dreg:$0x5]  }
0x11a: {  	s5 =	sor.u32 $0x1C05, s5;
	s10 =	rddreg [dreg:$0xa];
	s8 =	sshrl.u32 s11, $0x3  }
0x11b: {  	[hbm:s10], [sflag:s5] =	dma.local [spmem:s8], $0x2800  }
0x11c: {  	_ =	swait.ge [sflag:s14], $0x2800  }
0x11d: {  	s9 =	rddreg [dreg:$0xc]  }
0x11e: {  	s10 =	rddreg [dreg:$0xb];
	s8 =	sadd.s32 $0x1, s9  }
0x11f: {  	p0 =	sne.s32 s8, s10  }
.Ltmp2:
0x120: {  	_ = 	snop;
	(pc) =	sbr.rel @p0 .LBB2_1-.Ltmp2, $3  }
0x121: {  	_ =	sdelay $0x1  }
0x122: {  	[sflag:s14] =	ssyncset.done $0x0  }
0x123: {  	[sflag:s14] =	ssyncadd.s32 $0xFFFFD800  }
0x124: {  	_ =	sfence.sel $0x180000  }
0x125: {  	[bflag:$0x0] =	sbarrier.arrive $0xFFFF  }
0x126: {  	_ =	strace $0x90000047  }
0x127: {  	s0 =	stileid.u32;
	[bflag:$0x2] =	sbarrier.arrive $0xFFFF  }
0x128: {  	p0 =	sne.s32 s0, $0x0;
	s0 =	rddreg [dreg:$0x3]  }
0x129: {  	s0 =	sadd.s32 @!p0 $0x100000, s0  }
0x12a: {  	[sflag:s0] =	ssyncadd.tile.s32 @!p0 $0x1;
	_ =	shalt  }
.Lfunc_end2:
_tile_overlayer_lowered:
.L_overlay_start_2:
0x12b: {  	(tag) =	ssettag $0x2  }
0x12c: {  	s0 =	rddreg [dreg:$0x0];
	s2 =	stileid.u32  }
0x12d: {  	s1 =	rddreg [dreg:$0x1];
	p0 =	sne.s32 s2, $0x0  }
0x12e: {  	s3 =	rddreg [dreg:$0x2];
	[bflag:$0x3] =	sbarrier.arrive $0xFFFF;
	s2 =	simm.s32 @!p0 $0x1C05  }
0x12f: {  	[timem:s3], [sflag:s2] =	dma.local @!p0 [hbm:s0], s1  }
0x130: {  	s0 =	simm.s32 @!p0 $0x5  }
0x131: {  	_ =	swait.ge @!p0 [sflag:s0], s1  }
0x132: {  	s1 =	ssub.s32 @!p0 $0x0, s1;
	[sflag:s0] =	ssyncset.done @!p0 $0x0  }
0x133: {  	[sflag:s0] =	ssyncadd.s32 @!p0 s1  }
0x134: {  	[bflag:$0x3] =	sbarrier.arrive $0xFFFF  }
0x135: {  	_ =	shalt  }

// kernel: kernel.15.cloned.1.call-start
scs
__scs_entry_jumppad:
0x0: {  	(pc) =	sbr.rel $0x88, $3  }
0x1: {  	(tag) =	ssettag $0x0;
	lr =	simm.s32 $0x1  }
0x2: {  	[smem:$0x3F86] =	sst lr;
	_ =	strace $0xD0000000  }
0x3: {  	_ = 	snop  }
0x4: {  	_ = 	snop  }
0x5: {  	_ = 	snop  }
0x6: {  	_ = 	snop  }
0x7: {  	_ = 	snop  }
__scs_overlays_trampoline_lowered:
0x8: {  	[smem:$0x3F95] =	sst s0  }
0x9: {  	[smem:$0x3F96] =	sst s1  }
0xa: {  	[smem:$0x3F97] =	sst s2  }
0xb: {  	[smem:$0x3F98] =	sst s3  }
0xc: {  	[smem:$0x3F99] =	sst s4  }
0xd: {  	[smem:$0x3F9A] =	sst s5  }
0xe: {  	[smem:$0x3F9B] =	sst s6  }
0xf: {  	[smem:$0x3F9C] =	sst s7  }
0x10: {  	[smem:$0x3F9D] =	sst s8  }
0x11: {  	[smem:$0x3F9E] =	sst s9;
	s0 =	simm.s32 @!p0 $0x0  }
0x12: {  	s1 =	sld [smem:$0x3F84];
	s0 =	simm.s32 @p0 $0x1  }
0x13: {  	[smem:$0x3F9F] =	sst s0;
	s0 =	simm.s32 @!p1 $0x0  }
0x14: {  	s2 =	sld [smem:$0x3F83];
	s0 =	simm.s32 @p1 $0x1  }
0x15: {  	[smem:$0x3FA0] =	sst s0;
	s0 =	simm.s32 @!p2 $0x0  }
0x16: {  	s3 =	sld [smem:$0x3FDB];
	s0 =	simm.s32 @p2 $0x1  }
0x17: {  	s4 =	simm.s32 $0x1BF5;
	[smem:$0x3FA2] =	sst s0  }
0x18: {  	s0 =	sld [smem:$0x3F85];
	_ =	swait.ge [sflag:s4], $0x0  }
0x19: {  	s7 =	sld [smem:$0x3F86]  }
0x1a: {  	s8 =	sadd.s32 $0xFFFFE003, lr  }
0x1b: {  	s9 =	sadd.s32 $0xFFFFFEF7, lr;
	s5 =	simm.s32 $0xFFFFFFFF;
	p2 =	slt.u32 s8, $0xFFFFF086  }
0x1c: {  	p1 =	slt.u32 s9, $0xF7A;
	s5 =	simm.s32 @!p2 $0x0  }
0x1d: {  	s5 =	simm.s32 @p1 $0x1;
	p0 =	seq.s32 s7, s2  }
0x1e: {  	s7 =	smul.u32 @!p0 $0xF7A, s2;
	p2 =	seq.s32 @!p0 s5, $0x0  }
0x1f: {  	s9 =	smul.u32 $0xF7A, s1;
	s8 =	simm.s32 @!p0 $0x1BF5;
	p2 =	por !p2, p0  }
0x20: {  	[sflag:s8] =	ssyncset.s32 @!p0 $0xFFFFF086;
	s6 =	sadd.s32 @!p0 s3, s7;
	s7 =	simm.s32 @!p0 $0x108  }
0x21: {  	s3 =	sadd.s32 s3, s9;
	s6 =	sadd.s32 @!p0 $0x88, s6;
	s7 =	simm.s32 @p2 $0x1082  }
0x22: {  	[simem:s7], [sflag:s8] =	dma.local @!p0 [hbm:s6], $0xF7A  }
0x23: {  	s9 =	sor.u32 $0xD0000000, s2;
	s6 =	simm.s32 $0x108;
	_ =	swait.ge @!p0 [sflag:s8], $0x0  }
0x24: {  	s3 =	sadd.s32 $0x88, s3;
	s6 =	simm.s32 @!p1 $0x1082;
	[sflag:s4] =	ssyncset.s32 $0xFFFFF086  }
0x25: {  	[simem:s6], [sflag:s4] =	dma.local [hbm:s3], $0xF7A  }
0x26: {  	[smem:$0x3F86] =	sst s1;
	(tag) =	ssettag s2;
	_ =	strace s9  }
0x27: {  	s1 =	sld [smem:$0x3F96]  }
0x28: {  	s2 =	sld [smem:$0x3F97]  }
0x29: {  	s4 =	sld [smem:$0x3F99]  }
0x2a: {  	p0 =	seq.s32 s5, $0x0;
	s5 =	sld [smem:$0x3F9A]  }
0x2b: {  	s6 =	sld [smem:$0x3F9B]  }
0x2c: {  	s7 =	sld [smem:$0x3F9C]  }
0x2d: {  	s3 =	simm.s32 $0x108;
	s8 =	sld [smem:$0x3F9D]  }
0x2e: {  	s3 =	simm.s32 @!p0 $0x1082;
	s9 =	sld [smem:$0x3F9E]  }
0x2f: {  	lr =	sadd.s32 s0, s3;
	s0 =	sld [smem:$0x3F95]  }
0x30: {  	s3 =	sld [smem:$0x3F98]  }
0x31: {  	[smem:$0x3FA1] =	sst s10  }
0x32: {  	s10 =	sld [smem:$0x3F9F];
	_ =	sdelay $0x3  }
0x33: {  	p0 =	seq.s32 s10, $0x1;
	s10 =	sld [smem:$0x3FA1];
	_ =	sdelay $0x3  }
0x34: {  	[smem:$0x3FA1] =	sst s10  }
0x35: {  	s10 =	sld [smem:$0x3FA0];
	_ =	sdelay $0x3  }
0x36: {  	p1 =	seq.s32 s10, $0x1;
	s10 =	sld [smem:$0x3FA1];
	_ =	sdelay $0x3  }
0x37: {  	[smem:$0x3FA1] =	sst s10  }
0x38: {  	s10 =	sld [smem:$0x3FA2]  }
0x39: {  	_ = 	snop;
	(pc) =	sbr.ind lr, $3  }
0x3a: {  	_ = 	snop  }
0x3b: {  	_ = 	snop  }
0x3c: {  	p2 =	seq.s32 s10, $0x1;
	s10 =	sld [smem:$0x3FA1]  }
0x3d: {  	_ =	shalt  }
0x3e: {  	_ =	shalt  }
0x3f: {  	_ =	shalt  }
0x40: {  	_ =	shalt  }
0x41: {  	_ =	shalt  }
0x42: {  	_ =	shalt  }
0x43: {  	_ =	shalt  }
0x44: {  	_ =	shalt  }
0x45: {  	_ =	shalt  }
0x46: {  	_ =	shalt  }
0x47: {  	_ =	shalt  }
0x48: {  	_ =	shalt  }
0x49: {  	_ =	shalt  }
0x4a: {  	_ =	shalt  }
0x4b: {  	_ =	shalt  }
0x4c: {  	_ =	shalt  }
0x4d: {  	_ =	shalt  }
0x4e: {  	_ =	shalt  }
0x4f: {  	_ =	shalt  }
0x50: {  	_ =	shalt  }
0x51: {  	_ =	shalt  }
0x52: {  	_ =	shalt  }
0x53: {  	_ =	shalt  }
0x54: {  	_ =	shalt  }
0x55: {  	_ =	shalt  }
0x56: {  	_ =	shalt  }
0x57: {  	_ =	shalt  }
0x58: {  	_ =	shalt  }
0x59: {  	_ =	shalt  }
0x5a: {  	_ =	shalt  }
0x5b: {  	_ =	shalt  }
0x5c: {  	_ =	shalt  }
0x5d: {  	_ =	shalt  }
0x5e: {  	_ =	shalt  }
0x5f: {  	_ =	shalt  }
0x60: {  	_ =	shalt  }
0x61: {  	_ =	shalt  }
0x62: {  	_ =	shalt  }
0x63: {  	_ =	shalt  }
0x64: {  	_ =	shalt  }
0x65: {  	_ =	shalt  }
0x66: {  	_ =	shalt  }
0x67: {  	_ =	shalt  }
0x68: {  	_ =	shalt  }
0x69: {  	_ =	shalt  }
0x6a: {  	_ =	shalt  }
0x6b: {  	_ =	shalt  }
0x6c: {  	_ =	shalt  }
0x6d: {  	_ =	shalt  }
0x6e: {  	_ =	shalt  }
0x6f: {  	_ =	shalt  }
0x70: {  	_ =	shalt  }
0x71: {  	_ =	shalt  }
0x72: {  	_ =	shalt  }
0x73: {  	_ =	shalt  }
0x74: {  	_ =	shalt  }
0x75: {  	_ =	shalt  }
0x76: {  	_ =	shalt  }
0x77: {  	_ =	shalt  }
0x78: {  	_ =	shalt  }
0x79: {  	_ =	shalt  }
0x7a: {  	_ =	shalt  }
0x7b: {  	_ =	shalt  }
0x7c: {  	_ =	shalt  }
0x7d: {  	_ =	shalt  }
0x7e: {  	_ =	shalt  }
0x7f: {  	_ =	shalt  }
0x80: {  	_ =	shalt  }
0x81: {  	_ =	shalt  }
0x82: {  	_ =	shalt  }
0x83: {  	_ =	shalt  }
0x84: {  	_ =	shalt  }
0x85: {  	_ =	shalt  }
0x86: {  	_ =	shalt  }
0x87: {  	_ =	shalt  }
.Lfunc_end0:
.L_simem_size_0:
called_computation.2_lowered:
.L_overlay_start_0:
0x88: {  	s2 =	sld [smem:$0x3FD9]  }
0x89: {  	s3 =	sld [smem:$0x3FFE];
	_ =	sdelay $0x1  }
0x8a: {  	s1 =	srdreg.scid  }
0x8b: {  	s0 =	sand.u32 $0x1, s1  }
0x8c: {  	s16 =	sshll.u32 s0, $0xA;
	s2 =	sadd.s32 s3, s2  }
0x8d: {  	s2 =	sadd.s32 s2, s16  }
0x8e: {  	[smem:$0x3FAD] =	sst s2  }
0x8f: {  	_ = 	snop  }
0x90: {  	(tm) =	ssettm $0x1  }
0x91: {  	s17 =	sld [smem:$0x3FFB];
	_ =	sdelay $0x3  }
0x92: {  	_ =	strace s17  }
0x93: {  	s2 =	sld [smem:$0x3FFC];
	_ =	sdelay $0x3  }
0x94: {  	_ =	strace s2  }
0x95: {  	s2 =	sld [smem:$0x3FFD];
	_ =	sdelay $0x3  }
0x96: {  	_ =	strace s2  }
0x97: {  	_ =	strace $0x8FFFFFFF  }
0x98: {  	s18 =	sld [smem:$0x3FDB];
	_ =	sdelay $0x1  }
0x99: {  	s19 =	simm.s32 $_scs_section_size  }
0x9a: {  	s4 =	simm.s32 $_size__tile_overlayer_lowered;
	s5 =	simm.s32 $_tile_overlayer_lowered  }
0x9b: {  	s22 =	simm.s32 $0x1BFF;
	s21 =	sshll.u32 s5, $0x1;
	s2 =	sadd.s32 s19, s18  }
0x9c: {  	s6 =	simm.s32 $0x0;
	s20 =	sshll.u32 s4, $0x1;
	s4 =	sadd.s32 s21, s2  }
0x9d: {  	[timem:s6], [sflag:s22] =	dma.local [hbm:s4], s20  }
0x9e: {  	_ =	swait.ge [sflag:s22], s20  }
0x9f: {  	s3 =	ssub.s32 $0x0, s20;
	[sflag:s22] =	ssyncset.done $0x0  }
0xa0: {  	[sflag:s22] =	ssyncadd.s32 s3;
	_ =	sdelay $0x1  }
0xa1: {  	s23 =	simm.s32 $0x1B8B  }
0xa2: {  	_ =	swait.ge [sflag:s23], $0x1  }
0xa3: {  	[sflag:s23] =	ssyncset.done $0x0  }
0xa4: {  	s25 =	simm.s32 $0x1B8E;
	s24 =	sld [smem:$0x3FFE];
	[sflag:s23] =	ssyncadd.s32 $0xFFFFFFFF  }
0xa5: {  	s26 =	simm.s32 $execute0_lowered;
	[smem:$0x3FD2] =	sst s25  }
0xa6: {  	s4 =	sshll.u32 s26, $0x1;
	_ =	strace $0x8000004C;
	[dreg:$0x1] =	wrdreg $0xFFFFFFFF  }
0xa7: {  	s28 =	simm.s32 $_size_execute0_lowered;
	s2 =	sadd.s32 s2, s4;
	[dreg:$0x0] =	wrdreg $0x0  }
0xa8: {  	s4 =	sshll.u32 s28, $0x1;
	[dreg:$0x2] =	wrdreg s2  }
0xa9: {  	[dreg:$0x3] =	wrdreg s4  }
0xaa: {  	[dreg:$0x4] =	wrdreg $0xC0  }
0xab: {  	_ =	task [dreg:s6], $0x5FFFF  }
0xac: {  	[dreg:$0x1] =	wrdreg $0xFFFFFFFF  }
0xad: {  	[dreg:$0x0] =	wrdreg $0x60  }
0xae: {  	[dreg:$0x2] =	wrdreg s24  }
0xaf: {  	[dreg:$0x3] =	wrdreg $0x88000  }
0xb0: {  	[dreg:$0x4] =	wrdreg $0x9  }
0xb1: {  	_ =	task.clear_ibuf [dreg:s6], $0x5FFFF;
	_ =	strace $0x9000004C  }
0xb2: {  	s29 =	simm.s32 $0x9;
	_ =	strace $0x8000004E  }
0xb3: {  	_ =	swait.ge [sflag:s29], $0x1  }
0xb4: {  	[sflag:s29] =	ssyncadd.s32 $0xFFFFFFFF  }
0xb5: {  	_ =	strace $0x9000004E  }
0xb6: {  	_ =	sfence  }
0xb7: {  	s30 =	sld [smem:$0x0];
	_ =	sdelay $0x2  }
0xb8: {  	s31 =	sshll.u32 s1, $0xD;
	s1 =	sshrl.u32 s1, $0x2  }
0xb9: {  	s3 =	sand.u32 $0x4000, s31;
	s1 =	sadd.s32 s1, s30  }
0xba: {  	s0 =	sor.u32 s3, s0;
	s1 =	sshll.u32 s1, $0x11  }
0xbb: {  	s0 =	sor.u32 s1, s0  }
0xbc: {  	s0 =	sadd.s32 $0x8F2B, s0  }
0xbd: {  	[sflag:s0] =	ssyncadd.remote.s32 $0x1  }
0xbe: {  	_ =	sfence.sel $0xFFFF  }
0xbf: {  	[dreg:$0x0] =	wrdreg $0xFFFFFFFF;
	(pc) =	sbr.abs _section_cstart, $3  }
0xc0: {  	[dreg:$0x1] =	wrdreg $0xFFFFFFFF  }
0xc1: {  	_ =	task.clear_ibuf [dreg:s6], $0x2FFFF;
	_ =	strace $0x9FFFFFFF  }
0xc2: {  	(tm) =	ssettm $0x7FFFFFFF  }
0xc3: {  	_ =	shalt  }
tec
execute0_lowered:
.L_overlay_start_1:
0x0: {  	(tag) =	ssettag $0x1  }
0x1: {  	s0 =	srdreg.scid;
	s1 =	rddreg [dreg:$0x0]  }
0x2: {  	s8 =	stileid.u32;
	s2 =	rddreg [dreg:$0x1]  }
0x3: {  	s3 =	simm.s32 $0x0;
	s13 =	simm.s32 $0x800;
	s14 =	simm.s32 $0x5  }
0x4: {  	s15 =	simm.s32 $0x400;
	s16 =	simm.s32 $0x80;
	s4 =	smul.u32 $0x5000, s8  }
0x5: {  	s17 =	simm.s32 $0x4800;
	s18 =	simm.s32 $0x1;
	s19 =	smul.u32 $0x14000, s8  }
0x6: {  	s28 =	simm.s32 $0x580;
	s0 =	sand.u32 $0x1, s0;
	s8 =	smul.u32 $0x50000, s8  }
0x7: {  	s29 =	simm.s32 $0x280;
	s30 =	simm.s32 $0x600;
	s5 =	smul.u32 $0x2800, s0  }
0x8: {  	s31 =	simm.s32 $0x300;
	[smem:$0x7FF] =	sst s3;
	s6 =	smul.u32 $0x140000, s0  }
0x9: {  	_ =	strace $0x8000004D;
	s0 =	ssub.s32 $0x2, s0;
	s20 =	sshrl.u32 s8, $0x2  }
0xa: {  	s21 =	sshrl.u32 s0, $0x1;
	s8 =	simm.s32 $0x0;
	s4 =	sadd.s32 s5, s4  }
0xb: {  	s5 =	sadd.s32 s19, s6;
	s11 =	sadd.s32 s20, s2;
	s0 =	ssub.s32 s0, s21  }
0xc: {  	s19 =	simm.s32 $0x3;
	s20 =	simm.s32 $0x100;
	s21 =	simm.s32 $0x2  }
0xd: {  	s6 =	simm.s32 $0x700;
	s22 =	sadd.s32 $0x4000, s11;
	[dreg:$0x4] =	wrdreg s11  }
0xe: {  	s7 =	sshrl.u32 s4, $0x3;
	s23 =	sadd.s32 $0x8000, s11;
	[dreg:$0x5] =	wrdreg s22  }
0xf: {  	s4 =	sadd.s32 $0x18600, s1;
	s24 =	sadd.s32 $0xC000, s11;
	[dreg:$0x6] =	wrdreg s23  }
0x10: {  	s5 =	sshrl.u32 s5, $0x3;
	s25 =	sadd.s32 $0x10000, s11;
	[dreg:$0x7] =	wrdreg s24  }
0x11: {  	s0 =	smax.u32 s0, $0x1;
	s7 =	sadd.s32 s7, s1;
	[dreg:$0x8] =	wrdreg s25  }
0x12: {  	s1 =	sadd.s32 s5, s1;
	[dreg:$0xa] =	wrdreg s0;
	s22 =	simm.s32 $0x480  }
0x13: {  	s23 =	simm.s32 $0x4;
	s24 =	simm.s32 $0x180;
	s25 =	simm.s32 $0x500  }
0x14: {  	s0 =	simm.s32 $0x380;
	s26 =	sadd.s32 $0xE600, s7;
	s1 =	sadd.s32 $0xD8600, s1  }
0x15: {  	s12 =	sadd.s32 $0x4600, s7;
	s7 =	simm.s32 $0x780;
	[dreg:$0x9] =	wrdreg s1  }
0x16: {  	v0 =	vimm.f32 $0.0e+00;
	[dreg:$0x3] =	wrdreg s26;
	s26 =	simm.s32 $0x200;
	s1 =	simm.s32 $0x680  }
.LBB2_1:
0x17: {  	s9 =	simm.s32 $0x0;
	s10 =	simm.s32 $0x200  }
.LBB2_2:
0x18: {  	p0 =	sne.s32 s10, $0xFE00;
	[tilespmem:s9+$0x870] =	vst v0  }
0x19: {  	[tilespmem:s9+$0x800] =	vst v0  }
0x1a: {  	[tilespmem:s9+$0x810] =	vst v0  }
.Ltmp0:
0x1b: {  	[tilespmem:s9+$0x820] =	vst v0;
	(pc) =	sbr.rel @p0 .LBB2_2-.Ltmp0, $4  }
0x1c: {  	[tilespmem:s9+$0x830] =	vst v0  }
0x1d: {  	[tilespmem:s9+$0x840] =	vst v0  }
0x1e: {  	[tilespmem:s9+$0x850] =	vst v0  }
0x1f: {  	[tilespmem:s9+$0x860] =	vst v0;
	s9 =	sshra.s32 s10, $0x2;
	s10 =	sadd.s32 $0x200, s10  }
0x20: {  	[tilespmem:s9+$0x870] =	vst v0  }
0x21: {  	[tilespmem:s9+$0x800] =	vst v0  }
0x22: {  	[tilespmem:s9+$0x810] =	vst v0  }
0x23: {  	[tilespmem:s9+$0x820] =	vst v0  }
0x24: {  	[tilespmem:s9+$0x830] =	vst v0  }
0x25: {  	[tilespmem:s9+$0x840] =	vst v0  }
0x26: {  	[tilespmem:s9+$0x850] =	vst v0  }
0x27: {  	[dreg:$0xb] =	wrdreg s8;
	[tilespmem:s9+$0x860] =	vst v0  }
0x28: {  	[spmem:s11] =	stream.linear.scatter [tilespmem:s13], [sflag:$0x5], $0x4000, $0x38;
	[tilespmem:$0x1C800] =	vst v63  }
0x29: {  	_ =	swait.ge [sflag:s14], $0x4000  }
0x2a: {  	[sflag:s14] =	ssyncset.done $0x0  }
0x2b: {  	s5 =	rddreg [dreg:$0x5];
	[sflag:s14] =	ssyncadd.s32 $0xFFFFC000  }
0x2c: {  	[spmem:s5] =	stream.linear.scatter [tilespmem:s13], [sflag:$0x5], $0x4000, $0x38;
	[tilespmem:$0x1C800] =	vst v63  }
0x2d: {  	_ =	swait.ge [sflag:s14], $0x4000  }
0x2e: {  	[sflag:s14] =	ssyncset.done $0x0  }
0x2f: {  	s11 =	rddreg [dreg:$0x6];
	[sflag:s14] =	ssyncadd.s32 $0xFFFFC000  }
0x30: {  	[spmem:s11] =	stream.linear.scatter [tilespmem:s13], [sflag:$0x5], $0x4000, $0x38;
	[tilespmem:$0x1C800] =	vst v63  }
0x31: {  	_ =	swait.ge [sflag:s14], $0x4000  }
0x32: {  	[sflag:s14] =	ssyncset.done $0x0  }
0x33: {  	s8 =	rddreg [dreg:$0x7];
	[sflag:s14] =	ssyncadd.s32 $0xFFFFC000  }
0x34: {  	[spmem:s8] =	stream.linear.scatter [tilespmem:s13], [sflag:$0x5], $0x4000, $0x38;
	[tilespmem:$0x1C800] =	vst v63  }
0x35: {  	_ =	swait.ge [sflag:s14], $0x4000  }
0x36: {  	[sflag:s14] =	ssyncset.done $0x0  }
0x37: {  	s9 =	rddreg [dreg:$0x8];
	[sflag:s14] =	ssyncadd.s32 $0xFFFFC000  }
0x38: {  	[spmem:s9] =	stream.linear.scatter [tilespmem:s13], [sflag:$0x5], $0x4000, $0x38;
	[tilespmem:$0x1C800] =	vst v63  }
0x39: {  	_ =	swait.ge [sflag:s14], $0x4000  }
0x3a: {  	[sflag:s14] =	ssyncset.done $0x0  }
0x3b: {  	[sflag:s14] =	ssyncadd.s32 $0xFFFFC000  }
0x3c: {  	s10 =	sadd.s32 $0x0, s12;
	[bflag:$0x0] =	sbarrier.arrive $0xFFFF  }
0x3d: {  	[tilespmem:s15], [sflag:$0x5] =	stream.linear.gather [hbm4b:s10+s3], $0x400, $0x38;
	[tilespmem:$0x1C800] =	vst v63  }
0x3e: {  	_ =	swait.ge [sflag:s14], $0x400  }
0x3f: {  	s11 =	rddreg [dreg:$0x3];
	[sflag:s14] =	ssyncset.done $0x0  }
0x40: {  	[sflag:s14] =	ssyncadd.s32 $0xFFFFFC00;
	s9 =	sadd.s32 $0x0, s11  }
0x41: {  	[tilespmem:s3], [sflag:$0x5] =	stream.linear.gather [hbm4b:s9+s3], $0x400, $0x38;
	[tilespmem:$0x1C800] =	vst v63  }
0x42: {  	_ =	swait.ge [sflag:s14], $0x400  }
0x43: {  	[sflag:s14] =	ssyncset.done $0x0  }
0x44: {  	[sflag:s14] =	ssyncadd.s32 $0xFFFFFC00  }
0x45: {  	[tilespmem:s13], [sflag:$0x1] =	stream.indirect.gather [hbm4b:s4+s16], $0x80, s3, s16, $0xb8;
	[tilespmem:$0x1C800] =	vst v63  }
0x46: {  	_ = 	snop  }
0x47: {  	[tilespmem:s17], [sflag:$0x2] =	stream.indirect.gather [hbm4b:s4+s16], $0x80, s16, s16, $0xb8;
	[tilespmem:$0x1C800] =	vst v63  }
0x48: {  	_ =	swait.ge [sflag:s18], $0x4000  }
0x49: {  	[sflag:s18] =	ssyncset.done $0x0  }
0x4a: {  	[sflag:s18] =	ssyncadd.s32 $0xFFFFC000  }
0x4b: {  	[spmem:s2] =	stream.indirect.scatter.add.f32 [tilespmem:s13], [sflag:$0x3], $0x80, s15, s16, $0xb8;
	[tilespmem:$0x1C800] =	vst v63  }
0x4c: {  	_ =	swait.ge [sflag:s19], $0x4000  }
0x4d: {  	[sflag:s19] =	ssyncset.done $0x0  }
0x4e: {  	[sflag:s19] =	ssyncadd.s32 $0xFFFFC000  }
0x4f: {  	[tilespmem:s13], [sflag:$0x1] =	stream.indirect.gather [hbm4b:s4+s16], $0x80, s20, s16, $0xb8;
	[tilespmem:$0x1C800] =	vst v63  }
0x50: {  	_ =	swait.ge [sflag:s21], $0x4000  }
0x51: {  	[sflag:s21] =	ssyncset.done $0x0  }
0x52: {  	[sflag:s21] =	ssyncadd.s32 $0xFFFFC000  }
0x53: {  	[spmem:s2] =	stream.indirect.scatter.add.f32 [tilespmem:s17], [sflag:$0x4], $0x80, s22, s16, $0xb8;
	[tilespmem:$0x1C800] =	vst v63  }
0x54: {  	_ =	swait.ge [sflag:s23], $0x4000  }
0x55: {  	[sflag:s23] =	ssyncset.done $0x0  }
0x56: {  	[sflag:s23] =	ssyncadd.s32 $0xFFFFC000  }
0x57: {  	[tilespmem:s17], [sflag:$0x2] =	stream.indirect.gather [hbm4b:s4+s16], $0x80, s24, s16, $0xb8;
	[tilespmem:$0x1C800] =	vst v63  }
0x58: {  	_ =	swait.ge [sflag:s18], $0x4000  }
0x59: {  	[sflag:s18] =	ssyncset.done $0x0  }
0x5a: {  	[sflag:s18] =	ssyncadd.s32 $0xFFFFC000  }
0x5b: {  	[spmem:s2] =	stream.indirect.scatter.add.f32 [tilespmem:s13], [sflag:$0x3], $0x80, s25, s16, $0xb8;
	[tilespmem:$0x1C800] =	vst v63  }
0x5c: {  	_ =	swait.ge [sflag:s19], $0x4000  }
0x5d: {  	[sflag:s19] =	ssyncset.done $0x0  }
0x5e: {  	[sflag:s19] =	ssyncadd.s32 $0xFFFFC000  }
0x5f: {  	[tilespmem:s13], [sflag:$0x1] =	stream.indirect.gather [hbm4b:s4+s16], $0x80, s26, s16, $0xb8;
	[tilespmem:$0x1C800] =	vst v63  }
0x60: {  	_ =	swait.ge [sflag:s21], $0x4000  }
0x61: {  	[sflag:s21] =	ssyncset.done $0x0  }
0x62: {  	[sflag:s21] =	ssyncadd.s32 $0xFFFFC000  }
0x63: {  	[spmem:s2] =	stream.indirect.scatter.add.f32 [tilespmem:s17], [sflag:$0x4], $0x80, s28, s16, $0xb8;
	[tilespmem:$0x1C800] =	vst v63  }
0x64: {  	_ =	swait.ge [sflag:s23], $0x4000  }
0x65: {  	[sflag:s23] =	ssyncset.done $0x0  }
0x66: {  	[sflag:s23] =	ssyncadd.s32 $0xFFFFC000  }
0x67: {  	[tilespmem:s17], [sflag:$0x2] =	stream.indirect.gather [hbm4b:s4+s16], $0x80, s29, s16, $0xb8;
	[tilespmem:$0x1C800] =	vst v63  }
0x68: {  	_ =	swait.ge [sflag:s18], $0x4000  }
0x69: {  	[sflag:s18] =	ssyncset.done $0x0  }
0x6a: {  	[sflag:s18] =	ssyncadd.s32 $0xFFFFC000  }
0x6b: {  	[spmem:s2] =	stream.indirect.scatter.add.f32 [tilespmem:s13], [sflag:$0x3], $0x80, s30, s16, $0xb8;
	[tilespmem:$0x1C800] =	vst v63  }
0x6c: {  	_ =	swait.ge [sflag:s19], $0x4000  }
0x6d: {  	[sflag:s19] =	ssyncset.done $0x0  }
0x6e: {  	[sflag:s19] =	ssyncadd.s32 $0xFFFFC000  }
0x6f: {  	[tilespmem:s13], [sflag:$0x1] =	stream.indirect.gather [hbm4b:s4+s16], $0x80, s31, s16, $0xb8;
	[tilespmem:$0x1C800] =	vst v63  }
0x70: {  	_ =	swait.ge [sflag:s21], $0x4000  }
0x71: {  	[sflag:s21] =	ssyncset.done $0x0  }
0x72: {  	[sflag:s21] =	ssyncadd.s32 $0xFFFFC000  }
0x73: {  	[spmem:s2] =	stream.indirect.scatter.add.f32 [tilespmem:s17], [sflag:$0x4], $0x80, s1, s16, $0xb8;
	[tilespmem:$0x1C800] =	vst v63  }
0x74: {  	_ =	swait.ge [sflag:s23], $0x4000  }
0x75: {  	[sflag:s23] =	ssyncset.done $0x0  }
0x76: {  	[sflag:s23] =	ssyncadd.s32 $0xFFFFC000  }
0x77: {  	[tilespmem:s17], [sflag:$0x2] =	stream.indirect.gather [hbm4b:s4+s16], $0x80, s0, s16, $0xb8;
	[tilespmem:$0x1C800] =	vst v63  }
0x78: {  	_ =	swait.ge [sflag:s18], $0x4000  }
0x79: {  	[sflag:s18] =	ssyncset.done $0x0  }
0x7a: {  	[sflag:s18] =	ssyncadd.s32 $0xFFFFC000  }
0x7b: {  	[spmem:s2] =	stream.indirect.scatter.add.f32 [tilespmem:s13], [sflag:$0x3], $0x80, s6, s16, $0xb8;
	[tilespmem:$0x1C800] =	vst v63  }
0x7c: {  	_ =	swait.ge [sflag:s21], $0x4000  }
0x7d: {  	[sflag:s21] =	ssyncset.done $0x0  }
0x7e: {  	[sflag:s21] =	ssyncadd.s32 $0xFFFFC000  }
0x7f: {  	[spmem:s2] =	stream.indirect.scatter.add.f32 [tilespmem:s17], [sflag:$0x4], $0x80, s7, s16, $0xb8;
	[tilespmem:$0x1C800] =	vst v63  }
0x80: {  	_ =	swait.ge [sflag:s19], $0x4000  }
0x81: {  	[sflag:s19] =	ssyncset.done $0x0  }
0x82: {  	[sflag:s19] =	ssyncadd.s32 $0xFFFFC000  }
0x83: {  	_ =	swait.ge [sflag:s23], $0x4000  }
0x84: {  	s10 =	simm.s32 $0x100;
	s9 =	simm.s32 $0x80;
	[sflag:s23] =	ssyncset.done $0x0  }
.LBB2_4:
0x85: {  	s5 =	sadd.s32 s9, s12;
	[sflag:s23] =	ssyncadd.s32 $0xFFFFC000  }
0x86: {  	[tilespmem:s15], [sflag:$0x5] =	stream.linear.gather [hbm4b:s5+s3], $0x400, $0x38;
	[tilespmem:$0x1C800] =	vst v63  }
0x87: {  	s8 =	smov.u32 s10;
	s11 =	sadd.s32 $0x80, s10;
	_ =	swait.ge [sflag:s14], $0x400  }
0x88: {  	p0 =	sne.s32 s10, $0x480;
	s10 =	rddreg [dreg:$0x3];
	[sflag:s14] =	ssyncset.done $0x0  }
0x89: {  	[sflag:s14] =	ssyncadd.s32 $0xFFFFFC00;
	s5 =	sadd.s32 s9, s10  }
0x8a: {  	[tilespmem:s3], [sflag:$0x5] =	stream.linear.gather [hbm4b:s5+s3], $0x400, $0x38;
	[tilespmem:$0x1C800] =	vst v63  }
0x8b: {  	_ =	swait.ge [sflag:s14], $0x400  }
0x8c: {  	[sflag:s14] =	ssyncset.done $0x0  }
0x8d: {  	[sflag:s14] =	ssyncadd.s32 $0xFFFFFC00  }
0x8e: {  	[tilespmem:s13], [sflag:$0x1] =	stream.indirect.gather [hbm4b:s4+s16], $0x80, s3, s16, $0xb8;
	[tilespmem:$0x1C800] =	vst v63  }
0x8f: {  	_ = 	snop  }
0x90: {  	[tilespmem:s17], [sflag:$0x2] =	stream.indirect.gather [hbm4b:s4+s16], $0x80, s16, s16, $0xb8;
	[tilespmem:$0x1C800] =	vst v63  }
0x91: {  	_ =	swait.ge [sflag:s18], $0x4000  }
0x92: {  	[sflag:s18] =	ssyncset.done $0x0  }
0x93: {  	[sflag:s18] =	ssyncadd.s32 $0xFFFFC000  }
0x94: {  	[spmem:s2] =	stream.indirect.scatter.add.f32 [tilespmem:s13], [sflag:$0x3], $0x80, s15, s16, $0xb8;
	[tilespmem:$0x1C800] =	vst v63  }
0x95: {  	_ =	swait.ge [sflag:s19], $0x4000  }
0x96: {  	[sflag:s19] =	ssyncset.done $0x0  }
0x97: {  	[sflag:s19] =	ssyncadd.s32 $0xFFFFC000  }
0x98: {  	[tilespmem:s13], [sflag:$0x1] =	stream.indirect.gather [hbm4b:s4+s16], $0x80, s20, s16, $0xb8;
	[tilespmem:$0x1C800] =	vst v63  }
0x99: {  	_ =	swait.ge [sflag:s21], $0x4000  }
0x9a: {  	[sflag:s21] =	ssyncset.done $0x0  }
0x9b: {  	[sflag:s21] =	ssyncadd.s32 $0xFFFFC000  }
0x9c: {  	[spmem:s2] =	stream.indirect.scatter.add.f32 [tilespmem:s17], [sflag:$0x4], $0x80, s22, s16, $0xb8;
	[tilespmem:$0x1C800] =	vst v63  }
0x9d: {  	_ =	swait.ge [sflag:s23], $0x4000  }
0x9e: {  	[sflag:s23] =	ssyncset.done $0x0  }
0x9f: {  	[sflag:s23] =	ssyncadd.s32 $0xFFFFC000  }
0xa0: {  	[tilespmem:s17], [sflag:$0x2] =	stream.indirect.gather [hbm4b:s4+s16], $0x80, s24, s16, $0xb8;
	[tilespmem:$0x1C800] =	vst v63  }
0xa1: {  	_ =	swait.ge [sflag:s18], $0x4000  }
0xa2: {  	[sflag:s18] =	ssyncset.done $0x0  }
0xa3: {  	[sflag:s18] =	ssyncadd.s32 $0xFFFFC000  }
0xa4: {  	[spmem:s2] =	stream.indirect.scatter.add.f32 [tilespmem:s13], [sflag:$0x3], $0x80, s25, s16, $0xb8;
	[tilespmem:$0x1C800] =	vst v63  }
0xa5: {  	_ =	swait.ge [sflag:s19], $0x4000  }
0xa6: {  	[sflag:s19] =	ssyncset.done $0x0  }
0xa7: {  	[sflag:s19] =	ssyncadd.s32 $0xFFFFC000  }
0xa8: {  	[tilespmem:s13], [sflag:$0x1] =	stream.indirect.gather [hbm4b:s4+s16], $0x80, s26, s16, $0xb8;
	[tilespmem:$0x1C800] =	vst v63  }
0xa9: {  	_ =	swait.ge [sflag:s21], $0x4000  }
0xaa: {  	[sflag:s21] =	ssyncset.done $0x0  }
0xab: {  	[sflag:s21] =	ssyncadd.s32 $0xFFFFC000  }
0xac: {  	[spmem:s2] =	stream.indirect.scatter.add.f32 [tilespmem:s17], [sflag:$0x4], $0x80, s28, s16, $0xb8;
	[tilespmem:$0x1C800] =	vst v63  }
0xad: {  	_ =	swait.ge [sflag:s23], $0x4000  }
0xae: {  	[sflag:s23] =	ssyncset.done $0x0  }
0xaf: {  	[sflag:s23] =	ssyncadd.s32 $0xFFFFC000  }
0xb0: {  	[tilespmem:s17], [sflag:$0x2] =	stream.indirect.gather [hbm4b:s4+s16], $0x80, s29, s16, $0xb8;
	[tilespmem:$0x1C800] =	vst v63  }
0xb1: {  	_ =	swait.ge [sflag:s18], $0x4000  }
0xb2: {  	[sflag:s18] =	ssyncset.done $0x0  }
0xb3: {  	[sflag:s18] =	ssyncadd.s32 $0xFFFFC000  }
0xb4: {  	[spmem:s2] =	stream.indirect.scatter.add.f32 [tilespmem:s13], [sflag:$0x3], $0x80, s30, s16, $0xb8;
	[tilespmem:$0x1C800] =	vst v63  }
0xb5: {  	_ =	swait.ge [sflag:s19], $0x4000  }
0xb6: {  	[sflag:s19] =	ssyncset.done $0x0  }
0xb7: {  	[sflag:s19] =	ssyncadd.s32 $0xFFFFC000  }
0xb8: {  	[tilespmem:s13], [sflag:$0x1] =	stream.indirect.gather [hbm4b:s4+s16], $0x80, s31, s16, $0xb8;
	[tilespmem:$0x1C800] =	vst v63  }
0xb9: {  	_ =	swait.ge [sflag:s21], $0x4000  }
0xba: {  	[sflag:s21] =	ssyncset.done $0x0  }
0xbb: {  	[sflag:s21] =	ssyncadd.s32 $0xFFFFC000  }
0xbc: {  	[spmem:s2] =	stream.indirect.scatter.add.f32 [tilespmem:s17], [sflag:$0x4], $0x80, s1, s16, $0xb8;
	[tilespmem:$0x1C800] =	vst v63  }
0xbd: {  	_ =	swait.ge [sflag:s23], $0x4000  }
0xbe: {  	[sflag:s23] =	ssyncset.done $0x0  }
0xbf: {  	[sflag:s23] =	ssyncadd.s32 $0xFFFFC000  }
0xc0: {  	[tilespmem:s17], [sflag:$0x2] =	stream.indirect.gather [hbm4b:s4+s16], $0x80, s0, s16, $0xb8;
	[tilespmem:$0x1C800] =	vst v63  }
0xc1: {  	_ =	swait.ge [sflag:s18], $0x4000  }
0xc2: {  	[sflag:s18] =	ssyncset.done $0x0  }
0xc3: {  	[sflag:s18] =	ssyncadd.s32 $0xFFFFC000  }
0xc4: {  	[spmem:s2] =	stream.indirect.scatter.add.f32 [tilespmem:s13], [sflag:$0x3], $0x80, s6, s16, $0xb8;
	[tilespmem:$0x1C800] =	vst v63  }
0xc5: {  	_ =	swait.ge [sflag:s21], $0x4000  }
0xc6: {  	[sflag:s21] =	ssyncset.done $0x0  }
0xc7: {  	[sflag:s21] =	ssyncadd.s32 $0xFFFFC000  }
0xc8: {  	[spmem:s2] =	stream.indirect.scatter.add.f32 [tilespmem:s17], [sflag:$0x4], $0x80, s7, s16, $0xb8;
	[tilespmem:$0x1C800] =	vst v63  }
.Ltmp1:
0xc9: {  	_ =	swait.ge [sflag:s19], $0x4000;
	(pc) =	sbr.rel @p0 .LBB2_4-.Ltmp1, $4  }
0xca: {  	[sflag:s19] =	ssyncset.done $0x0  }
0xcb: {  	[sflag:s19] =	ssyncadd.s32 $0xFFFFC000  }
0xcc: {  	_ =	swait.ge [sflag:s23], $0x4000  }
0xcd: {  	s9 =	smov.u32 s8;
	s10 =	smov.u32 s11;
	[sflag:s23] =	ssyncset.done $0x0  }
0xce: {  	s5 =	sadd.s32 s9, s12;
	[sflag:s23] =	ssyncadd.s32 $0xFFFFC000  }
0xcf: {  	[tilespmem:s15], [sflag:$0x5] =	stream.linear.gather [hbm4b:s5+s3], $0x400, $0x38;
	[tilespmem:$0x1C800] =	vst v63  }
0xd0: {  	_ =	swait.ge [sflag:s14], $0x400  }
0xd1: {  	s8 =	rddreg [dreg:$0x3];
	[sflag:s14] =	ssyncset.done $0x0  }
0xd2: {  	[sflag:s14] =	ssyncadd.s32 $0xFFFFFC00;
	s5 =	sadd.s32 s9, s8  }
0xd3: {  	[tilespmem:s3], [sflag:$0x5] =	stream.linear.gather [hbm4b:s5+s3], $0x400, $0x38;
	[tilespmem:$0x1C800] =	vst v63  }
0xd4: {  	_ =	swait.ge [sflag:s14], $0x400  }
0xd5: {  	[sflag:s14] =	ssyncset.done $0x0  }
0xd6: {  	[sflag:s14] =	ssyncadd.s32 $0xFFFFFC00  }
0xd7: {  	[tilespmem:s13], [sflag:$0x1] =	stream.indirect.gather [hbm4b:s4+s16], $0x80, s3, s16, $0xb8;
	[tilespmem:$0x1C800] =	vst v63  }
0xd8: {  	_ = 	snop  }
0xd9: {  	[tilespmem:s17], [sflag:$0x2] =	stream.indirect.gather [hbm4b:s4+s16], $0x80, s16, s16, $0xb8;
	[tilespmem:$0x1C800] =	vst v63  }
0xda: {  	_ =	swait.ge [sflag:s18], $0x4000  }
0xdb: {  	[sflag:s18] =	ssyncset.done $0x0  }
0xdc: {  	[sflag:s18] =	ssyncadd.s32 $0xFFFFC000  }
0xdd: {  	[spmem:s2] =	stream.indirect.scatter.add.f32 [tilespmem:s13], [sflag:$0x3], $0x80, s15, s16, $0xb8;
	[tilespmem:$0x1C800] =	vst v63  }
0xde: {  	_ =	swait.ge [sflag:s19], $0x4000  }
0xdf: {  	[sflag:s19] =	ssyncset.done $0x0  }
0xe0: {  	[sflag:s19] =	ssyncadd.s32 $0xFFFFC000  }
0xe1: {  	[tilespmem:s13], [sflag:$0x1] =	stream.indirect.gather [hbm4b:s4+s16], $0x80, s20, s16, $0xb8;
	[tilespmem:$0x1C800] =	vst v63  }
0xe2: {  	_ =	swait.ge [sflag:s21], $0x4000  }
0xe3: {  	[sflag:s21] =	ssyncset.done $0x0  }
0xe4: {  	[sflag:s21] =	ssyncadd.s32 $0xFFFFC000  }
0xe5: {  	[spmem:s2] =	stream.indirect.scatter.add.f32 [tilespmem:s17], [sflag:$0x4], $0x80, s22, s16, $0xb8;
	[tilespmem:$0x1C800] =	vst v63  }
0xe6: {  	_ =	swait.ge [sflag:s23], $0x4000  }
0xe7: {  	[sflag:s23] =	ssyncset.done $0x0  }
0xe8: {  	[sflag:s23] =	ssyncadd.s32 $0xFFFFC000  }
0xe9: {  	[tilespmem:s17], [sflag:$0x2] =	stream.indirect.gather [hbm4b:s4+s16], $0x80, s24, s16, $0xb8;
	[tilespmem:$0x1C800] =	vst v63  }
0xea: {  	_ =	swait.ge [sflag:s18], $0x4000  }
0xeb: {  	[sflag:s18] =	ssyncset.done $0x0  }
0xec: {  	[sflag:s18] =	ssyncadd.s32 $0xFFFFC000  }
0xed: {  	[spmem:s2] =	stream.indirect.scatter.add.f32 [tilespmem:s13], [sflag:$0x3], $0x80, s25, s16, $0xb8;
	[tilespmem:$0x1C800] =	vst v63  }
0xee: {  	_ =	swait.ge [sflag:s19], $0x4000  }
0xef: {  	[sflag:s19] =	ssyncset.done $0x0  }
0xf0: {  	[sflag:s19] =	ssyncadd.s32 $0xFFFFC000  }
0xf1: {  	[tilespmem:s13], [sflag:$0x1] =	stream.indirect.gather [hbm4b:s4+s16], $0x80, s26, s16, $0xb8;
	[tilespmem:$0x1C800] =	vst v63  }
0xf2: {  	_ =	swait.ge [sflag:s21], $0x4000  }
0xf3: {  	[sflag:s21] =	ssyncset.done $0x0  }
0xf4: {  	[sflag:s21] =	ssyncadd.s32 $0xFFFFC000  }
0xf5: {  	[spmem:s2] =	stream.indirect.scatter.add.f32 [tilespmem:s17], [sflag:$0x4], $0x80, s28, s16, $0xb8;
	[tilespmem:$0x1C800] =	vst v63  }
0xf6: {  	_ =	swait.ge [sflag:s23], $0x4000  }
0xf7: {  	[sflag:s23] =	ssyncset.done $0x0  }
0xf8: {  	[sflag:s23] =	ssyncadd.s32 $0xFFFFC000  }
0xf9: {  	[tilespmem:s17], [sflag:$0x2] =	stream.indirect.gather [hbm4b:s4+s16], $0x80, s29, s16, $0xb8;
	[tilespmem:$0x1C800] =	vst v63  }
0xfa: {  	_ =	swait.ge [sflag:s18], $0x4000  }
0xfb: {  	[sflag:s18] =	ssyncset.done $0x0  }
0xfc: {  	[sflag:s18] =	ssyncadd.s32 $0xFFFFC000  }
0xfd: {  	[spmem:s2] =	stream.indirect.scatter.add.f32 [tilespmem:s13], [sflag:$0x3], $0x80, s30, s16, $0xb8;
	[tilespmem:$0x1C800] =	vst v63  }
0xfe: {  	_ =	swait.ge [sflag:s19], $0x4000  }
0xff: {  	[sflag:s19] =	ssyncset.done $0x0  }
0x100: {  	[sflag:s19] =	ssyncadd.s32 $0xFFFFC000  }
0x101: {  	[tilespmem:s13], [sflag:$0x1] =	stream.indirect.gather [hbm4b:s4+s16], $0x80, s31, s16, $0xb8;
	[tilespmem:$0x1C800] =	vst v63  }
0x102: {  	_ =	swait.ge [sflag:s21], $0x4000  }
0x103: {  	[sflag:s21] =	ssyncset.done $0x0  }
0x104: {  	[sflag:s21] =	ssyncadd.s32 $0xFFFFC000  }
0x105: {  	[spmem:s2] =	stream.indirect.scatter.add.f32 [tilespmem:s17], [sflag:$0x4], $0x80, s1, s16, $0xb8;
	[tilespmem:$0x1C800] =	vst v63  }
0x106: {  	_ =	swait.ge [sflag:s23], $0x4000  }
0x107: {  	[sflag:s23] =	ssyncset.done $0x0  }
0x108: {  	[sflag:s23] =	ssyncadd.s32 $0xFFFFC000  }
0x109: {  	[tilespmem:s17], [sflag:$0x2] =	stream.indirect.gather [hbm4b:s4+s16], $0x80, s0, s16, $0xb8;
	[tilespmem:$0x1C800] =	vst v63  }
0x10a: {  	_ =	swait.ge [sflag:s18], $0x4000  }
0x10b: {  	[sflag:s18] =	ssyncset.done $0x0  }
0x10c: {  	[sflag:s18] =	ssyncadd.s32 $0xFFFFC000  }
0x10d: {  	[spmem:s2] =	stream.indirect.scatter.add.f32 [tilespmem:s13], [sflag:$0x3], $0x80, s6, s16, $0xb8;
	[tilespmem:$0x1C800] =	vst v63  }
0x10e: {  	_ =	swait.ge [sflag:s21], $0x4000  }
0x10f: {  	[sflag:s21] =	ssyncset.done $0x0  }
0x110: {  	[sflag:s21] =	ssyncadd.s32 $0xFFFFC000  }
0x111: {  	[spmem:s2] =	stream.indirect.scatter.add.f32 [tilespmem:s17], [sflag:$0x4], $0x80, s7, s16, $0xb8;
	[tilespmem:$0x1C800] =	vst v63  }
0x112: {  	_ =	swait.ge [sflag:s19], $0x4000  }
0x113: {  	[sflag:s19] =	ssyncset.done $0x0  }
0x114: {  	[sflag:s19] =	ssyncadd.s32 $0xFFFFC000  }
0x115: {  	_ =	swait.ge [sflag:s23], $0x4000  }
0x116: {  	[sflag:s23] =	ssyncset.done $0x0  }
0x117: {  	[sflag:s23] =	ssyncadd.s32 $0xFFFFC000  }
0x118: {  	s9 =	stileid.u32;
	[bflag:$0x0] =	sbarrier.arrive $0xFFFF  }
0x119: {  	s5 =	sshll.u32 s9, $0x6;
	s11 =	rddreg [dreg:$0x4]  }
0x11a: {  	s5 =	sor.u32 $0x1C05, s5;
	s10 =	rddreg [dreg:$0x9];
	s8 =	sshrl.u32 s11, $0x3  }
0x11b: {  	[hbm:s10], [sflag:s5] =	dma.local [spmem:s8], $0x2800  }
0x11c: {  	_ =	swait.ge [sflag:s14], $0x2800  }
0x11d: {  	s9 =	rddreg [dreg:$0xb]  }
0x11e: {  	s10 =	rddreg [dreg:$0xa];
	s8 =	sadd.s32 $0x1, s9  }
0x11f: {  	p0 =	sne.s32 s8, s10  }
.Ltmp2:
0x120: {  	_ = 	snop;
	(pc) =	sbr.rel @p0 .LBB2_1-.Ltmp2, $3  }
0x121: {  	_ =	sdelay $0x1  }
0x122: {  	[sflag:s14] =	ssyncset.done $0x0  }
0x123: {  	[sflag:s14] =	ssyncadd.s32 $0xFFFFD800  }
0x124: {  	_ =	sfence.sel $0x180000  }
0x125: {  	[bflag:$0x0] =	sbarrier.arrive $0xFFFF  }
0x126: {  	_ =	strace $0x9000004D  }
0x127: {  	s0 =	stileid.u32;
	[bflag:$0x2] =	sbarrier.arrive $0xFFFF  }
0x128: {  	p0 =	sne.s32 s0, $0x0;
	s0 =	rddreg [dreg:$0x2]  }
0x129: {  	s0 =	sadd.s32 @!p0 $0x100000, s0  }
0x12a: {  	[sflag:s0] =	ssyncadd.tile.s32 @!p0 $0x1;
	_ =	shalt  }
.Lfunc_end2:
_tile_overlayer_lowered:
.L_overlay_start_2:
0x12b: {  	(tag) =	ssettag $0x2  }
0x12c: {  	s0 =	rddreg [dreg:$0x0];
	s2 =	stileid.u32  }
0x12d: {  	s1 =	rddreg [dreg:$0x1];
	p0 =	sne.s32 s2, $0x0  }
0x12e: {  	s3 =	rddreg [dreg:$0x2];
	[bflag:$0x3] =	sbarrier.arrive $0xFFFF;
	s2 =	simm.s32 @!p0 $0x1C05  }
0x12f: {  	[timem:s3], [sflag:s2] =	dma.local @!p0 [hbm:s0], s1  }
0x130: {  	s0 =	simm.s32 @!p0 $0x5  }
0x131: {  	_ =	swait.ge @!p0 [sflag:s0], s1  }
0x132: {  	s1 =	ssub.s32 @!p0 $0x0, s1;
	[sflag:s0] =	ssyncset.done @!p0 $0x0  }
0x133: {  	[sflag:s0] =	ssyncadd.s32 @!p0 s1  }
0x134: {  	[bflag:$0x3] =	sbarrier.arrive $0xFFFF  }
0x135: {  	_ =	shalt  }

// kernel: kernel.18.cloned.1.call-start
scs
__scs_entry_jumppad:
0x0: {  	(pc) =	sbr.rel $0x88, $3  }
0x1: {  	(tag) =	ssettag $0x0;
	lr =	simm.s32 $0x1  }
0x2: {  	[smem:$0x3F86] =	sst lr;
	_ =	strace $0xD0000000  }
0x3: {  	_ = 	snop  }
0x4: {  	_ = 	snop  }
0x5: {  	_ = 	snop  }
0x6: {  	_ = 	snop  }
0x7: {  	_ = 	snop  }
__scs_overlays_trampoline_lowered:
0x8: {  	[smem:$0x3F95] =	sst s0  }
0x9: {  	[smem:$0x3F96] =	sst s1  }
0xa: {  	[smem:$0x3F97] =	sst s2  }
0xb: {  	[smem:$0x3F98] =	sst s3  }
0xc: {  	[smem:$0x3F99] =	sst s4  }
0xd: {  	[smem:$0x3F9A] =	sst s5  }
0xe: {  	[smem:$0x3F9B] =	sst s6  }
0xf: {  	[smem:$0x3F9C] =	sst s7  }
0x10: {  	[smem:$0x3F9D] =	sst s8  }
0x11: {  	[smem:$0x3F9E] =	sst s9;
	s0 =	simm.s32 @!p0 $0x0  }
0x12: {  	s1 =	sld [smem:$0x3F84];
	s0 =	simm.s32 @p0 $0x1  }
0x13: {  	[smem:$0x3F9F] =	sst s0;
	s0 =	simm.s32 @!p1 $0x0  }
0x14: {  	s2 =	sld [smem:$0x3F83];
	s0 =	simm.s32 @p1 $0x1  }
0x15: {  	[smem:$0x3FA0] =	sst s0;
	s0 =	simm.s32 @!p2 $0x0  }
0x16: {  	s3 =	sld [smem:$0x3FDB];
	s0 =	simm.s32 @p2 $0x1  }
0x17: {  	s4 =	simm.s32 $0x1BF5;
	[smem:$0x3FA2] =	sst s0  }
0x18: {  	s0 =	sld [smem:$0x3F85];
	_ =	swait.ge [sflag:s4], $0x0  }
0x19: {  	s7 =	sld [smem:$0x3F86]  }
0x1a: {  	s8 =	sadd.s32 $0xFFFFE003, lr  }
0x1b: {  	s9 =	sadd.s32 $0xFFFFFEF7, lr;
	s5 =	simm.s32 $0xFFFFFFFF;
	p2 =	slt.u32 s8, $0xFFFFF086  }
0x1c: {  	p1 =	slt.u32 s9, $0xF7A;
	s5 =	simm.s32 @!p2 $0x0  }
0x1d: {  	s5 =	simm.s32 @p1 $0x1;
	p0 =	seq.s32 s7, s2  }
0x1e: {  	s7 =	smul.u32 @!p0 $0xF7A, s2;
	p2 =	seq.s32 @!p0 s5, $0x0  }
0x1f: {  	s9 =	smul.u32 $0xF7A, s1;
	s8 =	simm.s32 @!p0 $0x1BF5;
	p2 =	por !p2, p0  }
0x20: {  	[sflag:s8] =	ssyncset.s32 @!p0 $0xFFFFF086;
	s6 =	sadd.s32 @!p0 s3, s7;
	s7 =	simm.s32 @!p0 $0x108  }
0x21: {  	s3 =	sadd.s32 s3, s9;
	s6 =	sadd.s32 @!p0 $0x88, s6;
	s7 =	simm.s32 @p2 $0x1082  }
0x22: {  	[simem:s7], [sflag:s8] =	dma.local @!p0 [hbm:s6], $0xF7A  }
0x23: {  	s9 =	sor.u32 $0xD0000000, s2;
	s6 =	simm.s32 $0x108;
	_ =	swait.ge @!p0 [sflag:s8], $0x0  }
0x24: {  	s3 =	sadd.s32 $0x88, s3;
	s6 =	simm.s32 @!p1 $0x1082;
	[sflag:s4] =	ssyncset.s32 $0xFFFFF086  }
0x25: {  	[simem:s6], [sflag:s4] =	dma.local [hbm:s3], $0xF7A  }
0x26: {  	[smem:$0x3F86] =	sst s1;
	(tag) =	ssettag s2;
	_ =	strace s9  }
0x27: {  	s1 =	sld [smem:$0x3F96]  }
0x28: {  	s2 =	sld [smem:$0x3F97]  }
0x29: {  	s4 =	sld [smem:$0x3F99]  }
0x2a: {  	p0 =	seq.s32 s5, $0x0;
	s5 =	sld [smem:$0x3F9A]  }
0x2b: {  	s6 =	sld [smem:$0x3F9B]  }
0x2c: {  	s7 =	sld [smem:$0x3F9C]  }
0x2d: {  	s3 =	simm.s32 $0x108;
	s8 =	sld [smem:$0x3F9D]  }
0x2e: {  	s3 =	simm.s32 @!p0 $0x1082;
	s9 =	sld [smem:$0x3F9E]  }
0x2f: {  	lr =	sadd.s32 s0, s3;
	s0 =	sld [smem:$0x3F95]  }
0x30: {  	s3 =	sld [smem:$0x3F98]  }
0x31: {  	[smem:$0x3FA1] =	sst s10  }
0x32: {  	s10 =	sld [smem:$0x3F9F];
	_ =	sdelay $0x3  }
0x33: {  	p0 =	seq.s32 s10, $0x1;
	s10 =	sld [smem:$0x3FA1];
	_ =	sdelay $0x3  }
0x34: {  	[smem:$0x3FA1] =	sst s10  }
0x35: {  	s10 =	sld [smem:$0x3FA0];
	_ =	sdelay $0x3  }
0x36: {  	p1 =	seq.s32 s10, $0x1;
	s10 =	sld [smem:$0x3FA1];
	_ =	sdelay $0x3  }
0x37: {  	[smem:$0x3FA1] =	sst s10  }
0x38: {  	s10 =	sld [smem:$0x3FA2]  }
0x39: {  	_ = 	snop;
	(pc) =	sbr.ind lr, $3  }
0x3a: {  	_ = 	snop  }
0x3b: {  	_ = 	snop  }
0x3c: {  	p2 =	seq.s32 s10, $0x1;
	s10 =	sld [smem:$0x3FA1]  }
0x3d: {  	_ =	shalt  }
0x3e: {  	_ =	shalt  }
0x3f: {  	_ =	shalt  }
0x40: {  	_ =	shalt  }
0x41: {  	_ =	shalt  }
0x42: {  	_ =	shalt  }
0x43: {  	_ =	shalt  }
0x44: {  	_ =	shalt  }
0x45: {  	_ =	shalt  }
0x46: {  	_ =	shalt  }
0x47: {  	_ =	shalt  }
0x48: {  	_ =	shalt  }
0x49: {  	_ =	shalt  }
0x4a: {  	_ =	shalt  }
0x4b: {  	_ =	shalt  }
0x4c: {  	_ =	shalt  }
0x4d: {  	_ =	shalt  }
0x4e: {  	_ =	shalt  }
0x4f: {  	_ =	shalt  }
0x50: {  	_ =	shalt  }
0x51: {  	_ =	shalt  }
0x52: {  	_ =	shalt  }
0x53: {  	_ =	shalt  }
0x54: {  	_ =	shalt  }
0x55: {  	_ =	shalt  }
0x56: {  	_ =	shalt  }
0x57: {  	_ =	shalt  }
0x58: {  	_ =	shalt  }
0x59: {  	_ =	shalt  }
0x5a: {  	_ =	shalt  }
0x5b: {  	_ =	shalt  }
0x5c: {  	_ =	shalt  }
0x5d: {  	_ =	shalt  }
0x5e: {  	_ =	shalt  }
0x5f: {  	_ =	shalt  }
0x60: {  	_ =	shalt  }
0x61: {  	_ =	shalt  }
0x62: {  	_ =	shalt  }
0x63: {  	_ =	shalt  }
0x64: {  	_ =	shalt  }
0x65: {  	_ =	shalt  }
0x66: {  	_ =	shalt  }
0x67: {  	_ =	shalt  }
0x68: {  	_ =	shalt  }
0x69: {  	_ =	shalt  }
0x6a: {  	_ =	shalt  }
0x6b: {  	_ =	shalt  }
0x6c: {  	_ =	shalt  }
0x6d: {  	_ =	shalt  }
0x6e: {  	_ =	shalt  }
0x6f: {  	_ =	shalt  }
0x70: {  	_ =	shalt  }
0x71: {  	_ =	shalt  }
0x72: {  	_ =	shalt  }
0x73: {  	_ =	shalt  }
0x74: {  	_ =	shalt  }
0x75: {  	_ =	shalt  }
0x76: {  	_ =	shalt  }
0x77: {  	_ =	shalt  }
0x78: {  	_ =	shalt  }
0x79: {  	_ =	shalt  }
0x7a: {  	_ =	shalt  }
0x7b: {  	_ =	shalt  }
0x7c: {  	_ =	shalt  }
0x7d: {  	_ =	shalt  }
0x7e: {  	_ =	shalt  }
0x7f: {  	_ =	shalt  }
0x80: {  	_ =	shalt  }
0x81: {  	_ =	shalt  }
0x82: {  	_ =	shalt  }
0x83: {  	_ =	shalt  }
0x84: {  	_ =	shalt  }
0x85: {  	_ =	shalt  }
0x86: {  	_ =	shalt  }
0x87: {  	_ =	shalt  }
.Lfunc_end0:
.L_simem_size_0:
called_computation.3_lowered:
.L_overlay_start_0:
0x88: {  	s2 =	sld [smem:$0x3FD9]  }
0x89: {  	s3 =	sld [smem:$0x3FFE];
	_ =	sdelay $0x1  }
0x8a: {  	s1 =	srdreg.scid  }
0x8b: {  	s0 =	sand.u32 $0x1, s1  }
0x8c: {  	s16 =	sshll.u32 s0, $0xA;
	s2 =	sadd.s32 s3, s2  }
0x8d: {  	s2 =	sadd.s32 s2, s16  }
0x8e: {  	[smem:$0x3FAD] =	sst s2  }
0x8f: {  	_ = 	snop  }
0x90: {  	(tm) =	ssettm $0x1  }
0x91: {  	s17 =	sld [smem:$0x3FFB];
	_ =	sdelay $0x3  }
0x92: {  	_ =	strace s17  }
0x93: {  	s2 =	sld [smem:$0x3FFC];
	_ =	sdelay $0x3  }
0x94: {  	_ =	strace s2  }
0x95: {  	s2 =	sld [smem:$0x3FFD];
	_ =	sdelay $0x3  }
0x96: {  	_ =	strace s2  }
0x97: {  	_ =	strace $0x8FFFFFFF  }
0x98: {  	s18 =	sld [smem:$0x3FDB];
	_ =	sdelay $0x1  }
0x99: {  	s19 =	simm.s32 $_scs_section_size  }
0x9a: {  	s4 =	simm.s32 $_size__tile_overlayer_lowered;
	s5 =	simm.s32 $_tile_overlayer_lowered  }
0x9b: {  	s22 =	simm.s32 $0x1BFF;
	s21 =	sshll.u32 s5, $0x1;
	s2 =	sadd.s32 s19, s18  }
0x9c: {  	s6 =	simm.s32 $0x0;
	s20 =	sshll.u32 s4, $0x1;
	s4 =	sadd.s32 s21, s2  }
0x9d: {  	[timem:s6], [sflag:s22] =	dma.local [hbm:s4], s20  }
0x9e: {  	_ =	swait.ge [sflag:s22], s20  }
0x9f: {  	s3 =	ssub.s32 $0x0, s20;
	[sflag:s22] =	ssyncset.done $0x0  }
0xa0: {  	[sflag:s22] =	ssyncadd.s32 s3;
	_ =	sdelay $0x1  }
0xa1: {  	s23 =	simm.s32 $0x1B8B  }
0xa2: {  	_ =	swait.ge [sflag:s23], $0x1  }
0xa3: {  	[sflag:s23] =	ssyncset.done $0x0  }
0xa4: {  	s25 =	simm.s32 $0x1B8E;
	s24 =	sld [smem:$0x3FFE];
	[sflag:s23] =	ssyncadd.s32 $0xFFFFFFFF  }
0xa5: {  	s26 =	simm.s32 $execute0_lowered;
	[smem:$0x3FD2] =	sst s25  }
0xa6: {  	s4 =	sshll.u32 s26, $0x1;
	_ =	strace $0x8000004F;
	[dreg:$0x1] =	wrdreg $0xFFFFFFFF  }
0xa7: {  	s28 =	simm.s32 $_size_execute0_lowered;
	s2 =	sadd.s32 s2, s4;
	[dreg:$0x0] =	wrdreg $0x0  }
0xa8: {  	s4 =	sshll.u32 s28, $0x1;
	[dreg:$0x2] =	wrdreg s2  }
0xa9: {  	[dreg:$0x3] =	wrdreg s4  }
0xaa: {  	[dreg:$0x4] =	wrdreg $0xC0  }
0xab: {  	_ =	task [dreg:s6], $0x5FFFF  }
0xac: {  	[dreg:$0x1] =	wrdreg $0xFFFFFFFF  }
0xad: {  	[dreg:$0x0] =	wrdreg $0x60  }
0xae: {  	[dreg:$0x2] =	wrdreg s24  }
0xaf: {  	[dreg:$0x3] =	wrdreg $0x88000  }
0xb0: {  	[dreg:$0x4] =	wrdreg $0x9  }
0xb1: {  	_ =	task.clear_ibuf [dreg:s6], $0x5FFFF;
	_ =	strace $0x9000004F  }
0xb2: {  	s29 =	simm.s32 $0x9;
	_ =	strace $0x80000051  }
0xb3: {  	_ =	swait.ge [sflag:s29], $0x1  }
0xb4: {  	[sflag:s29] =	ssyncadd.s32 $0xFFFFFFFF  }
0xb5: {  	_ =	strace $0x90000051  }
0xb6: {  	_ =	sfence  }
0xb7: {  	s30 =	sld [smem:$0x0];
	_ =	sdelay $0x2  }
0xb8: {  	s31 =	sshll.u32 s1, $0xD;
	s1 =	sshrl.u32 s1, $0x2  }
0xb9: {  	s3 =	sand.u32 $0x4000, s31;
	s1 =	sadd.s32 s1, s30  }
0xba: {  	s0 =	sor.u32 s3, s0;
	s1 =	sshll.u32 s1, $0x11  }
0xbb: {  	s0 =	sor.u32 s1, s0  }
0xbc: {  	s0 =	sadd.s32 $0x8F2B, s0  }
0xbd: {  	[sflag:s0] =	ssyncadd.remote.s32 $0x1  }
0xbe: {  	_ =	sfence.sel $0xFFFF  }
0xbf: {  	[dreg:$0x0] =	wrdreg $0xFFFFFFFF;
	(pc) =	sbr.abs _section_cstart, $3  }
0xc0: {  	[dreg:$0x1] =	wrdreg $0xFFFFFFFF  }
0xc1: {  	_ =	task.clear_ibuf [dreg:s6], $0x2FFFF;
	_ =	strace $0x9FFFFFFF  }
0xc2: {  	(tm) =	ssettm $0x7FFFFFFF  }
0xc3: {  	_ =	shalt  }
tec
execute0_lowered:
.L_overlay_start_1:
0x0: {  	(tag) =	ssettag $0x1  }
0x1: {  	s0 =	srdreg.scid;
	s1 =	rddreg [dreg:$0x0]  }
0x2: {  	s8 =	stileid.u32;
	s2 =	rddreg [dreg:$0x1]  }
0x3: {  	s3 =	simm.s32 $0x0;
	s13 =	simm.s32 $0x800;
	s14 =	simm.s32 $0x5  }
0x4: {  	s15 =	simm.s32 $0x400;
	s16 =	simm.s32 $0x80;
	s4 =	smul.u32 $0x5000, s8  }
0x5: {  	s17 =	simm.s32 $0x4800;
	s18 =	simm.s32 $0x1;
	s19 =	smul.u32 $0x14000, s8  }
0x6: {  	s28 =	simm.s32 $0x580;
	s0 =	sand.u32 $0x1, s0;
	s8 =	smul.u32 $0x50000, s8  }
0x7: {  	s29 =	simm.s32 $0x280;
	s30 =	simm.s32 $0x600;
	s5 =	smul.u32 $0x2800, s0  }
0x8: {  	s31 =	simm.s32 $0x300;
	[smem:$0x7FF] =	sst s3;
	s6 =	smul.u32 $0x140000, s0  }
0x9: {  	_ =	strace $0x80000050;
	s0 =	ssub.s32 $0x2, s0;
	s20 =	sshrl.u32 s8, $0x2  }
0xa: {  	s21 =	sshrl.u32 s0, $0x1;
	s8 =	simm.s32 $0x0;
	s4 =	sadd.s32 s5, s4  }
0xb: {  	s5 =	sadd.s32 s19, s6;
	s11 =	sadd.s32 s20, s2;
	s0 =	ssub.s32 s0, s21  }
0xc: {  	s19 =	simm.s32 $0x3;
	s20 =	simm.s32 $0x100;
	s21 =	simm.s32 $0x2  }
0xd: {  	s6 =	simm.s32 $0x700;
	s22 =	sadd.s32 $0x4000, s11;
	[dreg:$0x4] =	wrdreg s11  }
0xe: {  	s7 =	sshrl.u32 s4, $0x3;
	s23 =	sadd.s32 $0x8000, s11;
	[dreg:$0x5] =	wrdreg s22  }
0xf: {  	s4 =	sadd.s32 $0x18600, s1;
	s24 =	sadd.s32 $0xC000, s11;
	[dreg:$0x6] =	wrdreg s23  }
0x10: {  	s5 =	sshrl.u32 s5, $0x3;
	s25 =	sadd.s32 $0x10000, s11;
	[dreg:$0x7] =	wrdreg s24  }
0x11: {  	s0 =	smax.u32 s0, $0x1;
	s7 =	sadd.s32 s7, s1;
	[dreg:$0x8] =	wrdreg s25  }
0x12: {  	s1 =	sadd.s32 s5, s1;
	[dreg:$0xa] =	wrdreg s0;
	s22 =	simm.s32 $0x480  }
0x13: {  	s23 =	simm.s32 $0x4;
	s24 =	simm.s32 $0x180;
	s25 =	simm.s32 $0x500  }
0x14: {  	s0 =	simm.s32 $0x380;
	s26 =	sadd.s32 $0xE600, s7;
	s1 =	sadd.s32 $0xD8600, s1  }
0x15: {  	s12 =	sadd.s32 $0x4600, s7;
	s7 =	simm.s32 $0x780;
	[dreg:$0x9] =	wrdreg s1  }
0x16: {  	v0 =	vimm.f32 $0.0e+00;
	[dreg:$0x3] =	wrdreg s26;
	s26 =	simm.s32 $0x200;
	s1 =	simm.s32 $0x680  }
.LBB2_1:
0x17: {  	s9 =	simm.s32 $0x0;
	s10 =	simm.s32 $0x200  }
.LBB2_2:
0x18: {  	p0 =	sne.s32 s10, $0xFE00;
	[tilespmem:s9+$0x870] =	vst v0  }
0x19: {  	[tilespmem:s9+$0x800] =	vst v0  }
0x1a: {  	[tilespmem:s9+$0x810] =	vst v0  }
.Ltmp0:
0x1b: {  	[tilespmem:s9+$0x820] =	vst v0;
	(pc) =	sbr.rel @p0 .LBB2_2-.Ltmp0, $4  }
0x1c: {  	[tilespmem:s9+$0x830] =	vst v0  }
0x1d: {  	[tilespmem:s9+$0x840] =	vst v0  }
0x1e: {  	[tilespmem:s9+$0x850] =	vst v0  }
0x1f: {  	[tilespmem:s9+$0x860] =	vst v0;
	s9 =	sshra.s32 s10, $0x2;
	s10 =	sadd.s32 $0x200, s10  }
0x20: {  	[tilespmem:s9+$0x870] =	vst v0  }
0x21: {  	[tilespmem:s9+$0x800] =	vst v0  }
0x22: {  	[tilespmem:s9+$0x810] =	vst v0  }
0x23: {  	[tilespmem:s9+$0x820] =	vst v0  }
0x24: {  	[tilespmem:s9+$0x830] =	vst v0  }
0x25: {  	[tilespmem:s9+$0x840] =	vst v0  }
0x26: {  	[tilespmem:s9+$0x850] =	vst v0  }
0x27: {  	[dreg:$0xb] =	wrdreg s8;
	[tilespmem:s9+$0x860] =	vst v0  }
0x28: {  	[spmem:s11] =	stream.linear.scatter [tilespmem:s13], [sflag:$0x5], $0x4000, $0x38;
	[tilespmem:$0x1C800] =	vst v63  }
0x29: {  	_ =	swait.ge [sflag:s14], $0x4000  }
0x2a: {  	[sflag:s14] =	ssyncset.done $0x0  }
0x2b: {  	s5 =	rddreg [dreg:$0x5];
	[sflag:s14] =	ssyncadd.s32 $0xFFFFC000  }
0x2c: {  	[spmem:s5] =	stream.linear.scatter [tilespmem:s13], [sflag:$0x5], $0x4000, $0x38;
	[tilespmem:$0x1C800] =	vst v63  }
0x2d: {  	_ =	swait.ge [sflag:s14], $0x4000  }
0x2e: {  	[sflag:s14] =	ssyncset.done $0x0  }
0x2f: {  	s11 =	rddreg [dreg:$0x6];
	[sflag:s14] =	ssyncadd.s32 $0xFFFFC000  }
0x30: {  	[spmem:s11] =	stream.linear.scatter [tilespmem:s13], [sflag:$0x5], $0x4000, $0x38;
	[tilespmem:$0x1C800] =	vst v63  }
0x31: {  	_ =	swait.ge [sflag:s14], $0x4000  }
0x32: {  	[sflag:s14] =	ssyncset.done $0x0  }
0x33: {  	s8 =	rddreg [dreg:$0x7];
	[sflag:s14] =	ssyncadd.s32 $0xFFFFC000  }
0x34: {  	[spmem:s8] =	stream.linear.scatter [tilespmem:s13], [sflag:$0x5], $0x4000, $0x38;
	[tilespmem:$0x1C800] =	vst v63  }
0x35: {  	_ =	swait.ge [sflag:s14], $0x4000  }
0x36: {  	[sflag:s14] =	ssyncset.done $0x0  }
0x37: {  	s9 =	rddreg [dreg:$0x8];
	[sflag:s14] =	ssyncadd.s32 $0xFFFFC000  }
0x38: {  	[spmem:s9] =	stream.linear.scatter [tilespmem:s13], [sflag:$0x5], $0x4000, $0x38;
	[tilespmem:$0x1C800] =	vst v63  }
0x39: {  	_ =	swait.ge [sflag:s14], $0x4000  }
0x3a: {  	[sflag:s14] =	ssyncset.done $0x0  }
0x3b: {  	[sflag:s14] =	ssyncadd.s32 $0xFFFFC000  }
0x3c: {  	s10 =	sadd.s32 $0x0, s12;
	[bflag:$0x0] =	sbarrier.arrive $0xFFFF  }
0x3d: {  	[tilespmem:s15], [sflag:$0x5] =	stream.linear.gather [hbm4b:s10+s3], $0x400, $0x38;
	[tilespmem:$0x1C800] =	vst v63  }
0x3e: {  	_ =	swait.ge [sflag:s14], $0x400  }
0x3f: {  	s11 =	rddreg [dreg:$0x3];
	[sflag:s14] =	ssyncset.done $0x0  }
0x40: {  	[sflag:s14] =	ssyncadd.s32 $0xFFFFFC00;
	s9 =	sadd.s32 $0x0, s11  }
0x41: {  	[tilespmem:s3], [sflag:$0x5] =	stream.linear.gather [hbm4b:s9+s3], $0x400, $0x38;
	[tilespmem:$0x1C800] =	vst v63  }
0x42: {  	_ =	swait.ge [sflag:s14], $0x400  }
0x43: {  	[sflag:s14] =	ssyncset.done $0x0  }
0x44: {  	[sflag:s14] =	ssyncadd.s32 $0xFFFFFC00  }
0x45: {  	[tilespmem:s13], [sflag:$0x1] =	stream.indirect.gather [hbm4b:s4+s16], $0x80, s3, s16, $0xb8;
	[tilespmem:$0x1C800] =	vst v63  }
0x46: {  	_ = 	snop  }
0x47: {  	[tilespmem:s17], [sflag:$0x2] =	stream.indirect.gather [hbm4b:s4+s16], $0x80, s16, s16, $0xb8;
	[tilespmem:$0x1C800] =	vst v63  }
0x48: {  	_ =	swait.ge [sflag:s18], $0x4000  }
0x49: {  	[sflag:s18] =	ssyncset.done $0x0  }
0x4a: {  	[sflag:s18] =	ssyncadd.s32 $0xFFFFC000  }
0x4b: {  	[spmem:s2] =	stream.indirect.scatter.add.f32 [tilespmem:s13], [sflag:$0x3], $0x80, s15, s16, $0xb8;
	[tilespmem:$0x1C800] =	vst v63  }
0x4c: {  	_ =	swait.ge [sflag:s19], $0x4000  }
0x4d: {  	[sflag:s19] =	ssyncset.done $0x0  }
0x4e: {  	[sflag:s19] =	ssyncadd.s32 $0xFFFFC000  }
0x4f: {  	[tilespmem:s13], [sflag:$0x1] =	stream.indirect.gather [hbm4b:s4+s16], $0x80, s20, s16, $0xb8;
	[tilespmem:$0x1C800] =	vst v63  }
0x50: {  	_ =	swait.ge [sflag:s21], $0x4000  }
0x51: {  	[sflag:s21] =	ssyncset.done $0x0  }
0x52: {  	[sflag:s21] =	ssyncadd.s32 $0xFFFFC000  }
0x53: {  	[spmem:s2] =	stream.indirect.scatter.add.f32 [tilespmem:s17], [sflag:$0x4], $0x80, s22, s16, $0xb8;
	[tilespmem:$0x1C800] =	vst v63  }
0x54: {  	_ =	swait.ge [sflag:s23], $0x4000  }
0x55: {  	[sflag:s23] =	ssyncset.done $0x0  }
0x56: {  	[sflag:s23] =	ssyncadd.s32 $0xFFFFC000  }
0x57: {  	[tilespmem:s17], [sflag:$0x2] =	stream.indirect.gather [hbm4b:s4+s16], $0x80, s24, s16, $0xb8;
	[tilespmem:$0x1C800] =	vst v63  }
0x58: {  	_ =	swait.ge [sflag:s18], $0x4000  }
0x59: {  	[sflag:s18] =	ssyncset.done $0x0  }
0x5a: {  	[sflag:s18] =	ssyncadd.s32 $0xFFFFC000  }
0x5b: {  	[spmem:s2] =	stream.indirect.scatter.add.f32 [tilespmem:s13], [sflag:$0x3], $0x80, s25, s16, $0xb8;
	[tilespmem:$0x1C800] =	vst v63  }
0x5c: {  	_ =	swait.ge [sflag:s19], $0x4000  }
0x5d: {  	[sflag:s19] =	ssyncset.done $0x0  }
0x5e: {  	[sflag:s19] =	ssyncadd.s32 $0xFFFFC000  }
0x5f: {  	[tilespmem:s13], [sflag:$0x1] =	stream.indirect.gather [hbm4b:s4+s16], $0x80, s26, s16, $0xb8;
	[tilespmem:$0x1C800] =	vst v63  }
0x60: {  	_ =	swait.ge [sflag:s21], $0x4000  }
0x61: {  	[sflag:s21] =	ssyncset.done $0x0  }
0x62: {  	[sflag:s21] =	ssyncadd.s32 $0xFFFFC000  }
0x63: {  	[spmem:s2] =	stream.indirect.scatter.add.f32 [tilespmem:s17], [sflag:$0x4], $0x80, s28, s16, $0xb8;
	[tilespmem:$0x1C800] =	vst v63  }
0x64: {  	_ =	swait.ge [sflag:s23], $0x4000  }
0x65: {  	[sflag:s23] =	ssyncset.done $0x0  }
0x66: {  	[sflag:s23] =	ssyncadd.s32 $0xFFFFC000  }
0x67: {  	[tilespmem:s17], [sflag:$0x2] =	stream.indirect.gather [hbm4b:s4+s16], $0x80, s29, s16, $0xb8;
	[tilespmem:$0x1C800] =	vst v63  }
0x68: {  	_ =	swait.ge [sflag:s18], $0x4000  }
0x69: {  	[sflag:s18] =	ssyncset.done $0x0  }
0x6a: {  	[sflag:s18] =	ssyncadd.s32 $0xFFFFC000  }
0x6b: {  	[spmem:s2] =	stream.indirect.scatter.add.f32 [tilespmem:s13], [sflag:$0x3], $0x80, s30, s16, $0xb8;
	[tilespmem:$0x1C800] =	vst v63  }
0x6c: {  	_ =	swait.ge [sflag:s19], $0x4000  }
0x6d: {  	[sflag:s19] =	ssyncset.done $0x0  }
0x6e: {  	[sflag:s19] =	ssyncadd.s32 $0xFFFFC000  }
0x6f: {  	[tilespmem:s13], [sflag:$0x1] =	stream.indirect.gather [hbm4b:s4+s16], $0x80, s31, s16, $0xb8;
	[tilespmem:$0x1C800] =	vst v63  }
0x70: {  	_ =	swait.ge [sflag:s21], $0x4000  }
0x71: {  	[sflag:s21] =	ssyncset.done $0x0  }
0x72: {  	[sflag:s21] =	ssyncadd.s32 $0xFFFFC000  }
0x73: {  	[spmem:s2] =	stream.indirect.scatter.add.f32 [tilespmem:s17], [sflag:$0x4], $0x80, s1, s16, $0xb8;
	[tilespmem:$0x1C800] =	vst v63  }
0x74: {  	_ =	swait.ge [sflag:s23], $0x4000  }
0x75: {  	[sflag:s23] =	ssyncset.done $0x0  }
0x76: {  	[sflag:s23] =	ssyncadd.s32 $0xFFFFC000  }
0x77: {  	[tilespmem:s17], [sflag:$0x2] =	stream.indirect.gather [hbm4b:s4+s16], $0x80, s0, s16, $0xb8;
	[tilespmem:$0x1C800] =	vst v63  }
0x78: {  	_ =	swait.ge [sflag:s18], $0x4000  }
0x79: {  	[sflag:s18] =	ssyncset.done $0x0  }
0x7a: {  	[sflag:s18] =	ssyncadd.s32 $0xFFFFC000  }
0x7b: {  	[spmem:s2] =	stream.indirect.scatter.add.f32 [tilespmem:s13], [sflag:$0x3], $0x80, s6, s16, $0xb8;
	[tilespmem:$0x1C800] =	vst v63  }
0x7c: {  	_ =	swait.ge [sflag:s21], $0x4000  }
0x7d: {  	[sflag:s21] =	ssyncset.done $0x0  }
0x7e: {  	[sflag:s21] =	ssyncadd.s32 $0xFFFFC000  }
0x7f: {  	[spmem:s2] =	stream.indirect.scatter.add.f32 [tilespmem:s17], [sflag:$0x4], $0x80, s7, s16, $0xb8;
	[tilespmem:$0x1C800] =	vst v63  }
0x80: {  	_ =	swait.ge [sflag:s19], $0x4000  }
0x81: {  	[sflag:s19] =	ssyncset.done $0x0  }
0x82: {  	[sflag:s19] =	ssyncadd.s32 $0xFFFFC000  }
0x83: {  	_ =	swait.ge [sflag:s23], $0x4000  }
0x84: {  	s10 =	simm.s32 $0x100;
	s9 =	simm.s32 $0x80;
	[sflag:s23] =	ssyncset.done $0x0  }
.LBB2_4:
0x85: {  	s5 =	sadd.s32 s9, s12;
	[sflag:s23] =	ssyncadd.s32 $0xFFFFC000  }
0x86: {  	[tilespmem:s15], [sflag:$0x5] =	stream.linear.gather [hbm4b:s5+s3], $0x400, $0x38;
	[tilespmem:$0x1C800] =	vst v63  }
0x87: {  	s8 =	smov.u32 s10;
	s11 =	sadd.s32 $0x80, s10;
	_ =	swait.ge [sflag:s14], $0x400  }
0x88: {  	p0 =	sne.s32 s10, $0x480;
	s10 =	rddreg [dreg:$0x3];
	[sflag:s14] =	ssyncset.done $0x0  }
0x89: {  	[sflag:s14] =	ssyncadd.s32 $0xFFFFFC00;
	s5 =	sadd.s32 s9, s10  }
0x8a: {  	[tilespmem:s3], [sflag:$0x5] =	stream.linear.gather [hbm4b:s5+s3], $0x400, $0x38;
	[tilespmem:$0x1C800] =	vst v63  }
0x8b: {  	_ =	swait.ge [sflag:s14], $0x400  }
0x8c: {  	[sflag:s14] =	ssyncset.done $0x0  }
0x8d: {  	[sflag:s14] =	ssyncadd.s32 $0xFFFFFC00  }
0x8e: {  	[tilespmem:s13], [sflag:$0x1] =	stream.indirect.gather [hbm4b:s4+s16], $0x80, s3, s16, $0xb8;
	[tilespmem:$0x1C800] =	vst v63  }
0x8f: {  	_ = 	snop  }
0x90: {  	[tilespmem:s17], [sflag:$0x2] =	stream.indirect.gather [hbm4b:s4+s16], $0x80, s16, s16, $0xb8;
	[tilespmem:$0x1C800] =	vst v63  }
0x91: {  	_ =	swait.ge [sflag:s18], $0x4000  }
0x92: {  	[sflag:s18] =	ssyncset.done $0x0  }
0x93: {  	[sflag:s18] =	ssyncadd.s32 $0xFFFFC000  }
0x94: {  	[spmem:s2] =	stream.indirect.scatter.add.f32 [tilespmem:s13], [sflag:$0x3], $0x80, s15, s16, $0xb8;
	[tilespmem:$0x1C800] =	vst v63  }
0x95: {  	_ =	swait.ge [sflag:s19], $0x4000  }
0x96: {  	[sflag:s19] =	ssyncset.done $0x0  }
0x97: {  	[sflag:s19] =	ssyncadd.s32 $0xFFFFC000  }
0x98: {  	[tilespmem:s13], [sflag:$0x1] =	stream.indirect.gather [hbm4b:s4+s16], $0x80, s20, s16, $0xb8;
	[tilespmem:$0x1C800] =	vst v63  }
0x99: {  	_ =	swait.ge [sflag:s21], $0x4000  }
0x9a: {  	[sflag:s21] =	ssyncset.done $0x0  }
0x9b: {  	[sflag:s21] =	ssyncadd.s32 $0xFFFFC000  }
0x9c: {  	[spmem:s2] =	stream.indirect.scatter.add.f32 [tilespmem:s17], [sflag:$0x4], $0x80, s22, s16, $0xb8;
	[tilespmem:$0x1C800] =	vst v63  }
0x9d: {  	_ =	swait.ge [sflag:s23], $0x4000  }
0x9e: {  	[sflag:s23] =	ssyncset.done $0x0  }
0x9f: {  	[sflag:s23] =	ssyncadd.s32 $0xFFFFC000  }
0xa0: {  	[tilespmem:s17], [sflag:$0x2] =	stream.indirect.gather [hbm4b:s4+s16], $0x80, s24, s16, $0xb8;
	[tilespmem:$0x1C800] =	vst v63  }
0xa1: {  	_ =	swait.ge [sflag:s18], $0x4000  }
0xa2: {  	[sflag:s18] =	ssyncset.done $0x0  }
0xa3: {  	[sflag:s18] =	ssyncadd.s32 $0xFFFFC000  }
0xa4: {  	[spmem:s2] =	stream.indirect.scatter.add.f32 [tilespmem:s13], [sflag:$0x3], $0x80, s25, s16, $0xb8;
	[tilespmem:$0x1C800] =	vst v63  }
0xa5: {  	_ =	swait.ge [sflag:s19], $0x4000  }
0xa6: {  	[sflag:s19] =	ssyncset.done $0x0  }
0xa7: {  	[sflag:s19] =	ssyncadd.s32 $0xFFFFC000  }
0xa8: {  	[tilespmem:s13], [sflag:$0x1] =	stream.indirect.gather [hbm4b:s4+s16], $0x80, s26, s16, $0xb8;
	[tilespmem:$0x1C800] =	vst v63  }
0xa9: {  	_ =	swait.ge [sflag:s21], $0x4000  }
0xaa: {  	[sflag:s21] =	ssyncset.done $0x0  }
0xab: {  	[sflag:s21] =	ssyncadd.s32 $0xFFFFC000  }
0xac: {  	[spmem:s2] =	stream.indirect.scatter.add.f32 [tilespmem:s17], [sflag:$0x4], $0x80, s28, s16, $0xb8;
	[tilespmem:$0x1C800] =	vst v63  }
0xad: {  	_ =	swait.ge [sflag:s23], $0x4000  }
0xae: {  	[sflag:s23] =	ssyncset.done $0x0  }
0xaf: {  	[sflag:s23] =	ssyncadd.s32 $0xFFFFC000  }
0xb0: {  	[tilespmem:s17], [sflag:$0x2] =	stream.indirect.gather [hbm4b:s4+s16], $0x80, s29, s16, $0xb8;
	[tilespmem:$0x1C800] =	vst v63  }
0xb1: {  	_ =	swait.ge [sflag:s18], $0x4000  }
0xb2: {  	[sflag:s18] =	ssyncset.done $0x0  }
0xb3: {  	[sflag:s18] =	ssyncadd.s32 $0xFFFFC000  }
0xb4: {  	[spmem:s2] =	stream.indirect.scatter.add.f32 [tilespmem:s13], [sflag:$0x3], $0x80, s30, s16, $0xb8;
	[tilespmem:$0x1C800] =	vst v63  }
0xb5: {  	_ =	swait.ge [sflag:s19], $0x4000  }
0xb6: {  	[sflag:s19] =	ssyncset.done $0x0  }
0xb7: {  	[sflag:s19] =	ssyncadd.s32 $0xFFFFC000  }
0xb8: {  	[tilespmem:s13], [sflag:$0x1] =	stream.indirect.gather [hbm4b:s4+s16], $0x80, s31, s16, $0xb8;
	[tilespmem:$0x1C800] =	vst v63  }
0xb9: {  	_ =	swait.ge [sflag:s21], $0x4000  }
0xba: {  	[sflag:s21] =	ssyncset.done $0x0  }
0xbb: {  	[sflag:s21] =	ssyncadd.s32 $0xFFFFC000  }
0xbc: {  	[spmem:s2] =	stream.indirect.scatter.add.f32 [tilespmem:s17], [sflag:$0x4], $0x80, s1, s16, $0xb8;
	[tilespmem:$0x1C800] =	vst v63  }
0xbd: {  	_ =	swait.ge [sflag:s23], $0x4000  }
0xbe: {  	[sflag:s23] =	ssyncset.done $0x0  }
0xbf: {  	[sflag:s23] =	ssyncadd.s32 $0xFFFFC000  }
0xc0: {  	[tilespmem:s17], [sflag:$0x2] =	stream.indirect.gather [hbm4b:s4+s16], $0x80, s0, s16, $0xb8;
	[tilespmem:$0x1C800] =	vst v63  }
0xc1: {  	_ =	swait.ge [sflag:s18], $0x4000  }
0xc2: {  	[sflag:s18] =	ssyncset.done $0x0  }
0xc3: {  	[sflag:s18] =	ssyncadd.s32 $0xFFFFC000  }
0xc4: {  	[spmem:s2] =	stream.indirect.scatter.add.f32 [tilespmem:s13], [sflag:$0x3], $0x80, s6, s16, $0xb8;
	[tilespmem:$0x1C800] =	vst v63  }
0xc5: {  	_ =	swait.ge [sflag:s21], $0x4000  }
0xc6: {  	[sflag:s21] =	ssyncset.done $0x0  }
0xc7: {  	[sflag:s21] =	ssyncadd.s32 $0xFFFFC000  }
0xc8: {  	[spmem:s2] =	stream.indirect.scatter.add.f32 [tilespmem:s17], [sflag:$0x4], $0x80, s7, s16, $0xb8;
	[tilespmem:$0x1C800] =	vst v63  }
.Ltmp1:
0xc9: {  	_ =	swait.ge [sflag:s19], $0x4000;
	(pc) =	sbr.rel @p0 .LBB2_4-.Ltmp1, $4  }
0xca: {  	[sflag:s19] =	ssyncset.done $0x0  }
0xcb: {  	[sflag:s19] =	ssyncadd.s32 $0xFFFFC000  }
0xcc: {  	_ =	swait.ge [sflag:s23], $0x4000  }
0xcd: {  	s9 =	smov.u32 s8;
	s10 =	smov.u32 s11;
	[sflag:s23] =	ssyncset.done $0x0  }
0xce: {  	s5 =	sadd.s32 s9, s12;
	[sflag:s23] =	ssyncadd.s32 $0xFFFFC000  }
0xcf: {  	[tilespmem:s15], [sflag:$0x5] =	stream.linear.gather [hbm4b:s5+s3], $0x400, $0x38;
	[tilespmem:$0x1C800] =	vst v63  }
0xd0: {  	_ =	swait.ge [sflag:s14], $0x400  }
0xd1: {  	s8 =	rddreg [dreg:$0x3];
	[sflag:s14] =	ssyncset.done $0x0  }
0xd2: {  	[sflag:s14] =	ssyncadd.s32 $0xFFFFFC00;
	s5 =	sadd.s32 s9, s8  }
0xd3: {  	[tilespmem:s3], [sflag:$0x5] =	stream.linear.gather [hbm4b:s5+s3], $0x400, $0x38;
	[tilespmem:$0x1C800] =	vst v63  }
0xd4: {  	_ =	swait.ge [sflag:s14], $0x400  }
0xd5: {  	[sflag:s14] =	ssyncset.done $0x0  }
0xd6: {  	[sflag:s14] =	ssyncadd.s32 $0xFFFFFC00  }
0xd7: {  	[tilespmem:s13], [sflag:$0x1] =	stream.indirect.gather [hbm4b:s4+s16], $0x80, s3, s16, $0xb8;
	[tilespmem:$0x1C800] =	vst v63  }
0xd8: {  	_ = 	snop  }
0xd9: {  	[tilespmem:s17], [sflag:$0x2] =	stream.indirect.gather [hbm4b:s4+s16], $0x80, s16, s16, $0xb8;
	[tilespmem:$0x1C800] =	vst v63  }
0xda: {  	_ =	swait.ge [sflag:s18], $0x4000  }
0xdb: {  	[sflag:s18] =	ssyncset.done $0x0  }
0xdc: {  	[sflag:s18] =	ssyncadd.s32 $0xFFFFC000  }
0xdd: {  	[spmem:s2] =	stream.indirect.scatter.add.f32 [tilespmem:s13], [sflag:$0x3], $0x80, s15, s16, $0xb8;
	[tilespmem:$0x1C800] =	vst v63  }
0xde: {  	_ =	swait.ge [sflag:s19], $0x4000  }
0xdf: {  	[sflag:s19] =	ssyncset.done $0x0  }
0xe0: {  	[sflag:s19] =	ssyncadd.s32 $0xFFFFC000  }
0xe1: {  	[tilespmem:s13], [sflag:$0x1] =	stream.indirect.gather [hbm4b:s4+s16], $0x80, s20, s16, $0xb8;
	[tilespmem:$0x1C800] =	vst v63  }
0xe2: {  	_ =	swait.ge [sflag:s21], $0x4000  }
0xe3: {  	[sflag:s21] =	ssyncset.done $0x0  }
0xe4: {  	[sflag:s21] =	ssyncadd.s32 $0xFFFFC000  }
0xe5: {  	[spmem:s2] =	stream.indirect.scatter.add.f32 [tilespmem:s17], [sflag:$0x4], $0x80, s22, s16, $0xb8;
	[tilespmem:$0x1C800] =	vst v63  }
0xe6: {  	_ =	swait.ge [sflag:s23], $0x4000  }
0xe7: {  	[sflag:s23] =	ssyncset.done $0x0  }
0xe8: {  	[sflag:s23] =	ssyncadd.s32 $0xFFFFC000  }
0xe9: {  	[tilespmem:s17], [sflag:$0x2] =	stream.indirect.gather [hbm4b:s4+s16], $0x80, s24, s16, $0xb8;
	[tilespmem:$0x1C800] =	vst v63  }
0xea: {  	_ =	swait.ge [sflag:s18], $0x4000  }
0xeb: {  	[sflag:s18] =	ssyncset.done $0x0  }
0xec: {  	[sflag:s18] =	ssyncadd.s32 $0xFFFFC000  }
0xed: {  	[spmem:s2] =	stream.indirect.scatter.add.f32 [tilespmem:s13], [sflag:$0x3], $0x80, s25, s16, $0xb8;
	[tilespmem:$0x1C800] =	vst v63  }
0xee: {  	_ =	swait.ge [sflag:s19], $0x4000  }
0xef: {  	[sflag:s19] =	ssyncset.done $0x0  }
0xf0: {  	[sflag:s19] =	ssyncadd.s32 $0xFFFFC000  }
0xf1: {  	[tilespmem:s13], [sflag:$0x1] =	stream.indirect.gather [hbm4b:s4+s16], $0x80, s26, s16, $0xb8;
	[tilespmem:$0x1C800] =	vst v63  }
0xf2: {  	_ =	swait.ge [sflag:s21], $0x4000  }
0xf3: {  	[sflag:s21] =	ssyncset.done $0x0  }
0xf4: {  	[sflag:s21] =	ssyncadd.s32 $0xFFFFC000  }
0xf5: {  	[spmem:s2] =	stream.indirect.scatter.add.f32 [tilespmem:s17], [sflag:$0x4], $0x80, s28, s16, $0xb8;
	[tilespmem:$0x1C800] =	vst v63  }
0xf6: {  	_ =	swait.ge [sflag:s23], $0x4000  }
0xf7: {  	[sflag:s23] =	ssyncset.done $0x0  }
0xf8: {  	[sflag:s23] =	ssyncadd.s32 $0xFFFFC000  }
0xf9: {  	[tilespmem:s17], [sflag:$0x2] =	stream.indirect.gather [hbm4b:s4+s16], $0x80, s29, s16, $0xb8;
	[tilespmem:$0x1C800] =	vst v63  }
0xfa: {  	_ =	swait.ge [sflag:s18], $0x4000  }
0xfb: {  	[sflag:s18] =	ssyncset.done $0x0  }
0xfc: {  	[sflag:s18] =	ssyncadd.s32 $0xFFFFC000  }
0xfd: {  	[spmem:s2] =	stream.indirect.scatter.add.f32 [tilespmem:s13], [sflag:$0x3], $0x80, s30, s16, $0xb8;
	[tilespmem:$0x1C800] =	vst v63  }
0xfe: {  	_ =	swait.ge [sflag:s19], $0x4000  }
0xff: {  	[sflag:s19] =	ssyncset.done $0x0  }
0x100: {  	[sflag:s19] =	ssyncadd.s32 $0xFFFFC000  }
0x101: {  	[tilespmem:s13], [sflag:$0x1] =	stream.indirect.gather [hbm4b:s4+s16], $0x80, s31, s16, $0xb8;
	[tilespmem:$0x1C800] =	vst v63  }
0x102: {  	_ =	swait.ge [sflag:s21], $0x4000  }
0x103: {  	[sflag:s21] =	ssyncset.done $0x0  }
0x104: {  	[sflag:s21] =	ssyncadd.s32 $0xFFFFC000  }
0x105: {  	[spmem:s2] =	stream.indirect.scatter.add.f32 [tilespmem:s17], [sflag:$0x4], $0x80, s1, s16, $0xb8;
	[tilespmem:$0x1C800] =	vst v63  }
0x106: {  	_ =	swait.ge [sflag:s23], $0x4000  }
0x107: {  	[sflag:s23] =	ssyncset.done $0x0  }
0x108: {  	[sflag:s23] =	ssyncadd.s32 $0xFFFFC000  }
0x109: {  	[tilespmem:s17], [sflag:$0x2] =	stream.indirect.gather [hbm4b:s4+s16], $0x80, s0, s16, $0xb8;
	[tilespmem:$0x1C800] =	vst v63  }
0x10a: {  	_ =	swait.ge [sflag:s18], $0x4000  }
0x10b: {  	[sflag:s18] =	ssyncset.done $0x0  }
0x10c: {  	[sflag:s18] =	ssyncadd.s32 $0xFFFFC000  }
0x10d: {  	[spmem:s2] =	stream.indirect.scatter.add.f32 [tilespmem:s13], [sflag:$0x3], $0x80, s6, s16, $0xb8;
	[tilespmem:$0x1C800] =	vst v63  }
0x10e: {  	_ =	swait.ge [sflag:s21], $0x4000  }
0x10f: {  	[sflag:s21] =	ssyncset.done $0x0  }
0x110: {  	[sflag:s21] =	ssyncadd.s32 $0xFFFFC000  }
0x111: {  	[spmem:s2] =	stream.indirect.scatter.add.f32 [tilespmem:s17], [sflag:$0x4], $0x80, s7, s16, $0xb8;
	[tilespmem:$0x1C800] =	vst v63  }
0x112: {  	_ =	swait.ge [sflag:s19], $0x4000  }
0x113: {  	[sflag:s19] =	ssyncset.done $0x0  }
0x114: {  	[sflag:s19] =	ssyncadd.s32 $0xFFFFC000  }
0x115: {  	_ =	swait.ge [sflag:s23], $0x4000  }
0x116: {  	[sflag:s23] =	ssyncset.done $0x0  }
0x117: {  	[sflag:s23] =	ssyncadd.s32 $0xFFFFC000  }
0x118: {  	s9 =	stileid.u32;
	[bflag:$0x0] =	sbarrier.arrive $0xFFFF  }
0x119: {  	s5 =	sshll.u32 s9, $0x6;
	s11 =	rddreg [dreg:$0x4]  }
0x11a: {  	s5 =	sor.u32 $0x1C05, s5;
	s10 =	rddreg [dreg:$0x9];
	s8 =	sshrl.u32 s11, $0x3  }
0x11b: {  	[hbm:s10], [sflag:s5] =	dma.local [spmem:s8], $0x2800  }
0x11c: {  	_ =	swait.ge [sflag:s14], $0x2800  }
0x11d: {  	s9 =	rddreg [dreg:$0xb]  }
0x11e: {  	s10 =	rddreg [dreg:$0xa];
	s8 =	sadd.s32 $0x1, s9  }
0x11f: {  	p0 =	sne.s32 s8, s10  }
.Ltmp2:
0x120: {  	_ = 	snop;
	(pc) =	sbr.rel @p0 .LBB2_1-.Ltmp2, $3  }
0x121: {  	_ =	sdelay $0x1  }
0x122: {  	[sflag:s14] =	ssyncset.done $0x0  }
0x123: {  	[sflag:s14] =	ssyncadd.s32 $0xFFFFD800  }
0x124: {  	_ =	sfence.sel $0x180000  }
0x125: {  	[bflag:$0x0] =	sbarrier.arrive $0xFFFF  }
0x126: {  	_ =	strace $0x90000050  }
0x127: {  	s0 =	stileid.u32;
	[bflag:$0x2] =	sbarrier.arrive $0xFFFF  }
0x128: {  	p0 =	sne.s32 s0, $0x0;
	s0 =	rddreg [dreg:$0x2]  }
0x129: {  	s0 =	sadd.s32 @!p0 $0x100000, s0  }
0x12a: {  	[sflag:s0] =	ssyncadd.tile.s32 @!p0 $0x1;
	_ =	shalt  }
.Lfunc_end2:
_tile_overlayer_lowered:
.L_overlay_start_2:
0x12b: {  	(tag) =	ssettag $0x2  }
0x12c: {  	s0 =	rddreg [dreg:$0x0];
	s2 =	stileid.u32  }
0x12d: {  	s1 =	rddreg [dreg:$0x1];
	p0 =	sne.s32 s2, $0x0  }
0x12e: {  	s3 =	rddreg [dreg:$0x2];
	[bflag:$0x3] =	sbarrier.arrive $0xFFFF;
	s2 =	simm.s32 @!p0 $0x1C05  }
0x12f: {  	[timem:s3], [sflag:s2] =	dma.local @!p0 [hbm:s0], s1  }
0x130: {  	s0 =	simm.s32 @!p0 $0x5  }
0x131: {  	_ =	swait.ge @!p0 [sflag:s0], s1  }
0x132: {  	s1 =	ssub.s32 @!p0 $0x0, s1;
	[sflag:s0] =	ssyncset.done @!p0 $0x0  }
0x133: {  	[sflag:s0] =	ssyncadd.s32 @!p0 s1  }
0x134: {  	[bflag:$0x3] =	sbarrier.arrive $0xFFFF  }
0x135: {  	_ =	shalt  }

// kernel: kernel.9.cloned.1.call-start
scs
__scs_entry_jumppad:
0x0: {  	(pc) =	sbr.rel $0x88, $3  }
0x1: {  	(tag) =	ssettag $0x0;
	lr =	simm.s32 $0x1  }
0x2: {  	[smem:$0x3F86] =	sst lr;
	_ =	strace $0xD0000000  }
0x3: {  	_ = 	snop  }
0x4: {  	_ = 	snop  }
0x5: {  	_ = 	snop  }
0x6: {  	_ = 	snop  }
0x7: {  	_ = 	snop  }
__scs_overlays_trampoline_lowered:
0x8: {  	[smem:$0x3F95] =	sst s0  }
0x9: {  	[smem:$0x3F96] =	sst s1  }
0xa: {  	[smem:$0x3F97] =	sst s2  }
0xb: {  	[smem:$0x3F98] =	sst s3  }
0xc: {  	[smem:$0x3F99] =	sst s4  }
0xd: {  	[smem:$0x3F9A] =	sst s5  }
0xe: {  	[smem:$0x3F9B] =	sst s6  }
0xf: {  	[smem:$0x3F9C] =	sst s7  }
0x10: {  	[smem:$0x3F9D] =	sst s8  }
0x11: {  	[smem:$0x3F9E] =	sst s9;
	s0 =	simm.s32 @!p0 $0x0  }
0x12: {  	s1 =	sld [smem:$0x3F84];
	s0 =	simm.s32 @p0 $0x1  }
0x13: {  	[smem:$0x3F9F] =	sst s0;
	s0 =	simm.s32 @!p1 $0x0  }
0x14: {  	s2 =	sld [smem:$0x3F83];
	s0 =	simm.s32 @p1 $0x1  }
0x15: {  	[smem:$0x3FA0] =	sst s0;
	s0 =	simm.s32 @!p2 $0x0  }
0x16: {  	s3 =	sld [smem:$0x3FDB];
	s0 =	simm.s32 @p2 $0x1  }
0x17: {  	s4 =	simm.s32 $0x1BF5;
	[smem:$0x3FA2] =	sst s0  }
0x18: {  	s0 =	sld [smem:$0x3F85];
	_ =	swait.ge [sflag:s4], $0x0  }
0x19: {  	s7 =	sld [smem:$0x3F86]  }
0x1a: {  	s8 =	sadd.s32 $0xFFFFE003, lr  }
0x1b: {  	s9 =	sadd.s32 $0xFFFFFEF7, lr;
	s5 =	simm.s32 $0xFFFFFFFF;
	p2 =	slt.u32 s8, $0xFFFFF086  }
0x1c: {  	p1 =	slt.u32 s9, $0xF7A;
	s5 =	simm.s32 @!p2 $0x0  }
0x1d: {  	s5 =	simm.s32 @p1 $0x1;
	p0 =	seq.s32 s7, s2  }
0x1e: {  	s7 =	smul.u32 @!p0 $0xF7A, s2;
	p2 =	seq.s32 @!p0 s5, $0x0  }
0x1f: {  	s9 =	smul.u32 $0xF7A, s1;
	s8 =	simm.s32 @!p0 $0x1BF5;
	p2 =	por !p2, p0  }
0x20: {  	[sflag:s8] =	ssyncset.s32 @!p0 $0xFFFFF086;
	s6 =	sadd.s32 @!p0 s3, s7;
	s7 =	simm.s32 @!p0 $0x108  }
0x21: {  	s3 =	sadd.s32 s3, s9;
	s6 =	sadd.s32 @!p0 $0x88, s6;
	s7 =	simm.s32 @p2 $0x1082  }
0x22: {  	[simem:s7], [sflag:s8] =	dma.local @!p0 [hbm:s6], $0xF7A  }
0x23: {  	s9 =	sor.u32 $0xD0000000, s2;
	s6 =	simm.s32 $0x108;
	_ =	swait.ge @!p0 [sflag:s8], $0x0  }
0x24: {  	s3 =	sadd.s32 $0x88, s3;
	s6 =	simm.s32 @!p1 $0x1082;
	[sflag:s4] =	ssyncset.s32 $0xFFFFF086  }
0x25: {  	[simem:s6], [sflag:s4] =	dma.local [hbm:s3], $0xF7A  }
0x26: {  	[smem:$0x3F86] =	sst s1;
	(tag) =	ssettag s2;
	_ =	strace s9  }
0x27: {  	s1 =	sld [smem:$0x3F96]  }
0x28: {  	s2 =	sld [smem:$0x3F97]  }
0x29: {  	s4 =	sld [smem:$0x3F99]  }
0x2a: {  	p0 =	seq.s32 s5, $0x0;
	s5 =	sld [smem:$0x3F9A]  }
0x2b: {  	s6 =	sld [smem:$0x3F9B]  }
0x2c: {  	s7 =	sld [smem:$0x3F9C]  }
0x2d: {  	s3 =	simm.s32 $0x108;
	s8 =	sld [smem:$0x3F9D]  }
0x2e: {  	s3 =	simm.s32 @!p0 $0x1082;
	s9 =	sld [smem:$0x3F9E]  }
0x2f: {  	lr =	sadd.s32 s0, s3;
	s0 =	sld [smem:$0x3F95]  }
0x30: {  	s3 =	sld [smem:$0x3F98]  }
0x31: {  	[smem:$0x3FA1] =	sst s10  }
0x32: {  	s10 =	sld [smem:$0x3F9F];
	_ =	sdelay $0x3  }
0x33: {  	p0 =	seq.s32 s10, $0x1;
	s10 =	sld [smem:$0x3FA1];
	_ =	sdelay $0x3  }
0x34: {  	[smem:$0x3FA1] =	sst s10  }
0x35: {  	s10 =	sld [smem:$0x3FA0];
	_ =	sdelay $0x3  }
0x36: {  	p1 =	seq.s32 s10, $0x1;
	s10 =	sld [smem:$0x3FA1];
	_ =	sdelay $0x3  }
0x37: {  	[smem:$0x3FA1] =	sst s10  }
0x38: {  	s10 =	sld [smem:$0x3FA2]  }
0x39: {  	_ = 	snop;
	(pc) =	sbr.ind lr, $3  }
0x3a: {  	_ = 	snop  }
0x3b: {  	_ = 	snop  }
0x3c: {  	p2 =	seq.s32 s10, $0x1;
	s10 =	sld [smem:$0x3FA1]  }
0x3d: {  	_ =	shalt  }
0x3e: {  	_ =	shalt  }
0x3f: {  	_ =	shalt  }
0x40: {  	_ =	shalt  }
0x41: {  	_ =	shalt  }
0x42: {  	_ =	shalt  }
0x43: {  	_ =	shalt  }
0x44: {  	_ =	shalt  }
0x45: {  	_ =	shalt  }
0x46: {  	_ =	shalt  }
0x47: {  	_ =	shalt  }
0x48: {  	_ =	shalt  }
0x49: {  	_ =	shalt  }
0x4a: {  	_ =	shalt  }
0x4b: {  	_ =	shalt  }
0x4c: {  	_ =	shalt  }
0x4d: {  	_ =	shalt  }
0x4e: {  	_ =	shalt  }
0x4f: {  	_ =	shalt  }
0x50: {  	_ =	shalt  }
0x51: {  	_ =	shalt  }
0x52: {  	_ =	shalt  }
0x53: {  	_ =	shalt  }
0x54: {  	_ =	shalt  }
0x55: {  	_ =	shalt  }
0x56: {  	_ =	shalt  }
0x57: {  	_ =	shalt  }
0x58: {  	_ =	shalt  }
0x59: {  	_ =	shalt  }
0x5a: {  	_ =	shalt  }
0x5b: {  	_ =	shalt  }
0x5c: {  	_ =	shalt  }
0x5d: {  	_ =	shalt  }
0x5e: {  	_ =	shalt  }
0x5f: {  	_ =	shalt  }
0x60: {  	_ =	shalt  }
0x61: {  	_ =	shalt  }
0x62: {  	_ =	shalt  }
0x63: {  	_ =	shalt  }
0x64: {  	_ =	shalt  }
0x65: {  	_ =	shalt  }
0x66: {  	_ =	shalt  }
0x67: {  	_ =	shalt  }
0x68: {  	_ =	shalt  }
0x69: {  	_ =	shalt  }
0x6a: {  	_ =	shalt  }
0x6b: {  	_ =	shalt  }
0x6c: {  	_ =	shalt  }
0x6d: {  	_ =	shalt  }
0x6e: {  	_ =	shalt  }
0x6f: {  	_ =	shalt  }
0x70: {  	_ =	shalt  }
0x71: {  	_ =	shalt  }
0x72: {  	_ =	shalt  }
0x73: {  	_ =	shalt  }
0x74: {  	_ =	shalt  }
0x75: {  	_ =	shalt  }
0x76: {  	_ =	shalt  }
0x77: {  	_ =	shalt  }
0x78: {  	_ =	shalt  }
0x79: {  	_ =	shalt  }
0x7a: {  	_ =	shalt  }
0x7b: {  	_ =	shalt  }
0x7c: {  	_ =	shalt  }
0x7d: {  	_ =	shalt  }
0x7e: {  	_ =	shalt  }
0x7f: {  	_ =	shalt  }
0x80: {  	_ =	shalt  }
0x81: {  	_ =	shalt  }
0x82: {  	_ =	shalt  }
0x83: {  	_ =	shalt  }
0x84: {  	_ =	shalt  }
0x85: {  	_ =	shalt  }
0x86: {  	_ =	shalt  }
0x87: {  	_ =	shalt  }
.Lfunc_end0:
.L_simem_size_0:
called_computation_lowered:
.L_overlay_start_0:
0x88: {  	s2 =	sld [smem:$0x3FD9]  }
0x89: {  	s3 =	sld [smem:$0x3FFE];
	_ =	sdelay $0x1  }
0x8a: {  	s1 =	srdreg.scid  }
0x8b: {  	s0 =	sand.u32 $0x1, s1  }
0x8c: {  	s17 =	sshll.u32 s0, $0xA;
	s2 =	sadd.s32 s3, s2  }
0x8d: {  	s2 =	sadd.s32 s2, s17  }
0x8e: {  	[smem:$0x3FAD] =	sst s2  }
0x8f: {  	_ = 	snop  }
0x90: {  	(tm) =	ssettm $0x1  }
0x91: {  	s18 =	sld [smem:$0x3FFB];
	_ =	sdelay $0x3  }
0x92: {  	_ =	strace s18  }
0x93: {  	s2 =	sld [smem:$0x3FFC];
	_ =	sdelay $0x3  }
0x94: {  	_ =	strace s2  }
0x95: {  	s2 =	sld [smem:$0x3FFD];
	_ =	sdelay $0x3  }
0x96: {  	_ =	strace s2  }
0x97: {  	_ =	strace $0x8FFFFFFF  }
0x98: {  	s19 =	sld [smem:$0x3FDB];
	_ =	sdelay $0x1  }
0x99: {  	s20 =	simm.s32 $_scs_section_size  }
0x9a: {  	s4 =	simm.s32 $_size__tile_overlayer_lowered;
	s5 =	simm.s32 $_tile_overlayer_lowered  }
0x9b: {  	s6 =	simm.s32 $0x1BFF;
	s21 =	sshll.u32 s5, $0x1;
	s3 =	sadd.s32 s20, s19  }
0x9c: {  	s22 =	simm.s32 $0x0;
	s4 =	sshll.u32 s4, $0x1;
	s5 =	sadd.s32 s21, s3  }
0x9d: {  	[timem:s22], [sflag:s6] =	dma.local [hbm:s5], s4  }
0x9e: {  	_ =	swait.ge [sflag:s6], s4  }
0x9f: {  	s4 =	ssub.s32 $0x0, s4;
	[sflag:s6] =	ssyncset.done $0x0  }
0xa0: {  	[sflag:s6] =	ssyncadd.s32 s4;
	_ =	sdelay $0x1  }
0xa1: {  	s23 =	simm.s32 $0x1B8B  }
0xa2: {  	_ =	swait.ge [sflag:s23], $0x1  }
0xa3: {  	[sflag:s23] =	ssyncset.done $0x0  }
0xa4: {  	[sflag:s23] =	ssyncadd.s32 $0xFFFFFFFF  }
0xa5: {  	s4 =	sld [smem:$0x0]  }
0xa6: {  	s5 =	sand.u32 $0xFFFFFFFE, s1  }
0xa7: {  	p0 =	sne.s32 s1, s5  }
0xa8: {  	s5 =	sshll.u32 @p0 s5, $0xE  }
0xa9: {  	s5 =	sadd.s32 @p0 $0x11B8D, s5;
	s6 =	sshll.u32 @p0 s4, $0x11  }
0xaa: {  	s5 =	sor.u32 @p0 s6, s5  }
0xab: {  	[sflag:s5] =	ssyncadd.remote.s32 @p0 $0x1;
	_ =	sdelay $0x1  }
0xac: {  	s5 =	simm.s32 @p0 $0x1B8D  }
0xad: {  	_ =	swait.eq @p0 [sflag:s5], $0x1  }
0xae: {  	[sflag:s5] =	ssyncadd.s32 @p0 $0xFFFFFFFF  }
0xaf: {  	s6 =	sshll.u32 @!p0 s1, $0xE  }
0xb0: {  	s6 =	sor.u32 @!p0 $0x4000, s6;
	s5 =	simm.s32 @!p0 $0x1B8D  }
0xb1: {  	s4 =	sshll.u32 @!p0 s4, $0x11;
	s6 =	sadd.s32 @!p0 $0x11B8D, s6;
	_ =	swait.eq @!p0 [sflag:s5], $0x1  }
0xb2: {  	s4 =	sor.u32 @!p0 s4, s6;
	[sflag:s5] =	ssyncadd.s32 @!p0 $0xFFFFFFFF  }
0xb3: {  	s25 =	simm.s32 $0x1B8E;
	s24 =	sld [smem:$0x3FFE];
	[sflag:s4] =	ssyncadd.remote.s32 @!p0 $0x1  }
0xb4: {  	s26 =	simm.s32 $execute0_lowered;
	[smem:$0x3FD2] =	sst s25  }
0xb5: {  	s5 =	sshll.u32 s26, $0x1;
	_ =	strace $0x80000049;
	[dreg:$0x1] =	wrdreg $0xFFFFFFFF  }
0xb6: {  	s28 =	simm.s32 $_size_execute0_lowered;
	s3 =	sadd.s32 s3, s5;
	[dreg:$0x0] =	wrdreg $0x0  }
0xb7: {  	s5 =	sshll.u32 s28, $0x1;
	[dreg:$0x2] =	wrdreg s3  }
0xb8: {  	[dreg:$0x3] =	wrdreg s5  }
0xb9: {  	[dreg:$0x4] =	wrdreg $0xC0  }
0xba: {  	_ =	task [dreg:s22], $0x5FFFF  }
0xbb: {  	[dreg:$0x1] =	wrdreg $0xFFFFFFFF  }
0xbc: {  	[dreg:$0x0] =	wrdreg $0x60  }
0xbd: {  	[dreg:$0x2] =	wrdreg s24  }
0xbe: {  	[dreg:$0x3] =	wrdreg $0x18000  }
0xbf: {  	[dreg:$0x4] =	wrdreg $0x9  }
0xc0: {  	_ =	task.clear_ibuf [dreg:s22], $0x5FFFF;
	_ =	strace $0x90000049  }
0xc1: {  	s29 =	simm.s32 $0x9;
	_ =	strace $0x8000004B  }
0xc2: {  	_ =	swait.ge [sflag:s29], $0x1  }
0xc3: {  	[sflag:s29] =	ssyncadd.s32 $0xFFFFFFFF  }
0xc4: {  	_ =	strace $0x9000004B  }
0xc5: {  	_ =	sfence  }
0xc6: {  	s30 =	sld [smem:$0x0];
	_ =	sdelay $0x2  }
0xc7: {  	s31 =	sshll.u32 s1, $0xD;
	s1 =	sshrl.u32 s1, $0x2  }
0xc8: {  	s4 =	sand.u32 $0x4000, s31;
	s1 =	sadd.s32 s1, s30  }
0xc9: {  	s0 =	sor.u32 s4, s0;
	s1 =	sshll.u32 s1, $0x11  }
0xca: {  	s0 =	sor.u32 s1, s0  }
0xcb: {  	s0 =	sadd.s32 $0x8F2B, s0  }
0xcc: {  	[sflag:s0] =	ssyncadd.remote.s32 $0x1  }
0xcd: {  	_ =	sfence.sel $0xFFFF  }
0xce: {  	[dreg:$0x0] =	wrdreg $0xFFFFFFFF;
	(pc) =	sbr.abs _section_cstart, $3  }
0xcf: {  	[dreg:$0x1] =	wrdreg $0xFFFFFFFF  }
0xd0: {  	_ =	task.clear_ibuf [dreg:s22], $0x2FFFF;
	_ =	strace $0x9FFFFFFF  }
0xd1: {  	(tm) =	ssettm $0x7FFFFFFF  }
tec
execute0_lowered:
.L_overlay_start_1:
0x0: {  	(tag) =	ssettag $0x1  }
0x1: {  	s0 =	rddreg [dreg:$0x0]  }
0x2: {  	s1 =	rddreg [dreg:$0x1];
	s2 =	srdreg.scid;
	s3 =	simm.s32 $0x0  }
0x3: {  	s7 =	stileid.u32;
	s28 =	simm.s32 $0x100;
	s29 =	simm.s32 $0x180  }
0x4: {  	s30 =	simm.s32 $0x200;
	s2 =	sand.u32 $0x1, s2;
	s5 =	smul.u32 $0x14000, s7  }
0x5: {  	[smem:$0x7FF] =	sst s3;
	s6 =	sshll.u32 s7, $0xD;
	s7 =	smul.u32 $0x50000, s7  }
0x6: {  	s31 =	simm.s32 $0x280;
	s4 =	smul.u32 $0x140000, s2;
	_ =	strace $0x8000004A  }
0x7: {  	s6 =	sadd.s32 s6, s0;
	s19 =	ssub.s32 $0x2, s2;
	s2 =	sshll.u32 s2, $0xC  }
0x8: {  	s8 =	sshrl.u32 s19, $0x1;
	s7 =	sshrl.u32 s7, $0x2;
	s4 =	sadd.s32 s5, s4  }
0x9: {  	s26 =	sadd.s32 s2, s6;
	s2 =	simm.s32 $0x380;
	s4 =	sshrl.u32 s4, $0x3  }
0xa: {  	s6 =	simm.s32 $0x2;
	s0 =	sadd.s32 s4, s0;
	s4 =	sadd.s32 s7, s1  }
0xb: {  	s5 =	ssub.s32 s19, s8;
	s7 =	sadd.s32 $0x1400, s4;
	s20 =	sadd.s32 $0x2800, s4  }
0xc: {  	s21 =	sadd.s32 $0x3C00, s4;
	s22 =	sadd.s32 $0x5000, s4;
	[dreg:$0x3] =	wrdreg s7  }
0xd: {  	s23 =	sadd.s32 $0x6400, s4;
	s24 =	sadd.s32 $0x7800, s4;
	[dreg:$0x4] =	wrdreg s20  }
0xe: {  	s25 =	sadd.s32 $0x8C00, s4;
	s12 =	sadd.s32 $0xA000, s4;
	[dreg:$0x5] =	wrdreg s21  }
0xf: {  	s13 =	sadd.s32 $0xB400, s4;
	s14 =	sadd.s32 $0xC800, s4;
	[dreg:$0x6] =	wrdreg s22  }
0x10: {  	s15 =	sadd.s32 $0xDC00, s4;
	s16 =	sadd.s32 $0xF000, s4;
	[dreg:$0x7] =	wrdreg s23  }
0x11: {  	s17 =	sadd.s32 $0x10400, s4;
	s18 =	sadd.s32 $0x11800, s4;
	[dreg:$0x8] =	wrdreg s24  }
0x12: {  	s19 =	sadd.s32 $0x12C00, s4;
	[dreg:$0x9] =	wrdreg s25;
	s20 =	sadd.s32 $0x88600, s0  }
0x13: {  	s21 =	smax.u32 s5, $0x1;
	s22 =	sadd.s32 $0x68600, s26;
	s23 =	simm.s32 $0x400  }
0x14: {  	s24 =	simm.s32 $0x3;
	s25 =	simm.s32 $0x28;
	s26 =	simm.s32 $0x80  }
0x15: {  	v0 =	vimm.f32 $0.0e+00;
	v1 =	vimm.f32 $1.000000000e+00;
	s0 =	simm.s32 $0x300;
	s5 =	simm.s32 $0x1;
	s7 =	simm.s32 $0x0  }
.LBB2_1:
0x16: {  	s8 =	simm.s32 $0x0;
	s9 =	simm.s32 $0x200  }
.LBB2_2:
0x17: {  	p0 =	sne.s32 s9, $0x4E00;
	[tilespmem:s8+$0x470] =	vst v0  }
0x18: {  	[tilespmem:s8+$0x400] =	vst v0  }
0x19: {  	[tilespmem:s8+$0x410] =	vst v0  }
.Ltmp0:
0x1a: {  	[tilespmem:s8+$0x420] =	vst v0;
	(pc) =	sbr.rel @p0 .LBB2_2-.Ltmp0, $4  }
0x1b: {  	[tilespmem:s8+$0x430] =	vst v0  }
0x1c: {  	[tilespmem:s8+$0x440] =	vst v0  }
0x1d: {  	[tilespmem:s8+$0x450] =	vst v0  }
0x1e: {  	[tilespmem:s8+$0x460] =	vst v0;
	s8 =	sshra.s32 s9, $0x2;
	s9 =	sadd.s32 $0x200, s9  }
0x1f: {  	[tilespmem:s8+$0x470] =	vst v0  }
0x20: {  	[tilespmem:s8+$0x400] =	vst v0  }
0x21: {  	[tilespmem:s8+$0x410] =	vst v0  }
0x22: {  	[tilespmem:s8+$0x420] =	vst v0  }
0x23: {  	[tilespmem:s8+$0x430] =	vst v0  }
0x24: {  	[tilespmem:s8+$0x440] =	vst v0  }
0x25: {  	[tilespmem:s8+$0x450] =	vst v0  }
0x26: {  	[tilespmem:s8+$0x460] =	vst v0  }
0x27: {  	[spmem:s4] =	stream.linear.scatter [tilespmem:s23], [sflag:$0x3], $0x1400, $0x38;
	[tilespmem:$0x15800] =	vst v63  }
0x28: {  	_ =	swait.ge [sflag:s24], $0x1400  }
0x29: {  	[sflag:s24] =	ssyncset.done $0x0  }
0x2a: {  	s11 =	rddreg [dreg:$0x3];
	[sflag:s24] =	ssyncadd.s32 $0xFFFFEC00  }
0x2b: {  	[spmem:s11] =	stream.linear.scatter [tilespmem:s23], [sflag:$0x3], $0x1400, $0x38;
	[tilespmem:$0x15800] =	vst v63  }
0x2c: {  	_ =	swait.ge [sflag:s24], $0x1400  }
0x2d: {  	[sflag:s24] =	ssyncset.done $0x0  }
0x2e: {  	s9 =	rddreg [dreg:$0x4];
	[sflag:s24] =	ssyncadd.s32 $0xFFFFEC00  }
0x2f: {  	[spmem:s9] =	stream.linear.scatter [tilespmem:s23], [sflag:$0x3], $0x1400, $0x38;
	[tilespmem:$0x15800] =	vst v63  }
0x30: {  	_ =	swait.ge [sflag:s24], $0x1400  }
0x31: {  	[sflag:s24] =	ssyncset.done $0x0  }
0x32: {  	s10 =	rddreg [dreg:$0x5];
	[sflag:s24] =	ssyncadd.s32 $0xFFFFEC00  }
0x33: {  	[spmem:s10] =	stream.linear.scatter [tilespmem:s23], [sflag:$0x3], $0x1400, $0x38;
	[tilespmem:$0x15800] =	vst v63  }
0x34: {  	_ =	swait.ge [sflag:s24], $0x1400  }
0x35: {  	[sflag:s24] =	ssyncset.done $0x0  }
0x36: {  	s11 =	rddreg [dreg:$0x6];
	[sflag:s24] =	ssyncadd.s32 $0xFFFFEC00  }
0x37: {  	[spmem:s11] =	stream.linear.scatter [tilespmem:s23], [sflag:$0x3], $0x1400, $0x38;
	[tilespmem:$0x15800] =	vst v63  }
0x38: {  	_ =	swait.ge [sflag:s24], $0x1400  }
0x39: {  	[sflag:s24] =	ssyncset.done $0x0  }
0x3a: {  	s9 =	rddreg [dreg:$0x7];
	[sflag:s24] =	ssyncadd.s32 $0xFFFFEC00  }
0x3b: {  	[spmem:s9] =	stream.linear.scatter [tilespmem:s23], [sflag:$0x3], $0x1400, $0x38;
	[tilespmem:$0x15800] =	vst v63  }
0x3c: {  	_ =	swait.ge [sflag:s24], $0x1400  }
0x3d: {  	[sflag:s24] =	ssyncset.done $0x0  }
0x3e: {  	s10 =	rddreg [dreg:$0x8];
	[sflag:s24] =	ssyncadd.s32 $0xFFFFEC00  }
0x3f: {  	[spmem:s10] =	stream.linear.scatter [tilespmem:s23], [sflag:$0x3], $0x1400, $0x38;
	[tilespmem:$0x15800] =	vst v63  }
0x40: {  	_ =	swait.ge [sflag:s24], $0x1400  }
0x41: {  	[sflag:s24] =	ssyncset.done $0x0  }
0x42: {  	s11 =	rddreg [dreg:$0x9];
	[sflag:s24] =	ssyncadd.s32 $0xFFFFEC00  }
0x43: {  	[spmem:s11] =	stream.linear.scatter [tilespmem:s23], [sflag:$0x3], $0x1400, $0x38;
	[tilespmem:$0x15800] =	vst v63  }
0x44: {  	_ =	swait.ge [sflag:s24], $0x1400  }
0x45: {  	[sflag:s24] =	ssyncset.done $0x0  }
0x46: {  	[sflag:s24] =	ssyncadd.s32 $0xFFFFEC00  }
0x47: {  	[spmem:s12] =	stream.linear.scatter [tilespmem:s23], [sflag:$0x3], $0x1400, $0x38;
	[tilespmem:$0x15800] =	vst v63  }
0x48: {  	_ =	swait.ge [sflag:s24], $0x1400  }
0x49: {  	[sflag:s24] =	ssyncset.done $0x0  }
0x4a: {  	[sflag:s24] =	ssyncadd.s32 $0xFFFFEC00  }
0x4b: {  	[spmem:s13] =	stream.linear.scatter [tilespmem:s23], [sflag:$0x3], $0x1400, $0x38;
	[tilespmem:$0x15800] =	vst v63  }
0x4c: {  	_ =	swait.ge [sflag:s24], $0x1400  }
0x4d: {  	[sflag:s24] =	ssyncset.done $0x0  }
0x4e: {  	[sflag:s24] =	ssyncadd.s32 $0xFFFFEC00  }
0x4f: {  	[spmem:s14] =	stream.linear.scatter [tilespmem:s23], [sflag:$0x3], $0x1400, $0x38;
	[tilespmem:$0x15800] =	vst v63  }
0x50: {  	_ =	swait.ge [sflag:s24], $0x1400  }
0x51: {  	[sflag:s24] =	ssyncset.done $0x0  }
0x52: {  	[sflag:s24] =	ssyncadd.s32 $0xFFFFEC00  }
0x53: {  	[spmem:s15] =	stream.linear.scatter [tilespmem:s23], [sflag:$0x3], $0x1400, $0x38;
	[tilespmem:$0x15800] =	vst v63  }
0x54: {  	_ =	swait.ge [sflag:s24], $0x1400  }
0x55: {  	[sflag:s24] =	ssyncset.done $0x0  }
0x56: {  	[sflag:s24] =	ssyncadd.s32 $0xFFFFEC00  }
0x57: {  	[spmem:s16] =	stream.linear.scatter [tilespmem:s23], [sflag:$0x3], $0x1400, $0x38;
	[tilespmem:$0x15800] =	vst v63  }
0x58: {  	_ =	swait.ge [sflag:s24], $0x1400  }
0x59: {  	[sflag:s24] =	ssyncset.done $0x0  }
0x5a: {  	[sflag:s24] =	ssyncadd.s32 $0xFFFFEC00  }
0x5b: {  	[spmem:s17] =	stream.linear.scatter [tilespmem:s23], [sflag:$0x3], $0x1400, $0x38;
	[tilespmem:$0x15800] =	vst v63  }
0x5c: {  	_ =	swait.ge [sflag:s24], $0x1400  }
0x5d: {  	[sflag:s24] =	ssyncset.done $0x0  }
0x5e: {  	[sflag:s24] =	ssyncadd.s32 $0xFFFFEC00  }
0x5f: {  	[spmem:s18] =	stream.linear.scatter [tilespmem:s23], [sflag:$0x3], $0x1400, $0x38;
	[tilespmem:$0x15800] =	vst v63  }
0x60: {  	_ =	swait.ge [sflag:s24], $0x1400  }
0x61: {  	[sflag:s24] =	ssyncset.done $0x0  }
0x62: {  	[sflag:s24] =	ssyncadd.s32 $0xFFFFEC00  }
0x63: {  	[spmem:s19] =	stream.linear.scatter [tilespmem:s23], [sflag:$0x3], $0x1400, $0x38;
	[tilespmem:$0x15800] =	vst v63  }
0x64: {  	_ =	swait.ge [sflag:s24], $0x1400  }
0x65: {  	[sflag:s24] =	ssyncset.done $0x0  }
0x66: {  	s8 =	simm.s32 $0x0;
	s9 =	simm.s32 $0x200;
	[sflag:s24] =	ssyncadd.s32 $0xFFFFEC00  }
.LBB2_4:
0x67: {  	p0 =	sne.s32 s9, $0x4E00;
	[tilespmem:s8+$0x470] =	vst v1  }
0x68: {  	[tilespmem:s8+$0x400] =	vst v1  }
0x69: {  	[tilespmem:s8+$0x410] =	vst v1  }
.Ltmp1:
0x6a: {  	[tilespmem:s8+$0x420] =	vst v1;
	(pc) =	sbr.rel @p0 .LBB2_4-.Ltmp1, $4  }
0x6b: {  	[tilespmem:s8+$0x430] =	vst v1  }
0x6c: {  	[tilespmem:s8+$0x440] =	vst v1  }
0x6d: {  	[tilespmem:s8+$0x450] =	vst v1  }
0x6e: {  	[tilespmem:s8+$0x460] =	vst v1;
	s8 =	sshra.s32 s9, $0x2;
	s9 =	sadd.s32 $0x200, s9  }
0x6f: {  	[tilespmem:s8+$0x470] =	vst v1  }
0x70: {  	[tilespmem:s8+$0x400] =	vst v1  }
0x71: {  	[tilespmem:s8+$0x410] =	vst v1  }
0x72: {  	[tilespmem:s8+$0x420] =	vst v1  }
0x73: {  	[tilespmem:s8+$0x430] =	vst v1  }
0x74: {  	[tilespmem:s8+$0x440] =	vst v1  }
0x75: {  	[tilespmem:s8+$0x450] =	vst v1  }
0x76: {  	[tilespmem:s8+$0x460] =	vst v1  }
0x77: {  	s11 =	sadd.s32 $0x0, s22;
	[bflag:$0x0] =	sbarrier.arrive $0xFFFF  }
0x78: {  	[tilespmem:s3], [sflag:$0x3] =	stream.linear.gather [hbm4b:s11+s3], $0x400, $0x38;
	[tilespmem:$0x15800] =	vst v63  }
0x79: {  	_ =	swait.ge [sflag:s24], $0x400  }
0x7a: {  	[sflag:s24] =	ssyncset.done $0x0  }
0x7b: {  	[sflag:s24] =	ssyncadd.s32 $0xFFFFFC00  }
0x7c: {  	[spmem:s1] =	stream.indirect.scatter.add.f32 [tilespmem:s23], [sflag:$0x1], $0x80, s3, s25, $0xb8;
	[tilespmem:$0x15800] =	vst v63  }
0x7d: {  	_ = 	snop  }
0x7e: {  	[spmem:s1] =	stream.indirect.scatter.add.f32 [tilespmem:s23], [sflag:$0x2], $0x80, s26, s25, $0xb8;
	[tilespmem:$0x15800] =	vst v63  }
0x7f: {  	_ = 	snop  }
0x80: {  	[spmem:s1] =	stream.indirect.scatter.add.f32 [tilespmem:s23], [sflag:$0x1], $0x80, s28, s25, $0xb8;
	[tilespmem:$0x15800] =	vst v63  }
0x81: {  	_ = 	snop  }
0x82: {  	[spmem:s1] =	stream.indirect.scatter.add.f32 [tilespmem:s23], [sflag:$0x2], $0x80, s29, s25, $0xb8;
	[tilespmem:$0x15800] =	vst v63  }
0x83: {  	_ = 	snop  }
0x84: {  	[spmem:s1] =	stream.indirect.scatter.add.f32 [tilespmem:s23], [sflag:$0x1], $0x80, s30, s25, $0xb8;
	[tilespmem:$0x15800] =	vst v63  }
0x85: {  	_ = 	snop  }
0x86: {  	[spmem:s1] =	stream.indirect.scatter.add.f32 [tilespmem:s23], [sflag:$0x2], $0x80, s31, s25, $0xb8;
	[tilespmem:$0x15800] =	vst v63  }
0x87: {  	_ = 	snop  }
0x88: {  	[spmem:s1] =	stream.indirect.scatter.add.f32 [tilespmem:s23], [sflag:$0x1], $0x80, s0, s25, $0xb8;
	[tilespmem:$0x15800] =	vst v63  }
0x89: {  	_ = 	snop  }
0x8a: {  	[spmem:s1] =	stream.indirect.scatter.add.f32 [tilespmem:s23], [sflag:$0x2], $0x80, s2, s25, $0xb8;
	[tilespmem:$0x15800] =	vst v63  }
0x8b: {  	_ =	swait.ge [sflag:s5], $0x1400  }
0x8c: {  	[sflag:s5] =	ssyncset.done $0x0  }
0x8d: {  	[sflag:s5] =	ssyncadd.s32 $0xFFFFEC00  }
0x8e: {  	_ =	swait.ge [sflag:s6], $0x1400  }
0x8f: {  	[sflag:s6] =	ssyncset.done $0x0  }
0x90: {  	[sflag:s6] =	ssyncadd.s32 $0xFFFFEC00  }
0x91: {  	_ =	swait.ge [sflag:s5], $0x1400  }
0x92: {  	[sflag:s5] =	ssyncset.done $0x0  }
0x93: {  	[sflag:s5] =	ssyncadd.s32 $0xFFFFEC00  }
0x94: {  	_ =	swait.ge [sflag:s6], $0x1400  }
0x95: {  	[sflag:s6] =	ssyncset.done $0x0  }
0x96: {  	[sflag:s6] =	ssyncadd.s32 $0xFFFFEC00  }
0x97: {  	_ =	swait.ge [sflag:s5], $0x1400  }
0x98: {  	[sflag:s5] =	ssyncset.done $0x0  }
0x99: {  	[sflag:s5] =	ssyncadd.s32 $0xFFFFEC00  }
0x9a: {  	_ =	swait.ge [sflag:s6], $0x1400  }
0x9b: {  	[sflag:s6] =	ssyncset.done $0x0  }
0x9c: {  	[sflag:s6] =	ssyncadd.s32 $0xFFFFEC00  }
0x9d: {  	_ =	swait.ge [sflag:s5], $0x1400  }
0x9e: {  	[sflag:s5] =	ssyncset.done $0x0  }
0x9f: {  	[sflag:s5] =	ssyncadd.s32 $0xFFFFEC00  }
0xa0: {  	_ =	swait.ge [sflag:s6], $0x1400  }
0xa1: {  	s8 =	simm.s32 $0x80;
	s9 =	simm.s32 $0x100;
	[sflag:s6] =	ssyncset.done $0x0  }
.LBB2_6:
0xa2: {  	s11 =	sadd.s32 s8, s22  }
0xa3: {  	[sflag:s6] =	ssyncadd.s32 $0xFFFFEC00;
	s8 =	smov.u32 s9;
	s10 =	sadd.s32 $0x80, s9  }
0xa4: {  	[tilespmem:s3], [sflag:$0x3] =	stream.linear.gather [hbm4b:s11+s3], $0x400, $0x38;
	[tilespmem:$0x15800] =	vst v63  }
0xa5: {  	p0 =	sne.s32 s9, $0xF80;
	_ =	swait.ge [sflag:s24], $0x400  }
0xa6: {  	[sflag:s24] =	ssyncset.done $0x0  }
0xa7: {  	[sflag:s24] =	ssyncadd.s32 $0xFFFFFC00  }
0xa8: {  	[spmem:s1] =	stream.indirect.scatter.add.f32 [tilespmem:s23], [sflag:$0x1], $0x80, s3, s25, $0xb8;
	[tilespmem:$0x15800] =	vst v63  }
0xa9: {  	_ = 	snop  }
0xaa: {  	[spmem:s1] =	stream.indirect.scatter.add.f32 [tilespmem:s23], [sflag:$0x2], $0x80, s26, s25, $0xb8;
	[tilespmem:$0x15800] =	vst v63  }
0xab: {  	_ = 	snop  }
0xac: {  	[spmem:s1] =	stream.indirect.scatter.add.f32 [tilespmem:s23], [sflag:$0x1], $0x80, s28, s25, $0xb8;
	[tilespmem:$0x15800] =	vst v63  }
0xad: {  	_ = 	snop  }
0xae: {  	[spmem:s1] =	stream.indirect.scatter.add.f32 [tilespmem:s23], [sflag:$0x2], $0x80, s29, s25, $0xb8;
	[tilespmem:$0x15800] =	vst v63  }
0xaf: {  	_ = 	snop  }
0xb0: {  	[spmem:s1] =	stream.indirect.scatter.add.f32 [tilespmem:s23], [sflag:$0x1], $0x80, s30, s25, $0xb8;
	[tilespmem:$0x15800] =	vst v63  }
0xb1: {  	_ = 	snop  }
0xb2: {  	[spmem:s1] =	stream.indirect.scatter.add.f32 [tilespmem:s23], [sflag:$0x2], $0x80, s31, s25, $0xb8;
	[tilespmem:$0x15800] =	vst v63  }
0xb3: {  	_ = 	snop  }
0xb4: {  	[spmem:s1] =	stream.indirect.scatter.add.f32 [tilespmem:s23], [sflag:$0x1], $0x80, s0, s25, $0xb8;
	[tilespmem:$0x15800] =	vst v63  }
0xb5: {  	_ = 	snop  }
0xb6: {  	[spmem:s1] =	stream.indirect.scatter.add.f32 [tilespmem:s23], [sflag:$0x2], $0x80, s2, s25, $0xb8;
	[tilespmem:$0x15800] =	vst v63  }
0xb7: {  	_ =	swait.ge [sflag:s5], $0x1400  }
0xb8: {  	[sflag:s5] =	ssyncset.done $0x0  }
0xb9: {  	[sflag:s5] =	ssyncadd.s32 $0xFFFFEC00  }
0xba: {  	_ =	swait.ge [sflag:s6], $0x1400  }
0xbb: {  	[sflag:s6] =	ssyncset.done $0x0  }
0xbc: {  	[sflag:s6] =	ssyncadd.s32 $0xFFFFEC00  }
0xbd: {  	_ =	swait.ge [sflag:s5], $0x1400  }
0xbe: {  	[sflag:s5] =	ssyncset.done $0x0  }
0xbf: {  	[sflag:s5] =	ssyncadd.s32 $0xFFFFEC00  }
0xc0: {  	_ =	swait.ge [sflag:s6], $0x1400  }
0xc1: {  	[sflag:s6] =	ssyncset.done $0x0  }
0xc2: {  	[sflag:s6] =	ssyncadd.s32 $0xFFFFEC00  }
0xc3: {  	_ =	swait.ge [sflag:s5], $0x1400  }
0xc4: {  	[sflag:s5] =	ssyncset.done $0x0  }
0xc5: {  	[sflag:s5] =	ssyncadd.s32 $0xFFFFEC00  }
0xc6: {  	_ =	swait.ge [sflag:s6], $0x1400  }
0xc7: {  	[sflag:s6] =	ssyncset.done $0x0  }
0xc8: {  	[sflag:s6] =	ssyncadd.s32 $0xFFFFEC00  }
.Ltmp2:
0xc9: {  	_ =	swait.ge [sflag:s5], $0x1400;
	(pc) =	sbr.rel @p0 .LBB2_6-.Ltmp2, $4  }
0xca: {  	[sflag:s5] =	ssyncset.done $0x0  }
0xcb: {  	[sflag:s5] =	ssyncadd.s32 $0xFFFFEC00  }
0xcc: {  	_ =	swait.ge [sflag:s6], $0x1400  }
0xcd: {  	s9 =	smov.u32 s10;
	[sflag:s6] =	ssyncset.done $0x0  }
0xce: {  	s8 =	sadd.s32 s8, s22;
	[sflag:s6] =	ssyncadd.s32 $0xFFFFEC00  }
0xcf: {  	[tilespmem:s3], [sflag:$0x3] =	stream.linear.gather [hbm4b:s8+s3], $0x400, $0x38;
	[tilespmem:$0x15800] =	vst v63  }
0xd0: {  	_ =	swait.ge [sflag:s24], $0x400  }
0xd1: {  	[sflag:s24] =	ssyncset.done $0x0  }
0xd2: {  	[sflag:s24] =	ssyncadd.s32 $0xFFFFFC00  }
0xd3: {  	[spmem:s1] =	stream.indirect.scatter.add.f32 [tilespmem:s23], [sflag:$0x1], $0x80, s3, s25, $0xb8;
	[tilespmem:$0x15800] =	vst v63  }
0xd4: {  	_ = 	snop  }
0xd5: {  	[spmem:s1] =	stream.indirect.scatter.add.f32 [tilespmem:s23], [sflag:$0x2], $0x80, s26, s25, $0xb8;
	[tilespmem:$0x15800] =	vst v63  }
0xd6: {  	_ = 	snop  }
0xd7: {  	[spmem:s1] =	stream.indirect.scatter.add.f32 [tilespmem:s23], [sflag:$0x1], $0x80, s28, s25, $0xb8;
	[tilespmem:$0x15800] =	vst v63  }
0xd8: {  	_ = 	snop  }
0xd9: {  	[spmem:s1] =	stream.indirect.scatter.add.f32 [tilespmem:s23], [sflag:$0x2], $0x80, s29, s25, $0xb8;
	[tilespmem:$0x15800] =	vst v63  }
0xda: {  	_ = 	snop  }
0xdb: {  	[spmem:s1] =	stream.indirect.scatter.add.f32 [tilespmem:s23], [sflag:$0x1], $0x80, s30, s25, $0xb8;
	[tilespmem:$0x15800] =	vst v63  }
0xdc: {  	_ = 	snop  }
0xdd: {  	[spmem:s1] =	stream.indirect.scatter.add.f32 [tilespmem:s23], [sflag:$0x2], $0x80, s31, s25, $0xb8;
	[tilespmem:$0x15800] =	vst v63  }
0xde: {  	_ = 	snop  }
0xdf: {  	[spmem:s1] =	stream.indirect.scatter.add.f32 [tilespmem:s23], [sflag:$0x1], $0x80, s0, s25, $0xb8;
	[tilespmem:$0x15800] =	vst v63  }
0xe0: {  	_ = 	snop  }
0xe1: {  	[spmem:s1] =	stream.indirect.scatter.add.f32 [tilespmem:s23], [sflag:$0x2], $0x80, s2, s25, $0xb8;
	[tilespmem:$0x15800] =	vst v63  }
0xe2: {  	_ =	swait.ge [sflag:s5], $0x1400  }
0xe3: {  	[sflag:s5] =	ssyncset.done $0x0  }
0xe4: {  	[sflag:s5] =	ssyncadd.s32 $0xFFFFEC00  }
0xe5: {  	_ =	swait.ge [sflag:s6], $0x1400  }
0xe6: {  	[sflag:s6] =	ssyncset.done $0x0  }
0xe7: {  	[sflag:s6] =	ssyncadd.s32 $0xFFFFEC00  }
0xe8: {  	_ =	swait.ge [sflag:s5], $0x1400  }
0xe9: {  	[sflag:s5] =	ssyncset.done $0x0  }
0xea: {  	[sflag:s5] =	ssyncadd.s32 $0xFFFFEC00  }
0xeb: {  	_ =	swait.ge [sflag:s6], $0x1400  }
0xec: {  	[sflag:s6] =	ssyncset.done $0x0  }
0xed: {  	[sflag:s6] =	ssyncadd.s32 $0xFFFFEC00  }
0xee: {  	_ =	swait.ge [sflag:s5], $0x1400  }
0xef: {  	[sflag:s5] =	ssyncset.done $0x0  }
0xf0: {  	[sflag:s5] =	ssyncadd.s32 $0xFFFFEC00  }
0xf1: {  	_ =	swait.ge [sflag:s6], $0x1400  }
0xf2: {  	[sflag:s6] =	ssyncset.done $0x0  }
0xf3: {  	[sflag:s6] =	ssyncadd.s32 $0xFFFFEC00  }
0xf4: {  	_ =	swait.ge [sflag:s5], $0x1400  }
0xf5: {  	[sflag:s5] =	ssyncset.done $0x0  }
0xf6: {  	[sflag:s5] =	ssyncadd.s32 $0xFFFFEC00  }
0xf7: {  	s11 =	stileid.u32;
	_ =	swait.ge [sflag:s6], $0x1400  }
0xf8: {  	s9 =	sshrl.u32 s4, $0x3;
	s7 =	sadd.s32 $0x1, s7;
	[sflag:s6] =	ssyncset.done $0x0  }
0xf9: {  	s8 =	sshll.u32 s11, $0x6;
	p0 =	sne.s32 s7, s21;
	[sflag:s6] =	ssyncadd.s32 $0xFFFFEC00  }
.Ltmp3:
0xfa: {  	s8 =	sor.u32 $0x1C03, s8;
	[bflag:$0x0] =	sbarrier.arrive $0xFFFF;
	(pc) =	sbr.rel @p0 .LBB2_1-.Ltmp3, $4  }
0xfb: {  	[hbm:s20], [sflag:s8] =	dma.local [spmem:s9], $0x2800  }
0xfc: {  	_ =	swait.ge [sflag:s24], $0x2800  }
0xfd: {  	[sflag:s24] =	ssyncset.done $0x0  }
0xfe: {  	[sflag:s24] =	ssyncadd.s32 $0xFFFFD800  }
0xff: {  	_ =	sfence.sel $0x180000  }
0x100: {  	[bflag:$0x0] =	sbarrier.arrive $0xFFFF  }
0x101: {  	_ =	strace $0x9000004A  }
0x102: {  	s0 =	stileid.u32;
	[bflag:$0x2] =	sbarrier.arrive $0xFFFF  }
0x103: {  	p0 =	sne.s32 s0, $0x0;
	s0 =	rddreg [dreg:$0x2]  }
0x104: {  	s0 =	sadd.s32 @!p0 $0x100000, s0  }
0x105: {  	[sflag:s0] =	ssyncadd.tile.s32 @!p0 $0x1;
	_ =	shalt  }
.Lfunc_end2:
_tile_overlayer_lowered:
.L_overlay_start_2:
0x106: {  	(tag) =	ssettag $0x2  }
0x107: {  	s0 =	rddreg [dreg:$0x0];
	s2 =	stileid.u32  }
0x108: {  	s1 =	rddreg [dreg:$0x1];
	p0 =	sne.s32 s2, $0x0  }
0x109: {  	s3 =	rddreg [dreg:$0x2];
	[bflag:$0x3] =	sbarrier.arrive $0xFFFF;
	s2 =	simm.s32 @!p0 $0x1C03  }
0x10a: {  	[timem:s3], [sflag:s2] =	dma.local @!p0 [hbm:s0], s1  }
0x10b: {  	s0 =	simm.s32 @!p0 $0x3  }
0x10c: {  	_ =	swait.ge @!p0 [sflag:s0], s1  }
0x10d: {  	s1 =	ssub.s32 @!p0 $0x0, s1;
	[sflag:s0] =	ssyncset.done @!p0 $0x0  }
0x10e: {  	[sflag:s0] =	ssyncadd.s32 @!p0 s1  }
0x10f: {  	[bflag:$0x3] =	sbarrier.arrive $0xFFFF  }
0x110: {  	_ =	shalt  }

</sc_bundles>
